<compile_context>
chip_gen: v7x
topology: tpu7x:2x2x1
jax: 0.10.2.dev20260603
libtpu: 0.0.44.dev20260713+nightly
codegen_flags: <defaults>
</compile_context>

<pallas_src>
import functools

import jax
import jax.numpy as jnp
from jax import lax
from jax.experimental import pallas as pl
from jax.experimental.pallas import tpu as pltpu
from jax.experimental.pallas import tpu_sc as plsc

_B, _C, _T = 16, 128, 4096
_T2 = _T // 2
_NOUT = _T2 // 128
_RPB = 4

_SC_NC, _SC_NS = 2, 16
_NW = _SC_NC * _SC_NS
_MTOT = _B * _T2 // 2
_MCHUNK = _MTOT // _NW


def _mask_sc_kernel(mi_ref, mo_ref, bin_ref, bout_ref):
    wid = lax.axis_index("s") * _SC_NC + lax.axis_index("c")
    base = wid * _MCHUNK
    pltpu.sync_copy(mi_ref.at[pl.ds(base, _MCHUNK)], bin_ref)
    for i in range(_MCHUNK // 16):
        v = bin_ref[pl.ds(16 * i, 16)]
        bout_ref[pl.ds(16 * i, 16)] = (v & (v >> 8)) & jnp.int32(0x00010001)
    pltpu.sync_copy(bout_ref, mo_ref.at[pl.ds(base, _MCHUNK)])


def _resize_kernel(maskf_ref, x_ref, out_ref):
    b = pl.program_id(0)
    for r in range(_RPB):
        _resize_row(maskf_ref, x_ref, out_ref, _RPB * b + r, r)


def _resize_row(maskf_ref, x_ref, out_ref, row, r):
    mrow = maskf_ref[pl.ds(row, 1), :]
    Lf = float(_T) - jnp.sum(mrow)
    Of = jnp.floor((Lf + 1.0) * 0.5)
    scale = Lf / jnp.maximum(Of, 1.0)

    ji = jax.lax.broadcasted_iota(jnp.int32, (1, _T2), 1)
    j = ji.astype(jnp.float32)
    src = (j + 0.5) * scale - 0.5
    src = jnp.clip(src, 0.0, Lf - 1.0)
    lof = jnp.floor(src)
    w = src - lof
    lo = lof.astype(jnp.int32)
    keep = j < Of
    w1 = jnp.where(keep, 1.0 - w, 0.0)
    w2 = jnp.where(keep, w, 0.0)

    t0 = 2 * ji
    lidx = (t0 & 255) + jnp.where(lo == t0, 1, 0)
    sel0 = lidx < 128
    gidx = lidx & 127

    xb = x_ref[r]
    xs = pltpu.roll(xb, 1, 1)
    for m in range(_NOUT):
        c0 = xb[:, 256 * m:256 * m + 128]
        c1 = xb[:, 256 * m + 128:256 * m + 256]
        s0c = xs[:, 256 * m:256 * m + 128]
        s1c = xs[:, 256 * m + 128:256 * m + 256]
        s0, s1 = 128 * m, 128 * (m + 1)
        gi = jnp.broadcast_to(gidx[:, s0:s1], (_C, 128))
        sm = jnp.broadcast_to(sel0[:, s0:s1], (_C, 128))
        glo0 = jnp.take_along_axis(s0c, gi, axis=1, mode="promise_in_bounds")
        glo1 = jnp.take_along_axis(s1c, gi, axis=1, mode="promise_in_bounds")
        ghi0 = jnp.take_along_axis(c0, gi, axis=1, mode="promise_in_bounds")
        ghi1 = jnp.take_along_axis(c1, gi, axis=1, mode="promise_in_bounds")
        xlo = jnp.where(sm, glo0, glo1)
        xhi = jnp.where(sm, ghi0, ghi1)
        out_ref[pl.ds(r, 1), :, pl.ds(s0, 128)] = (
            xlo * w1[:, s0:s1] + xhi * w2[:, s0:s1]
        ).reshape(1, _C, 128)


def kernel(x, mask):
    maskf = mask.astype(jnp.float32)
    out = pl.pallas_call(
        _resize_kernel,
        grid=(_B // _RPB,),
        in_specs=[
            pl.BlockSpec((_B, _T), lambda b: (0, 0)),
            pl.BlockSpec((_RPB, _C, _T), lambda b: (b, 0, 0)),
        ],
        out_specs=pl.BlockSpec((_RPB, _C, _T2), lambda b: (b, 0, 0)),
        out_shape=jax.ShapeDtypeStruct((_B, _C, _T2), jnp.float32),
    )(maskf, x)

    pairs = jax.lax.bitcast_convert_type(
        mask.astype(jnp.int8).reshape(_B, _T2 // 2, 4), jnp.int32
    ).reshape(_MTOT)
    sc = functools.partial(
        pl.kernel,
        mesh=plsc.VectorSubcoreMesh(core_axis_name="c", subcore_axis_name="s"),
        out_type=jax.ShapeDtypeStruct((_MTOT,), jnp.int32),
        scratch_types=[
            pltpu.VMEM((_MCHUNK,), jnp.int32),
            pltpu.VMEM((_MCHUNK,), jnp.int32),
        ],
    )
    mo32 = sc(_mask_sc_kernel)(pairs)
    mo16 = jax.lax.bitcast_convert_type(mo32.reshape(_MTOT, 1), jnp.int16)
    return out, mo16.reshape(_B, _T2).astype(jnp.bool_)

# --- scband reference (transcript-rebuilt; emitter-appended) ---
"""Pipeline reference for scband-masked-resizer-85461259255929 (READ-ONLY COPY).

The authoritative reference and input builder live on the scoring server;
editing this copy changes nothing except your own understanding.
"""

import jax, jax.numpy as jnp
import numpy as np


def _linterp(x, out_size):
    # PyTorch F.interpolate(mode='linear', align_corners=False) along last axis
    in_size = x.shape[-1]
    scale = in_size / float(out_size)
    j = jnp.arange(out_size, dtype=jnp.float32)
    src = (j + 0.5) * scale - 0.5
    src = jnp.clip(src, 0.0, float(in_size - 1))
    lo = jnp.floor(src).astype(jnp.int32)
    hi = jnp.minimum(lo + 1, in_size - 1)
    w = src - lo.astype(jnp.float32)
    return jnp.take(x, lo, axis=-1) * (1.0 - w) + jnp.take(x, hi, axis=-1) * w


def _ragged_linterp(xi, valid_len, out_len, out_size):
    # Same arithmetic as _linterp applied to xi[:, :valid_len] resized to
    # out_len, but over a fixed-shape length-out_size grid; columns at or
    # beyond out_len are zero (matching the zero-initialized output).
    safe_out = jnp.maximum(out_len, 1)
    scale = valid_len.astype(jnp.float32) / safe_out.astype(jnp.float32)
    j = jnp.arange(out_size, dtype=jnp.float32)
    src = (j + 0.5) * scale - 0.5
    src = jnp.clip(src, 0.0, (valid_len - 1).astype(jnp.float32))
    lo = jnp.floor(src).astype(jnp.int32)
    hi = jnp.minimum(lo + 1, valid_len - 1)
    w = src - lo.astype(jnp.float32)
    vals = jnp.take(xi, lo, axis=-1) * (1.0 - w) + jnp.take(xi, hi, axis=-1) * w
    keep = jnp.arange(out_size) < out_len
    return jnp.where(keep[None, :], vals, 0.0)


def setup_inputs(seed: int = 0) -> dict:
    key = jax.random.key(seed)
    k1, k2 = jax.random.split(key)
    B, C, T = 16, 128, 4096
    x = jax.random.normal(k1, (B, C, T), dtype=jnp.float32)
    # ragged valid lengths; mask True = padding (matches torch: valid_len = (~mask).sum())
    lengths = jax.random.randint(k2, (B,), T // 2, T + 1)
    mask = jnp.arange(T)[None, :] >= lengths[:, None]
    return {"x": x, "mask": mask}


def reference(x, mask):
    B, C, T = x.shape
    T2 = T // 2  # floor(T * 0.5), scale_factor=0.5 in torch code
    mask_out = _linterp(mask.astype(jnp.float32), T2) > 0.5
    valid_len = (~mask).sum(axis=-1)
    out_len = (~mask_out).sum(axis=-1)
    out = jax.vmap(lambda xi, v, o: _ragged_linterp(xi, v, o, T2))(
        x, valid_len, out_len
    ).astype(jnp.float32)
    return (out, mask_out)

if __name__ == "__main__":
    import jax
    _d = setup_inputs()
    print(jax.jit(kernel)(*tuple(_d.values())))

</pallas_src>

<mosaic_0001>
#map = affine_map<(d0, d1) -> (0)>
module attributes {stable_mosaic.version = 14 : i64} {
  func.func @_mask_sc_kernel(%arg0: i32, %arg1: i32, %arg2: memref<16384xi32, #tpu.memory_space<hbm>>, %arg3: memref<16384xi32, #tpu.memory_space<hbm>>, %arg4: memref<512xi32, #tpu.memory_space<vmem>>, %arg5: memref<512xi32, #tpu.memory_space<vmem>>) attributes {dimension_semantics = [#tpu.dimension_semantics<core_parallel>, #tpu.dimension_semantics<subcore_parallel>], iteration_bounds = array<i64: 2, 16>, scalar_prefetch = 0 : i64, scratch_operands = 2 : i64, tpu.core_type = #tpu.core_type<sc_vector_subcore>, window_params = [{transform_indices = #map}, {transform_indices = #map}]} {
    %mul3A = arith.constant 2 : i32
    %mul3A_0 = arith.muli %arg1, %mul3A : i32
    %add3A = arith.addi %mul3A_0, %arg0 : i32
    %mul3A_1 = arith.constant 512 : i32
    %mul3A_2 = arith.muli %add3A, %mul3A_1 : i32
    "tpu.region"() ({
      %run_scoped3A = tpu.sem_alloc : memref<!tpu.dma_semaphore, #tpu.memory_space<semaphore_mem>>
      %dma_start3A = tpu.memref_slice %arg2[%mul3A_2] : memref<16384xi32, #tpu.memory_space<hbm>> -> memref<512xi32, #tpu.memory_space<hbm>>
      %dma_start3A_447 = tpu.memref_slice %arg2[%mul3A_2] : memref<16384xi32, #tpu.memory_space<hbm>> -> memref<512xi32, #tpu.memory_space<hbm>>
      tpu.enqueue_dma source(%dma_start3A_447 : memref<512xi32, #tpu.memory_space<hbm>>) target(%arg4 : memref<512xi32, #tpu.memory_space<vmem>>) target_semaphore(%run_scoped3A : memref<!tpu.dma_semaphore, #tpu.memory_space<semaphore_mem>>)
      %dma_wait3A = tpu.memref_slice %arg2[%mul3A_2] : memref<16384xi32, #tpu.memory_space<hbm>> -> memref<512xi32, #tpu.memory_space<hbm>>
      %dma_wait3A_448 = tpu.memref_slice %arg2[%mul3A_2] : memref<16384xi32, #tpu.memory_space<hbm>> -> memref<512xi32, #tpu.memory_space<hbm>>
      tpu.wait_dma2 semaphore(%run_scoped3A : memref<!tpu.dma_semaphore, #tpu.memory_space<semaphore_mem>>) src(%dma_wait3A_448 : memref<512xi32, #tpu.memory_space<hbm>>) dst(%arg4 : memref<512xi32, #tpu.memory_space<vmem>>)
      tpu.yield
    }) : () -> ()
    %get3A = arith.constant 0 : index
    %get3A_3 = tpu.vector_load %arg4[%get3A] {strides = array<i32>} : memref<512xi32, #tpu.memory_space<vmem>>, vector<16xi32>,
    %get3A_4 = vector.shape_cast %get3A_3 : vector<16xi32> to vector<16xi32>
    %shift_right_arithmetic3A = arith.constant 8 : i32
    %shift_right_arithmetic3A_5 = vector.broadcast %shift_right_arithmetic3A : i32 to vector<16xi32>
    %shift_right_arithmetic3A_6 = arith.shrsi %get3A_4, %shift_right_arithmetic3A_5 : vector<16xi32>
    %and3A = arith.andi %get3A_4, %shift_right_arithmetic3A_6 : vector<16xi32>
    %and3A_7 = arith.constant 65537 : i32
    %and3A_8 = vector.broadcast %and3A_7 : i32 to vector<16xi32>
    %and3A_9 = arith.andi %and3A, %and3A_8 : vector<16xi32>
    %swap3A = arith.constant 0 : index
    %swap3A_10 = tpu.vector_load %arg5[%swap3A] {strides = array<i32>} : memref<512xi32, #tpu.memory_space<vmem>>, vector<16xi32>,
    %swap3A_11 = vector.shape_cast %swap3A_10 : vector<16xi32> to vector<16xi32>
    %swap3A_12 = vector.shape_cast %and3A_9 : vector<16xi32> to vector<16xi32>
    tpu.vector_store %arg5[%swap3A], %swap3A_12 {strides = array<i32>} : memref<512xi32, #tpu.memory_space<vmem>>, vector<16xi32>,
    %get3A_13 = arith.constant 16 : index
    %get3A_14 = tpu.vector_load %arg4[%get3A_13] {strides = array<i32>} : memref<512xi32, #tpu.memory_space<vmem>>, vector<16xi32>,
    %get3A_15 = vector.shape_cast %get3A_14 : vector<16xi32> to vector<16xi32>
    %shift_right_arithmetic3A_16 = arith.constant 8 : i32
    %shift_right_arithmetic3A_17 = vector.broadcast %shift_right_arithmetic3A_16 : i32 to vector<16xi32>
    %shift_right_arithmetic3A_18 = arith.shrsi %get3A_15, %shift_right_arithmetic3A_17 : vector<16xi32>
    %and3A_19 = arith.andi %get3A_15, %shift_right_arithmetic3A_18 : vector<16xi32>
    %and3A_20 = arith.constant 65537 : i32
    %and3A_21 = vector.broadcast %and3A_20 : i32 to vector<16xi32>
    %and3A_22 = arith.andi %and3A_19, %and3A_21 : vector<16xi32>
    %swap3A_23 = arith.constant 16 : index
    %swap3A_24 = tpu.vector_load %arg5[%swap3A_23] {strides = array<i32>} : memref<512xi32, #tpu.memory_space<vmem>>, vector<16xi32>,
    %swap3A_25 = vector.shape_cast %swap3A_24 : vector<16xi32> to vector<16xi32>
    %swap3A_26 = vector.shape_cast %and3A_22 : vector<16xi32> to vector<16xi32>
    tpu.vector_store %arg5[%swap3A_23], %swap3A_26 {strides = array<i32>} : memref<512xi32, #tpu.memory_space<vmem>>, vector<16xi32>,
    %get3A_27 = arith.constant 32 : index
    %get3A_28 = tpu.vector_load %arg4[%get3A_27] {strides = array<i32>} : memref<512xi32, #tpu.memory_space<vmem>>, vector<16xi32>,
    %get3A_29 = vector.shape_cast %get3A_28 : vector<16xi32> to vector<16xi32>
    %shift_right_arithmetic3A_30 = arith.constant 8 : i32
    %shift_right_arithmetic3A_31 = vector.broadcast %shift_right_arithmetic3A_30 : i32 to vector<16xi32>
    %shift_right_arithmetic3A_32 = arith.shrsi %get3A_29, %shift_right_arithmetic3A_31 : vector<16xi32>
    %and3A_33 = arith.andi %get3A_29, %shift_right_arithmetic3A_32 : vector<16xi32>
    %and3A_34 = arith.constant 65537 : i32
    %and3A_35 = vector.broadcast %and3A_34 : i32 to vector<16xi32>
    %and3A_36 = arith.andi %and3A_33, %and3A_35 : vector<16xi32>
    %swap3A_37 = arith.constant 32 : index
    %swap3A_38 = tpu.vector_load %arg5[%swap3A_37] {strides = array<i32>} : memref<512xi32, #tpu.memory_space<vmem>>, vector<16xi32>,
    %swap3A_39 = vector.shape_cast %swap3A_38 : vector<16xi32> to vector<16xi32>
    %swap3A_40 = vector.shape_cast %and3A_36 : vector<16xi32> to vector<16xi32>
    tpu.vector_store %arg5[%swap3A_37], %swap3A_40 {strides = array<i32>} : memref<512xi32, #tpu.memory_space<vmem>>, vector<16xi32>,
    %get3A_41 = arith.constant 48 : index
    %get3A_42 = tpu.vector_load %arg4[%get3A_41] {strides = array<i32>} : memref<512xi32, #tpu.memory_space<vmem>>, vector<16xi32>,
    %get3A_43 = vector.shape_cast %get3A_42 : vector<16xi32> to vector<16xi32>
    %shift_right_arithmetic3A_44 = arith.constant 8 : i32
    %shift_right_arithmetic3A_45 = vector.broadcast %shift_right_arithmetic3A_44 : i32 to vector<16xi32>
    %shift_right_arithmetic3A_46 = arith.shrsi %get3A_43, %shift_right_arithmetic3A_45 : vector<16xi32>
    %and3A_47 = arith.andi %get3A_43, %shift_right_arithmetic3A_46 : vector<16xi32>
    %and3A_48 = arith.constant 65537 : i32
    %and3A_49 = vector.broadcast %and3A_48 : i32 to vector<16xi32>
    %and3A_50 = arith.andi %and3A_47, %and3A_49 : vector<16xi32>
    %swap3A_51 = arith.constant 48 : index
    %swap3A_52 = tpu.vector_load %arg5[%swap3A_51] {strides = array<i32>} : memref<512xi32, #tpu.memory_space<vmem>>, vector<16xi32>,
    %swap3A_53 = vector.shape_cast %swap3A_52 : vector<16xi32> to vector<16xi32>
    %swap3A_54 = vector.shape_cast %and3A_50 : vector<16xi32> to vector<16xi32>
    tpu.vector_store %arg5[%swap3A_51], %swap3A_54 {strides = array<i32>} : memref<512xi32, #tpu.memory_space<vmem>>, vector<16xi32>,
    %get3A_55 = arith.constant 64 : index
    %get3A_56 = tpu.vector_load %arg4[%get3A_55] {strides = array<i32>} : memref<512xi32, #tpu.memory_space<vmem>>, vector<16xi32>,
    %get3A_57 = vector.shape_cast %get3A_56 : vector<16xi32> to vector<16xi32>
    %shift_right_arithmetic3A_58 = arith.constant 8 : i32
    %shift_right_arithmetic3A_59 = vector.broadcast %shift_right_arithmetic3A_58 : i32 to vector<16xi32>
    %shift_right_arithmetic3A_60 = arith.shrsi %get3A_57, %shift_right_arithmetic3A_59 : vector<16xi32>
    %and3A_61 = arith.andi %get3A_57, %shift_right_arithmetic3A_60 : vector<16xi32>
    %and3A_62 = arith.constant 65537 : i32
    %and3A_63 = vector.broadcast %and3A_62 : i32 to vector<16xi32>
    %and3A_64 = arith.andi %and3A_61, %and3A_63 : vector<16xi32>
    %swap3A_65 = arith.constant 64 : index
    %swap3A_66 = tpu.vector_load %arg5[%swap3A_65] {strides = array<i32>} : memref<512xi32, #tpu.memory_space<vmem>>, vector<16xi32>,
    %swap3A_67 = vector.shape_cast %swap3A_66 : vector<16xi32> to vector<16xi32>
    %swap3A_68 = vector.shape_cast %and3A_64 : vector<16xi32> to vector<16xi32>
    tpu.vector_store %arg5[%swap3A_65], %swap3A_68 {strides = array<i32>} : memref<512xi32, #tpu.memory_space<vmem>>, vector<16xi32>,
    %get3A_69 = arith.constant 80 : index
    %get3A_70 = tpu.vector_load %arg4[%get3A_69] {strides = array<i32>} : memref<512xi32, #tpu.memory_space<vmem>>, vector<16xi32>,
    %get3A_71 = vector.shape_cast %get3A_70 : vector<16xi32> to vector<16xi32>
    %shift_right_arithmetic3A_72 = arith.constant 8 : i32
    %shift_right_arithmetic3A_73 = vector.broadcast %shift_right_arithmetic3A_72 : i32 to vector<16xi32>
    %shift_right_arithmetic3A_74 = arith.shrsi %get3A_71, %shift_right_arithmetic3A_73 : vector<16xi32>
    %and3A_75 = arith.andi %get3A_71, %shift_right_arithmetic3A_74 : vector<16xi32>
    %and3A_76 = arith.constant 65537 : i32
    %and3A_77 = vector.broadcast %and3A_76 : i32 to vector<16xi32>
    %and3A_78 = arith.andi %and3A_75, %and3A_77 : vector<16xi32>
    %swap3A_79 = arith.constant 80 : index
    %swap3A_80 = tpu.vector_load %arg5[%swap3A_79] {strides = array<i32>} : memref<512xi32, #tpu.memory_space<vmem>>, vector<16xi32>,
    %swap3A_81 = vector.shape_cast %swap3A_80 : vector<16xi32> to vector<16xi32>
    %swap3A_82 = vector.shape_cast %and3A_78 : vector<16xi32> to vector<16xi32>
    tpu.vector_store %arg5[%swap3A_79], %swap3A_82 {strides = array<i32>} : memref<512xi32, #tpu.memory_space<vmem>>, vector<16xi32>,
    %get3A_83 = arith.constant 96 : index
    %get3A_84 = tpu.vector_load %arg4[%get3A_83] {strides = array<i32>} : memref<512xi32, #tpu.memory_space<vmem>>, vector<16xi32>,
    %get3A_85 = vector.shape_cast %get3A_84 : vector<16xi32> to vector<16xi32>
    %shift_right_arithmetic3A_86 = arith.constant 8 : i32
    %shift_right_arithmetic3A_87 = vector.broadcast %shift_right_arithmetic3A_86 : i32 to vector<16xi32>
    %shift_right_arithmetic3A_88 = arith.shrsi %get3A_85, %shift_right_arithmetic3A_87 : vector<16xi32>
    %and3A_89 = arith.andi %get3A_85, %shift_right_arithmetic3A_88 : vector<16xi32>
    %and3A_90 = arith.constant 65537 : i32
    %and3A_91 = vector.broadcast %and3A_90 : i32 to vector<16xi32>
    %and3A_92 = arith.andi %and3A_89, %and3A_91 : vector<16xi32>
    %swap3A_93 = arith.constant 96 : index
    %swap3A_94 = tpu.vector_load %arg5[%swap3A_93] {strides = array<i32>} : memref<512xi32, #tpu.memory_space<vmem>>, vector<16xi32>,
    %swap3A_95 = vector.shape_cast %swap3A_94 : vector<16xi32> to vector<16xi32>
    %swap3A_96 = vector.shape_cast %and3A_92 : vector<16xi32> to vector<16xi32>
    tpu.vector_store %arg5[%swap3A_93], %swap3A_96 {strides = array<i32>} : memref<512xi32, #tpu.memory_space<vmem>>, vector<16xi32>,
    %get3A_97 = arith.constant 112 : index
    %get3A_98 = tpu.vector_load %arg4[%get3A_97] {strides = array<i32>} : memref<512xi32, #tpu.memory_space<vmem>>, vector<16xi32>,
    %get3A_99 = vector.shape_cast %get3A_98 : vector<16xi32> to vector<16xi32>
    %shift_right_arithmetic3A_100 = arith.constant 8 : i32
    %shift_right_arithmetic3A_101 = vector.broadcast %shift_right_arithmetic3A_100 : i32 to vector<16xi32>
    %shift_right_arithmetic3A_102 = arith.shrsi %get3A_99, %shift_right_arithmetic3A_101 : vector<16xi32>
    %and3A_103 = arith.andi %get3A_99, %shift_right_arithmetic3A_102 : vector<16xi32>
    %and3A_104 = arith.constant 65537 : i32
    %and3A_105 = vector.broadcast %and3A_104 : i32 to vector<16xi32>
    %and3A_106 = arith.andi %and3A_103, %and3A_105 : vector<16xi32>
    %swap3A_107 = arith.constant 112 : index
    %swap3A_108 = tpu.vector_load %arg5[%swap3A_107] {strides = array<i32>} : memref<512xi32, #tpu.memory_space<vmem>>, vector<16xi32>,
    %swap3A_109 = vector.shape_cast %swap3A_108 : vector<16xi32> to vector<16xi32>
    %swap3A_110 = vector.shape_cast %and3A_106 : vector<16xi32> to vector<16xi32>
    tpu.vector_store %arg5[%swap3A_107], %swap3A_110 {strides = array<i32>} : memref<512xi32, #tpu.memory_space<vmem>>, vector<16xi32>,
    %get3A_111 = arith.constant 128 : index
    %get3A_112 = tpu.vector_load %arg4[%get3A_111] {strides = array<i32>} : memref<512xi32, #tpu.memory_space<vmem>>, vector<16xi32>,
    %get3A_113 = vector.shape_cast %get3A_112 : vector<16xi32> to vector<16xi32>
    %shift_right_arithmetic3A_114 = arith.constant 8 : i32
    %shift_right_arithmetic3A_115 = vector.broadcast %shift_right_arithmetic3A_114 : i32 to vector<16xi32>
    %shift_right_arithmetic3A_116 = arith.shrsi %get3A_113, %shift_right_arithmetic3A_115 : vector<16xi32>
    %and3A_117 = arith.andi %get3A_113, %shift_right_arithmetic3A_116 : vector<16xi32>
    %and3A_118 = arith.constant 65537 : i32
    %and3A_119 = vector.broadcast %and3A_118 : i32 to vector<16xi32>
    %and3A_120 = arith.andi %and3A_117, %and3A_119 : vector<16xi32>
    %swap3A_121 = arith.constant 128 : index
    %swap3A_122 = tpu.vector_load %arg5[%swap3A_121] {strides = array<i32>} : memref<512xi32, #tpu.memory_space<vmem>>, vector<16xi32>,
    %swap3A_123 = vector.shape_cast %swap3A_122 : vector<16xi32> to vector<16xi32>
    %swap3A_124 = vector.shape_cast %and3A_120 : vector<16xi32> to vector<16xi32>
    tpu.vector_store %arg5[%swap3A_121], %swap3A_124 {strides = array<i32>} : memref<512xi32, #tpu.memory_space<vmem>>, vector<16xi32>,
    %get3A_125 = arith.constant 144 : index
    %get3A_126 = tpu.vector_load %arg4[%get3A_125] {strides = array<i32>} : memref<512xi32, #tpu.memory_space<vmem>>, vector<16xi32>,
    %get3A_127 = vector.shape_cast %get3A_126 : vector<16xi32> to vector<16xi32>
    %shift_right_arithmetic3A_128 = arith.constant 8 : i32
    %shift_right_arithmetic3A_129 = vector.broadcast %shift_right_arithmetic3A_128 : i32 to vector<16xi32>
    %shift_right_arithmetic3A_130 = arith.shrsi %get3A_127, %shift_right_arithmetic3A_129 : vector<16xi32>
    %and3A_131 = arith.andi %get3A_127, %shift_right_arithmetic3A_130 : vector<16xi32>
    %and3A_132 = arith.constant 65537 : i32
    %and3A_133 = vector.broadcast %and3A_132 : i32 to vector<16xi32>
    %and3A_134 = arith.andi %and3A_131, %and3A_133 : vector<16xi32>
    %swap3A_135 = arith.constant 144 : index
    %swap3A_136 = tpu.vector_load %arg5[%swap3A_135] {strides = array<i32>} : memref<512xi32, #tpu.memory_space<vmem>>, vector<16xi32>,
    %swap3A_137 = vector.shape_cast %swap3A_136 : vector<16xi32> to vector<16xi32>
    %swap3A_138 = vector.shape_cast %and3A_134 : vector<16xi32> to vector<16xi32>
    tpu.vector_store %arg5[%swap3A_135], %swap3A_138 {strides = array<i32>} : memref<512xi32, #tpu.memory_space<vmem>>, vector<16xi32>,
    %get3A_139 = arith.constant 160 : index
    %get3A_140 = tpu.vector_load %arg4[%get3A_139] {strides = array<i32>} : memref<512xi32, #tpu.memory_space<vmem>>, vector<16xi32>,
    %get3A_141 = vector.shape_cast %get3A_140 : vector<16xi32> to vector<16xi32>
    %shift_right_arithmetic3A_142 = arith.constant 8 : i32
    %shift_right_arithmetic3A_143 = vector.broadcast %shift_right_arithmetic3A_142 : i32 to vector<16xi32>
    %shift_right_arithmetic3A_144 = arith.shrsi %get3A_141, %shift_right_arithmetic3A_143 : vector<16xi32>
    %and3A_145 = arith.andi %get3A_141, %shift_right_arithmetic3A_144 : vector<16xi32>
    %and3A_146 = arith.constant 65537 : i32
    %and3A_147 = vector.broadcast %and3A_146 : i32 to vector<16xi32>
    %and3A_148 = arith.andi %and3A_145, %and3A_147 : vector<16xi32>
    %swap3A_149 = arith.constant 160 : index
    %swap3A_150 = tpu.vector_load %arg5[%swap3A_149] {strides = array<i32>} : memref<512xi32, #tpu.memory_space<vmem>>, vector<16xi32>,
    %swap3A_151 = vector.shape_cast %swap3A_150 : vector<16xi32> to vector<16xi32>
    %swap3A_152 = vector.shape_cast %and3A_148 : vector<16xi32> to vector<16xi32>
    tpu.vector_store %arg5[%swap3A_149], %swap3A_152 {strides = array<i32>} : memref<512xi32, #tpu.memory_space<vmem>>, vector<16xi32>,
    %get3A_153 = arith.constant 176 : index
    %get3A_154 = tpu.vector_load %arg4[%get3A_153] {strides = array<i32>} : memref<512xi32, #tpu.memory_space<vmem>>, vector<16xi32>,
    %get3A_155 = vector.shape_cast %get3A_154 : vector<16xi32> to vector<16xi32>
    %shift_right_arithmetic3A_156 = arith.constant 8 : i32
    %shift_right_arithmetic3A_157 = vector.broadcast %shift_right_arithmetic3A_156 : i32 to vector<16xi32>
    %shift_right_arithmetic3A_158 = arith.shrsi %get3A_155, %shift_right_arithmetic3A_157 : vector<16xi32>
    %and3A_159 = arith.andi %get3A_155, %shift_right_arithmetic3A_158 : vector<16xi32>
    %and3A_160 = arith.constant 65537 : i32
    %and3A_161 = vector.broadcast %and3A_160 : i32 to vector<16xi32>
    %and3A_162 = arith.andi %and3A_159, %and3A_161 : vector<16xi32>
    %swap3A_163 = arith.constant 176 : index
    %swap3A_164 = tpu.vector_load %arg5[%swap3A_163] {strides = array<i32>} : memref<512xi32, #tpu.memory_space<vmem>>, vector<16xi32>,
    %swap3A_165 = vector.shape_cast %swap3A_164 : vector<16xi32> to vector<16xi32>
    %swap3A_166 = vector.shape_cast %and3A_162 : vector<16xi32> to vector<16xi32>
    tpu.vector_store %arg5[%swap3A_163], %swap3A_166 {strides = array<i32>} : memref<512xi32, #tpu.memory_space<vmem>>, vector<16xi32>,
    %get3A_167 = arith.constant 192 : index
    %get3A_168 = tpu.vector_load %arg4[%get3A_167] {strides = array<i32>} : memref<512xi32, #tpu.memory_space<vmem>>, vector<16xi32>,
    %get3A_169 = vector.shape_cast %get3A_168 : vector<16xi32> to vector<16xi32>
    %shift_right_arithmetic3A_170 = arith.constant 8 : i32
    %shift_right_arithmetic3A_171 = vector.broadcast %shift_right_arithmetic3A_170 : i32 to vector<16xi32>
    %shift_right_arithmetic3A_172 = arith.shrsi %get3A_169, %shift_right_arithmetic3A_171 : vector<16xi32>
    %and3A_173 = arith.andi %get3A_169, %shift_right_arithmetic3A_172 : vector<16xi32>
    %and3A_174 = arith.constant 65537 : i32
    %and3A_175 = vector.broadcast %and3A_174 : i32 to vector<16xi32>
    %and3A_176 = arith.andi %and3A_173, %and3A_175 : vector<16xi32>
    %swap3A_177 = arith.constant 192 : index
    %swap3A_178 = tpu.vector_load %arg5[%swap3A_177] {strides = array<i32>} : memref<512xi32, #tpu.memory_space<vmem>>, vector<16xi32>,
    %swap3A_179 = vector.shape_cast %swap3A_178 : vector<16xi32> to vector<16xi32>
    %swap3A_180 = vector.shape_cast %and3A_176 : vector<16xi32> to vector<16xi32>
    tpu.vector_store %arg5[%swap3A_177], %swap3A_180 {strides = array<i32>} : memref<512xi32, #tpu.memory_space<vmem>>, vector<16xi32>,
    %get3A_181 = arith.constant 208 : index
    %get3A_182 = tpu.vector_load %arg4[%get3A_181] {strides = array<i32>} : memref<512xi32, #tpu.memory_space<vmem>>, vector<16xi32>,
    %get3A_183 = vector.shape_cast %get3A_182 : vector<16xi32> to vector<16xi32>
    %shift_right_arithmetic3A_184 = arith.constant 8 : i32
    %shift_right_arithmetic3A_185 = vector.broadcast %shift_right_arithmetic3A_184 : i32 to vector<16xi32>
    %shift_right_arithmetic3A_186 = arith.shrsi %get3A_183, %shift_right_arithmetic3A_185 : vector<16xi32>
    %and3A_187 = arith.andi %get3A_183, %shift_right_arithmetic3A_186 : vector<16xi32>
    %and3A_188 = arith.constant 65537 : i32
    %and3A_189 = vector.broadcast %and3A_188 : i32 to vector<16xi32>
    %and3A_190 = arith.andi %and3A_187, %and3A_189 : vector<16xi32>
    %swap3A_191 = arith.constant 208 : index
    %swap3A_192 = tpu.vector_load %arg5[%swap3A_191] {strides = array<i32>} : memref<512xi32, #tpu.memory_space<vmem>>, vector<16xi32>,
    %swap3A_193 = vector.shape_cast %swap3A_192 : vector<16xi32> to vector<16xi32>
    %swap3A_194 = vector.shape_cast %and3A_190 : vector<16xi32> to vector<16xi32>
    tpu.vector_store %arg5[%swap3A_191], %swap3A_194 {strides = array<i32>} : memref<512xi32, #tpu.memory_space<vmem>>, vector<16xi32>,
    %get3A_195 = arith.constant 224 : index
    %get3A_196 = tpu.vector_load %arg4[%get3A_195] {strides = array<i32>} : memref<512xi32, #tpu.memory_space<vmem>>, vector<16xi32>,
    %get3A_197 = vector.shape_cast %get3A_196 : vector<16xi32> to vector<16xi32>
    %shift_right_arithmetic3A_198 = arith.constant 8 : i32
    %shift_right_arithmetic3A_199 = vector.broadcast %shift_right_arithmetic3A_198 : i32 to vector<16xi32>
    %shift_right_arithmetic3A_200 = arith.shrsi %get3A_197, %shift_right_arithmetic3A_199 : vector<16xi32>
    %and3A_201 = arith.andi %get3A_197, %shift_right_arithmetic3A_200 : vector<16xi32>
    %and3A_202 = arith.constant 65537 : i32
    %and3A_203 = vector.broadcast %and3A_202 : i32 to vector<16xi32>
    %and3A_204 = arith.andi %and3A_201, %and3A_203 : vector<16xi32>
    %swap3A_205 = arith.constant 224 : index
    %swap3A_206 = tpu.vector_load %arg5[%swap3A_205] {strides = array<i32>} : memref<512xi32, #tpu.memory_space<vmem>>, vector<16xi32>,
    %swap3A_207 = vector.shape_cast %swap3A_206 : vector<16xi32> to vector<16xi32>
    %swap3A_208 = vector.shape_cast %and3A_204 : vector<16xi32> to vector<16xi32>
    tpu.vector_store %arg5[%swap3A_205], %swap3A_208 {strides = array<i32>} : memref<512xi32, #tpu.memory_space<vmem>>, vector<16xi32>,
    %get3A_209 = arith.constant 240 : index
    %get3A_210 = tpu.vector_load %arg4[%get3A_209] {strides = array<i32>} : memref<512xi32, #tpu.memory_space<vmem>>, vector<16xi32>,
    %get3A_211 = vector.shape_cast %get3A_210 : vector<16xi32> to vector<16xi32>
    %shift_right_arithmetic3A_212 = arith.constant 8 : i32
    %shift_right_arithmetic3A_213 = vector.broadcast %shift_right_arithmetic3A_212 : i32 to vector<16xi32>
    %shift_right_arithmetic3A_214 = arith.shrsi %get3A_211, %shift_right_arithmetic3A_213 : vector<16xi32>
    %and3A_215 = arith.andi %get3A_211, %shift_right_arithmetic3A_214 : vector<16xi32>
    %and3A_216 = arith.constant 65537 : i32
    %and3A_217 = vector.broadcast %and3A_216 : i32 to vector<16xi32>
    %and3A_218 = arith.andi %and3A_215, %and3A_217 : vector<16xi32>
    %swap3A_219 = arith.constant 240 : index
    %swap3A_220 = tpu.vector_load %arg5[%swap3A_219] {strides = array<i32>} : memref<512xi32, #tpu.memory_space<vmem>>, vector<16xi32>,
    %swap3A_221 = vector.shape_cast %swap3A_220 : vector<16xi32> to vector<16xi32>
    %swap3A_222 = vector.shape_cast %and3A_218 : vector<16xi32> to vector<16xi32>
    tpu.vector_store %arg5[%swap3A_219], %swap3A_222 {strides = array<i32>} : memref<512xi32, #tpu.memory_space<vmem>>, vector<16xi32>,
    %get3A_223 = arith.constant 256 : index
    %get3A_224 = tpu.vector_load %arg4[%get3A_223] {strides = array<i32>} : memref<512xi32, #tpu.memory_space<vmem>>, vector<16xi32>,
    %get3A_225 = vector.shape_cast %get3A_224 : vector<16xi32> to vector<16xi32>
    %shift_right_arithmetic3A_226 = arith.constant 8 : i32
    %shift_right_arithmetic3A_227 = vector.broadcast %shift_right_arithmetic3A_226 : i32 to vector<16xi32>
    %shift_right_arithmetic3A_228 = arith.shrsi %get3A_225, %shift_right_arithmetic3A_227 : vector<16xi32>
    %and3A_229 = arith.andi %get3A_225, %shift_right_arithmetic3A_228 : vector<16xi32>
    %and3A_230 = arith.constant 65537 : i32
    %and3A_231 = vector.broadcast %and3A_230 : i32 to vector<16xi32>
    %and3A_232 = arith.andi %and3A_229, %and3A_231 : vector<16xi32>
    %swap3A_233 = arith.constant 256 : index
    %swap3A_234 = tpu.vector_load %arg5[%swap3A_233] {strides = array<i32>} : memref<512xi32, #tpu.memory_space<vmem>>, vector<16xi32>,
    %swap3A_235 = vector.shape_cast %swap3A_234 : vector<16xi32> to vector<16xi32>
    %swap3A_236 = vector.shape_cast %and3A_232 : vector<16xi32> to vector<16xi32>
    tpu.vector_store %arg5[%swap3A_233], %swap3A_236 {strides = array<i32>} : memref<512xi32, #tpu.memory_space<vmem>>, vector<16xi32>,
    %get3A_237 = arith.constant 272 : index
    %get3A_238 = tpu.vector_load %arg4[%get3A_237] {strides = array<i32>} : memref<512xi32, #tpu.memory_space<vmem>>, vector<16xi32>,
    %get3A_239 = vector.shape_cast %get3A_238 : vector<16xi32> to vector<16xi32>
    %shift_right_arithmetic3A_240 = arith.constant 8 : i32
    %shift_right_arithmetic3A_241 = vector.broadcast %shift_right_arithmetic3A_240 : i32 to vector<16xi32>
    %shift_right_arithmetic3A_242 = arith.shrsi %get3A_239, %shift_right_arithmetic3A_241 : vector<16xi32>
    %and3A_243 = arith.andi %get3A_239, %shift_right_arithmetic3A_242 : vector<16xi32>
    %and3A_244 = arith.constant 65537 : i32
    %and3A_245 = vector.broadcast %and3A_244 : i32 to vector<16xi32>
    %and3A_246 = arith.andi %and3A_243, %and3A_245 : vector<16xi32>
    %swap3A_247 = arith.constant 272 : index
    %swap3A_248 = tpu.vector_load %arg5[%swap3A_247] {strides = array<i32>} : memref<512xi32, #tpu.memory_space<vmem>>, vector<16xi32>,
    %swap3A_249 = vector.shape_cast %swap3A_248 : vector<16xi32> to vector<16xi32>
    %swap3A_250 = vector.shape_cast %and3A_246 : vector<16xi32> to vector<16xi32>
    tpu.vector_store %arg5[%swap3A_247], %swap3A_250 {strides = array<i32>} : memref<512xi32, #tpu.memory_space<vmem>>, vector<16xi32>,
    %get3A_251 = arith.constant 288 : index
    %get3A_252 = tpu.vector_load %arg4[%get3A_251] {strides = array<i32>} : memref<512xi32, #tpu.memory_space<vmem>>, vector<16xi32>,
    %get3A_253 = vector.shape_cast %get3A_252 : vector<16xi32> to vector<16xi32>
    %shift_right_arithmetic3A_254 = arith.constant 8 : i32
    %shift_right_arithmetic3A_255 = vector.broadcast %shift_right_arithmetic3A_254 : i32 to vector<16xi32>
    %shift_right_arithmetic3A_256 = arith.shrsi %get3A_253, %shift_right_arithmetic3A_255 : vector<16xi32>
    %and3A_257 = arith.andi %get3A_253, %shift_right_arithmetic3A_256 : vector<16xi32>
    %and3A_258 = arith.constant 65537 : i32
    %and3A_259 = vector.broadcast %and3A_258 : i32 to vector<16xi32>
    %and3A_260 = arith.andi %and3A_257, %and3A_259 : vector<16xi32>
    %swap3A_261 = arith.constant 288 : index
    %swap3A_262 = tpu.vector_load %arg5[%swap3A_261] {strides = array<i32>} : memref<512xi32, #tpu.memory_space<vmem>>, vector<16xi32>,
    %swap3A_263 = vector.shape_cast %swap3A_262 : vector<16xi32> to vector<16xi32>
    %swap3A_264 = vector.shape_cast %and3A_260 : vector<16xi32> to vector<16xi32>
    tpu.vector_store %arg5[%swap3A_261], %swap3A_264 {strides = array<i32>} : memref<512xi32, #tpu.memory_space<vmem>>, vector<16xi32>,
    %get3A_265 = arith.constant 304 : index
    %get3A_266 = tpu.vector_load %arg4[%get3A_265] {strides = array<i32>} : memref<512xi32, #tpu.memory_space<vmem>>, vector<16xi32>,
    %get3A_267 = vector.shape_cast %get3A_266 : vector<16xi32> to vector<16xi32>
    %shift_right_arithmetic3A_268 = arith.constant 8 : i32
    %shift_right_arithmetic3A_269 = vector.broadcast %shift_right_arithmetic3A_268 : i32 to vector<16xi32>
    %shift_right_arithmetic3A_270 = arith.shrsi %get3A_267, %shift_right_arithmetic3A_269 : vector<16xi32>
    %and3A_271 = arith.andi %get3A_267, %shift_right_arithmetic3A_270 : vector<16xi32>
    %and3A_272 = arith.constant 65537 : i32
    %and3A_273 = vector.broadcast %and3A_272 : i32 to vector<16xi32>
    %and3A_274 = arith.andi %and3A_271, %and3A_273 : vector<16xi32>
    %swap3A_275 = arith.constant 304 : index
    %swap3A_276 = tpu.vector_load %arg5[%swap3A_275] {strides = array<i32>} : memref<512xi32, #tpu.memory_space<vmem>>, vector<16xi32>,
    %swap3A_277 = vector.shape_cast %swap3A_276 : vector<16xi32> to vector<16xi32>
    %swap3A_278 = vector.shape_cast %and3A_274 : vector<16xi32> to vector<16xi32>
    tpu.vector_store %arg5[%swap3A_275], %swap3A_278 {strides = array<i32>} : memref<512xi32, #tpu.memory_space<vmem>>, vector<16xi32>,
    %get3A_279 = arith.constant 320 : index
    %get3A_280 = tpu.vector_load %arg4[%get3A_279] {strides = array<i32>} : memref<512xi32, #tpu.memory_space<vmem>>, vector<16xi32>,
    %get3A_281 = vector.shape_cast %get3A_280 : vector<16xi32> to vector<16xi32>
    %shift_right_arithmetic3A_282 = arith.constant 8 : i32
    %shift_right_arithmetic3A_283 = vector.broadcast %shift_right_arithmetic3A_282 : i32 to vector<16xi32>
    %shift_right_arithmetic3A_284 = arith.shrsi %get3A_281, %shift_right_arithmetic3A_283 : vector<16xi32>
    %and3A_285 = arith.andi %get3A_281, %shift_right_arithmetic3A_284 : vector<16xi32>
    %and3A_286 = arith.constant 65537 : i32
    %and3A_287 = vector.broadcast %and3A_286 : i32 to vector<16xi32>
    %and3A_288 = arith.andi %and3A_285, %and3A_287 : vector<16xi32>
    %swap3A_289 = arith.constant 320 : index
    %swap3A_290 = tpu.vector_load %arg5[%swap3A_289] {strides = array<i32>} : memref<512xi32, #tpu.memory_space<vmem>>, vector<16xi32>,
    %swap3A_291 = vector.shape_cast %swap3A_290 : vector<16xi32> to vector<16xi32>
    %swap3A_292 = vector.shape_cast %and3A_288 : vector<16xi32> to vector<16xi32>
    tpu.vector_store %arg5[%swap3A_289], %swap3A_292 {strides = array<i32>} : memref<512xi32, #tpu.memory_space<vmem>>, vector<16xi32>,
    %get3A_293 = arith.constant 336 : index
    %get3A_294 = tpu.vector_load %arg4[%get3A_293] {strides = array<i32>} : memref<512xi32, #tpu.memory_space<vmem>>, vector<16xi32>,
    %get3A_295 = vector.shape_cast %get3A_294 : vector<16xi32> to vector<16xi32>
    %shift_right_arithmetic3A_296 = arith.constant 8 : i32
    %shift_right_arithmetic3A_297 = vector.broadcast %shift_right_arithmetic3A_296 : i32 to vector<16xi32>
    %shift_right_arithmetic3A_298 = arith.shrsi %get3A_295, %shift_right_arithmetic3A_297 : vector<16xi32>
    %and3A_299 = arith.andi %get3A_295, %shift_right_arithmetic3A_298 : vector<16xi32>
    %and3A_300 = arith.constant 65537 : i32
    %and3A_301 = vector.broadcast %and3A_300 : i32 to vector<16xi32>
    %and3A_302 = arith.andi %and3A_299, %and3A_301 : vector<16xi32>
    %swap3A_303 = arith.constant 336 : index
    %swap3A_304 = tpu.vector_load %arg5[%swap3A_303] {strides = array<i32>} : memref<512xi32, #tpu.memory_space<vmem>>, vector<16xi32>,
    %swap3A_305 = vector.shape_cast %swap3A_304 : vector<16xi32> to vector<16xi32>
    %swap3A_306 = vector.shape_cast %and3A_302 : vector<16xi32> to vector<16xi32>
    tpu.vector_store %arg5[%swap3A_303], %swap3A_306 {strides = array<i32>} : memref<512xi32, #tpu.memory_space<vmem>>, vector<16xi32>,
    %get3A_307 = arith.constant 352 : index
    %get3A_308 = tpu.vector_load %arg4[%get3A_307] {strides = array<i32>} : memref<512xi32, #tpu.memory_space<vmem>>, vector<16xi32>,
    %get3A_309 = vector.shape_cast %get3A_308 : vector<16xi32> to vector<16xi32>
    %shift_right_arithmetic3A_310 = arith.constant 8 : i32
    %shift_right_arithmetic3A_311 = vector.broadcast %shift_right_arithmetic3A_310 : i32 to vector<16xi32>
    %shift_right_arithmetic3A_312 = arith.shrsi %get3A_309, %shift_right_arithmetic3A_311 : vector<16xi32>
    %and3A_313 = arith.andi %get3A_309, %shift_right_arithmetic3A_312 : vector<16xi32>
    %and3A_314 = arith.constant 65537 : i32
    %and3A_315 = vector.broadcast %and3A_314 : i32 to vector<16xi32>
    %and3A_316 = arith.andi %and3A_313, %and3A_315 : vector<16xi32>
    %swap3A_317 = arith.constant 352 : index
    %swap3A_318 = tpu.vector_load %arg5[%swap3A_317] {strides = array<i32>} : memref<512xi32, #tpu.memory_space<vmem>>, vector<16xi32>,
    %swap3A_319 = vector.shape_cast %swap3A_318 : vector<16xi32> to vector<16xi32>
    %swap3A_320 = vector.shape_cast %and3A_316 : vector<16xi32> to vector<16xi32>
    tpu.vector_store %arg5[%swap3A_317], %swap3A_320 {strides = array<i32>} : memref<512xi32, #tpu.memory_space<vmem>>, vector<16xi32>,
    %get3A_321 = arith.constant 368 : index
    %get3A_322 = tpu.vector_load %arg4[%get3A_321] {strides = array<i32>} : memref<512xi32, #tpu.memory_space<vmem>>, vector<16xi32>,
    %get3A_323 = vector.shape_cast %get3A_322 : vector<16xi32> to vector<16xi32>
    %shift_right_arithmetic3A_324 = arith.constant 8 : i32
    %shift_right_arithmetic3A_325 = vector.broadcast %shift_right_arithmetic3A_324 : i32 to vector<16xi32>
    %shift_right_arithmetic3A_326 = arith.shrsi %get3A_323, %shift_right_arithmetic3A_325 : vector<16xi32>
    %and3A_327 = arith.andi %get3A_323, %shift_right_arithmetic3A_326 : vector<16xi32>
    %and3A_328 = arith.constant 65537 : i32
    %and3A_329 = vector.broadcast %and3A_328 : i32 to vector<16xi32>
    %and3A_330 = arith.andi %and3A_327, %and3A_329 : vector<16xi32>
    %swap3A_331 = arith.constant 368 : index
    %swap3A_332 = tpu.vector_load %arg5[%swap3A_331] {strides = array<i32>} : memref<512xi32, #tpu.memory_space<vmem>>, vector<16xi32>,
    %swap3A_333 = vector.shape_cast %swap3A_332 : vector<16xi32> to vector<16xi32>
    %swap3A_334 = vector.shape_cast %and3A_330 : vector<16xi32> to vector<16xi32>
    tpu.vector_store %arg5[%swap3A_331], %swap3A_334 {strides = array<i32>} : memref<512xi32, #tpu.memory_space<vmem>>, vector<16xi32>,
    %get3A_335 = arith.constant 384 : index
    %get3A_336 = tpu.vector_load %arg4[%get3A_335] {strides = array<i32>} : memref<512xi32, #tpu.memory_space<vmem>>, vector<16xi32>,
    %get3A_337 = vector.shape_cast %get3A_336 : vector<16xi32> to vector<16xi32>
    %shift_right_arithmetic3A_338 = arith.constant 8 : i32
    %shift_right_arithmetic3A_339 = vector.broadcast %shift_right_arithmetic3A_338 : i32 to vector<16xi32>
    %shift_right_arithmetic3A_340 = arith.shrsi %get3A_337, %shift_right_arithmetic3A_339 : vector<16xi32>
    %and3A_341 = arith.andi %get3A_337, %shift_right_arithmetic3A_340 : vector<16xi32>
    %and3A_342 = arith.constant 65537 : i32
    %and3A_343 = vector.broadcast %and3A_342 : i32 to vector<16xi32>
    %and3A_344 = arith.andi %and3A_341, %and3A_343 : vector<16xi32>
    %swap3A_345 = arith.constant 384 : index
    %swap3A_346 = tpu.vector_load %arg5[%swap3A_345] {strides = array<i32>} : memref<512xi32, #tpu.memory_space<vmem>>, vector<16xi32>,
    %swap3A_347 = vector.shape_cast %swap3A_346 : vector<16xi32> to vector<16xi32>
    %swap3A_348 = vector.shape_cast %and3A_344 : vector<16xi32> to vector<16xi32>
    tpu.vector_store %arg5[%swap3A_345], %swap3A_348 {strides = array<i32>} : memref<512xi32, #tpu.memory_space<vmem>>, vector<16xi32>,
    %get3A_349 = arith.constant 400 : index
    %get3A_350 = tpu.vector_load %arg4[%get3A_349] {strides = array<i32>} : memref<512xi32, #tpu.memory_space<vmem>>, vector<16xi32>,
    %get3A_351 = vector.shape_cast %get3A_350 : vector<16xi32> to vector<16xi32>
    %shift_right_arithmetic3A_352 = arith.constant 8 : i32
    %shift_right_arithmetic3A_353 = vector.broadcast %shift_right_arithmetic3A_352 : i32 to vector<16xi32>
    %shift_right_arithmetic3A_354 = arith.shrsi %get3A_351, %shift_right_arithmetic3A_353 : vector<16xi32>
    %and3A_355 = arith.andi %get3A_351, %shift_right_arithmetic3A_354 : vector<16xi32>
    %and3A_356 = arith.constant 65537 : i32
    %and3A_357 = vector.broadcast %and3A_356 : i32 to vector<16xi32>
    %and3A_358 = arith.andi %and3A_355, %and3A_357 : vector<16xi32>
    %swap3A_359 = arith.constant 400 : index
    %swap3A_360 = tpu.vector_load %arg5[%swap3A_359] {strides = array<i32>} : memref<512xi32, #tpu.memory_space<vmem>>, vector<16xi32>,
    %swap3A_361 = vector.shape_cast %swap3A_360 : vector<16xi32> to vector<16xi32>
    %swap3A_362 = vector.shape_cast %and3A_358 : vector<16xi32> to vector<16xi32>
    tpu.vector_store %arg5[%swap3A_359], %swap3A_362 {strides = array<i32>} : memref<512xi32, #tpu.memory_space<vmem>>, vector<16xi32>,
    %get3A_363 = arith.constant 416 : index
    %get3A_364 = tpu.vector_load %arg4[%get3A_363] {strides = array<i32>} : memref<512xi32, #tpu.memory_space<vmem>>, vector<16xi32>,
    %get3A_365 = vector.shape_cast %get3A_364 : vector<16xi32> to vector<16xi32>
    %shift_right_arithmetic3A_366 = arith.constant 8 : i32
    %shift_right_arithmetic3A_367 = vector.broadcast %shift_right_arithmetic3A_366 : i32 to vector<16xi32>
    %shift_right_arithmetic3A_368 = arith.shrsi %get3A_365, %shift_right_arithmetic3A_367 : vector<16xi32>
    %and3A_369 = arith.andi %get3A_365, %shift_right_arithmetic3A_368 : vector<16xi32>
    %and3A_370 = arith.constant 65537 : i32
    %and3A_371 = vector.broadcast %and3A_370 : i32 to vector<16xi32>
    %and3A_372 = arith.andi %and3A_369, %and3A_371 : vector<16xi32>
    %swap3A_373 = arith.constant 416 : index
    %swap3A_374 = tpu.vector_load %arg5[%swap3A_373] {strides = array<i32>} : memref<512xi32, #tpu.memory_space<vmem>>, vector<16xi32>,
    %swap3A_375 = vector.shape_cast %swap3A_374 : vector<16xi32> to vector<16xi32>
    %swap3A_376 = vector.shape_cast %and3A_372 : vector<16xi32> to vector<16xi32>
    tpu.vector_store %arg5[%swap3A_373], %swap3A_376 {strides = array<i32>} : memref<512xi32, #tpu.memory_space<vmem>>, vector<16xi32>,
    %get3A_377 = arith.constant 432 : index
    %get3A_378 = tpu.vector_load %arg4[%get3A_377] {strides = array<i32>} : memref<512xi32, #tpu.memory_space<vmem>>, vector<16xi32>,
    %get3A_379 = vector.shape_cast %get3A_378 : vector<16xi32> to vector<16xi32>
    %shift_right_arithmetic3A_380 = arith.constant 8 : i32
    %shift_right_arithmetic3A_381 = vector.broadcast %shift_right_arithmetic3A_380 : i32 to vector<16xi32>
    %shift_right_arithmetic3A_382 = arith.shrsi %get3A_379, %shift_right_arithmetic3A_381 : vector<16xi32>
    %and3A_383 = arith.andi %get3A_379, %shift_right_arithmetic3A_382 : vector<16xi32>
    %and3A_384 = arith.constant 65537 : i32
    %and3A_385 = vector.broadcast %and3A_384 : i32 to vector<16xi32>
    %and3A_386 = arith.andi %and3A_383, %and3A_385 : vector<16xi32>
    %swap3A_387 = arith.constant 432 : index
    %swap3A_388 = tpu.vector_load %arg5[%swap3A_387] {strides = array<i32>} : memref<512xi32, #tpu.memory_space<vmem>>, vector<16xi32>,
    %swap3A_389 = vector.shape_cast %swap3A_388 : vector<16xi32> to vector<16xi32>
    %swap3A_390 = vector.shape_cast %and3A_386 : vector<16xi32> to vector<16xi32>
    tpu.vector_store %arg5[%swap3A_387], %swap3A_390 {strides = array<i32>} : memref<512xi32, #tpu.memory_space<vmem>>, vector<16xi32>,
    %get3A_391 = arith.constant 448 : index
    %get3A_392 = tpu.vector_load %arg4[%get3A_391] {strides = array<i32>} : memref<512xi32, #tpu.memory_space<vmem>>, vector<16xi32>,
    %get3A_393 = vector.shape_cast %get3A_392 : vector<16xi32> to vector<16xi32>
    %shift_right_arithmetic3A_394 = arith.constant 8 : i32
    %shift_right_arithmetic3A_395 = vector.broadcast %shift_right_arithmetic3A_394 : i32 to vector<16xi32>
    %shift_right_arithmetic3A_396 = arith.shrsi %get3A_393, %shift_right_arithmetic3A_395 : vector<16xi32>
    %and3A_397 = arith.andi %get3A_393, %shift_right_arithmetic3A_396 : vector<16xi32>
    %and3A_398 = arith.constant 65537 : i32
    %and3A_399 = vector.broadcast %and3A_398 : i32 to vector<16xi32>
    %and3A_400 = arith.andi %and3A_397, %and3A_399 : vector<16xi32>
    %swap3A_401 = arith.constant 448 : index
    %swap3A_402 = tpu.vector_load %arg5[%swap3A_401] {strides = array<i32>} : memref<512xi32, #tpu.memory_space<vmem>>, vector<16xi32>,
    %swap3A_403 = vector.shape_cast %swap3A_402 : vector<16xi32> to vector<16xi32>
    %swap3A_404 = vector.shape_cast %and3A_400 : vector<16xi32> to vector<16xi32>
    tpu.vector_store %arg5[%swap3A_401], %swap3A_404 {strides = array<i32>} : memref<512xi32, #tpu.memory_space<vmem>>, vector<16xi32>,
    %get3A_405 = arith.constant 464 : index
    %get3A_406 = tpu.vector_load %arg4[%get3A_405] {strides = array<i32>} : memref<512xi32, #tpu.memory_space<vmem>>, vector<16xi32>,
    %get3A_407 = vector.shape_cast %get3A_406 : vector<16xi32> to vector<16xi32>
    %shift_right_arithmetic3A_408 = arith.constant 8 : i32
    %shift_right_arithmetic3A_409 = vector.broadcast %shift_right_arithmetic3A_408 : i32 to vector<16xi32>
    %shift_right_arithmetic3A_410 = arith.shrsi %get3A_407, %shift_right_arithmetic3A_409 : vector<16xi32>
    %and3A_411 = arith.andi %get3A_407, %shift_right_arithmetic3A_410 : vector<16xi32>
    %and3A_412 = arith.constant 65537 : i32
    %and3A_413 = vector.broadcast %and3A_412 : i32 to vector<16xi32>
    %and3A_414 = arith.andi %and3A_411, %and3A_413 : vector<16xi32>
    %swap3A_415 = arith.constant 464 : index
    %swap3A_416 = tpu.vector_load %arg5[%swap3A_415] {strides = array<i32>} : memref<512xi32, #tpu.memory_space<vmem>>, vector<16xi32>,
    %swap3A_417 = vector.shape_cast %swap3A_416 : vector<16xi32> to vector<16xi32>
    %swap3A_418 = vector.shape_cast %and3A_414 : vector<16xi32> to vector<16xi32>
    tpu.vector_store %arg5[%swap3A_415], %swap3A_418 {strides = array<i32>} : memref<512xi32, #tpu.memory_space<vmem>>, vector<16xi32>,
    %get3A_419 = arith.constant 480 : index
    %get3A_420 = tpu.vector_load %arg4[%get3A_419] {strides = array<i32>} : memref<512xi32, #tpu.memory_space<vmem>>, vector<16xi32>,
    %get3A_421 = vector.shape_cast %get3A_420 : vector<16xi32> to vector<16xi32>
    %shift_right_arithmetic3A_422 = arith.constant 8 : i32
    %shift_right_arithmetic3A_423 = vector.broadcast %shift_right_arithmetic3A_422 : i32 to vector<16xi32>
    %shift_right_arithmetic3A_424 = arith.shrsi %get3A_421, %shift_right_arithmetic3A_423 : vector<16xi32>
    %and3A_425 = arith.andi %get3A_421, %shift_right_arithmetic3A_424 : vector<16xi32>
    %and3A_426 = arith.constant 65537 : i32
    %and3A_427 = vector.broadcast %and3A_426 : i32 to vector<16xi32>
    %and3A_428 = arith.andi %and3A_425, %and3A_427 : vector<16xi32>
    %swap3A_429 = arith.constant 480 : index
    %swap3A_430 = tpu.vector_load %arg5[%swap3A_429] {strides = array<i32>} : memref<512xi32, #tpu.memory_space<vmem>>, vector<16xi32>,
    %swap3A_431 = vector.shape_cast %swap3A_430 : vector<16xi32> to vector<16xi32>
    %swap3A_432 = vector.shape_cast %and3A_428 : vector<16xi32> to vector<16xi32>
    tpu.vector_store %arg5[%swap3A_429], %swap3A_432 {strides = array<i32>} : memref<512xi32, #tpu.memory_space<vmem>>, vector<16xi32>,
    %get3A_433 = arith.constant 496 : index
    %get3A_434 = tpu.vector_load %arg4[%get3A_433] {strides = array<i32>} : memref<512xi32, #tpu.memory_space<vmem>>, vector<16xi32>,
    %get3A_435 = vector.shape_cast %get3A_434 : vector<16xi32> to vector<16xi32>
    %shift_right_arithmetic3A_436 = arith.constant 8 : i32
    %shift_right_arithmetic3A_437 = vector.broadcast %shift_right_arithmetic3A_436 : i32 to vector<16xi32>
    %shift_right_arithmetic3A_438 = arith.shrsi %get3A_435, %shift_right_arithmetic3A_437 : vector<16xi32>
    %and3A_439 = arith.andi %get3A_435, %shift_right_arithmetic3A_438 : vector<16xi32>
    %and3A_440 = arith.constant 65537 : i32
    %and3A_441 = vector.broadcast %and3A_440 : i32 to vector<16xi32>
    %and3A_442 = arith.andi %and3A_439, %and3A_441 : vector<16xi32>
    %swap3A_443 = arith.constant 496 : index
    %swap3A_444 = tpu.vector_load %arg5[%swap3A_443] {strides = array<i32>} : memref<512xi32, #tpu.memory_space<vmem>>, vector<16xi32>,
    %swap3A_445 = vector.shape_cast %swap3A_444 : vector<16xi32> to vector<16xi32>
    %swap3A_446 = vector.shape_cast %and3A_442 : vector<16xi32> to vector<16xi32>
    tpu.vector_store %arg5[%swap3A_443], %swap3A_446 {strides = array<i32>} : memref<512xi32, #tpu.memory_space<vmem>>, vector<16xi32>,
    "tpu.region"() ({
      %run_scoped3A = tpu.sem_alloc : memref<!tpu.dma_semaphore, #tpu.memory_space<semaphore_mem>>
      %dma_start3A = tpu.memref_slice %arg3[%mul3A_2] : memref<16384xi32, #tpu.memory_space<hbm>> -> memref<512xi32, #tpu.memory_space<hbm>>
      %dma_start3A_447 = tpu.memref_slice %arg3[%mul3A_2] : memref<16384xi32, #tpu.memory_space<hbm>> -> memref<512xi32, #tpu.memory_space<hbm>>
      tpu.enqueue_dma source(%arg5 : memref<512xi32, #tpu.memory_space<vmem>>) target(%dma_start3A_447 : memref<512xi32, #tpu.memory_space<hbm>>) target_semaphore(%run_scoped3A : memref<!tpu.dma_semaphore, #tpu.memory_space<semaphore_mem>>)
      %dma_wait3A = tpu.memref_slice %arg3[%mul3A_2] : memref<16384xi32, #tpu.memory_space<hbm>> -> memref<512xi32, #tpu.memory_space<hbm>>
      %dma_wait3A_448 = tpu.memref_slice %arg3[%mul3A_2] : memref<16384xi32, #tpu.memory_space<hbm>> -> memref<512xi32, #tpu.memory_space<hbm>>
      tpu.wait_dma2 semaphore(%run_scoped3A : memref<!tpu.dma_semaphore, #tpu.memory_space<semaphore_mem>>) src(%arg5 : memref<512xi32, #tpu.memory_space<vmem>>) dst(%dma_wait3A_448 : memref<512xi32, #tpu.memory_space<hbm>>)
      tpu.yield
    }) : () -> ()
    return
  }
}

module attributes {stable_mosaic.version = 14 : i64} {
  func.func @_resize_kernel(%arg0: i32, %arg1: memref<16x4096xf32, #tpu.memory_space<vmem>>, %arg2: memref<4x128x4096xf32, #tpu.memory_space<vmem>>, %arg3: memref<4x128x2048xf32, #tpu.memory_space<vmem>>) attributes {dimension_semantics = [#tpu.dimension_semantics<arbitrary>], iteration_bounds = array<i64: 4>, scalar_prefetch = 0 : i64, scratch_operands = 0 : i64, tpu.core_type = #tpu.core_type<tc>, window_params = [{pipeline_mode = #tpu.pipeline_mode<synchronous>, transform_indices = @transform_0, window_bounds = array<i64: 16, 4096>}, {transform_indices = @transform_1, window_bounds = array<i64: 4, 128, 4096>}, {transform_indices = @transform_2, window_bounds = array<i64: 4, 128, 2048>}]} {
    %mul3A = arith.constant 4 : i32
    %mul3A_0 = arith.muli %mul3A, %arg0 : i32
    %add3A = arith.constant 0 : i32
    %add3A_1 = arith.addi %mul3A_0, %add3A : i32
    %get3A = arith.index_cast %add3A_1 : i32 to index
    %get3A_2 = arith.constant 0 : index
    %get3A_3 = vector.load %arg1[%get3A, %get3A_2] : memref<16x4096xf32, #tpu.memory_space<vmem>>, vector<1x4096xf32>
    %reduce_sum3A = vector.shape_cast %get3A_3 : vector<1x4096xf32> to vector<1x1x4096xf32>
    %reduce_sum3A_4 = arith.constant dense<0.000000e+00> : vector<1xf32>
    %reduce_sum3A_5 = vector.multi_reduction <add>, %reduce_sum3A, %reduce_sum3A_4 [1, 2] : vector<1x1x4096xf32> to vector<1xf32>
    %reduce_sum3A_6 = vector.shape_cast %reduce_sum3A_5 : vector<1xf32> to vector<1x1x1xf32>
    %reduce_sum3A_7 = vector.extract %reduce_sum3A_6[0, 0, 0] : f32 from vector<1x1x1xf32>
    %sub3A = arith.constant 4.096000e+03 : f32
    %sub3A_8 = arith.subf %sub3A, %reduce_sum3A_7 : f32
    %add3A_9 = arith.constant 1.000000e+00 : f32
    %add3A_10 = arith.addf %sub3A_8, %add3A_9 : f32
    %mul3A_11 = arith.constant 5.000000e-01 : f32
    %mul3A_12 = arith.mulf %add3A_10, %mul3A_11 : f32
    %floor3A = math.floor %mul3A_12 : f32
    %max3A = arith.constant 1.000000e+00 : f32
    %max3A_13 = arith.maximumf %floor3A, %max3A : f32
    %div3A = arith.divf %sub3A_8, %max3A_13 : f32
    %iota3A = tpu.iota {dimensions = array<i32: 1>} : vector<1x2048xi32>
    %convert_element_type3A = arith.sitofp %iota3A : vector<1x2048xi32> to vector<1x2048xf32>
    %add3A_14 = arith.constant 5.000000e-01 : f32
    %add3A_15 = vector.broadcast %add3A_14 : f32 to vector<1x2048xf32>
    %add3A_16 = arith.addf %convert_element_type3A, %add3A_15 : vector<1x2048xf32>
    %mul3A_17 = vector.broadcast %div3A : f32 to vector<1x2048xf32>
    %mul3A_18 = arith.mulf %add3A_16, %mul3A_17 : vector<1x2048xf32>
    %sub3A_19 = arith.constant 5.000000e-01 : f32
    %sub3A_20 = vector.broadcast %sub3A_19 : f32 to vector<1x2048xf32>
    %sub3A_21 = arith.subf %mul3A_18, %sub3A_20 : vector<1x2048xf32>
    %sub3A_22 = arith.constant 1.000000e+00 : f32
    %sub3A_23 = arith.subf %sub3A_8, %sub3A_22 : f32
    %jit3A = arith.constant 0.000000e+00 : f32
    %max3A_24 = vector.broadcast %jit3A : f32 to vector<1x2048xf32>
    %max3A_25 = arith.maximumf %max3A_24, %sub3A_21 : vector<1x2048xf32>
    %min3A = vector.broadcast %sub3A_23 : f32 to vector<1x2048xf32>
    %min3A_26 = arith.minimumf %min3A, %max3A_25 : vector<1x2048xf32>
    %floor3A_27 = math.floor %min3A_26 : vector<1x2048xf32>
    %sub3A_28 = arith.subf %min3A_26, %floor3A_27 : vector<1x2048xf32>
    %convert_element_type3A_29 = arith.fptosi %floor3A_27 : vector<1x2048xf32> to vector<1x2048xi32>
    %lt3A = vector.broadcast %floor3A : f32 to vector<1x2048xf32>
    %lt3A_30 = arith.cmpf olt, %convert_element_type3A, %lt3A : vector<1x2048xf32>
    %sub3A_31 = arith.constant 1.000000e+00 : f32
    %sub3A_32 = vector.broadcast %sub3A_31 : f32 to vector<1x2048xf32>
    %sub3A_33 = arith.subf %sub3A_32, %sub3A_28 : vector<1x2048xf32>
    %jit3A_34 = arith.constant 0.000000e+00 : f32
    %broadcast_in_dim3A = vector.broadcast %jit3A_34 : f32 to vector<1x2048xf32>
    %select_n3A = arith.select %lt3A_30, %sub3A_33, %broadcast_in_dim3A : vector<1x2048xi1>, vector<1x2048xf32>
    %jit3A_35 = arith.constant 0.000000e+00 : f32
    %broadcast_in_dim3A_36 = vector.broadcast %jit3A_35 : f32 to vector<1x2048xf32>
    %select_n3A_37 = arith.select %lt3A_30, %sub3A_28, %broadcast_in_dim3A_36 : vector<1x2048xi1>, vector<1x2048xf32>
    %mul3A_38 = arith.constant 2 : i32
    %mul3A_39 = vector.broadcast %mul3A_38 : i32 to vector<1x2048xi32>
    %mul3A_40 = arith.muli %mul3A_39, %iota3A : vector<1x2048xi32>
    %and3A = arith.constant 255 : i32
    %and3A_41 = vector.broadcast %and3A : i32 to vector<1x2048xi32>
    %and3A_42 = arith.andi %mul3A_40, %and3A_41 : vector<1x2048xi32>
    %eq3A = arith.cmpi eq, %convert_element_type3A_29, %mul3A_40 : vector<1x2048xi32>
    %jit3A_43 = arith.constant 1 : i32
    %jit3A_44 = arith.constant 0 : i32
    %broadcast_in_dim3A_45 = vector.broadcast %jit3A_43 : i32 to vector<1x2048xi32>
    %broadcast_in_dim3A_46 = vector.broadcast %jit3A_44 : i32 to vector<1x2048xi32>
    %select_n3A_47 = arith.select %eq3A, %broadcast_in_dim3A_45, %broadcast_in_dim3A_46 : vector<1x2048xi1>, vector<1x2048xi32>
    %add3A_48 = arith.addi %and3A_42, %select_n3A_47 : vector<1x2048xi32>
    %lt3A_49 = arith.constant 128 : i32
    %lt3A_50 = vector.broadcast %lt3A_49 : i32 to vector<1x2048xi32>
    %lt3A_51 = arith.cmpi slt, %add3A_48, %lt3A_50 : vector<1x2048xi32>
    %and3A_52 = arith.constant 127 : i32
    %and3A_53 = vector.broadcast %and3A_52 : i32 to vector<1x2048xi32>
    %and3A_54 = arith.andi %add3A_48, %and3A_53 : vector<1x2048xi32>
    %get3A_55 = arith.constant 0 : index
    %get3A_56 = arith.constant 0 : index
    %get3A_57 = arith.constant 0 : index
    %get3A_58 = vector.load %arg2[%get3A_55, %get3A_56, %get3A_57] : memref<4x128x4096xf32, #tpu.memory_space<vmem>>, vector<1x128x4096xf32>
    %get3A_59 = vector.shape_cast %get3A_58 : vector<1x128x4096xf32> to vector<128x4096xf32>
    %roll3A = arith.constant 1 : i32
    %roll3A_60 = tpu.dynamic_rotate %get3A_59 by %roll3A dim 1 : vector<128x4096xf32>, i32 -> vector<128x4096xf32>
    %slice3A = vector.extract_strided_slice %get3A_59 {offsets = [0, 0], sizes = [128, 128], strides = [1, 1]} : vector<128x4096xf32> to vector<128x128xf32>
    %slice3A_61 = vector.extract_strided_slice %get3A_59 {offsets = [0, 128], sizes = [128, 128], strides = [1, 1]} : vector<128x4096xf32> to vector<128x128xf32>
    %slice3A_62 = vector.extract_strided_slice %roll3A_60 {offsets = [0, 0], sizes = [128, 128], strides = [1, 1]} : vector<128x4096xf32> to vector<128x128xf32>
    %slice3A_63 = vector.extract_strided_slice %roll3A_60 {offsets = [0, 128], sizes = [128, 128], strides = [1, 1]} : vector<128x4096xf32> to vector<128x128xf32>
    %slice3A_64 = vector.extract_strided_slice %and3A_54 {offsets = [0, 0], sizes = [1, 128], strides = [1, 1]} : vector<1x2048xi32> to vector<1x128xi32>
    %broadcast_in_dim3A_65 = vector.shape_cast %slice3A_64 : vector<1x128xi32> to vector<1x128xi32>
    %broadcast_in_dim3A_66 = vector.broadcast %broadcast_in_dim3A_65 : vector<1x128xi32> to vector<128x128xi32>
    %slice3A_67 = vector.extract_strided_slice %lt3A_51 {offsets = [0, 0], sizes = [1, 128], strides = [1, 1]} : vector<1x2048xi1> to vector<1x128xi1>
    %broadcast_in_dim3A_68 = vector.shape_cast %slice3A_67 : vector<1x128xi1> to vector<1x128xi1>
    %broadcast_in_dim3A_69 = vector.broadcast %broadcast_in_dim3A_68 : vector<1x128xi1> to vector<128x128xi1>
    %reshape3A = vector.shape_cast %broadcast_in_dim3A_66 : vector<128x128xi32> to vector<128x128x1xi32>
    %gather3A = vector.shape_cast %reshape3A : vector<128x128x1xi32> to vector<128x128xi32>
    %gather3A_70 = tpu.dynamic_gather %slice3A_62[%gather3A] in [1] : vector<128x128xf32>, vector<128x128xi32> -> vector<128x128xf32>
    %reshape3A_71 = vector.shape_cast %broadcast_in_dim3A_66 : vector<128x128xi32> to vector<128x128x1xi32>
    %gather3A_72 = vector.shape_cast %reshape3A_71 : vector<128x128x1xi32> to vector<128x128xi32>
    %gather3A_73 = tpu.dynamic_gather %slice3A_63[%gather3A_72] in [1] : vector<128x128xf32>, vector<128x128xi32> -> vector<128x128xf32>
    %reshape3A_74 = vector.shape_cast %broadcast_in_dim3A_66 : vector<128x128xi32> to vector<128x128x1xi32>
    %gather3A_75 = vector.shape_cast %reshape3A_74 : vector<128x128x1xi32> to vector<128x128xi32>
    %gather3A_76 = tpu.dynamic_gather %slice3A[%gather3A_75] in [1] : vector<128x128xf32>, vector<128x128xi32> -> vector<128x128xf32>
    %reshape3A_77 = vector.shape_cast %broadcast_in_dim3A_66 : vector<128x128xi32> to vector<128x128x1xi32>
    %gather3A_78 = vector.shape_cast %reshape3A_77 : vector<128x128x1xi32> to vector<128x128xi32>
    %gather3A_79 = tpu.dynamic_gather %slice3A_61[%gather3A_78] in [1] : vector<128x128xf32>, vector<128x128xi32> -> vector<128x128xf32>
    %select_n3A_80 = arith.select %broadcast_in_dim3A_69, %gather3A_70, %gather3A_73 : vector<128x128xi1>, vector<128x128xf32>
    %select_n3A_81 = arith.select %broadcast_in_dim3A_69, %gather3A_76, %gather3A_79 : vector<128x128xi1>, vector<128x128xf32>
    %slice3A_82 = vector.extract_strided_slice %select_n3A {offsets = [0, 0], sizes = [1, 128], strides = [1, 1]} : vector<1x2048xf32> to vector<1x128xf32>
    %mul3A_83 = vector.broadcast %slice3A_82 : vector<1x128xf32> to vector<128x128xf32>
    %mul3A_84 = arith.mulf %select_n3A_80, %mul3A_83 : vector<128x128xf32>
    %slice3A_85 = vector.extract_strided_slice %select_n3A_37 {offsets = [0, 0], sizes = [1, 128], strides = [1, 1]} : vector<1x2048xf32> to vector<1x128xf32>
    %mul3A_86 = vector.broadcast %slice3A_85 : vector<1x128xf32> to vector<128x128xf32>
    %mul3A_87 = arith.mulf %select_n3A_81, %mul3A_86 : vector<128x128xf32>
    %add3A_88 = arith.addf %mul3A_84, %mul3A_87 : vector<128x128xf32>
    %reshape3A_89 = vector.shape_cast %add3A_88 : vector<128x128xf32> to vector<1x128x128xf32>
    %swap3A = arith.constant 0 : index
    %swap3A_90 = arith.constant 0 : index
    %swap3A_91 = arith.constant 0 : index
    %swap3A_92 = vector.load %arg3[%swap3A, %swap3A_90, %swap3A_91] : memref<4x128x2048xf32, #tpu.memory_space<vmem>>, vector<1x128x128xf32>
    tpu.vector_store %arg3[%swap3A, %swap3A_90, %swap3A_91], %reshape3A_89 {strides = array<i32>} : memref<4x128x2048xf32, #tpu.memory_space<vmem>>, vector<1x128x128xf32>,
    %slice3A_93 = vector.extract_strided_slice %get3A_59 {offsets = [0, 256], sizes = [128, 128], strides = [1, 1]} : vector<128x4096xf32> to vector<128x128xf32>
    %slice3A_94 = vector.extract_strided_slice %get3A_59 {offsets = [0, 384], sizes = [128, 128], strides = [1, 1]} : vector<128x4096xf32> to vector<128x128xf32>
    %slice3A_95 = vector.extract_strided_slice %roll3A_60 {offsets = [0, 256], sizes = [128, 128], strides = [1, 1]} : vector<128x4096xf32> to vector<128x128xf32>
    %slice3A_96 = vector.extract_strided_slice %roll3A_60 {offsets = [0, 384], sizes = [128, 128], strides = [1, 1]} : vector<128x4096xf32> to vector<128x128xf32>
    %slice3A_97 = vector.extract_strided_slice %and3A_54 {offsets = [0, 128], sizes = [1, 128], strides = [1, 1]} : vector<1x2048xi32> to vector<1x128xi32>
    %broadcast_in_dim3A_98 = vector.shape_cast %slice3A_97 : vector<1x128xi32> to vector<1x128xi32>
    %broadcast_in_dim3A_99 = vector.broadcast %broadcast_in_dim3A_98 : vector<1x128xi32> to vector<128x128xi32>
    %slice3A_100 = vector.extract_strided_slice %lt3A_51 {offsets = [0, 128], sizes = [1, 128], strides = [1, 1]} : vector<1x2048xi1> to vector<1x128xi1>
    %broadcast_in_dim3A_101 = vector.shape_cast %slice3A_100 : vector<1x128xi1> to vector<1x128xi1>
    %broadcast_in_dim3A_102 = vector.broadcast %broadcast_in_dim3A_101 : vector<1x128xi1> to vector<128x128xi1>
    %reshape3A_103 = vector.shape_cast %broadcast_in_dim3A_99 : vector<128x128xi32> to vector<128x128x1xi32>
    %gather3A_104 = vector.shape_cast %reshape3A_103 : vector<128x128x1xi32> to vector<128x128xi32>
    %gather3A_105 = tpu.dynamic_gather %slice3A_95[%gather3A_104] in [1] : vector<128x128xf32>, vector<128x128xi32> -> vector<128x128xf32>
    %reshape3A_106 = vector.shape_cast %broadcast_in_dim3A_99 : vector<128x128xi32> to vector<128x128x1xi32>
    %gather3A_107 = vector.shape_cast %reshape3A_106 : vector<128x128x1xi32> to vector<128x128xi32>
    %gather3A_108 = tpu.dynamic_gather %slice3A_96[%gather3A_107] in [1] : vector<128x128xf32>, vector<128x128xi32> -> vector<128x128xf32>
    %reshape3A_109 = vector.shape_cast %broadcast_in_dim3A_99 : vector<128x128xi32> to vector<128x128x1xi32>
    %gather3A_110 = vector.shape_cast %reshape3A_109 : vector<128x128x1xi32> to vector<128x128xi32>
    %gather3A_111 = tpu.dynamic_gather %slice3A_93[%gather3A_110] in [1] : vector<128x128xf32>, vector<128x128xi32> -> vector<128x128xf32>
    %reshape3A_112 = vector.shape_cast %broadcast_in_dim3A_99 : vector<128x128xi32> to vector<128x128x1xi32>
    %gather3A_113 = vector.shape_cast %reshape3A_112 : vector<128x128x1xi32> to vector<128x128xi32>
    %gather3A_114 = tpu.dynamic_gather %slice3A_94[%gather3A_113] in [1] : vector<128x128xf32>, vector<128x128xi32> -> vector<128x128xf32>
    %select_n3A_115 = arith.select %broadcast_in_dim3A_102, %gather3A_105, %gather3A_108 : vector<128x128xi1>, vector<128x128xf32>
    %select_n3A_116 = arith.select %broadcast_in_dim3A_102, %gather3A_111, %gather3A_114 : vector<128x128xi1>, vector<128x128xf32>
    %slice3A_117 = vector.extract_strided_slice %select_n3A {offsets = [0, 128], sizes = [1, 128], strides = [1, 1]} : vector<1x2048xf32> to vector<1x128xf32>
    %mul3A_118 = vector.broadcast %slice3A_117 : vector<1x128xf32> to vector<128x128xf32>
    %mul3A_119 = arith.mulf %select_n3A_115, %mul3A_118 : vector<128x128xf32>
    %slice3A_120 = vector.extract_strided_slice %select_n3A_37 {offsets = [0, 128], sizes = [1, 128], strides = [1, 1]} : vector<1x2048xf32> to vector<1x128xf32>
    %mul3A_121 = vector.broadcast %slice3A_120 : vector<1x128xf32> to vector<128x128xf32>
    %mul3A_122 = arith.mulf %select_n3A_116, %mul3A_121 : vector<128x128xf32>
    %add3A_123 = arith.addf %mul3A_119, %mul3A_122 : vector<128x128xf32>
    %reshape3A_124 = vector.shape_cast %add3A_123 : vector<128x128xf32> to vector<1x128x128xf32>
    %swap3A_125 = arith.constant 0 : index
    %swap3A_126 = arith.constant 0 : index
    %swap3A_127 = arith.constant 128 : index
    %swap3A_128 = vector.load %arg3[%swap3A_125, %swap3A_126, %swap3A_127] : memref<4x128x2048xf32, #tpu.memory_space<vmem>>, vector<1x128x128xf32>
    tpu.vector_store %arg3[%swap3A_125, %swap3A_126, %swap3A_127], %reshape3A_124 {strides = array<i32>} : memref<4x128x2048xf32, #tpu.memory_space<vmem>>, vector<1x128x128xf32>,
    %slice3A_129 = vector.extract_strided_slice %get3A_59 {offsets = [0, 512], sizes = [128, 128], strides = [1, 1]} : vector<128x4096xf32> to vector<128x128xf32>
    %slice3A_130 = vector.extract_strided_slice %get3A_59 {offsets = [0, 640], sizes = [128, 128], strides = [1, 1]} : vector<128x4096xf32> to vector<128x128xf32>
    %slice3A_131 = vector.extract_strided_slice %roll3A_60 {offsets = [0, 512], sizes = [128, 128], strides = [1, 1]} : vector<128x4096xf32> to vector<128x128xf32>
    %slice3A_132 = vector.extract_strided_slice %roll3A_60 {offsets = [0, 640], sizes = [128, 128], strides = [1, 1]} : vector<128x4096xf32> to vector<128x128xf32>
    %slice3A_133 = vector.extract_strided_slice %and3A_54 {offsets = [0, 256], sizes = [1, 128], strides = [1, 1]} : vector<1x2048xi32> to vector<1x128xi32>
    %broadcast_in_dim3A_134 = vector.shape_cast %slice3A_133 : vector<1x128xi32> to vector<1x128xi32>
    %broadcast_in_dim3A_135 = vector.broadcast %broadcast_in_dim3A_134 : vector<1x128xi32> to vector<128x128xi32>
    %slice3A_136 = vector.extract_strided_slice %lt3A_51 {offsets = [0, 256], sizes = [1, 128], strides = [1, 1]} : vector<1x2048xi1> to vector<1x128xi1>
    %broadcast_in_dim3A_137 = vector.shape_cast %slice3A_136 : vector<1x128xi1> to vector<1x128xi1>
    %broadcast_in_dim3A_138 = vector.broadcast %broadcast_in_dim3A_137 : vector<1x128xi1> to vector<128x128xi1>
    %reshape3A_139 = vector.shape_cast %broadcast_in_dim3A_135 : vector<128x128xi32> to vector<128x128x1xi32>
    %gather3A_140 = vector.shape_cast %reshape3A_139 : vector<128x128x1xi32> to vector<128x128xi32>
    %gather3A_141 = tpu.dynamic_gather %slice3A_131[%gather3A_140] in [1] : vector<128x128xf32>, vector<128x128xi32> -> vector<128x128xf32>
    %reshape3A_142 = vector.shape_cast %broadcast_in_dim3A_135 : vector<128x128xi32> to vector<128x128x1xi32>
    %gather3A_143 = vector.shape_cast %reshape3A_142 : vector<128x128x1xi32> to vector<128x128xi32>
    %gather3A_144 = tpu.dynamic_gather %slice3A_132[%gather3A_143] in [1] : vector<128x128xf32>, vector<128x128xi32> -> vector<128x128xf32>
    %reshape3A_145 = vector.shape_cast %broadcast_in_dim3A_135 : vector<128x128xi32> to vector<128x128x1xi32>
    %gather3A_146 = vector.shape_cast %reshape3A_145 : vector<128x128x1xi32> to vector<128x128xi32>
    %gather3A_147 = tpu.dynamic_gather %slice3A_129[%gather3A_146] in [1] : vector<128x128xf32>, vector<128x128xi32> -> vector<128x128xf32>
    %reshape3A_148 = vector.shape_cast %broadcast_in_dim3A_135 : vector<128x128xi32> to vector<128x128x1xi32>
    %gather3A_149 = vector.shape_cast %reshape3A_148 : vector<128x128x1xi32> to vector<128x128xi32>
    %gather3A_150 = tpu.dynamic_gather %slice3A_130[%gather3A_149] in [1] : vector<128x128xf32>, vector<128x128xi32> -> vector<128x128xf32>
    %select_n3A_151 = arith.select %broadcast_in_dim3A_138, %gather3A_141, %gather3A_144 : vector<128x128xi1>, vector<128x128xf32>
    %select_n3A_152 = arith.select %broadcast_in_dim3A_138, %gather3A_147, %gather3A_150 : vector<128x128xi1>, vector<128x128xf32>
    %slice3A_153 = vector.extract_strided_slice %select_n3A {offsets = [0, 256], sizes = [1, 128], strides = [1, 1]} : vector<1x2048xf32> to vector<1x128xf32>
    %mul3A_154 = vector.broadcast %slice3A_153 : vector<1x128xf32> to vector<128x128xf32>
    %mul3A_155 = arith.mulf %select_n3A_151, %mul3A_154 : vector<128x128xf32>
    %slice3A_156 = vector.extract_strided_slice %select_n3A_37 {offsets = [0, 256], sizes = [1, 128], strides = [1, 1]} : vector<1x2048xf32> to vector<1x128xf32>
    %mul3A_157 = vector.broadcast %slice3A_156 : vector<1x128xf32> to vector<128x128xf32>
    %mul3A_158 = arith.mulf %select_n3A_152, %mul3A_157 : vector<128x128xf32>
    %add3A_159 = arith.addf %mul3A_155, %mul3A_158 : vector<128x128xf32>
    %reshape3A_160 = vector.shape_cast %add3A_159 : vector<128x128xf32> to vector<1x128x128xf32>
    %swap3A_161 = arith.constant 0 : index
    %swap3A_162 = arith.constant 0 : index
    %swap3A_163 = arith.constant 256 : index
    %swap3A_164 = vector.load %arg3[%swap3A_161, %swap3A_162, %swap3A_163] : memref<4x128x2048xf32, #tpu.memory_space<vmem>>, vector<1x128x128xf32>
    tpu.vector_store %arg3[%swap3A_161, %swap3A_162, %swap3A_163], %reshape3A_160 {strides = array<i32>} : memref<4x128x2048xf32, #tpu.memory_space<vmem>>, vector<1x128x128xf32>,
    %slice3A_165 = vector.extract_strided_slice %get3A_59 {offsets = [0, 768], sizes = [128, 128], strides = [1, 1]} : vector<128x4096xf32> to vector<128x128xf32>
    %slice3A_166 = vector.extract_strided_slice %get3A_59 {offsets = [0, 896], sizes = [128, 128], strides = [1, 1]} : vector<128x4096xf32> to vector<128x128xf32>
    %slice3A_167 = vector.extract_strided_slice %roll3A_60 {offsets = [0, 768], sizes = [128, 128], strides = [1, 1]} : vector<128x4096xf32> to vector<128x128xf32>
    %slice3A_168 = vector.extract_strided_slice %roll3A_60 {offsets = [0, 896], sizes = [128, 128], strides = [1, 1]} : vector<128x4096xf32> to vector<128x128xf32>
    %slice3A_169 = vector.extract_strided_slice %and3A_54 {offsets = [0, 384], sizes = [1, 128], strides = [1, 1]} : vector<1x2048xi32> to vector<1x128xi32>
    %broadcast_in_dim3A_170 = vector.shape_cast %slice3A_169 : vector<1x128xi32> to vector<1x128xi32>
    %broadcast_in_dim3A_171 = vector.broadcast %broadcast_in_dim3A_170 : vector<1x128xi32> to vector<128x128xi32>
    %slice3A_172 = vector.extract_strided_slice %lt3A_51 {offsets = [0, 384], sizes = [1, 128], strides = [1, 1]} : vector<1x2048xi1> to vector<1x128xi1>
    %broadcast_in_dim3A_173 = vector.shape_cast %slice3A_172 : vector<1x128xi1> to vector<1x128xi1>
    %broadcast_in_dim3A_174 = vector.broadcast %broadcast_in_dim3A_173 : vector<1x128xi1> to vector<128x128xi1>
    %reshape3A_175 = vector.shape_cast %broadcast_in_dim3A_171 : vector<128x128xi32> to vector<128x128x1xi32>
    %gather3A_176 = vector.shape_cast %reshape3A_175 : vector<128x128x1xi32> to vector<128x128xi32>
    %gather3A_177 = tpu.dynamic_gather %slice3A_167[%gather3A_176] in [1] : vector<128x128xf32>, vector<128x128xi32> -> vector<128x128xf32>
    %reshape3A_178 = vector.shape_cast %broadcast_in_dim3A_171 : vector<128x128xi32> to vector<128x128x1xi32>
    %gather3A_179 = vector.shape_cast %reshape3A_178 : vector<128x128x1xi32> to vector<128x128xi32>
    %gather3A_180 = tpu.dynamic_gather %slice3A_168[%gather3A_179] in [1] : vector<128x128xf32>, vector<128x128xi32> -> vector<128x128xf32>
    %reshape3A_181 = vector.shape_cast %broadcast_in_dim3A_171 : vector<128x128xi32> to vector<128x128x1xi32>
    %gather3A_182 = vector.shape_cast %reshape3A_181 : vector<128x128x1xi32> to vector<128x128xi32>
    %gather3A_183 = tpu.dynamic_gather %slice3A_165[%gather3A_182] in [1] : vector<128x128xf32>, vector<128x128xi32> -> vector<128x128xf32>
    %reshape3A_184 = vector.shape_cast %broadcast_in_dim3A_171 : vector<128x128xi32> to vector<128x128x1xi32>
    %gather3A_185 = vector.shape_cast %reshape3A_184 : vector<128x128x1xi32> to vector<128x128xi32>
    %gather3A_186 = tpu.dynamic_gather %slice3A_166[%gather3A_185] in [1] : vector<128x128xf32>, vector<128x128xi32> -> vector<128x128xf32>
    %select_n3A_187 = arith.select %broadcast_in_dim3A_174, %gather3A_177, %gather3A_180 : vector<128x128xi1>, vector<128x128xf32>
    %select_n3A_188 = arith.select %broadcast_in_dim3A_174, %gather3A_183, %gather3A_186 : vector<128x128xi1>, vector<128x128xf32>
    %slice3A_189 = vector.extract_strided_slice %select_n3A {offsets = [0, 384], sizes = [1, 128], strides = [1, 1]} : vector<1x2048xf32> to vector<1x128xf32>
    %mul3A_190 = vector.broadcast %slice3A_189 : vector<1x128xf32> to vector<128x128xf32>
    %mul3A_191 = arith.mulf %select_n3A_187, %mul3A_190 : vector<128x128xf32>
    %slice3A_192 = vector.extract_strided_slice %select_n3A_37 {offsets = [0, 384], sizes = [1, 128], strides = [1, 1]} : vector<1x2048xf32> to vector<1x128xf32>
    %mul3A_193 = vector.broadcast %slice3A_192 : vector<1x128xf32> to vector<128x128xf32>
    %mul3A_194 = arith.mulf %select_n3A_188, %mul3A_193 : vector<128x128xf32>
    %add3A_195 = arith.addf %mul3A_191, %mul3A_194 : vector<128x128xf32>
    %reshape3A_196 = vector.shape_cast %add3A_195 : vector<128x128xf32> to vector<1x128x128xf32>
    %swap3A_197 = arith.constant 0 : index
    %swap3A_198 = arith.constant 0 : index
    %swap3A_199 = arith.constant 384 : index
    %swap3A_200 = vector.load %arg3[%swap3A_197, %swap3A_198, %swap3A_199] : memref<4x128x2048xf32, #tpu.memory_space<vmem>>, vector<1x128x128xf32>
    tpu.vector_store %arg3[%swap3A_197, %swap3A_198, %swap3A_199], %reshape3A_196 {strides = array<i32>} : memref<4x128x2048xf32, #tpu.memory_space<vmem>>, vector<1x128x128xf32>,
    %slice3A_201 = vector.extract_strided_slice %get3A_59 {offsets = [0, 1024], sizes = [128, 128], strides = [1, 1]} : vector<128x4096xf32> to vector<128x128xf32>
    %slice3A_202 = vector.extract_strided_slice %get3A_59 {offsets = [0, 1152], sizes = [128, 128], strides = [1, 1]} : vector<128x4096xf32> to vector<128x128xf32>
    %slice3A_203 = vector.extract_strided_slice %roll3A_60 {offsets = [0, 1024], sizes = [128, 128], strides = [1, 1]} : vector<128x4096xf32> to vector<128x128xf32>
    %slice3A_204 = vector.extract_strided_slice %roll3A_60 {offsets = [0, 1152], sizes = [128, 128], strides = [1, 1]} : vector<128x4096xf32> to vector<128x128xf32>
    %slice3A_205 = vector.extract_strided_slice %and3A_54 {offsets = [0, 512], sizes = [1, 128], strides = [1, 1]} : vector<1x2048xi32> to vector<1x128xi32>
    %broadcast_in_dim3A_206 = vector.shape_cast %slice3A_205 : vector<1x128xi32> to vector<1x128xi32>
    %broadcast_in_dim3A_207 = vector.broadcast %broadcast_in_dim3A_206 : vector<1x128xi32> to vector<128x128xi32>
    %slice3A_208 = vector.extract_strided_slice %lt3A_51 {offsets = [0, 512], sizes = [1, 128], strides = [1, 1]} : vector<1x2048xi1> to vector<1x128xi1>
    %broadcast_in_dim3A_209 = vector.shape_cast %slice3A_208 : vector<1x128xi1> to vector<1x128xi1>
    %broadcast_in_dim3A_210 = vector.broadcast %broadcast_in_dim3A_209 : vector<1x128xi1> to vector<128x128xi1>
    %reshape3A_211 = vector.shape_cast %broadcast_in_dim3A_207 : vector<128x128xi32> to vector<128x128x1xi32>
    %gather3A_212 = vector.shape_cast %reshape3A_211 : vector<128x128x1xi32> to vector<128x128xi32>
    %gather3A_213 = tpu.dynamic_gather %slice3A_203[%gather3A_212] in [1] : vector<128x128xf32>, vector<128x128xi32> -> vector<128x128xf32>
    %reshape3A_214 = vector.shape_cast %broadcast_in_dim3A_207 : vector<128x128xi32> to vector<128x128x1xi32>
    %gather3A_215 = vector.shape_cast %reshape3A_214 : vector<128x128x1xi32> to vector<128x128xi32>
    %gather3A_216 = tpu.dynamic_gather %slice3A_204[%gather3A_215] in [1] : vector<128x128xf32>, vector<128x128xi32> -> vector<128x128xf32>
    %reshape3A_217 = vector.shape_cast %broadcast_in_dim3A_207 : vector<128x128xi32> to vector<128x128x1xi32>
    %gather3A_218 = vector.shape_cast %reshape3A_217 : vector<128x128x1xi32> to vector<128x128xi32>
    %gather3A_219 = tpu.dynamic_gather %slice3A_201[%gather3A_218] in [1] : vector<128x128xf32>, vector<128x128xi32> -> vector<128x128xf32>
    %reshape3A_220 = vector.shape_cast %broadcast_in_dim3A_207 : vector<128x128xi32> to vector<128x128x1xi32>
    %gather3A_221 = vector.shape_cast %reshape3A_220 : vector<128x128x1xi32> to vector<128x128xi32>
    %gather3A_222 = tpu.dynamic_gather %slice3A_202[%gather3A_221] in [1] : vector<128x128xf32>, vector<128x128xi32> -> vector<128x128xf32>
    %select_n3A_223 = arith.select %broadcast_in_dim3A_210, %gather3A_213, %gather3A_216 : vector<128x128xi1>, vector<128x128xf32>
    %select_n3A_224 = arith.select %broadcast_in_dim3A_210, %gather3A_219, %gather3A_222 : vector<128x128xi1>, vector<128x128xf32>
    %slice3A_225 = vector.extract_strided_slice %select_n3A {offsets = [0, 512], sizes = [1, 128], strides = [1, 1]} : vector<1x2048xf32> to vector<1x128xf32>
    %mul3A_226 = vector.broadcast %slice3A_225 : vector<1x128xf32> to vector<128x128xf32>
    %mul3A_227 = arith.mulf %select_n3A_223, %mul3A_226 : vector<128x128xf32>
    %slice3A_228 = vector.extract_strided_slice %select_n3A_37 {offsets = [0, 512], sizes = [1, 128], strides = [1, 1]} : vector<1x2048xf32> to vector<1x128xf32>
    %mul3A_229 = vector.broadcast %slice3A_228 : vector<1x128xf32> to vector<128x128xf32>
    %mul3A_230 = arith.mulf %select_n3A_224, %mul3A_229 : vector<128x128xf32>
    %add3A_231 = arith.addf %mul3A_227, %mul3A_230 : vector<128x128xf32>
    %reshape3A_232 = vector.shape_cast %add3A_231 : vector<128x128xf32> to vector<1x128x128xf32>
    %swap3A_233 = arith.constant 0 : index
    %swap3A_234 = arith.constant 0 : index
    %swap3A_235 = arith.constant 512 : index
    %swap3A_236 = vector.load %arg3[%swap3A_233, %swap3A_234, %swap3A_235] : memref<4x128x2048xf32, #tpu.memory_space<vmem>>, vector<1x128x128xf32>
    tpu.vector_store %arg3[%swap3A_233, %swap3A_234, %swap3A_235], %reshape3A_232 {strides = array<i32>} : memref<4x128x2048xf32, #tpu.memory_space<vmem>>, vector<1x128x128xf32>,
    %slice3A_237 = vector.extract_strided_slice %get3A_59 {offsets = [0, 1280], sizes = [128, 128], strides = [1, 1]} : vector<128x4096xf32> to vector<128x128xf32>
    %slice3A_238 = vector.extract_strided_slice %get3A_59 {offsets = [0, 1408], sizes = [128, 128], strides = [1, 1]} : vector<128x4096xf32> to vector<128x128xf32>
    %slice3A_239 = vector.extract_strided_slice %roll3A_60 {offsets = [0, 1280], sizes = [128, 128], strides = [1, 1]} : vector<128x4096xf32> to vector<128x128xf32>
    %slice3A_240 = vector.extract_strided_slice %roll3A_60 {offsets = [0, 1408], sizes = [128, 128], strides = [1, 1]} : vector<128x4096xf32> to vector<128x128xf32>
    %slice3A_241 = vector.extract_strided_slice %and3A_54 {offsets = [0, 640], sizes = [1, 128], strides = [1, 1]} : vector<1x2048xi32> to vector<1x128xi32>
    %broadcast_in_dim3A_242 = vector.shape_cast %slice3A_241 : vector<1x128xi32> to vector<1x128xi32>
    %broadcast_in_dim3A_243 = vector.broadcast %broadcast_in_dim3A_242 : vector<1x128xi32> to vector<128x128xi32>
    %slice3A_244 = vector.extract_strided_slice %lt3A_51 {offsets = [0, 640], sizes = [1, 128], strides = [1, 1]} : vector<1x2048xi1> to vector<1x128xi1>
    %broadcast_in_dim3A_245 = vector.shape_cast %slice3A_244 : vector<1x128xi1> to vector<1x128xi1>
    %broadcast_in_dim3A_246 = vector.broadcast %broadcast_in_dim3A_245 : vector<1x128xi1> to vector<128x128xi1>
    %reshape3A_247 = vector.shape_cast %broadcast_in_dim3A_243 : vector<128x128xi32> to vector<128x128x1xi32>
    %gather3A_248 = vector.shape_cast %reshape3A_247 : vector<128x128x1xi32> to vector<128x128xi32>
    %gather3A_249 = tpu.dynamic_gather %slice3A_239[%gather3A_248] in [1] : vector<128x128xf32>, vector<128x128xi32> -> vector<128x128xf32>
    %reshape3A_250 = vector.shape_cast %broadcast_in_dim3A_243 : vector<128x128xi32> to vector<128x128x1xi32>
    %gather3A_251 = vector.shape_cast %reshape3A_250 : vector<128x128x1xi32> to vector<128x128xi32>
    %gather3A_252 = tpu.dynamic_gather %slice3A_240[%gather3A_251] in [1] : vector<128x128xf32>, vector<128x128xi32> -> vector<128x128xf32>
    %reshape3A_253 = vector.shape_cast %broadcast_in_dim3A_243 : vector<128x128xi32> to vector<128x128x1xi32>
    %gather3A_254 = vector.shape_cast %reshape3A_253 : vector<128x128x1xi32> to vector<128x128xi32>
    %gather3A_255 = tpu.dynamic_gather %slice3A_237[%gather3A_254] in [1] : vector<128x128xf32>, vector<128x128xi32> -> vector<128x128xf32>
    %reshape3A_256 = vector.shape_cast %broadcast_in_dim3A_243 : vector<128x128xi32> to vector<128x128x1xi32>
    %gather3A_257 = vector.shape_cast %reshape3A_256 : vector<128x128x1xi32> to vector<128x128xi32>
    %gather3A_258 = tpu.dynamic_gather %slice3A_238[%gather3A_257] in [1] : vector<128x128xf32>, vector<128x128xi32> -> vector<128x128xf32>
    %select_n3A_259 = arith.select %broadcast_in_dim3A_246, %gather3A_249, %gather3A_252 : vector<128x128xi1>, vector<128x128xf32>
    %select_n3A_260 = arith.select %broadcast_in_dim3A_246, %gather3A_255, %gather3A_258 : vector<128x128xi1>, vector<128x128xf32>
    %slice3A_261 = vector.extract_strided_slice %select_n3A {offsets = [0, 640], sizes = [1, 128], strides = [1, 1]} : vector<1x2048xf32> to vector<1x128xf32>
    %mul3A_262 = vector.broadcast %slice3A_261 : vector<1x128xf32> to vector<128x128xf32>
    %mul3A_263 = arith.mulf %select_n3A_259, %mul3A_262 : vector<128x128xf32>
    %slice3A_264 = vector.extract_strided_slice %select_n3A_37 {offsets = [0, 640], sizes = [1, 128], strides = [1, 1]} : vector<1x2048xf32> to vector<1x128xf32>
    %mul3A_265 = vector.broadcast %slice3A_264 : vector<1x128xf32> to vector<128x128xf32>
    %mul3A_266 = arith.mulf %select_n3A_260, %mul3A_265 : vector<128x128xf32>
    %add3A_267 = arith.addf %mul3A_263, %mul3A_266 : vector<128x128xf32>
    %reshape3A_268 = vector.shape_cast %add3A_267 : vector<128x128xf32> to vector<1x128x128xf32>
    %swap3A_269 = arith.constant 0 : index
    %swap3A_270 = arith.constant 0 : index
    %swap3A_271 = arith.constant 640 : index
    %swap3A_272 = vector.load %arg3[%swap3A_269, %swap3A_270, %swap3A_271] : memref<4x128x2048xf32, #tpu.memory_space<vmem>>, vector<1x128x128xf32>
    tpu.vector_store %arg3[%swap3A_269, %swap3A_270, %swap3A_271], %reshape3A_268 {strides = array<i32>} : memref<4x128x2048xf32, #tpu.memory_space<vmem>>, vector<1x128x128xf32>,
    %slice3A_273 = vector.extract_strided_slice %get3A_59 {offsets = [0, 1536], sizes = [128, 128], strides = [1, 1]} : vector<128x4096xf32> to vector<128x128xf32>
    %slice3A_274 = vector.extract_strided_slice %get3A_59 {offsets = [0, 1664], sizes = [128, 128], strides = [1, 1]} : vector<128x4096xf32> to vector<128x128xf32>
    %slice3A_275 = vector.extract_strided_slice %roll3A_60 {offsets = [0, 1536], sizes = [128, 128], strides = [1, 1]} : vector<128x4096xf32> to vector<128x128xf32>
    %slice3A_276 = vector.extract_strided_slice %roll3A_60 {offsets = [0, 1664], sizes = [128, 128], strides = [1, 1]} : vector<128x4096xf32> to vector<128x128xf32>
    %slice3A_277 = vector.extract_strided_slice %and3A_54 {offsets = [0, 768], sizes = [1, 128], strides = [1, 1]} : vector<1x2048xi32> to vector<1x128xi32>
    %broadcast_in_dim3A_278 = vector.shape_cast %slice3A_277 : vector<1x128xi32> to vector<1x128xi32>
    %broadcast_in_dim3A_279 = vector.broadcast %broadcast_in_dim3A_278 : vector<1x128xi32> to vector<128x128xi32>
    %slice3A_280 = vector.extract_strided_slice %lt3A_51 {offsets = [0, 768], sizes = [1, 128], strides = [1, 1]} : vector<1x2048xi1> to vector<1x128xi1>
    %broadcast_in_dim3A_281 = vector.shape_cast %slice3A_280 : vector<1x128xi1> to vector<1x128xi1>
    %broadcast_in_dim3A_282 = vector.broadcast %broadcast_in_dim3A_281 : vector<1x128xi1> to vector<128x128xi1>
    %reshape3A_283 = vector.shape_cast %broadcast_in_dim3A_279 : vector<128x128xi32> to vector<128x128x1xi32>
    %gather3A_284 = vector.shape_cast %reshape3A_283 : vector<128x128x1xi32> to vector<128x128xi32>
    %gather3A_285 = tpu.dynamic_gather %slice3A_275[%gather3A_284] in [1] : vector<128x128xf32>, vector<128x128xi32> -> vector<128x128xf32>
    %reshape3A_286 = vector.shape_cast %broadcast_in_dim3A_279 : vector<128x128xi32> to vector<128x128x1xi32>
    %gather3A_287 = vector.shape_cast %reshape3A_286 : vector<128x128x1xi32> to vector<128x128xi32>
    %gather3A_288 = tpu.dynamic_gather %slice3A_276[%gather3A_287] in [1] : vector<128x128xf32>, vector<128x128xi32> -> vector<128x128xf32>
    %reshape3A_289 = vector.shape_cast %broadcast_in_dim3A_279 : vector<128x128xi32> to vector<128x128x1xi32>
    %gather3A_290 = vector.shape_cast %reshape3A_289 : vector<128x128x1xi32> to vector<128x128xi32>
    %gather3A_291 = tpu.dynamic_gather %slice3A_273[%gather3A_290] in [1] : vector<128x128xf32>, vector<128x128xi32> -> vector<128x128xf32>
    %reshape3A_292 = vector.shape_cast %broadcast_in_dim3A_279 : vector<128x128xi32> to vector<128x128x1xi32>
    %gather3A_293 = vector.shape_cast %reshape3A_292 : vector<128x128x1xi32> to vector<128x128xi32>
    %gather3A_294 = tpu.dynamic_gather %slice3A_274[%gather3A_293] in [1] : vector<128x128xf32>, vector<128x128xi32> -> vector<128x128xf32>
    %select_n3A_295 = arith.select %broadcast_in_dim3A_282, %gather3A_285, %gather3A_288 : vector<128x128xi1>, vector<128x128xf32>
    %select_n3A_296 = arith.select %broadcast_in_dim3A_282, %gather3A_291, %gather3A_294 : vector<128x128xi1>, vector<128x128xf32>
    %slice3A_297 = vector.extract_strided_slice %select_n3A {offsets = [0, 768], sizes = [1, 128], strides = [1, 1]} : vector<1x2048xf32> to vector<1x128xf32>
    %mul3A_298 = vector.broadcast %slice3A_297 : vector<1x128xf32> to vector<128x128xf32>
    %mul3A_299 = arith.mulf %select_n3A_295, %mul3A_298 : vector<128x128xf32>
    %slice3A_300 = vector.extract_strided_slice %select_n3A_37 {offsets = [0, 768], sizes = [1, 128], strides = [1, 1]} : vector<1x2048xf32> to vector<1x128xf32>
    %mul3A_301 = vector.broadcast %slice3A_300 : vector<1x128xf32> to vector<128x128xf32>
    %mul3A_302 = arith.mulf %select_n3A_296, %mul3A_301 : vector<128x128xf32>
    %add3A_303 = arith.addf %mul3A_299, %mul3A_302 : vector<128x128xf32>
    %reshape3A_304 = vector.shape_cast %add3A_303 : vector<128x128xf32> to vector<1x128x128xf32>
    %swap3A_305 = arith.constant 0 : index
    %swap3A_306 = arith.constant 0 : index
    %swap3A_307 = arith.constant 768 : index
    %swap3A_308 = vector.load %arg3[%swap3A_305, %swap3A_306, %swap3A_307] : memref<4x128x2048xf32, #tpu.memory_space<vmem>>, vector<1x128x128xf32>
    tpu.vector_store %arg3[%swap3A_305, %swap3A_306, %swap3A_307], %reshape3A_304 {strides = array<i32>} : memref<4x128x2048xf32, #tpu.memory_space<vmem>>, vector<1x128x128xf32>,
    %slice3A_309 = vector.extract_strided_slice %get3A_59 {offsets = [0, 1792], sizes = [128, 128], strides = [1, 1]} : vector<128x4096xf32> to vector<128x128xf32>
    %slice3A_310 = vector.extract_strided_slice %get3A_59 {offsets = [0, 1920], sizes = [128, 128], strides = [1, 1]} : vector<128x4096xf32> to vector<128x128xf32>
    %slice3A_311 = vector.extract_strided_slice %roll3A_60 {offsets = [0, 1792], sizes = [128, 128], strides = [1, 1]} : vector<128x4096xf32> to vector<128x128xf32>
    %slice3A_312 = vector.extract_strided_slice %roll3A_60 {offsets = [0, 1920], sizes = [128, 128], strides = [1, 1]} : vector<128x4096xf32> to vector<128x128xf32>
    %slice3A_313 = vector.extract_strided_slice %and3A_54 {offsets = [0, 896], sizes = [1, 128], strides = [1, 1]} : vector<1x2048xi32> to vector<1x128xi32>
    %broadcast_in_dim3A_314 = vector.shape_cast %slice3A_313 : vector<1x128xi32> to vector<1x128xi32>
    %broadcast_in_dim3A_315 = vector.broadcast %broadcast_in_dim3A_314 : vector<1x128xi32> to vector<128x128xi32>
    %slice3A_316 = vector.extract_strided_slice %lt3A_51 {offsets = [0, 896], sizes = [1, 128], strides = [1, 1]} : vector<1x2048xi1> to vector<1x128xi1>
    %broadcast_in_dim3A_317 = vector.shape_cast %slice3A_316 : vector<1x128xi1> to vector<1x128xi1>
    %broadcast_in_dim3A_318 = vector.broadcast %broadcast_in_dim3A_317 : vector<1x128xi1> to vector<128x128xi1>
    %reshape3A_319 = vector.shape_cast %broadcast_in_dim3A_315 : vector<128x128xi32> to vector<128x128x1xi32>
    %gather3A_320 = vector.shape_cast %reshape3A_319 : vector<128x128x1xi32> to vector<128x128xi32>
    %gather3A_321 = tpu.dynamic_gather %slice3A_311[%gather3A_320] in [1] : vector<128x128xf32>, vector<128x128xi32> -> vector<128x128xf32>
    %reshape3A_322 = vector.shape_cast %broadcast_in_dim3A_315 : vector<128x128xi32> to vector<128x128x1xi32>
    %gather3A_323 = vector.shape_cast %reshape3A_322 : vector<128x128x1xi32> to vector<128x128xi32>
    %gather3A_324 = tpu.dynamic_gather %slice3A_312[%gather3A_323] in [1] : vector<128x128xf32>, vector<128x128xi32> -> vector<128x128xf32>
    %reshape3A_325 = vector.shape_cast %broadcast_in_dim3A_315 : vector<128x128xi32> to vector<128x128x1xi32>
    %gather3A_326 = vector.shape_cast %reshape3A_325 : vector<128x128x1xi32> to vector<128x128xi32>
    %gather3A_327 = tpu.dynamic_gather %slice3A_309[%gather3A_326] in [1] : vector<128x128xf32>, vector<128x128xi32> -> vector<128x128xf32>
    %reshape3A_328 = vector.shape_cast %broadcast_in_dim3A_315 : vector<128x128xi32> to vector<128x128x1xi32>
    %gather3A_329 = vector.shape_cast %reshape3A_328 : vector<128x128x1xi32> to vector<128x128xi32>
    %gather3A_330 = tpu.dynamic_gather %slice3A_310[%gather3A_329] in [1] : vector<128x128xf32>, vector<128x128xi32> -> vector<128x128xf32>
    %select_n3A_331 = arith.select %broadcast_in_dim3A_318, %gather3A_321, %gather3A_324 : vector<128x128xi1>, vector<128x128xf32>
    %select_n3A_332 = arith.select %broadcast_in_dim3A_318, %gather3A_327, %gather3A_330 : vector<128x128xi1>, vector<128x128xf32>
    %slice3A_333 = vector.extract_strided_slice %select_n3A {offsets = [0, 896], sizes = [1, 128], strides = [1, 1]} : vector<1x2048xf32> to vector<1x128xf32>
    %mul3A_334 = vector.broadcast %slice3A_333 : vector<1x128xf32> to vector<128x128xf32>
    %mul3A_335 = arith.mulf %select_n3A_331, %mul3A_334 : vector<128x128xf32>
    %slice3A_336 = vector.extract_strided_slice %select_n3A_37 {offsets = [0, 896], sizes = [1, 128], strides = [1, 1]} : vector<1x2048xf32> to vector<1x128xf32>
    %mul3A_337 = vector.broadcast %slice3A_336 : vector<1x128xf32> to vector<128x128xf32>
    %mul3A_338 = arith.mulf %select_n3A_332, %mul3A_337 : vector<128x128xf32>
    %add3A_339 = arith.addf %mul3A_335, %mul3A_338 : vector<128x128xf32>
    %reshape3A_340 = vector.shape_cast %add3A_339 : vector<128x128xf32> to vector<1x128x128xf32>
    %swap3A_341 = arith.constant 0 : index
    %swap3A_342 = arith.constant 0 : index
    %swap3A_343 = arith.constant 896 : index
    %swap3A_344 = vector.load %arg3[%swap3A_341, %swap3A_342, %swap3A_343] : memref<4x128x2048xf32, #tpu.memory_space<vmem>>, vector<1x128x128xf32>
    tpu.vector_store %arg3[%swap3A_341, %swap3A_342, %swap3A_343], %reshape3A_340 {strides = array<i32>} : memref<4x128x2048xf32, #tpu.memory_space<vmem>>, vector<1x128x128xf32>,
    %slice3A_345 = vector.extract_strided_slice %get3A_59 {offsets = [0, 2048], sizes = [128, 128], strides = [1, 1]} : vector<128x4096xf32> to vector<128x128xf32>
    %slice3A_346 = vector.extract_strided_slice %get3A_59 {offsets = [0, 2176], sizes = [128, 128], strides = [1, 1]} : vector<128x4096xf32> to vector<128x128xf32>
    %slice3A_347 = vector.extract_strided_slice %roll3A_60 {offsets = [0, 2048], sizes = [128, 128], strides = [1, 1]} : vector<128x4096xf32> to vector<128x128xf32>
    %slice3A_348 = vector.extract_strided_slice %roll3A_60 {offsets = [0, 2176], sizes = [128, 128], strides = [1, 1]} : vector<128x4096xf32> to vector<128x128xf32>
    %slice3A_349 = vector.extract_strided_slice %and3A_54 {offsets = [0, 1024], sizes = [1, 128], strides = [1, 1]} : vector<1x2048xi32> to vector<1x128xi32>
    %broadcast_in_dim3A_350 = vector.shape_cast %slice3A_349 : vector<1x128xi32> to vector<1x128xi32>
    %broadcast_in_dim3A_351 = vector.broadcast %broadcast_in_dim3A_350 : vector<1x128xi32> to vector<128x128xi32>
    %slice3A_352 = vector.extract_strided_slice %lt3A_51 {offsets = [0, 1024], sizes = [1, 128], strides = [1, 1]} : vector<1x2048xi1> to vector<1x128xi1>
    %broadcast_in_dim3A_353 = vector.shape_cast %slice3A_352 : vector<1x128xi1> to vector<1x128xi1>
    %broadcast_in_dim3A_354 = vector.broadcast %broadcast_in_dim3A_353 : vector<1x128xi1> to vector<128x128xi1>
    %reshape3A_355 = vector.shape_cast %broadcast_in_dim3A_351 : vector<128x128xi32> to vector<128x128x1xi32>
    %gather3A_356 = vector.shape_cast %reshape3A_355 : vector<128x128x1xi32> to vector<128x128xi32>
    %gather3A_357 = tpu.dynamic_gather %slice3A_347[%gather3A_356] in [1] : vector<128x128xf32>, vector<128x128xi32> -> vector<128x128xf32>
    %reshape3A_358 = vector.shape_cast %broadcast_in_dim3A_351 : vector<128x128xi32> to vector<128x128x1xi32>
    %gather3A_359 = vector.shape_cast %reshape3A_358 : vector<128x128x1xi32> to vector<128x128xi32>
    %gather3A_360 = tpu.dynamic_gather %slice3A_348[%gather3A_359] in [1] : vector<128x128xf32>, vector<128x128xi32> -> vector<128x128xf32>
    %reshape3A_361 = vector.shape_cast %broadcast_in_dim3A_351 : vector<128x128xi32> to vector<128x128x1xi32>
    %gather3A_362 = vector.shape_cast %reshape3A_361 : vector<128x128x1xi32> to vector<128x128xi32>
    %gather3A_363 = tpu.dynamic_gather %slice3A_345[%gather3A_362] in [1] : vector<128x128xf32>, vector<128x128xi32> -> vector<128x128xf32>
    %reshape3A_364 = vector.shape_cast %broadcast_in_dim3A_351 : vector<128x128xi32> to vector<128x128x1xi32>
    %gather3A_365 = vector.shape_cast %reshape3A_364 : vector<128x128x1xi32> to vector<128x128xi32>
    %gather3A_366 = tpu.dynamic_gather %slice3A_346[%gather3A_365] in [1] : vector<128x128xf32>, vector<128x128xi32> -> vector<128x128xf32>
    %select_n3A_367 = arith.select %broadcast_in_dim3A_354, %gather3A_357, %gather3A_360 : vector<128x128xi1>, vector<128x128xf32>
    %select_n3A_368 = arith.select %broadcast_in_dim3A_354, %gather3A_363, %gather3A_366 : vector<128x128xi1>, vector<128x128xf32>
    %slice3A_369 = vector.extract_strided_slice %select_n3A {offsets = [0, 1024], sizes = [1, 128], strides = [1, 1]} : vector<1x2048xf32> to vector<1x128xf32>
    %mul3A_370 = vector.broadcast %slice3A_369 : vector<1x128xf32> to vector<128x128xf32>
    %mul3A_371 = arith.mulf %select_n3A_367, %mul3A_370 : vector<128x128xf32>
    %slice3A_372 = vector.extract_strided_slice %select_n3A_37 {offsets = [0, 1024], sizes = [1, 128], strides = [1, 1]} : vector<1x2048xf32> to vector<1x128xf32>
    %mul3A_373 = vector.broadcast %slice3A_372 : vector<1x128xf32> to vector<128x128xf32>
    %mul3A_374 = arith.mulf %select_n3A_368, %mul3A_373 : vector<128x128xf32>
    %add3A_375 = arith.addf %mul3A_371, %mul3A_374 : vector<128x128xf32>
    %reshape3A_376 = vector.shape_cast %add3A_375 : vector<128x128xf32> to vector<1x128x128xf32>
    %swap3A_377 = arith.constant 0 : index
    %swap3A_378 = arith.constant 0 : index
    %swap3A_379 = arith.constant 1024 : index
    %swap3A_380 = vector.load %arg3[%swap3A_377, %swap3A_378, %swap3A_379] : memref<4x128x2048xf32, #tpu.memory_space<vmem>>, vector<1x128x128xf32>
    tpu.vector_store %arg3[%swap3A_377, %swap3A_378, %swap3A_379], %reshape3A_376 {strides = array<i32>} : memref<4x128x2048xf32, #tpu.memory_space<vmem>>, vector<1x128x128xf32>,
    %slice3A_381 = vector.extract_strided_slice %get3A_59 {offsets = [0, 2304], sizes = [128, 128], strides = [1, 1]} : vector<128x4096xf32> to vector<128x128xf32>
    %slice3A_382 = vector.extract_strided_slice %get3A_59 {offsets = [0, 2432], sizes = [128, 128], strides = [1, 1]} : vector<128x4096xf32> to vector<128x128xf32>
    %slice3A_383 = vector.extract_strided_slice %roll3A_60 {offsets = [0, 2304], sizes = [128, 128], strides = [1, 1]} : vector<128x4096xf32> to vector<128x128xf32>
    %slice3A_384 = vector.extract_strided_slice %roll3A_60 {offsets = [0, 2432], sizes = [128, 128], strides = [1, 1]} : vector<128x4096xf32> to vector<128x128xf32>
    %slice3A_385 = vector.extract_strided_slice %and3A_54 {offsets = [0, 1152], sizes = [1, 128], strides = [1, 1]} : vector<1x2048xi32> to vector<1x128xi32>
    %broadcast_in_dim3A_386 = vector.shape_cast %slice3A_385 : vector<1x128xi32> to vector<1x128xi32>
    %broadcast_in_dim3A_387 = vector.broadcast %broadcast_in_dim3A_386 : vector<1x128xi32> to vector<128x128xi32>
    %slice3A_388 = vector.extract_strided_slice %lt3A_51 {offsets = [0, 1152], sizes = [1, 128], strides = [1, 1]} : vector<1x2048xi1> to vector<1x128xi1>
    %broadcast_in_dim3A_389 = vector.shape_cast %slice3A_388 : vector<1x128xi1> to vector<1x128xi1>
    %broadcast_in_dim3A_390 = vector.broadcast %broadcast_in_dim3A_389 : vector<1x128xi1> to vector<128x128xi1>
    %reshape3A_391 = vector.shape_cast %broadcast_in_dim3A_387 : vector<128x128xi32> to vector<128x128x1xi32>
    %gather3A_392 = vector.shape_cast %reshape3A_391 : vector<128x128x1xi32> to vector<128x128xi32>
    %gather3A_393 = tpu.dynamic_gather %slice3A_383[%gather3A_392] in [1] : vector<128x128xf32>, vector<128x128xi32> -> vector<128x128xf32>
    %reshape3A_394 = vector.shape_cast %broadcast_in_dim3A_387 : vector<128x128xi32> to vector<128x128x1xi32>
    %gather3A_395 = vector.shape_cast %reshape3A_394 : vector<128x128x1xi32> to vector<128x128xi32>
    %gather3A_396 = tpu.dynamic_gather %slice3A_384[%gather3A_395] in [1] : vector<128x128xf32>, vector<128x128xi32> -> vector<128x128xf32>
    %reshape3A_397 = vector.shape_cast %broadcast_in_dim3A_387 : vector<128x128xi32> to vector<128x128x1xi32>
    %gather3A_398 = vector.shape_cast %reshape3A_397 : vector<128x128x1xi32> to vector<128x128xi32>
    %gather3A_399 = tpu.dynamic_gather %slice3A_381[%gather3A_398] in [1] : vector<128x128xf32>, vector<128x128xi32> -> vector<128x128xf32>
    %reshape3A_400 = vector.shape_cast %broadcast_in_dim3A_387 : vector<128x128xi32> to vector<128x128x1xi32>
    %gather3A_401 = vector.shape_cast %reshape3A_400 : vector<128x128x1xi32> to vector<128x128xi32>
    %gather3A_402 = tpu.dynamic_gather %slice3A_382[%gather3A_401] in [1] : vector<128x128xf32>, vector<128x128xi32> -> vector<128x128xf32>
    %select_n3A_403 = arith.select %broadcast_in_dim3A_390, %gather3A_393, %gather3A_396 : vector<128x128xi1>, vector<128x128xf32>
    %select_n3A_404 = arith.select %broadcast_in_dim3A_390, %gather3A_399, %gather3A_402 : vector<128x128xi1>, vector<128x128xf32>
    %slice3A_405 = vector.extract_strided_slice %select_n3A {offsets = [0, 1152], sizes = [1, 128], strides = [1, 1]} : vector<1x2048xf32> to vector<1x128xf32>
    %mul3A_406 = vector.broadcast %slice3A_405 : vector<1x128xf32> to vector<128x128xf32>
    %mul3A_407 = arith.mulf %select_n3A_403, %mul3A_406 : vector<128x128xf32>
    %slice3A_408 = vector.extract_strided_slice %select_n3A_37 {offsets = [0, 1152], sizes = [1, 128], strides = [1, 1]} : vector<1x2048xf32> to vector<1x128xf32>
    %mul3A_409 = vector.broadcast %slice3A_408 : vector<1x128xf32> to vector<128x128xf32>
    %mul3A_410 = arith.mulf %select_n3A_404, %mul3A_409 : vector<128x128xf32>
    %add3A_411 = arith.addf %mul3A_407, %mul3A_410 : vector<128x128xf32>
    %reshape3A_412 = vector.shape_cast %add3A_411 : vector<128x128xf32> to vector<1x128x128xf32>
    %swap3A_413 = arith.constant 0 : index
    %swap3A_414 = arith.constant 0 : index
    %swap3A_415 = arith.constant 1152 : index
    %swap3A_416 = vector.load %arg3[%swap3A_413, %swap3A_414, %swap3A_415] : memref<4x128x2048xf32, #tpu.memory_space<vmem>>, vector<1x128x128xf32>
    tpu.vector_store %arg3[%swap3A_413, %swap3A_414, %swap3A_415], %reshape3A_412 {strides = array<i32>} : memref<4x128x2048xf32, #tpu.memory_space<vmem>>, vector<1x128x128xf32>,
    %slice3A_417 = vector.extract_strided_slice %get3A_59 {offsets = [0, 2560], sizes = [128, 128], strides = [1, 1]} : vector<128x4096xf32> to vector<128x128xf32>
    %slice3A_418 = vector.extract_strided_slice %get3A_59 {offsets = [0, 2688], sizes = [128, 128], strides = [1, 1]} : vector<128x4096xf32> to vector<128x128xf32>
    %slice3A_419 = vector.extract_strided_slice %roll3A_60 {offsets = [0, 2560], sizes = [128, 128], strides = [1, 1]} : vector<128x4096xf32> to vector<128x128xf32>
    %slice3A_420 = vector.extract_strided_slice %roll3A_60 {offsets = [0, 2688], sizes = [128, 128], strides = [1, 1]} : vector<128x4096xf32> to vector<128x128xf32>
    %slice3A_421 = vector.extract_strided_slice %and3A_54 {offsets = [0, 1280], sizes = [1, 128], strides = [1, 1]} : vector<1x2048xi32> to vector<1x128xi32>
    %broadcast_in_dim3A_422 = vector.shape_cast %slice3A_421 : vector<1x128xi32> to vector<1x128xi32>
    %broadcast_in_dim3A_423 = vector.broadcast %broadcast_in_dim3A_422 : vector<1x128xi32> to vector<128x128xi32>
    %slice3A_424 = vector.extract_strided_slice %lt3A_51 {offsets = [0, 1280], sizes = [1, 128], strides = [1, 1]} : vector<1x2048xi1> to vector<1x128xi1>
    %broadcast_in_dim3A_425 = vector.shape_cast %slice3A_424 : vector<1x128xi1> to vector<1x128xi1>
    %broadcast_in_dim3A_426 = vector.broadcast %broadcast_in_dim3A_425 : vector<1x128xi1> to vector<128x128xi1>
    %reshape3A_427 = vector.shape_cast %broadcast_in_dim3A_423 : vector<128x128xi32> to vector<128x128x1xi32>
    %gather3A_428 = vector.shape_cast %reshape3A_427 : vector<128x128x1xi32> to vector<128x128xi32>
    %gather3A_429 = tpu.dynamic_gather %slice3A_419[%gather3A_428] in [1] : vector<128x128xf32>, vector<128x128xi32> -> vector<128x128xf32>
    %reshape3A_430 = vector.shape_cast %broadcast_in_dim3A_423 : vector<128x128xi32> to vector<128x128x1xi32>
    %gather3A_431 = vector.shape_cast %reshape3A_430 : vector<128x128x1xi32> to vector<128x128xi32>
    %gather3A_432 = tpu.dynamic_gather %slice3A_420[%gather3A_431] in [1] : vector<128x128xf32>, vector<128x128xi32> -> vector<128x128xf32>
    %reshape3A_433 = vector.shape_cast %broadcast_in_dim3A_423 : vector<128x128xi32> to vector<128x128x1xi32>
    %gather3A_434 = vector.shape_cast %reshape3A_433 : vector<128x128x1xi32> to vector<128x128xi32>
    %gather3A_435 = tpu.dynamic_gather %slice3A_417[%gather3A_434] in [1] : vector<128x128xf32>, vector<128x128xi32> -> vector<128x128xf32>
    %reshape3A_436 = vector.shape_cast %broadcast_in_dim3A_423 : vector<128x128xi32> to vector<128x128x1xi32>
    %gather3A_437 = vector.shape_cast %reshape3A_436 : vector<128x128x1xi32> to vector<128x128xi32>
    %gather3A_438 = tpu.dynamic_gather %slice3A_418[%gather3A_437] in [1] : vector<128x128xf32>, vector<128x128xi32> -> vector<128x128xf32>
    %select_n3A_439 = arith.select %broadcast_in_dim3A_426, %gather3A_429, %gather3A_432 : vector<128x128xi1>, vector<128x128xf32>
    %select_n3A_440 = arith.select %broadcast_in_dim3A_426, %gather3A_435, %gather3A_438 : vector<128x128xi1>, vector<128x128xf32>
    %slice3A_441 = vector.extract_strided_slice %select_n3A {offsets = [0, 1280], sizes = [1, 128], strides = [1, 1]} : vector<1x2048xf32> to vector<1x128xf32>
    %mul3A_442 = vector.broadcast %slice3A_441 : vector<1x128xf32> to vector<128x128xf32>
    %mul3A_443 = arith.mulf %select_n3A_439, %mul3A_442 : vector<128x128xf32>
    %slice3A_444 = vector.extract_strided_slice %select_n3A_37 {offsets = [0, 1280], sizes = [1, 128], strides = [1, 1]} : vector<1x2048xf32> to vector<1x128xf32>
    %mul3A_445 = vector.broadcast %slice3A_444 : vector<1x128xf32> to vector<128x128xf32>
    %mul3A_446 = arith.mulf %select_n3A_440, %mul3A_445 : vector<128x128xf32>
    %add3A_447 = arith.addf %mul3A_443, %mul3A_446 : vector<128x128xf32>
    %reshape3A_448 = vector.shape_cast %add3A_447 : vector<128x128xf32> to vector<1x128x128xf32>
    %swap3A_449 = arith.constant 0 : index
    %swap3A_450 = arith.constant 0 : index
    %swap3A_451 = arith.constant 1280 : index
    %swap3A_452 = vector.load %arg3[%swap3A_449, %swap3A_450, %swap3A_451] : memref<4x128x2048xf32, #tpu.memory_space<vmem>>, vector<1x128x128xf32>
    tpu.vector_store %arg3[%swap3A_449, %swap3A_450, %swap3A_451], %reshape3A_448 {strides = array<i32>} : memref<4x128x2048xf32, #tpu.memory_space<vmem>>, vector<1x128x128xf32>,
    %slice3A_453 = vector.extract_strided_slice %get3A_59 {offsets = [0, 2816], sizes = [128, 128], strides = [1, 1]} : vector<128x4096xf32> to vector<128x128xf32>
    %slice3A_454 = vector.extract_strided_slice %get3A_59 {offsets = [0, 2944], sizes = [128, 128], strides = [1, 1]} : vector<128x4096xf32> to vector<128x128xf32>
    %slice3A_455 = vector.extract_strided_slice %roll3A_60 {offsets = [0, 2816], sizes = [128, 128], strides = [1, 1]} : vector<128x4096xf32> to vector<128x128xf32>
    %slice3A_456 = vector.extract_strided_slice %roll3A_60 {offsets = [0, 2944], sizes = [128, 128], strides = [1, 1]} : vector<128x4096xf32> to vector<128x128xf32>
    %slice3A_457 = vector.extract_strided_slice %and3A_54 {offsets = [0, 1408], sizes = [1, 128], strides = [1, 1]} : vector<1x2048xi32> to vector<1x128xi32>
    %broadcast_in_dim3A_458 = vector.shape_cast %slice3A_457 : vector<1x128xi32> to vector<1x128xi32>
    %broadcast_in_dim3A_459 = vector.broadcast %broadcast_in_dim3A_458 : vector<1x128xi32> to vector<128x128xi32>
    %slice3A_460 = vector.extract_strided_slice %lt3A_51 {offsets = [0, 1408], sizes = [1, 128], strides = [1, 1]} : vector<1x2048xi1> to vector<1x128xi1>
    %broadcast_in_dim3A_461 = vector.shape_cast %slice3A_460 : vector<1x128xi1> to vector<1x128xi1>
    %broadcast_in_dim3A_462 = vector.broadcast %broadcast_in_dim3A_461 : vector<1x128xi1> to vector<128x128xi1>
    %reshape3A_463 = vector.shape_cast %broadcast_in_dim3A_459 : vector<128x128xi32> to vector<128x128x1xi32>
    %gather3A_464 = vector.shape_cast %reshape3A_463 : vector<128x128x1xi32> to vector<128x128xi32>
    %gather3A_465 = tpu.dynamic_gather %slice3A_455[%gather3A_464] in [1] : vector<128x128xf32>, vector<128x128xi32> -> vector<128x128xf32>
    %reshape3A_466 = vector.shape_cast %broadcast_in_dim3A_459 : vector<128x128xi32> to vector<128x128x1xi32>
    %gather3A_467 = vector.shape_cast %reshape3A_466 : vector<128x128x1xi32> to vector<128x128xi32>
    %gather3A_468 = tpu.dynamic_gather %slice3A_456[%gather3A_467] in [1] : vector<128x128xf32>, vector<128x128xi32> -> vector<128x128xf32>
    %reshape3A_469 = vector.shape_cast %broadcast_in_dim3A_459 : vector<128x128xi32> to vector<128x128x1xi32>
    %gather3A_470 = vector.shape_cast %reshape3A_469 : vector<128x128x1xi32> to vector<128x128xi32>
    %gather3A_471 = tpu.dynamic_gather %slice3A_453[%gather3A_470] in [1] : vector<128x128xf32>, vector<128x128xi32> -> vector<128x128xf32>
    %reshape3A_472 = vector.shape_cast %broadcast_in_dim3A_459 : vector<128x128xi32> to vector<128x128x1xi32>
    %gather3A_473 = vector.shape_cast %reshape3A_472 : vector<128x128x1xi32> to vector<128x128xi32>
    %gather3A_474 = tpu.dynamic_gather %slice3A_454[%gather3A_473] in [1] : vector<128x128xf32>, vector<128x128xi32> -> vector<128x128xf32>
    %select_n3A_475 = arith.select %broadcast_in_dim3A_462, %gather3A_465, %gather3A_468 : vector<128x128xi1>, vector<128x128xf32>
    %select_n3A_476 = arith.select %broadcast_in_dim3A_462, %gather3A_471, %gather3A_474 : vector<128x128xi1>, vector<128x128xf32>
    %slice3A_477 = vector.extract_strided_slice %select_n3A {offsets = [0, 1408], sizes = [1, 128], strides = [1, 1]} : vector<1x2048xf32> to vector<1x128xf32>
    %mul3A_478 = vector.broadcast %slice3A_477 : vector<1x128xf32> to vector<128x128xf32>
    %mul3A_479 = arith.mulf %select_n3A_475, %mul3A_478 : vector<128x128xf32>
    %slice3A_480 = vector.extract_strided_slice %select_n3A_37 {offsets = [0, 1408], sizes = [1, 128], strides = [1, 1]} : vector<1x2048xf32> to vector<1x128xf32>
    %mul3A_481 = vector.broadcast %slice3A_480 : vector<1x128xf32> to vector<128x128xf32>
    %mul3A_482 = arith.mulf %select_n3A_476, %mul3A_481 : vector<128x128xf32>
    %add3A_483 = arith.addf %mul3A_479, %mul3A_482 : vector<128x128xf32>
    %reshape3A_484 = vector.shape_cast %add3A_483 : vector<128x128xf32> to vector<1x128x128xf32>
    %swap3A_485 = arith.constant 0 : index
    %swap3A_486 = arith.constant 0 : index
    %swap3A_487 = arith.constant 1408 : index
    %swap3A_488 = vector.load %arg3[%swap3A_485, %swap3A_486, %swap3A_487] : memref<4x128x2048xf32, #tpu.memory_space<vmem>>, vector<1x128x128xf32>
    tpu.vector_store %arg3[%swap3A_485, %swap3A_486, %swap3A_487], %reshape3A_484 {strides = array<i32>} : memref<4x128x2048xf32, #tpu.memory_space<vmem>>, vector<1x128x128xf32>,
    %slice3A_489 = vector.extract_strided_slice %get3A_59 {offsets = [0, 3072], sizes = [128, 128], strides = [1, 1]} : vector<128x4096xf32> to vector<128x128xf32>
    %slice3A_490 = vector.extract_strided_slice %get3A_59 {offsets = [0, 3200], sizes = [128, 128], strides = [1, 1]} : vector<128x4096xf32> to vector<128x128xf32>
    %slice3A_491 = vector.extract_strided_slice %roll3A_60 {offsets = [0, 3072], sizes = [128, 128], strides = [1, 1]} : vector<128x4096xf32> to vector<128x128xf32>
    %slice3A_492 = vector.extract_strided_slice %roll3A_60 {offsets = [0, 3200], sizes = [128, 128], strides = [1, 1]} : vector<128x4096xf32> to vector<128x128xf32>
    %slice3A_493 = vector.extract_strided_slice %and3A_54 {offsets = [0, 1536], sizes = [1, 128], strides = [1, 1]} : vector<1x2048xi32> to vector<1x128xi32>
    %broadcast_in_dim3A_494 = vector.shape_cast %slice3A_493 : vector<1x128xi32> to vector<1x128xi32>
    %broadcast_in_dim3A_495 = vector.broadcast %broadcast_in_dim3A_494 : vector<1x128xi32> to vector<128x128xi32>
    %slice3A_496 = vector.extract_strided_slice %lt3A_51 {offsets = [0, 1536], sizes = [1, 128], strides = [1, 1]} : vector<1x2048xi1> to vector<1x128xi1>
    %broadcast_in_dim3A_497 = vector.shape_cast %slice3A_496 : vector<1x128xi1> to vector<1x128xi1>
    %broadcast_in_dim3A_498 = vector.broadcast %broadcast_in_dim3A_497 : vector<1x128xi1> to vector<128x128xi1>
    %reshape3A_499 = vector.shape_cast %broadcast_in_dim3A_495 : vector<128x128xi32> to vector<128x128x1xi32>
    %gather3A_500 = vector.shape_cast %reshape3A_499 : vector<128x128x1xi32> to vector<128x128xi32>
    %gather3A_501 = tpu.dynamic_gather %slice3A_491[%gather3A_500] in [1] : vector<128x128xf32>, vector<128x128xi32> -> vector<128x128xf32>
    %reshape3A_502 = vector.shape_cast %broadcast_in_dim3A_495 : vector<128x128xi32> to vector<128x128x1xi32>
    %gather3A_503 = vector.shape_cast %reshape3A_502 : vector<128x128x1xi32> to vector<128x128xi32>
    %gather3A_504 = tpu.dynamic_gather %slice3A_492[%gather3A_503] in [1] : vector<128x128xf32>, vector<128x128xi32> -> vector<128x128xf32>
    %reshape3A_505 = vector.shape_cast %broadcast_in_dim3A_495 : vector<128x128xi32> to vector<128x128x1xi32>
    %gather3A_506 = vector.shape_cast %reshape3A_505 : vector<128x128x1xi32> to vector<128x128xi32>
    %gather3A_507 = tpu.dynamic_gather %slice3A_489[%gather3A_506] in [1] : vector<128x128xf32>, vector<128x128xi32> -> vector<128x128xf32>
    %reshape3A_508 = vector.shape_cast %broadcast_in_dim3A_495 : vector<128x128xi32> to vector<128x128x1xi32>
    %gather3A_509 = vector.shape_cast %reshape3A_508 : vector<128x128x1xi32> to vector<128x128xi32>
    %gather3A_510 = tpu.dynamic_gather %slice3A_490[%gather3A_509] in [1] : vector<128x128xf32>, vector<128x128xi32> -> vector<128x128xf32>
    %select_n3A_511 = arith.select %broadcast_in_dim3A_498, %gather3A_501, %gather3A_504 : vector<128x128xi1>, vector<128x128xf32>
    %select_n3A_512 = arith.select %broadcast_in_dim3A_498, %gather3A_507, %gather3A_510 : vector<128x128xi1>, vector<128x128xf32>
    %slice3A_513 = vector.extract_strided_slice %select_n3A {offsets = [0, 1536], sizes = [1, 128], strides = [1, 1]} : vector<1x2048xf32> to vector<1x128xf32>
    %mul3A_514 = vector.broadcast %slice3A_513 : vector<1x128xf32> to vector<128x128xf32>
    %mul3A_515 = arith.mulf %select_n3A_511, %mul3A_514 : vector<128x128xf32>
    %slice3A_516 = vector.extract_strided_slice %select_n3A_37 {offsets = [0, 1536], sizes = [1, 128], strides = [1, 1]} : vector<1x2048xf32> to vector<1x128xf32>
    %mul3A_517 = vector.broadcast %slice3A_516 : vector<1x128xf32> to vector<128x128xf32>
    %mul3A_518 = arith.mulf %select_n3A_512, %mul3A_517 : vector<128x128xf32>
    %add3A_519 = arith.addf %mul3A_515, %mul3A_518 : vector<128x128xf32>
    %reshape3A_520 = vector.shape_cast %add3A_519 : vector<128x128xf32> to vector<1x128x128xf32>
    %swap3A_521 = arith.constant 0 : index
    %swap3A_522 = arith.constant 0 : index
    %swap3A_523 = arith.constant 1536 : index
    %swap3A_524 = vector.load %arg3[%swap3A_521, %swap3A_522, %swap3A_523] : memref<4x128x2048xf32, #tpu.memory_space<vmem>>, vector<1x128x128xf32>
    tpu.vector_store %arg3[%swap3A_521, %swap3A_522, %swap3A_523], %reshape3A_520 {strides = array<i32>} : memref<4x128x2048xf32, #tpu.memory_space<vmem>>, vector<1x128x128xf32>,
    %slice3A_525 = vector.extract_strided_slice %get3A_59 {offsets = [0, 3328], sizes = [128, 128], strides = [1, 1]} : vector<128x4096xf32> to vector<128x128xf32>
    %slice3A_526 = vector.extract_strided_slice %get3A_59 {offsets = [0, 3456], sizes = [128, 128], strides = [1, 1]} : vector<128x4096xf32> to vector<128x128xf32>
    %slice3A_527 = vector.extract_strided_slice %roll3A_60 {offsets = [0, 3328], sizes = [128, 128], strides = [1, 1]} : vector<128x4096xf32> to vector<128x128xf32>
    %slice3A_528 = vector.extract_strided_slice %roll3A_60 {offsets = [0, 3456], sizes = [128, 128], strides = [1, 1]} : vector<128x4096xf32> to vector<128x128xf32>
    %slice3A_529 = vector.extract_strided_slice %and3A_54 {offsets = [0, 1664], sizes = [1, 128], strides = [1, 1]} : vector<1x2048xi32> to vector<1x128xi32>
    %broadcast_in_dim3A_530 = vector.shape_cast %slice3A_529 : vector<1x128xi32> to vector<1x128xi32>
    %broadcast_in_dim3A_531 = vector.broadcast %broadcast_in_dim3A_530 : vector<1x128xi32> to vector<128x128xi32>
    %slice3A_532 = vector.extract_strided_slice %lt3A_51 {offsets = [0, 1664], sizes = [1, 128], strides = [1, 1]} : vector<1x2048xi1> to vector<1x128xi1>
    %broadcast_in_dim3A_533 = vector.shape_cast %slice3A_532 : vector<1x128xi1> to vector<1x128xi1>
    %broadcast_in_dim3A_534 = vector.broadcast %broadcast_in_dim3A_533 : vector<1x128xi1> to vector<128x128xi1>
    %reshape3A_535 = vector.shape_cast %broadcast_in_dim3A_531 : vector<128x128xi32> to vector<128x128x1xi32>
    %gather3A_536 = vector.shape_cast %reshape3A_535 : vector<128x128x1xi32> to vector<128x128xi32>
    %gather3A_537 = tpu.dynamic_gather %slice3A_527[%gather3A_536] in [1] : vector<128x128xf32>, vector<128x128xi32> -> vector<128x128xf32>
    %reshape3A_538 = vector.shape_cast %broadcast_in_dim3A_531 : vector<128x128xi32> to vector<128x128x1xi32>
    %gather3A_539 = vector.shape_cast %reshape3A_538 : vector<128x128x1xi32> to vector<128x128xi32>
    %gather3A_540 = tpu.dynamic_gather %slice3A_528[%gather3A_539] in [1] : vector<128x128xf32>, vector<128x128xi32> -> vector<128x128xf32>
    %reshape3A_541 = vector.shape_cast %broadcast_in_dim3A_531 : vector<128x128xi32> to vector<128x128x1xi32>
    %gather3A_542 = vector.shape_cast %reshape3A_541 : vector<128x128x1xi32> to vector<128x128xi32>
    %gather3A_543 = tpu.dynamic_gather %slice3A_525[%gather3A_542] in [1] : vector<128x128xf32>, vector<128x128xi32> -> vector<128x128xf32>
    %reshape3A_544 = vector.shape_cast %broadcast_in_dim3A_531 : vector<128x128xi32> to vector<128x128x1xi32>
    %gather3A_545 = vector.shape_cast %reshape3A_544 : vector<128x128x1xi32> to vector<128x128xi32>
    %gather3A_546 = tpu.dynamic_gather %slice3A_526[%gather3A_545] in [1] : vector<128x128xf32>, vector<128x128xi32> -> vector<128x128xf32>
    %select_n3A_547 = arith.select %broadcast_in_dim3A_534, %gather3A_537, %gather3A_540 : vector<128x128xi1>, vector<128x128xf32>
    %select_n3A_548 = arith.select %broadcast_in_dim3A_534, %gather3A_543, %gather3A_546 : vector<128x128xi1>, vector<128x128xf32>
    %slice3A_549 = vector.extract_strided_slice %select_n3A {offsets = [0, 1664], sizes = [1, 128], strides = [1, 1]} : vector<1x2048xf32> to vector<1x128xf32>
    %mul3A_550 = vector.broadcast %slice3A_549 : vector<1x128xf32> to vector<128x128xf32>
    %mul3A_551 = arith.mulf %select_n3A_547, %mul3A_550 : vector<128x128xf32>
    %slice3A_552 = vector.extract_strided_slice %select_n3A_37 {offsets = [0, 1664], sizes = [1, 128], strides = [1, 1]} : vector<1x2048xf32> to vector<1x128xf32>
    %mul3A_553 = vector.broadcast %slice3A_552 : vector<1x128xf32> to vector<128x128xf32>
    %mul3A_554 = arith.mulf %select_n3A_548, %mul3A_553 : vector<128x128xf32>
    %add3A_555 = arith.addf %mul3A_551, %mul3A_554 : vector<128x128xf32>
    %reshape3A_556 = vector.shape_cast %add3A_555 : vector<128x128xf32> to vector<1x128x128xf32>
    %swap3A_557 = arith.constant 0 : index
    %swap3A_558 = arith.constant 0 : index
    %swap3A_559 = arith.constant 1664 : index
    %swap3A_560 = vector.load %arg3[%swap3A_557, %swap3A_558, %swap3A_559] : memref<4x128x2048xf32, #tpu.memory_space<vmem>>, vector<1x128x128xf32>
    tpu.vector_store %arg3[%swap3A_557, %swap3A_558, %swap3A_559], %reshape3A_556 {strides = array<i32>} : memref<4x128x2048xf32, #tpu.memory_space<vmem>>, vector<1x128x128xf32>,
    %slice3A_561 = vector.extract_strided_slice %get3A_59 {offsets = [0, 3584], sizes = [128, 128], strides = [1, 1]} : vector<128x4096xf32> to vector<128x128xf32>
    %slice3A_562 = vector.extract_strided_slice %get3A_59 {offsets = [0, 3712], sizes = [128, 128], strides = [1, 1]} : vector<128x4096xf32> to vector<128x128xf32>
    %slice3A_563 = vector.extract_strided_slice %roll3A_60 {offsets = [0, 3584], sizes = [128, 128], strides = [1, 1]} : vector<128x4096xf32> to vector<128x128xf32>
    %slice3A_564 = vector.extract_strided_slice %roll3A_60 {offsets = [0, 3712], sizes = [128, 128], strides = [1, 1]} : vector<128x4096xf32> to vector<128x128xf32>
    %slice3A_565 = vector.extract_strided_slice %and3A_54 {offsets = [0, 1792], sizes = [1, 128], strides = [1, 1]} : vector<1x2048xi32> to vector<1x128xi32>
    %broadcast_in_dim3A_566 = vector.shape_cast %slice3A_565 : vector<1x128xi32> to vector<1x128xi32>
    %broadcast_in_dim3A_567 = vector.broadcast %broadcast_in_dim3A_566 : vector<1x128xi32> to vector<128x128xi32>
    %slice3A_568 = vector.extract_strided_slice %lt3A_51 {offsets = [0, 1792], sizes = [1, 128], strides = [1, 1]} : vector<1x2048xi1> to vector<1x128xi1>
    %broadcast_in_dim3A_569 = vector.shape_cast %slice3A_568 : vector<1x128xi1> to vector<1x128xi1>
    %broadcast_in_dim3A_570 = vector.broadcast %broadcast_in_dim3A_569 : vector<1x128xi1> to vector<128x128xi1>
    %reshape3A_571 = vector.shape_cast %broadcast_in_dim3A_567 : vector<128x128xi32> to vector<128x128x1xi32>
    %gather3A_572 = vector.shape_cast %reshape3A_571 : vector<128x128x1xi32> to vector<128x128xi32>
    %gather3A_573 = tpu.dynamic_gather %slice3A_563[%gather3A_572] in [1] : vector<128x128xf32>, vector<128x128xi32> -> vector<128x128xf32>
    %reshape3A_574 = vector.shape_cast %broadcast_in_dim3A_567 : vector<128x128xi32> to vector<128x128x1xi32>
    %gather3A_575 = vector.shape_cast %reshape3A_574 : vector<128x128x1xi32> to vector<128x128xi32>
    %gather3A_576 = tpu.dynamic_gather %slice3A_564[%gather3A_575] in [1] : vector<128x128xf32>, vector<128x128xi32> -> vector<128x128xf32>
    %reshape3A_577 = vector.shape_cast %broadcast_in_dim3A_567 : vector<128x128xi32> to vector<128x128x1xi32>
    %gather3A_578 = vector.shape_cast %reshape3A_577 : vector<128x128x1xi32> to vector<128x128xi32>
    %gather3A_579 = tpu.dynamic_gather %slice3A_561[%gather3A_578] in [1] : vector<128x128xf32>, vector<128x128xi32> -> vector<128x128xf32>
    %reshape3A_580 = vector.shape_cast %broadcast_in_dim3A_567 : vector<128x128xi32> to vector<128x128x1xi32>
    %gather3A_581 = vector.shape_cast %reshape3A_580 : vector<128x128x1xi32> to vector<128x128xi32>
    %gather3A_582 = tpu.dynamic_gather %slice3A_562[%gather3A_581] in [1] : vector<128x128xf32>, vector<128x128xi32> -> vector<128x128xf32>
    %select_n3A_583 = arith.select %broadcast_in_dim3A_570, %gather3A_573, %gather3A_576 : vector<128x128xi1>, vector<128x128xf32>
    %select_n3A_584 = arith.select %broadcast_in_dim3A_570, %gather3A_579, %gather3A_582 : vector<128x128xi1>, vector<128x128xf32>
    %slice3A_585 = vector.extract_strided_slice %select_n3A {offsets = [0, 1792], sizes = [1, 128], strides = [1, 1]} : vector<1x2048xf32> to vector<1x128xf32>
    %mul3A_586 = vector.broadcast %slice3A_585 : vector<1x128xf32> to vector<128x128xf32>
    %mul3A_587 = arith.mulf %select_n3A_583, %mul3A_586 : vector<128x128xf32>
    %slice3A_588 = vector.extract_strided_slice %select_n3A_37 {offsets = [0, 1792], sizes = [1, 128], strides = [1, 1]} : vector<1x2048xf32> to vector<1x128xf32>
    %mul3A_589 = vector.broadcast %slice3A_588 : vector<1x128xf32> to vector<128x128xf32>
    %mul3A_590 = arith.mulf %select_n3A_584, %mul3A_589 : vector<128x128xf32>
    %add3A_591 = arith.addf %mul3A_587, %mul3A_590 : vector<128x128xf32>
    %reshape3A_592 = vector.shape_cast %add3A_591 : vector<128x128xf32> to vector<1x128x128xf32>
    %swap3A_593 = arith.constant 0 : index
    %swap3A_594 = arith.constant 0 : index
    %swap3A_595 = arith.constant 1792 : index
    %swap3A_596 = vector.load %arg3[%swap3A_593, %swap3A_594, %swap3A_595] : memref<4x128x2048xf32, #tpu.memory_space<vmem>>, vector<1x128x128xf32>
    tpu.vector_store %arg3[%swap3A_593, %swap3A_594, %swap3A_595], %reshape3A_592 {strides = array<i32>} : memref<4x128x2048xf32, #tpu.memory_space<vmem>>, vector<1x128x128xf32>,
    %slice3A_597 = vector.extract_strided_slice %get3A_59 {offsets = [0, 3840], sizes = [128, 128], strides = [1, 1]} : vector<128x4096xf32> to vector<128x128xf32>
    %slice3A_598 = vector.extract_strided_slice %get3A_59 {offsets = [0, 3968], sizes = [128, 128], strides = [1, 1]} : vector<128x4096xf32> to vector<128x128xf32>
    %slice3A_599 = vector.extract_strided_slice %roll3A_60 {offsets = [0, 3840], sizes = [128, 128], strides = [1, 1]} : vector<128x4096xf32> to vector<128x128xf32>
    %slice3A_600 = vector.extract_strided_slice %roll3A_60 {offsets = [0, 3968], sizes = [128, 128], strides = [1, 1]} : vector<128x4096xf32> to vector<128x128xf32>
    %slice3A_601 = vector.extract_strided_slice %and3A_54 {offsets = [0, 1920], sizes = [1, 128], strides = [1, 1]} : vector<1x2048xi32> to vector<1x128xi32>
    %broadcast_in_dim3A_602 = vector.shape_cast %slice3A_601 : vector<1x128xi32> to vector<1x128xi32>
    %broadcast_in_dim3A_603 = vector.broadcast %broadcast_in_dim3A_602 : vector<1x128xi32> to vector<128x128xi32>
    %slice3A_604 = vector.extract_strided_slice %lt3A_51 {offsets = [0, 1920], sizes = [1, 128], strides = [1, 1]} : vector<1x2048xi1> to vector<1x128xi1>
    %broadcast_in_dim3A_605 = vector.shape_cast %slice3A_604 : vector<1x128xi1> to vector<1x128xi1>
    %broadcast_in_dim3A_606 = vector.broadcast %broadcast_in_dim3A_605 : vector<1x128xi1> to vector<128x128xi1>
    %reshape3A_607 = vector.shape_cast %broadcast_in_dim3A_603 : vector<128x128xi32> to vector<128x128x1xi32>
    %gather3A_608 = vector.shape_cast %reshape3A_607 : vector<128x128x1xi32> to vector<128x128xi32>
    %gather3A_609 = tpu.dynamic_gather %slice3A_599[%gather3A_608] in [1] : vector<128x128xf32>, vector<128x128xi32> -> vector<128x128xf32>
    %reshape3A_610 = vector.shape_cast %broadcast_in_dim3A_603 : vector<128x128xi32> to vector<128x128x1xi32>
    %gather3A_611 = vector.shape_cast %reshape3A_610 : vector<128x128x1xi32> to vector<128x128xi32>
    %gather3A_612 = tpu.dynamic_gather %slice3A_600[%gather3A_611] in [1] : vector<128x128xf32>, vector<128x128xi32> -> vector<128x128xf32>
    %reshape3A_613 = vector.shape_cast %broadcast_in_dim3A_603 : vector<128x128xi32> to vector<128x128x1xi32>
    %gather3A_614 = vector.shape_cast %reshape3A_613 : vector<128x128x1xi32> to vector<128x128xi32>
    %gather3A_615 = tpu.dynamic_gather %slice3A_597[%gather3A_614] in [1] : vector<128x128xf32>, vector<128x128xi32> -> vector<128x128xf32>
    %reshape3A_616 = vector.shape_cast %broadcast_in_dim3A_603 : vector<128x128xi32> to vector<128x128x1xi32>
    %gather3A_617 = vector.shape_cast %reshape3A_616 : vector<128x128x1xi32> to vector<128x128xi32>
    %gather3A_618 = tpu.dynamic_gather %slice3A_598[%gather3A_617] in [1] : vector<128x128xf32>, vector<128x128xi32> -> vector<128x128xf32>
    %select_n3A_619 = arith.select %broadcast_in_dim3A_606, %gather3A_609, %gather3A_612 : vector<128x128xi1>, vector<128x128xf32>
    %select_n3A_620 = arith.select %broadcast_in_dim3A_606, %gather3A_615, %gather3A_618 : vector<128x128xi1>, vector<128x128xf32>
    %slice3A_621 = vector.extract_strided_slice %select_n3A {offsets = [0, 1920], sizes = [1, 128], strides = [1, 1]} : vector<1x2048xf32> to vector<1x128xf32>
    %mul3A_622 = vector.broadcast %slice3A_621 : vector<1x128xf32> to vector<128x128xf32>
    %mul3A_623 = arith.mulf %select_n3A_619, %mul3A_622 : vector<128x128xf32>
    %slice3A_624 = vector.extract_strided_slice %select_n3A_37 {offsets = [0, 1920], sizes = [1, 128], strides = [1, 1]} : vector<1x2048xf32> to vector<1x128xf32>
    %mul3A_625 = vector.broadcast %slice3A_624 : vector<1x128xf32> to vector<128x128xf32>
    %mul3A_626 = arith.mulf %select_n3A_620, %mul3A_625 : vector<128x128xf32>
    %add3A_627 = arith.addf %mul3A_623, %mul3A_626 : vector<128x128xf32>
    %reshape3A_628 = vector.shape_cast %add3A_627 : vector<128x128xf32> to vector<1x128x128xf32>
    %swap3A_629 = arith.constant 0 : index
    %swap3A_630 = arith.constant 0 : index
    %swap3A_631 = arith.constant 1920 : index
    %swap3A_632 = vector.load %arg3[%swap3A_629, %swap3A_630, %swap3A_631] : memref<4x128x2048xf32, #tpu.memory_space<vmem>>, vector<1x128x128xf32>
    tpu.vector_store %arg3[%swap3A_629, %swap3A_630, %swap3A_631], %reshape3A_628 {strides = array<i32>} : memref<4x128x2048xf32, #tpu.memory_space<vmem>>, vector<1x128x128xf32>,
    %mul3A_633 = arith.constant 4 : i32
    %mul3A_634 = arith.muli %mul3A_633, %arg0 : i32
    %add3A_635 = arith.constant 1 : i32
    %add3A_636 = arith.addi %mul3A_634, %add3A_635 : i32
    %get3A_637 = arith.index_cast %add3A_636 : i32 to index
    %get3A_638 = arith.constant 0 : index
    %get3A_639 = vector.load %arg1[%get3A_637, %get3A_638] : memref<16x4096xf32, #tpu.memory_space<vmem>>, vector<1x4096xf32>
    %reduce_sum3A_640 = vector.shape_cast %get3A_639 : vector<1x4096xf32> to vector<1x1x4096xf32>
    %reduce_sum3A_641 = arith.constant dense<0.000000e+00> : vector<1xf32>
    %reduce_sum3A_642 = vector.multi_reduction <add>, %reduce_sum3A_640, %reduce_sum3A_641 [1, 2] : vector<1x1x4096xf32> to vector<1xf32>
    %reduce_sum3A_643 = vector.shape_cast %reduce_sum3A_642 : vector<1xf32> to vector<1x1x1xf32>
    %reduce_sum3A_644 = vector.extract %reduce_sum3A_643[0, 0, 0] : f32 from vector<1x1x1xf32>
    %sub3A_645 = arith.constant 4.096000e+03 : f32
    %sub3A_646 = arith.subf %sub3A_645, %reduce_sum3A_644 : f32
    %add3A_647 = arith.constant 1.000000e+00 : f32
    %add3A_648 = arith.addf %sub3A_646, %add3A_647 : f32
    %mul3A_649 = arith.constant 5.000000e-01 : f32
    %mul3A_650 = arith.mulf %add3A_648, %mul3A_649 : f32
    %floor3A_651 = math.floor %mul3A_650 : f32
    %max3A_652 = arith.constant 1.000000e+00 : f32
    %max3A_653 = arith.maximumf %floor3A_651, %max3A_652 : f32
    %div3A_654 = arith.divf %sub3A_646, %max3A_653 : f32
    %iota3A_655 = tpu.iota {dimensions = array<i32: 1>} : vector<1x2048xi32>
    %convert_element_type3A_656 = arith.sitofp %iota3A_655 : vector<1x2048xi32> to vector<1x2048xf32>
    %add3A_657 = arith.constant 5.000000e-01 : f32
    %add3A_658 = vector.broadcast %add3A_657 : f32 to vector<1x2048xf32>
    %add3A_659 = arith.addf %convert_element_type3A_656, %add3A_658 : vector<1x2048xf32>
    %mul3A_660 = vector.broadcast %div3A_654 : f32 to vector<1x2048xf32>
    %mul3A_661 = arith.mulf %add3A_659, %mul3A_660 : vector<1x2048xf32>
    %sub3A_662 = arith.constant 5.000000e-01 : f32
    %sub3A_663 = vector.broadcast %sub3A_662 : f32 to vector<1x2048xf32>
    %sub3A_664 = arith.subf %mul3A_661, %sub3A_663 : vector<1x2048xf32>
    %sub3A_665 = arith.constant 1.000000e+00 : f32
    %sub3A_666 = arith.subf %sub3A_646, %sub3A_665 : f32
    %jit3A_667 = arith.constant 0.000000e+00 : f32
    %max3A_668 = vector.broadcast %jit3A_667 : f32 to vector<1x2048xf32>
    %max3A_669 = arith.maximumf %max3A_668, %sub3A_664 : vector<1x2048xf32>
    %min3A_670 = vector.broadcast %sub3A_666 : f32 to vector<1x2048xf32>
    %min3A_671 = arith.minimumf %min3A_670, %max3A_669 : vector<1x2048xf32>
    %floor3A_672 = math.floor %min3A_671 : vector<1x2048xf32>
    %sub3A_673 = arith.subf %min3A_671, %floor3A_672 : vector<1x2048xf32>
    %convert_element_type3A_674 = arith.fptosi %floor3A_672 : vector<1x2048xf32> to vector<1x2048xi32>
    %lt3A_675 = vector.broadcast %floor3A_651 : f32 to vector<1x2048xf32>
    %lt3A_676 = arith.cmpf olt, %convert_element_type3A_656, %lt3A_675 : vector<1x2048xf32>
    %sub3A_677 = arith.constant 1.000000e+00 : f32
    %sub3A_678 = vector.broadcast %sub3A_677 : f32 to vector<1x2048xf32>
    %sub3A_679 = arith.subf %sub3A_678, %sub3A_673 : vector<1x2048xf32>
    %jit3A_680 = arith.constant 0.000000e+00 : f32
    %broadcast_in_dim3A_681 = vector.broadcast %jit3A_680 : f32 to vector<1x2048xf32>
    %select_n3A_682 = arith.select %lt3A_676, %sub3A_679, %broadcast_in_dim3A_681 : vector<1x2048xi1>, vector<1x2048xf32>
    %jit3A_683 = arith.constant 0.000000e+00 : f32
    %broadcast_in_dim3A_684 = vector.broadcast %jit3A_683 : f32 to vector<1x2048xf32>
    %select_n3A_685 = arith.select %lt3A_676, %sub3A_673, %broadcast_in_dim3A_684 : vector<1x2048xi1>, vector<1x2048xf32>
    %mul3A_686 = arith.constant 2 : i32
    %mul3A_687 = vector.broadcast %mul3A_686 : i32 to vector<1x2048xi32>
    %mul3A_688 = arith.muli %mul3A_687, %iota3A_655 : vector<1x2048xi32>
    %and3A_689 = arith.constant 255 : i32
    %and3A_690 = vector.broadcast %and3A_689 : i32 to vector<1x2048xi32>
    %and3A_691 = arith.andi %mul3A_688, %and3A_690 : vector<1x2048xi32>
    %eq3A_692 = arith.cmpi eq, %convert_element_type3A_674, %mul3A_688 : vector<1x2048xi32>
    %jit3A_693 = arith.constant 1 : i32
    %jit3A_694 = arith.constant 0 : i32
    %broadcast_in_dim3A_695 = vector.broadcast %jit3A_693 : i32 to vector<1x2048xi32>
    %broadcast_in_dim3A_696 = vector.broadcast %jit3A_694 : i32 to vector<1x2048xi32>
    %select_n3A_697 = arith.select %eq3A_692, %broadcast_in_dim3A_695, %broadcast_in_dim3A_696 : vector<1x2048xi1>, vector<1x2048xi32>
    %add3A_698 = arith.addi %and3A_691, %select_n3A_697 : vector<1x2048xi32>
    %lt3A_699 = arith.constant 128 : i32
    %lt3A_700 = vector.broadcast %lt3A_699 : i32 to vector<1x2048xi32>
    %lt3A_701 = arith.cmpi slt, %add3A_698, %lt3A_700 : vector<1x2048xi32>
    %and3A_702 = arith.constant 127 : i32
    %and3A_703 = vector.broadcast %and3A_702 : i32 to vector<1x2048xi32>
    %and3A_704 = arith.andi %add3A_698, %and3A_703 : vector<1x2048xi32>
    %get3A_705 = arith.constant 1 : index
    %get3A_706 = arith.constant 0 : index
    %get3A_707 = arith.constant 0 : index
    %get3A_708 = vector.load %arg2[%get3A_705, %get3A_706, %get3A_707] : memref<4x128x4096xf32, #tpu.memory_space<vmem>>, vector<1x128x4096xf32>
    %get3A_709 = vector.shape_cast %get3A_708 : vector<1x128x4096xf32> to vector<128x4096xf32>
    %roll3A_710 = arith.constant 1 : i32
    %roll3A_711 = tpu.dynamic_rotate %get3A_709 by %roll3A_710 dim 1 : vector<128x4096xf32>, i32 -> vector<128x4096xf32>
    %slice3A_712 = vector.extract_strided_slice %get3A_709 {offsets = [0, 0], sizes = [128, 128], strides = [1, 1]} : vector<128x4096xf32> to vector<128x128xf32>
    %slice3A_713 = vector.extract_strided_slice %get3A_709 {offsets = [0, 128], sizes = [128, 128], strides = [1, 1]} : vector<128x4096xf32> to vector<128x128xf32>
    %slice3A_714 = vector.extract_strided_slice %roll3A_711 {offsets = [0, 0], sizes = [128, 128], strides = [1, 1]} : vector<128x4096xf32> to vector<128x128xf32>
    %slice3A_715 = vector.extract_strided_slice %roll3A_711 {offsets = [0, 128], sizes = [128, 128], strides = [1, 1]} : vector<128x4096xf32> to vector<128x128xf32>
    %slice3A_716 = vector.extract_strided_slice %and3A_704 {offsets = [0, 0], sizes = [1, 128], strides = [1, 1]} : vector<1x2048xi32> to vector<1x128xi32>
    %broadcast_in_dim3A_717 = vector.shape_cast %slice3A_716 : vector<1x128xi32> to vector<1x128xi32>
    %broadcast_in_dim3A_718 = vector.broadcast %broadcast_in_dim3A_717 : vector<1x128xi32> to vector<128x128xi32>
    %slice3A_719 = vector.extract_strided_slice %lt3A_701 {offsets = [0, 0], sizes = [1, 128], strides = [1, 1]} : vector<1x2048xi1> to vector<1x128xi1>
    %broadcast_in_dim3A_720 = vector.shape_cast %slice3A_719 : vector<1x128xi1> to vector<1x128xi1>
    %broadcast_in_dim3A_721 = vector.broadcast %broadcast_in_dim3A_720 : vector<1x128xi1> to vector<128x128xi1>
    %reshape3A_722 = vector.shape_cast %broadcast_in_dim3A_718 : vector<128x128xi32> to vector<128x128x1xi32>
    %gather3A_723 = vector.shape_cast %reshape3A_722 : vector<128x128x1xi32> to vector<128x128xi32>
    %gather3A_724 = tpu.dynamic_gather %slice3A_714[%gather3A_723] in [1] : vector<128x128xf32>, vector<128x128xi32> -> vector<128x128xf32>
    %reshape3A_725 = vector.shape_cast %broadcast_in_dim3A_718 : vector<128x128xi32> to vector<128x128x1xi32>
    %gather3A_726 = vector.shape_cast %reshape3A_725 : vector<128x128x1xi32> to vector<128x128xi32>
    %gather3A_727 = tpu.dynamic_gather %slice3A_715[%gather3A_726] in [1] : vector<128x128xf32>, vector<128x128xi32> -> vector<128x128xf32>
    %reshape3A_728 = vector.shape_cast %broadcast_in_dim3A_718 : vector<128x128xi32> to vector<128x128x1xi32>
    %gather3A_729 = vector.shape_cast %reshape3A_728 : vector<128x128x1xi32> to vector<128x128xi32>
    %gather3A_730 = tpu.dynamic_gather %slice3A_712[%gather3A_729] in [1] : vector<128x128xf32>, vector<128x128xi32> -> vector<128x128xf32>
    %reshape3A_731 = vector.shape_cast %broadcast_in_dim3A_718 : vector<128x128xi32> to vector<128x128x1xi32>
    %gather3A_732 = vector.shape_cast %reshape3A_731 : vector<128x128x1xi32> to vector<128x128xi32>
    %gather3A_733 = tpu.dynamic_gather %slice3A_713[%gather3A_732] in [1] : vector<128x128xf32>, vector<128x128xi32> -> vector<128x128xf32>
    %select_n3A_734 = arith.select %broadcast_in_dim3A_721, %gather3A_724, %gather3A_727 : vector<128x128xi1>, vector<128x128xf32>
    %select_n3A_735 = arith.select %broadcast_in_dim3A_721, %gather3A_730, %gather3A_733 : vector<128x128xi1>, vector<128x128xf32>
    %slice3A_736 = vector.extract_strided_slice %select_n3A_682 {offsets = [0, 0], sizes = [1, 128], strides = [1, 1]} : vector<1x2048xf32> to vector<1x128xf32>
    %mul3A_737 = vector.broadcast %slice3A_736 : vector<1x128xf32> to vector<128x128xf32>
    %mul3A_738 = arith.mulf %select_n3A_734, %mul3A_737 : vector<128x128xf32>
    %slice3A_739 = vector.extract_strided_slice %select_n3A_685 {offsets = [0, 0], sizes = [1, 128], strides = [1, 1]} : vector<1x2048xf32> to vector<1x128xf32>
    %mul3A_740 = vector.broadcast %slice3A_739 : vector<1x128xf32> to vector<128x128xf32>
    %mul3A_741 = arith.mulf %select_n3A_735, %mul3A_740 : vector<128x128xf32>
    %add3A_742 = arith.addf %mul3A_738, %mul3A_741 : vector<128x128xf32>
    %reshape3A_743 = vector.shape_cast %add3A_742 : vector<128x128xf32> to vector<1x128x128xf32>
    %swap3A_744 = arith.constant 1 : index
    %swap3A_745 = arith.constant 0 : index
    %swap3A_746 = arith.constant 0 : index
    %swap3A_747 = vector.load %arg3[%swap3A_744, %swap3A_745, %swap3A_746] : memref<4x128x2048xf32, #tpu.memory_space<vmem>>, vector<1x128x128xf32>
    tpu.vector_store %arg3[%swap3A_744, %swap3A_745, %swap3A_746], %reshape3A_743 {strides = array<i32>} : memref<4x128x2048xf32, #tpu.memory_space<vmem>>, vector<1x128x128xf32>,
    %slice3A_748 = vector.extract_strided_slice %get3A_709 {offsets = [0, 256], sizes = [128, 128], strides = [1, 1]} : vector<128x4096xf32> to vector<128x128xf32>
    %slice3A_749 = vector.extract_strided_slice %get3A_709 {offsets = [0, 384], sizes = [128, 128], strides = [1, 1]} : vector<128x4096xf32> to vector<128x128xf32>
    %slice3A_750 = vector.extract_strided_slice %roll3A_711 {offsets = [0, 256], sizes = [128, 128], strides = [1, 1]} : vector<128x4096xf32> to vector<128x128xf32>
    %slice3A_751 = vector.extract_strided_slice %roll3A_711 {offsets = [0, 384], sizes = [128, 128], strides = [1, 1]} : vector<128x4096xf32> to vector<128x128xf32>
    %slice3A_752 = vector.extract_strided_slice %and3A_704 {offsets = [0, 128], sizes = [1, 128], strides = [1, 1]} : vector<1x2048xi32> to vector<1x128xi32>
    %broadcast_in_dim3A_753 = vector.shape_cast %slice3A_752 : vector<1x128xi32> to vector<1x128xi32>
    %broadcast_in_dim3A_754 = vector.broadcast %broadcast_in_dim3A_753 : vector<1x128xi32> to vector<128x128xi32>
    %slice3A_755 = vector.extract_strided_slice %lt3A_701 {offsets = [0, 128], sizes = [1, 128], strides = [1, 1]} : vector<1x2048xi1> to vector<1x128xi1>
    %broadcast_in_dim3A_756 = vector.shape_cast %slice3A_755 : vector<1x128xi1> to vector<1x128xi1>
    %broadcast_in_dim3A_757 = vector.broadcast %broadcast_in_dim3A_756 : vector<1x128xi1> to vector<128x128xi1>
    %reshape3A_758 = vector.shape_cast %broadcast_in_dim3A_754 : vector<128x128xi32> to vector<128x128x1xi32>
    %gather3A_759 = vector.shape_cast %reshape3A_758 : vector<128x128x1xi32> to vector<128x128xi32>
    %gather3A_760 = tpu.dynamic_gather %slice3A_750[%gather3A_759] in [1] : vector<128x128xf32>, vector<128x128xi32> -> vector<128x128xf32>
    %reshape3A_761 = vector.shape_cast %broadcast_in_dim3A_754 : vector<128x128xi32> to vector<128x128x1xi32>
    %gather3A_762 = vector.shape_cast %reshape3A_761 : vector<128x128x1xi32> to vector<128x128xi32>
    %gather3A_763 = tpu.dynamic_gather %slice3A_751[%gather3A_762] in [1] : vector<128x128xf32>, vector<128x128xi32> -> vector<128x128xf32>
    %reshape3A_764 = vector.shape_cast %broadcast_in_dim3A_754 : vector<128x128xi32> to vector<128x128x1xi32>
    %gather3A_765 = vector.shape_cast %reshape3A_764 : vector<128x128x1xi32> to vector<128x128xi32>
    %gather3A_766 = tpu.dynamic_gather %slice3A_748[%gather3A_765] in [1] : vector<128x128xf32>, vector<128x128xi32> -> vector<128x128xf32>
    %reshape3A_767 = vector.shape_cast %broadcast_in_dim3A_754 : vector<128x128xi32> to vector<128x128x1xi32>
    %gather3A_768 = vector.shape_cast %reshape3A_767 : vector<128x128x1xi32> to vector<128x128xi32>
    %gather3A_769 = tpu.dynamic_gather %slice3A_749[%gather3A_768] in [1] : vector<128x128xf32>, vector<128x128xi32> -> vector<128x128xf32>
    %select_n3A_770 = arith.select %broadcast_in_dim3A_757, %gather3A_760, %gather3A_763 : vector<128x128xi1>, vector<128x128xf32>
    %select_n3A_771 = arith.select %broadcast_in_dim3A_757, %gather3A_766, %gather3A_769 : vector<128x128xi1>, vector<128x128xf32>
    %slice3A_772 = vector.extract_strided_slice %select_n3A_682 {offsets = [0, 128], sizes = [1, 128], strides = [1, 1]} : vector<1x2048xf32> to vector<1x128xf32>
    %mul3A_773 = vector.broadcast %slice3A_772 : vector<1x128xf32> to vector<128x128xf32>
    %mul3A_774 = arith.mulf %select_n3A_770, %mul3A_773 : vector<128x128xf32>
    %slice3A_775 = vector.extract_strided_slice %select_n3A_685 {offsets = [0, 128], sizes = [1, 128], strides = [1, 1]} : vector<1x2048xf32> to vector<1x128xf32>
    %mul3A_776 = vector.broadcast %slice3A_775 : vector<1x128xf32> to vector<128x128xf32>
    %mul3A_777 = arith.mulf %select_n3A_771, %mul3A_776 : vector<128x128xf32>
    %add3A_778 = arith.addf %mul3A_774, %mul3A_777 : vector<128x128xf32>
    %reshape3A_779 = vector.shape_cast %add3A_778 : vector<128x128xf32> to vector<1x128x128xf32>
    %swap3A_780 = arith.constant 1 : index
    %swap3A_781 = arith.constant 0 : index
    %swap3A_782 = arith.constant 128 : index
    %swap3A_783 = vector.load %arg3[%swap3A_780, %swap3A_781, %swap3A_782] : memref<4x128x2048xf32, #tpu.memory_space<vmem>>, vector<1x128x128xf32>
    tpu.vector_store %arg3[%swap3A_780, %swap3A_781, %swap3A_782], %reshape3A_779 {strides = array<i32>} : memref<4x128x2048xf32, #tpu.memory_space<vmem>>, vector<1x128x128xf32>,
    %slice3A_784 = vector.extract_strided_slice %get3A_709 {offsets = [0, 512], sizes = [128, 128], strides = [1, 1]} : vector<128x4096xf32> to vector<128x128xf32>
    %slice3A_785 = vector.extract_strided_slice %get3A_709 {offsets = [0, 640], sizes = [128, 128], strides = [1, 1]} : vector<128x4096xf32> to vector<128x128xf32>
    %slice3A_786 = vector.extract_strided_slice %roll3A_711 {offsets = [0, 512], sizes = [128, 128], strides = [1, 1]} : vector<128x4096xf32> to vector<128x128xf32>
    %slice3A_787 = vector.extract_strided_slice %roll3A_711 {offsets = [0, 640], sizes = [128, 128], strides = [1, 1]} : vector<128x4096xf32> to vector<128x128xf32>
    %slice3A_788 = vector.extract_strided_slice %and3A_704 {offsets = [0, 256], sizes = [1, 128], strides = [1, 1]} : vector<1x2048xi32> to vector<1x128xi32>
    %broadcast_in_dim3A_789 = vector.shape_cast %slice3A_788 : vector<1x128xi32> to vector<1x128xi32>
    %broadcast_in_dim3A_790 = vector.broadcast %broadcast_in_dim3A_789 : vector<1x128xi32> to vector<128x128xi32>
    %slice3A_791 = vector.extract_strided_slice %lt3A_701 {offsets = [0, 256], sizes = [1, 128], strides = [1, 1]} : vector<1x2048xi1> to vector<1x128xi1>
    %broadcast_in_dim3A_792 = vector.shape_cast %slice3A_791 : vector<1x128xi1> to vector<1x128xi1>
    %broadcast_in_dim3A_793 = vector.broadcast %broadcast_in_dim3A_792 : vector<1x128xi1> to vector<128x128xi1>
    %reshape3A_794 = vector.shape_cast %broadcast_in_dim3A_790 : vector<128x128xi32> to vector<128x128x1xi32>
    %gather3A_795 = vector.shape_cast %reshape3A_794 : vector<128x128x1xi32> to vector<128x128xi32>
    %gather3A_796 = tpu.dynamic_gather %slice3A_786[%gather3A_795] in [1] : vector<128x128xf32>, vector<128x128xi32> -> vector<128x128xf32>
    %reshape3A_797 = vector.shape_cast %broadcast_in_dim3A_790 : vector<128x128xi32> to vector<128x128x1xi32>
    %gather3A_798 = vector.shape_cast %reshape3A_797 : vector<128x128x1xi32> to vector<128x128xi32>
    %gather3A_799 = tpu.dynamic_gather %slice3A_787[%gather3A_798] in [1] : vector<128x128xf32>, vector<128x128xi32> -> vector<128x128xf32>
    %reshape3A_800 = vector.shape_cast %broadcast_in_dim3A_790 : vector<128x128xi32> to vector<128x128x1xi32>
    %gather3A_801 = vector.shape_cast %reshape3A_800 : vector<128x128x1xi32> to vector<128x128xi32>
    %gather3A_802 = tpu.dynamic_gather %slice3A_784[%gather3A_801] in [1] : vector<128x128xf32>, vector<128x128xi32> -> vector<128x128xf32>
    %reshape3A_803 = vector.shape_cast %broadcast_in_dim3A_790 : vector<128x128xi32> to vector<128x128x1xi32>
    %gather3A_804 = vector.shape_cast %reshape3A_803 : vector<128x128x1xi32> to vector<128x128xi32>
    %gather3A_805 = tpu.dynamic_gather %slice3A_785[%gather3A_804] in [1] : vector<128x128xf32>, vector<128x128xi32> -> vector<128x128xf32>
    %select_n3A_806 = arith.select %broadcast_in_dim3A_793, %gather3A_796, %gather3A_799 : vector<128x128xi1>, vector<128x128xf32>
    %select_n3A_807 = arith.select %broadcast_in_dim3A_793, %gather3A_802, %gather3A_805 : vector<128x128xi1>, vector<128x128xf32>
    %slice3A_808 = vector.extract_strided_slice %select_n3A_682 {offsets = [0, 256], sizes = [1, 128], strides = [1, 1]} : vector<1x2048xf32> to vector<1x128xf32>
    %mul3A_809 = vector.broadcast %slice3A_808 : vector<1x128xf32> to vector<128x128xf32>
    %mul3A_810 = arith.mulf %select_n3A_806, %mul3A_809 : vector<128x128xf32>
    %slice3A_811 = vector.extract_strided_slice %select_n3A_685 {offsets = [0, 256], sizes = [1, 128], strides = [1, 1]} : vector<1x2048xf32> to vector<1x128xf32>
    %mul3A_812 = vector.broadcast %slice3A_811 : vector<1x128xf32> to vector<128x128xf32>
    %mul3A_813 = arith.mulf %select_n3A_807, %mul3A_812 : vector<128x128xf32>
    %add3A_814 = arith.addf %mul3A_810, %mul3A_813 : vector<128x128xf32>
    %reshape3A_815 = vector.shape_cast %add3A_814 : vector<128x128xf32> to vector<1x128x128xf32>
    %swap3A_816 = arith.constant 1 : index
    %swap3A_817 = arith.constant 0 : index
    %swap3A_818 = arith.constant 256 : index
    %swap3A_819 = vector.load %arg3[%swap3A_816, %swap3A_817, %swap3A_818] : memref<4x128x2048xf32, #tpu.memory_space<vmem>>, vector<1x128x128xf32>
    tpu.vector_store %arg3[%swap3A_816, %swap3A_817, %swap3A_818], %reshape3A_815 {strides = array<i32>} : memref<4x128x2048xf32, #tpu.memory_space<vmem>>, vector<1x128x128xf32>,
    %slice3A_820 = vector.extract_strided_slice %get3A_709 {offsets = [0, 768], sizes = [128, 128], strides = [1, 1]} : vector<128x4096xf32> to vector<128x128xf32>
    %slice3A_821 = vector.extract_strided_slice %get3A_709 {offsets = [0, 896], sizes = [128, 128], strides = [1, 1]} : vector<128x4096xf32> to vector<128x128xf32>
    %slice3A_822 = vector.extract_strided_slice %roll3A_711 {offsets = [0, 768], sizes = [128, 128], strides = [1, 1]} : vector<128x4096xf32> to vector<128x128xf32>
    %slice3A_823 = vector.extract_strided_slice %roll3A_711 {offsets = [0, 896], sizes = [128, 128], strides = [1, 1]} : vector<128x4096xf32> to vector<128x128xf32>
    %slice3A_824 = vector.extract_strided_slice %and3A_704 {offsets = [0, 384], sizes = [1, 128], strides = [1, 1]} : vector<1x2048xi32> to vector<1x128xi32>
    %broadcast_in_dim3A_825 = vector.shape_cast %slice3A_824 : vector<1x128xi32> to vector<1x128xi32>
    %broadcast_in_dim3A_826 = vector.broadcast %broadcast_in_dim3A_825 : vector<1x128xi32> to vector<128x128xi32>
    %slice3A_827 = vector.extract_strided_slice %lt3A_701 {offsets = [0, 384], sizes = [1, 128], strides = [1, 1]} : vector<1x2048xi1> to vector<1x128xi1>
    %broadcast_in_dim3A_828 = vector.shape_cast %slice3A_827 : vector<1x128xi1> to vector<1x128xi1>
    %broadcast_in_dim3A_829 = vector.broadcast %broadcast_in_dim3A_828 : vector<1x128xi1> to vector<128x128xi1>
    %reshape3A_830 = vector.shape_cast %broadcast_in_dim3A_826 : vector<128x128xi32> to vector<128x128x1xi32>
    %gather3A_831 = vector.shape_cast %reshape3A_830 : vector<128x128x1xi32> to vector<128x128xi32>
    %gather3A_832 = tpu.dynamic_gather %slice3A_822[%gather3A_831] in [1] : vector<128x128xf32>, vector<128x128xi32> -> vector<128x128xf32>
    %reshape3A_833 = vector.shape_cast %broadcast_in_dim3A_826 : vector<128x128xi32> to vector<128x128x1xi32>
    %gather3A_834 = vector.shape_cast %reshape3A_833 : vector<128x128x1xi32> to vector<128x128xi32>
    %gather3A_835 = tpu.dynamic_gather %slice3A_823[%gather3A_834] in [1] : vector<128x128xf32>, vector<128x128xi32> -> vector<128x128xf32>
    %reshape3A_836 = vector.shape_cast %broadcast_in_dim3A_826 : vector<128x128xi32> to vector<128x128x1xi32>
    %gather3A_837 = vector.shape_cast %reshape3A_836 : vector<128x128x1xi32> to vector<128x128xi32>
    %gather3A_838 = tpu.dynamic_gather %slice3A_820[%gather3A_837] in [1] : vector<128x128xf32>, vector<128x128xi32> -> vector<128x128xf32>
    %reshape3A_839 = vector.shape_cast %broadcast_in_dim3A_826 : vector<128x128xi32> to vector<128x128x1xi32>
    %gather3A_840 = vector.shape_cast %reshape3A_839 : vector<128x128x1xi32> to vector<128x128xi32>
    %gather3A_841 = tpu.dynamic_gather %slice3A_821[%gather3A_840] in [1] : vector<128x128xf32>, vector<128x128xi32> -> vector<128x128xf32>
    %select_n3A_842 = arith.select %broadcast_in_dim3A_829, %gather3A_832, %gather3A_835 : vector<128x128xi1>, vector<128x128xf32>
    %select_n3A_843 = arith.select %broadcast_in_dim3A_829, %gather3A_838, %gather3A_841 : vector<128x128xi1>, vector<128x128xf32>
    %slice3A_844 = vector.extract_strided_slice %select_n3A_682 {offsets = [0, 384], sizes = [1, 128], strides = [1, 1]} : vector<1x2048xf32> to vector<1x128xf32>
    %mul3A_845 = vector.broadcast %slice3A_844 : vector<1x128xf32> to vector<128x128xf32>
    %mul3A_846 = arith.mulf %select_n3A_842, %mul3A_845 : vector<128x128xf32>
    %slice3A_847 = vector.extract_strided_slice %select_n3A_685 {offsets = [0, 384], sizes = [1, 128], strides = [1, 1]} : vector<1x2048xf32> to vector<1x128xf32>
    %mul3A_848 = vector.broadcast %slice3A_847 : vector<1x128xf32> to vector<128x128xf32>
    %mul3A_849 = arith.mulf %select_n3A_843, %mul3A_848 : vector<128x128xf32>
    %add3A_850 = arith.addf %mul3A_846, %mul3A_849 : vector<128x128xf32>
    %reshape3A_851 = vector.shape_cast %add3A_850 : vector<128x128xf32> to vector<1x128x128xf32>
    %swap3A_852 = arith.constant 1 : index
    %swap3A_853 = arith.constant 0 : index
    %swap3A_854 = arith.constant 384 : index
    %swap3A_855 = vector.load %arg3[%swap3A_852, %swap3A_853, %swap3A_854] : memref<4x128x2048xf32, #tpu.memory_space<vmem>>, vector<1x128x128xf32>
    tpu.vector_store %arg3[%swap3A_852, %swap3A_853, %swap3A_854], %reshape3A_851 {strides = array<i32>} : memref<4x128x2048xf32, #tpu.memory_space<vmem>>, vector<1x128x128xf32>,
    %slice3A_856 = vector.extract_strided_slice %get3A_709 {offsets = [0, 1024], sizes = [128, 128], strides = [1, 1]} : vector<128x4096xf32> to vector<128x128xf32>
    %slice3A_857 = vector.extract_strided_slice %get3A_709 {offsets = [0, 1152], sizes = [128, 128], strides = [1, 1]} : vector<128x4096xf32> to vector<128x128xf32>
    %slice3A_858 = vector.extract_strided_slice %roll3A_711 {offsets = [0, 1024], sizes = [128, 128], strides = [1, 1]} : vector<128x4096xf32> to vector<128x128xf32>
    %slice3A_859 = vector.extract_strided_slice %roll3A_711 {offsets = [0, 1152], sizes = [128, 128], strides = [1, 1]} : vector<128x4096xf32> to vector<128x128xf32>
    %slice3A_860 = vector.extract_strided_slice %and3A_704 {offsets = [0, 512], sizes = [1, 128], strides = [1, 1]} : vector<1x2048xi32> to vector<1x128xi32>
    %broadcast_in_dim3A_861 = vector.shape_cast %slice3A_860 : vector<1x128xi32> to vector<1x128xi32>
    %broadcast_in_dim3A_862 = vector.broadcast %broadcast_in_dim3A_861 : vector<1x128xi32> to vector<128x128xi32>
    %slice3A_863 = vector.extract_strided_slice %lt3A_701 {offsets = [0, 512], sizes = [1, 128], strides = [1, 1]} : vector<1x2048xi1> to vector<1x128xi1>
    %broadcast_in_dim3A_864 = vector.shape_cast %slice3A_863 : vector<1x128xi1> to vector<1x128xi1>
    %broadcast_in_dim3A_865 = vector.broadcast %broadcast_in_dim3A_864 : vector<1x128xi1> to vector<128x128xi1>
    %reshape3A_866 = vector.shape_cast %broadcast_in_dim3A_862 : vector<128x128xi32> to vector<128x128x1xi32>
    %gather3A_867 = vector.shape_cast %reshape3A_866 : vector<128x128x1xi32> to vector<128x128xi32>
    %gather3A_868 = tpu.dynamic_gather %slice3A_858[%gather3A_867] in [1] : vector<128x128xf32>, vector<128x128xi32> -> vector<128x128xf32>
    %reshape3A_869 = vector.shape_cast %broadcast_in_dim3A_862 : vector<128x128xi32> to vector<128x128x1xi32>
    %gather3A_870 = vector.shape_cast %reshape3A_869 : vector<128x128x1xi32> to vector<128x128xi32>
    %gather3A_871 = tpu.dynamic_gather %slice3A_859[%gather3A_870] in [1] : vector<128x128xf32>, vector<128x128xi32> -> vector<128x128xf32>
    %reshape3A_872 = vector.shape_cast %broadcast_in_dim3A_862 : vector<128x128xi32> to vector<128x128x1xi32>
    %gather3A_873 = vector.shape_cast %reshape3A_872 : vector<128x128x1xi32> to vector<128x128xi32>
    %gather3A_874 = tpu.dynamic_gather %slice3A_856[%gather3A_873] in [1] : vector<128x128xf32>, vector<128x128xi32> -> vector<128x128xf32>
    %reshape3A_875 = vector.shape_cast %broadcast_in_dim3A_862 : vector<128x128xi32> to vector<128x128x1xi32>
    %gather3A_876 = vector.shape_cast %reshape3A_875 : vector<128x128x1xi32> to vector<128x128xi32>
    %gather3A_877 = tpu.dynamic_gather %slice3A_857[%gather3A_876] in [1] : vector<128x128xf32>, vector<128x128xi32> -> vector<128x128xf32>
    %select_n3A_878 = arith.select %broadcast_in_dim3A_865, %gather3A_868, %gather3A_871 : vector<128x128xi1>, vector<128x128xf32>
    %select_n3A_879 = arith.select %broadcast_in_dim3A_865, %gather3A_874, %gather3A_877 : vector<128x128xi1>, vector<128x128xf32>
    %slice3A_880 = vector.extract_strided_slice %select_n3A_682 {offsets = [0, 512], sizes = [1, 128], strides = [1, 1]} : vector<1x2048xf32> to vector<1x128xf32>
    %mul3A_881 = vector.broadcast %slice3A_880 : vector<1x128xf32> to vector<128x128xf32>
    %mul3A_882 = arith.mulf %select_n3A_878, %mul3A_881 : vector<128x128xf32>
    %slice3A_883 = vector.extract_strided_slice %select_n3A_685 {offsets = [0, 512], sizes = [1, 128], strides = [1, 1]} : vector<1x2048xf32> to vector<1x128xf32>
    %mul3A_884 = vector.broadcast %slice3A_883 : vector<1x128xf32> to vector<128x128xf32>
    %mul3A_885 = arith.mulf %select_n3A_879, %mul3A_884 : vector<128x128xf32>
    %add3A_886 = arith.addf %mul3A_882, %mul3A_885 : vector<128x128xf32>
    %reshape3A_887 = vector.shape_cast %add3A_886 : vector<128x128xf32> to vector<1x128x128xf32>
    %swap3A_888 = arith.constant 1 : index
    %swap3A_889 = arith.constant 0 : index
    %swap3A_890 = arith.constant 512 : index
    %swap3A_891 = vector.load %arg3[%swap3A_888, %swap3A_889, %swap3A_890] : memref<4x128x2048xf32, #tpu.memory_space<vmem>>, vector<1x128x128xf32>
    tpu.vector_store %arg3[%swap3A_888, %swap3A_889, %swap3A_890], %reshape3A_887 {strides = array<i32>} : memref<4x128x2048xf32, #tpu.memory_space<vmem>>, vector<1x128x128xf32>,
    %slice3A_892 = vector.extract_strided_slice %get3A_709 {offsets = [0, 1280], sizes = [128, 128], strides = [1, 1]} : vector<128x4096xf32> to vector<128x128xf32>
    %slice3A_893 = vector.extract_strided_slice %get3A_709 {offsets = [0, 1408], sizes = [128, 128], strides = [1, 1]} : vector<128x4096xf32> to vector<128x128xf32>
    %slice3A_894 = vector.extract_strided_slice %roll3A_711 {offsets = [0, 1280], sizes = [128, 128], strides = [1, 1]} : vector<128x4096xf32> to vector<128x128xf32>
    %slice3A_895 = vector.extract_strided_slice %roll3A_711 {offsets = [0, 1408], sizes = [128, 128], strides = [1, 1]} : vector<128x4096xf32> to vector<128x128xf32>
    %slice3A_896 = vector.extract_strided_slice %and3A_704 {offsets = [0, 640], sizes = [1, 128], strides = [1, 1]} : vector<1x2048xi32> to vector<1x128xi32>
    %broadcast_in_dim3A_897 = vector.shape_cast %slice3A_896 : vector<1x128xi32> to vector<1x128xi32>
    %broadcast_in_dim3A_898 = vector.broadcast %broadcast_in_dim3A_897 : vector<1x128xi32> to vector<128x128xi32>
    %slice3A_899 = vector.extract_strided_slice %lt3A_701 {offsets = [0, 640], sizes = [1, 128], strides = [1, 1]} : vector<1x2048xi1> to vector<1x128xi1>
    %broadcast_in_dim3A_900 = vector.shape_cast %slice3A_899 : vector<1x128xi1> to vector<1x128xi1>
    %broadcast_in_dim3A_901 = vector.broadcast %broadcast_in_dim3A_900 : vector<1x128xi1> to vector<128x128xi1>
    %reshape3A_902 = vector.shape_cast %broadcast_in_dim3A_898 : vector<128x128xi32> to vector<128x128x1xi32>
    %gather3A_903 = vector.shape_cast %reshape3A_902 : vector<128x128x1xi32> to vector<128x128xi32>
    %gather3A_904 = tpu.dynamic_gather %slice3A_894[%gather3A_903] in [1] : vector<128x128xf32>, vector<128x128xi32> -> vector<128x128xf32>
    %reshape3A_905 = vector.shape_cast %broadcast_in_dim3A_898 : vector<128x128xi32> to vector<128x128x1xi32>
    %gather3A_906 = vector.shape_cast %reshape3A_905 : vector<128x128x1xi32> to vector<128x128xi32>
    %gather3A_907 = tpu.dynamic_gather %slice3A_895[%gather3A_906] in [1] : vector<128x128xf32>, vector<128x128xi32> -> vector<128x128xf32>
    %reshape3A_908 = vector.shape_cast %broadcast_in_dim3A_898 : vector<128x128xi32> to vector<128x128x1xi32>
    %gather3A_909 = vector.shape_cast %reshape3A_908 : vector<128x128x1xi32> to vector<128x128xi32>
    %gather3A_910 = tpu.dynamic_gather %slice3A_892[%gather3A_909] in [1] : vector<128x128xf32>, vector<128x128xi32> -> vector<128x128xf32>
    %reshape3A_911 = vector.shape_cast %broadcast_in_dim3A_898 : vector<128x128xi32> to vector<128x128x1xi32>
    %gather3A_912 = vector.shape_cast %reshape3A_911 : vector<128x128x1xi32> to vector<128x128xi32>
    %gather3A_913 = tpu.dynamic_gather %slice3A_893[%gather3A_912] in [1] : vector<128x128xf32>, vector<128x128xi32> -> vector<128x128xf32>
    %select_n3A_914 = arith.select %broadcast_in_dim3A_901, %gather3A_904, %gather3A_907 : vector<128x128xi1>, vector<128x128xf32>
    %select_n3A_915 = arith.select %broadcast_in_dim3A_901, %gather3A_910, %gather3A_913 : vector<128x128xi1>, vector<128x128xf32>
    %slice3A_916 = vector.extract_strided_slice %select_n3A_682 {offsets = [0, 640], sizes = [1, 128], strides = [1, 1]} : vector<1x2048xf32> to vector<1x128xf32>
    %mul3A_917 = vector.broadcast %slice3A_916 : vector<1x128xf32> to vector<128x128xf32>
    %mul3A_918 = arith.mulf %select_n3A_914, %mul3A_917 : vector<128x128xf32>
    %slice3A_919 = vector.extract_strided_slice %select_n3A_685 {offsets = [0, 640], sizes = [1, 128], strides = [1, 1]} : vector<1x2048xf32> to vector<1x128xf32>
    %mul3A_920 = vector.broadcast %slice3A_919 : vector<1x128xf32> to vector<128x128xf32>
    %mul3A_921 = arith.mulf %select_n3A_915, %mul3A_920 : vector<128x128xf32>
    %add3A_922 = arith.addf %mul3A_918, %mul3A_921 : vector<128x128xf32>
    %reshape3A_923 = vector.shape_cast %add3A_922 : vector<128x128xf32> to vector<1x128x128xf32>
    %swap3A_924 = arith.constant 1 : index
    %swap3A_925 = arith.constant 0 : index
    %swap3A_926 = arith.constant 640 : index
    %swap3A_927 = vector.load %arg3[%swap3A_924, %swap3A_925, %swap3A_926] : memref<4x128x2048xf32, #tpu.memory_space<vmem>>, vector<1x128x128xf32>
    tpu.vector_store %arg3[%swap3A_924, %swap3A_925, %swap3A_926], %reshape3A_923 {strides = array<i32>} : memref<4x128x2048xf32, #tpu.memory_space<vmem>>, vector<1x128x128xf32>,
    %slice3A_928 = vector.extract_strided_slice %get3A_709 {offsets = [0, 1536], sizes = [128, 128], strides = [1, 1]} : vector<128x4096xf32> to vector<128x128xf32>
    %slice3A_929 = vector.extract_strided_slice %get3A_709 {offsets = [0, 1664], sizes = [128, 128], strides = [1, 1]} : vector<128x4096xf32> to vector<128x128xf32>
    %slice3A_930 = vector.extract_strided_slice %roll3A_711 {offsets = [0, 1536], sizes = [128, 128], strides = [1, 1]} : vector<128x4096xf32> to vector<128x128xf32>
    %slice3A_931 = vector.extract_strided_slice %roll3A_711 {offsets = [0, 1664], sizes = [128, 128], strides = [1, 1]} : vector<128x4096xf32> to vector<128x128xf32>
    %slice3A_932 = vector.extract_strided_slice %and3A_704 {offsets = [0, 768], sizes = [1, 128], strides = [1, 1]} : vector<1x2048xi32> to vector<1x128xi32>
    %broadcast_in_dim3A_933 = vector.shape_cast %slice3A_932 : vector<1x128xi32> to vector<1x128xi32>
    %broadcast_in_dim3A_934 = vector.broadcast %broadcast_in_dim3A_933 : vector<1x128xi32> to vector<128x128xi32>
    %slice3A_935 = vector.extract_strided_slice %lt3A_701 {offsets = [0, 768], sizes = [1, 128], strides = [1, 1]} : vector<1x2048xi1> to vector<1x128xi1>
    %broadcast_in_dim3A_936 = vector.shape_cast %slice3A_935 : vector<1x128xi1> to vector<1x128xi1>
    %broadcast_in_dim3A_937 = vector.broadcast %broadcast_in_dim3A_936 : vector<1x128xi1> to vector<128x128xi1>
    %reshape3A_938 = vector.shape_cast %broadcast_in_dim3A_934 : vector<128x128xi32> to vector<128x128x1xi32>
    %gather3A_939 = vector.shape_cast %reshape3A_938 : vector<128x128x1xi32> to vector<128x128xi32>
    %gather3A_940 = tpu.dynamic_gather %slice3A_930[%gather3A_939] in [1] : vector<128x128xf32>, vector<128x128xi32> -> vector<128x128xf32>
    %reshape3A_941 = vector.shape_cast %broadcast_in_dim3A_934 : vector<128x128xi32> to vector<128x128x1xi32>
    %gather3A_942 = vector.shape_cast %reshape3A_941 : vector<128x128x1xi32> to vector<128x128xi32>
    %gather3A_943 = tpu.dynamic_gather %slice3A_931[%gather3A_942] in [1] : vector<128x128xf32>, vector<128x128xi32> -> vector<128x128xf32>
    %reshape3A_944 = vector.shape_cast %broadcast_in_dim3A_934 : vector<128x128xi32> to vector<128x128x1xi32>
    %gather3A_945 = vector.shape_cast %reshape3A_944 : vector<128x128x1xi32> to vector<128x128xi32>
    %gather3A_946 = tpu.dynamic_gather %slice3A_928[%gather3A_945] in [1] : vector<128x128xf32>, vector<128x128xi32> -> vector<128x128xf32>
    %reshape3A_947 = vector.shape_cast %broadcast_in_dim3A_934 : vector<128x128xi32> to vector<128x128x1xi32>
    %gather3A_948 = vector.shape_cast %reshape3A_947 : vector<128x128x1xi32> to vector<128x128xi32>
    %gather3A_949 = tpu.dynamic_gather %slice3A_929[%gather3A_948] in [1] : vector<128x128xf32>, vector<128x128xi32> -> vector<128x128xf32>
    %select_n3A_950 = arith.select %broadcast_in_dim3A_937, %gather3A_940, %gather3A_943 : vector<128x128xi1>, vector<128x128xf32>
    %select_n3A_951 = arith.select %broadcast_in_dim3A_937, %gather3A_946, %gather3A_949 : vector<128x128xi1>, vector<128x128xf32>
    %slice3A_952 = vector.extract_strided_slice %select_n3A_682 {offsets = [0, 768], sizes = [1, 128], strides = [1, 1]} : vector<1x2048xf32> to vector<1x128xf32>
    %mul3A_953 = vector.broadcast %slice3A_952 : vector<1x128xf32> to vector<128x128xf32>
    %mul3A_954 = arith.mulf %select_n3A_950, %mul3A_953 : vector<128x128xf32>
    %slice3A_955 = vector.extract_strided_slice %select_n3A_685 {offsets = [0, 768], sizes = [1, 128], strides = [1, 1]} : vector<1x2048xf32> to vector<1x128xf32>
    %mul3A_956 = vector.broadcast %slice3A_955 : vector<1x128xf32> to vector<128x128xf32>
    %mul3A_957 = arith.mulf %select_n3A_951, %mul3A_956 : vector<128x128xf32>
    %add3A_958 = arith.addf %mul3A_954, %mul3A_957 : vector<128x128xf32>
    %reshape3A_959 = vector.shape_cast %add3A_958 : vector<128x128xf32> to vector<1x128x128xf32>
    %swap3A_960 = arith.constant 1 : index
    %swap3A_961 = arith.constant 0 : index
    %swap3A_962 = arith.constant 768 : index
    %swap3A_963 = vector.load %arg3[%swap3A_960, %swap3A_961, %swap3A_962] : memref<4x128x2048xf32, #tpu.memory_space<vmem>>, vector<1x128x128xf32>
    tpu.vector_store %arg3[%swap3A_960, %swap3A_961, %swap3A_962], %reshape3A_959 {strides = array<i32>} : memref<4x128x2048xf32, #tpu.memory_space<vmem>>, vector<1x128x128xf32>,
    %slice3A_964 = vector.extract_strided_slice %get3A_709 {offsets = [0, 1792], sizes = [128, 128], strides = [1, 1]} : vector<128x4096xf32> to vector<128x128xf32>
    %slice3A_965 = vector.extract_strided_slice %get3A_709 {offsets = [0, 1920], sizes = [128, 128], strides = [1, 1]} : vector<128x4096xf32> to vector<128x128xf32>
    %slice3A_966 = vector.extract_strided_slice %roll3A_711 {offsets = [0, 1792], sizes = [128, 128], strides = [1, 1]} : vector<128x4096xf32> to vector<128x128xf32>
    %slice3A_967 = vector.extract_strided_slice %roll3A_711 {offsets = [0, 1920], sizes = [128, 128], strides = [1, 1]} : vector<128x4096xf32> to vector<128x128xf32>
    %slice3A_968 = vector.extract_strided_slice %and3A_704 {offsets = [0, 896], sizes = [1, 128], strides = [1, 1]} : vector<1x2048xi32> to vector<1x128xi32>
    %broadcast_in_dim3A_969 = vector.shape_cast %slice3A_968 : vector<1x128xi32> to vector<1x128xi32>
    %broadcast_in_dim3A_970 = vector.broadcast %broadcast_in_dim3A_969 : vector<1x128xi32> to vector<128x128xi32>
    %slice3A_971 = vector.extract_strided_slice %lt3A_701 {offsets = [0, 896], sizes = [1, 128], strides = [1, 1]} : vector<1x2048xi1> to vector<1x128xi1>
    %broadcast_in_dim3A_972 = vector.shape_cast %slice3A_971 : vector<1x128xi1> to vector<1x128xi1>
    %broadcast_in_dim3A_973 = vector.broadcast %broadcast_in_dim3A_972 : vector<1x128xi1> to vector<128x128xi1>
    %reshape3A_974 = vector.shape_cast %broadcast_in_dim3A_970 : vector<128x128xi32> to vector<128x128x1xi32>
    %gather3A_975 = vector.shape_cast %reshape3A_974 : vector<128x128x1xi32> to vector<128x128xi32>
    %gather3A_976 = tpu.dynamic_gather %slice3A_966[%gather3A_975] in [1] : vector<128x128xf32>, vector<128x128xi32> -> vector<128x128xf32>
    %reshape3A_977 = vector.shape_cast %broadcast_in_dim3A_970 : vector<128x128xi32> to vector<128x128x1xi32>
    %gather3A_978 = vector.shape_cast %reshape3A_977 : vector<128x128x1xi32> to vector<128x128xi32>
    %gather3A_979 = tpu.dynamic_gather %slice3A_967[%gather3A_978] in [1] : vector<128x128xf32>, vector<128x128xi32> -> vector<128x128xf32>
    %reshape3A_980 = vector.shape_cast %broadcast_in_dim3A_970 : vector<128x128xi32> to vector<128x128x1xi32>
    %gather3A_981 = vector.shape_cast %reshape3A_980 : vector<128x128x1xi32> to vector<128x128xi32>
    %gather3A_982 = tpu.dynamic_gather %slice3A_964[%gather3A_981] in [1] : vector<128x128xf32>, vector<128x128xi32> -> vector<128x128xf32>
    %reshape3A_983 = vector.shape_cast %broadcast_in_dim3A_970 : vector<128x128xi32> to vector<128x128x1xi32>
    %gather3A_984 = vector.shape_cast %reshape3A_983 : vector<128x128x1xi32> to vector<128x128xi32>
    %gather3A_985 = tpu.dynamic_gather %slice3A_965[%gather3A_984] in [1] : vector<128x128xf32>, vector<128x128xi32> -> vector<128x128xf32>
    %select_n3A_986 = arith.select %broadcast_in_dim3A_973, %gather3A_976, %gather3A_979 : vector<128x128xi1>, vector<128x128xf32>
    %select_n3A_987 = arith.select %broadcast_in_dim3A_973, %gather3A_982, %gather3A_985 : vector<128x128xi1>, vector<128x128xf32>
    %slice3A_988 = vector.extract_strided_slice %select_n3A_682 {offsets = [0, 896], sizes = [1, 128], strides = [1, 1]} : vector<1x2048xf32> to vector<1x128xf32>
    %mul3A_989 = vector.broadcast %slice3A_988 : vector<1x128xf32> to vector<128x128xf32>
    %mul3A_990 = arith.mulf %select_n3A_986, %mul3A_989 : vector<128x128xf32>
    %slice3A_991 = vector.extract_strided_slice %select_n3A_685 {offsets = [0, 896], sizes = [1, 128], strides = [1, 1]} : vector<1x2048xf32> to vector<1x128xf32>
    %mul3A_992 = vector.broadcast %slice3A_991 : vector<1x128xf32> to vector<128x128xf32>
    %mul3A_993 = arith.mulf %select_n3A_987, %mul3A_992 : vector<128x128xf32>
    %add3A_994 = arith.addf %mul3A_990, %mul3A_993 : vector<128x128xf32>
    %reshape3A_995 = vector.shape_cast %add3A_994 : vector<128x128xf32> to vector<1x128x128xf32>
    %swap3A_996 = arith.constant 1 : index
    %swap3A_997 = arith.constant 0 : index
    %swap3A_998 = arith.constant 896 : index
    %swap3A_999 = vector.load %arg3[%swap3A_996, %swap3A_997, %swap3A_998] : memref<4x128x2048xf32, #tpu.memory_space<vmem>>, vector<1x128x128xf32>
    tpu.vector_store %arg3[%swap3A_996, %swap3A_997, %swap3A_998], %reshape3A_995 {strides = array<i32>} : memref<4x128x2048xf32, #tpu.memory_space<vmem>>, vector<1x128x128xf32>,
    %slice3A_1000 = vector.extract_strided_slice %get3A_709 {offsets = [0, 2048], sizes = [128, 128], strides = [1, 1]} : vector<128x4096xf32> to vector<128x128xf32>
    %slice3A_1001 = vector.extract_strided_slice %get3A_709 {offsets = [0, 2176], sizes = [128, 128], strides = [1, 1]} : vector<128x4096xf32> to vector<128x128xf32>
    %slice3A_1002 = vector.extract_strided_slice %roll3A_711 {offsets = [0, 2048], sizes = [128, 128], strides = [1, 1]} : vector<128x4096xf32> to vector<128x128xf32>
    %slice3A_1003 = vector.extract_strided_slice %roll3A_711 {offsets = [0, 2176], sizes = [128, 128], strides = [1, 1]} : vector<128x4096xf32> to vector<128x128xf32>
    %slice3A_1004 = vector.extract_strided_slice %and3A_704 {offsets = [0, 1024], sizes = [1, 128], strides = [1, 1]} : vector<1x2048xi32> to vector<1x128xi32>
    %broadcast_in_dim3A_1005 = vector.shape_cast %slice3A_1004 : vector<1x128xi32> to vector<1x128xi32>
    %broadcast_in_dim3A_1006 = vector.broadcast %broadcast_in_dim3A_1005 : vector<1x128xi32> to vector<128x128xi32>
    %slice3A_1007 = vector.extract_strided_slice %lt3A_701 {offsets = [0, 1024], sizes = [1, 128], strides = [1, 1]} : vector<1x2048xi1> to vector<1x128xi1>
    %broadcast_in_dim3A_1008 = vector.shape_cast %slice3A_1007 : vector<1x128xi1> to vector<1x128xi1>
    %broadcast_in_dim3A_1009 = vector.broadcast %broadcast_in_dim3A_1008 : vector<1x128xi1> to vector<128x128xi1>
    %reshape3A_1010 = vector.shape_cast %broadcast_in_dim3A_1006 : vector<128x128xi32> to vector<128x128x1xi32>
    %gather3A_1011 = vector.shape_cast %reshape3A_1010 : vector<128x128x1xi32> to vector<128x128xi32>
    %gather3A_1012 = tpu.dynamic_gather %slice3A_1002[%gather3A_1011] in [1] : vector<128x128xf32>, vector<128x128xi32> -> vector<128x128xf32>
    %reshape3A_1013 = vector.shape_cast %broadcast_in_dim3A_1006 : vector<128x128xi32> to vector<128x128x1xi32>
    %gather3A_1014 = vector.shape_cast %reshape3A_1013 : vector<128x128x1xi32> to vector<128x128xi32>
    %gather3A_1015 = tpu.dynamic_gather %slice3A_1003[%gather3A_1014] in [1] : vector<128x128xf32>, vector<128x128xi32> -> vector<128x128xf32>
    %reshape3A_1016 = vector.shape_cast %broadcast_in_dim3A_1006 : vector<128x128xi32> to vector<128x128x1xi32>
    %gather3A_1017 = vector.shape_cast %reshape3A_1016 : vector<128x128x1xi32> to vector<128x128xi32>
    %gather3A_1018 = tpu.dynamic_gather %slice3A_1000[%gather3A_1017] in [1] : vector<128x128xf32>, vector<128x128xi32> -> vector<128x128xf32>
    %reshape3A_1019 = vector.shape_cast %broadcast_in_dim3A_1006 : vector<128x128xi32> to vector<128x128x1xi32>
    %gather3A_1020 = vector.shape_cast %reshape3A_1019 : vector<128x128x1xi32> to vector<128x128xi32>
    %gather3A_1021 = tpu.dynamic_gather %slice3A_1001[%gather3A_1020] in [1] : vector<128x128xf32>, vector<128x128xi32> -> vector<128x128xf32>
    %select_n3A_1022 = arith.select %broadcast_in_dim3A_1009, %gather3A_1012, %gather3A_1015 : vector<128x128xi1>, vector<128x128xf32>
    %select_n3A_1023 = arith.select %broadcast_in_dim3A_1009, %gather3A_1018, %gather3A_1021 : vector<128x128xi1>, vector<128x128xf32>
    %slice3A_1024 = vector.extract_strided_slice %select_n3A_682 {offsets = [0, 1024], sizes = [1, 128], strides = [1, 1]} : vector<1x2048xf32> to vector<1x128xf32>
    %mul3A_1025 = vector.broadcast %slice3A_1024 : vector<1x128xf32> to vector<128x128xf32>
    %mul3A_1026 = arith.mulf %select_n3A_1022, %mul3A_1025 : vector<128x128xf32>
    %slice3A_1027 = vector.extract_strided_slice %select_n3A_685 {offsets = [0, 1024], sizes = [1, 128], strides = [1, 1]} : vector<1x2048xf32> to vector<1x128xf32>
    %mul3A_1028 = vector.broadcast %slice3A_1027 : vector<1x128xf32> to vector<128x128xf32>
    %mul3A_1029 = arith.mulf %select_n3A_1023, %mul3A_1028 : vector<128x128xf32>
    %add3A_1030 = arith.addf %mul3A_1026, %mul3A_1029 : vector<128x128xf32>
    %reshape3A_1031 = vector.shape_cast %add3A_1030 : vector<128x128xf32> to vector<1x128x128xf32>
    %swap3A_1032 = arith.constant 1 : index
    %swap3A_1033 = arith.constant 0 : index
    %swap3A_1034 = arith.constant 1024 : index
    %swap3A_1035 = vector.load %arg3[%swap3A_1032, %swap3A_1033, %swap3A_1034] : memref<4x128x2048xf32, #tpu.memory_space<vmem>>, vector<1x128x128xf32>
    tpu.vector_store %arg3[%swap3A_1032, %swap3A_1033, %swap3A_1034], %reshape3A_1031 {strides = array<i32>} : memref<4x128x2048xf32, #tpu.memory_space<vmem>>, vector<1x128x128xf32>,
    %slice3A_1036 = vector.extract_strided_slice %get3A_709 {offsets = [0, 2304], sizes = [128, 128], strides = [1, 1]} : vector<128x4096xf32> to vector<128x128xf32>
    %slice3A_1037 = vector.extract_strided_slice %get3A_709 {offsets = [0, 2432], sizes = [128, 128], strides = [1, 1]} : vector<128x4096xf32> to vector<128x128xf32>
    %slice3A_1038 = vector.extract_strided_slice %roll3A_711 {offsets = [0, 2304], sizes = [128, 128], strides = [1, 1]} : vector<128x4096xf32> to vector<128x128xf32>
    %slice3A_1039 = vector.extract_strided_slice %roll3A_711 {offsets = [0, 2432], sizes = [128, 128], strides = [1, 1]} : vector<128x4096xf32> to vector<128x128xf32>
    %slice3A_1040 = vector.extract_strided_slice %and3A_704 {offsets = [0, 1152], sizes = [1, 128], strides = [1, 1]} : vector<1x2048xi32> to vector<1x128xi32>
    %broadcast_in_dim3A_1041 = vector.shape_cast %slice3A_1040 : vector<1x128xi32> to vector<1x128xi32>
    %broadcast_in_dim3A_1042 = vector.broadcast %broadcast_in_dim3A_1041 : vector<1x128xi32> to vector<128x128xi32>
    %slice3A_1043 = vector.extract_strided_slice %lt3A_701 {offsets = [0, 1152], sizes = [1, 128], strides = [1, 1]} : vector<1x2048xi1> to vector<1x128xi1>
    %broadcast_in_dim3A_1044 = vector.shape_cast %slice3A_1043 : vector<1x128xi1> to vector<1x128xi1>
    %broadcast_in_dim3A_1045 = vector.broadcast %broadcast_in_dim3A_1044 : vector<1x128xi1> to vector<128x128xi1>
    %reshape3A_1046 = vector.shape_cast %broadcast_in_dim3A_1042 : vector<128x128xi32> to vector<128x128x1xi32>
    %gather3A_1047 = vector.shape_cast %reshape3A_1046 : vector<128x128x1xi32> to vector<128x128xi32>
    %gather3A_1048 = tpu.dynamic_gather %slice3A_1038[%gather3A_1047] in [1] : vector<128x128xf32>, vector<128x128xi32> -> vector<128x128xf32>
    %reshape3A_1049 = vector.shape_cast %broadcast_in_dim3A_1042 : vector<128x128xi32> to vector<128x128x1xi32>
    %gather3A_1050 = vector.shape_cast %reshape3A_1049 : vector<128x128x1xi32> to vector<128x128xi32>
    %gather3A_1051 = tpu.dynamic_gather %slice3A_1039[%gather3A_1050] in [1] : vector<128x128xf32>, vector<128x128xi32> -> vector<128x128xf32>
    %reshape3A_1052 = vector.shape_cast %broadcast_in_dim3A_1042 : vector<128x128xi32> to vector<128x128x1xi32>
    %gather3A_1053 = vector.shape_cast %reshape3A_1052 : vector<128x128x1xi32> to vector<128x128xi32>
    %gather3A_1054 = tpu.dynamic_gather %slice3A_1036[%gather3A_1053] in [1] : vector<128x128xf32>, vector<128x128xi32> -> vector<128x128xf32>
    %reshape3A_1055 = vector.shape_cast %broadcast_in_dim3A_1042 : vector<128x128xi32> to vector<128x128x1xi32>
    %gather3A_1056 = vector.shape_cast %reshape3A_1055 : vector<128x128x1xi32> to vector<128x128xi32>
    %gather3A_1057 = tpu.dynamic_gather %slice3A_1037[%gather3A_1056] in [1] : vector<128x128xf32>, vector<128x128xi32> -> vector<128x128xf32>
    %select_n3A_1058 = arith.select %broadcast_in_dim3A_1045, %gather3A_1048, %gather3A_1051 : vector<128x128xi1>, vector<128x128xf32>
    %select_n3A_1059 = arith.select %broadcast_in_dim3A_1045, %gather3A_1054, %gather3A_1057 : vector<128x128xi1>, vector<128x128xf32>
    %slice3A_1060 = vector.extract_strided_slice %select_n3A_682 {offsets = [0, 1152], sizes = [1, 128], strides = [1, 1]} : vector<1x2048xf32> to vector<1x128xf32>
    %mul3A_1061 = vector.broadcast %slice3A_1060 : vector<1x128xf32> to vector<128x128xf32>
    %mul3A_1062 = arith.mulf %select_n3A_1058, %mul3A_1061 : vector<128x128xf32>
    %slice3A_1063 = vector.extract_strided_slice %select_n3A_685 {offsets = [0, 1152], sizes = [1, 128], strides = [1, 1]} : vector<1x2048xf32> to vector<1x128xf32>
    %mul3A_1064 = vector.broadcast %slice3A_1063 : vector<1x128xf32> to vector<128x128xf32>
    %mul3A_1065 = arith.mulf %select_n3A_1059, %mul3A_1064 : vector<128x128xf32>
    %add3A_1066 = arith.addf %mul3A_1062, %mul3A_1065 : vector<128x128xf32>
    %reshape3A_1067 = vector.shape_cast %add3A_1066 : vector<128x128xf32> to vector<1x128x128xf32>
    %swap3A_1068 = arith.constant 1 : index
    %swap3A_1069 = arith.constant 0 : index
    %swap3A_1070 = arith.constant 1152 : index
    %swap3A_1071 = vector.load %arg3[%swap3A_1068, %swap3A_1069, %swap3A_1070] : memref<4x128x2048xf32, #tpu.memory_space<vmem>>, vector<1x128x128xf32>
    tpu.vector_store %arg3[%swap3A_1068, %swap3A_1069, %swap3A_1070], %reshape3A_1067 {strides = array<i32>} : memref<4x128x2048xf32, #tpu.memory_space<vmem>>, vector<1x128x128xf32>,
    %slice3A_1072 = vector.extract_strided_slice %get3A_709 {offsets = [0, 2560], sizes = [128, 128], strides = [1, 1]} : vector<128x4096xf32> to vector<128x128xf32>
    %slice3A_1073 = vector.extract_strided_slice %get3A_709 {offsets = [0, 2688], sizes = [128, 128], strides = [1, 1]} : vector<128x4096xf32> to vector<128x128xf32>
    %slice3A_1074 = vector.extract_strided_slice %roll3A_711 {offsets = [0, 2560], sizes = [128, 128], strides = [1, 1]} : vector<128x4096xf32> to vector<128x128xf32>
    %slice3A_1075 = vector.extract_strided_slice %roll3A_711 {offsets = [0, 2688], sizes = [128, 128], strides = [1, 1]} : vector<128x4096xf32> to vector<128x128xf32>
    %slice3A_1076 = vector.extract_strided_slice %and3A_704 {offsets = [0, 1280], sizes = [1, 128], strides = [1, 1]} : vector<1x2048xi32> to vector<1x128xi32>
    %broadcast_in_dim3A_1077 = vector.shape_cast %slice3A_1076 : vector<1x128xi32> to vector<1x128xi32>
    %broadcast_in_dim3A_1078 = vector.broadcast %broadcast_in_dim3A_1077 : vector<1x128xi32> to vector<128x128xi32>
    %slice3A_1079 = vector.extract_strided_slice %lt3A_701 {offsets = [0, 1280], sizes = [1, 128], strides = [1, 1]} : vector<1x2048xi1> to vector<1x128xi1>
    %broadcast_in_dim3A_1080 = vector.shape_cast %slice3A_1079 : vector<1x128xi1> to vector<1x128xi1>
    %broadcast_in_dim3A_1081 = vector.broadcast %broadcast_in_dim3A_1080 : vector<1x128xi1> to vector<128x128xi1>
    %reshape3A_1082 = vector.shape_cast %broadcast_in_dim3A_1078 : vector<128x128xi32> to vector<128x128x1xi32>
    %gather3A_1083 = vector.shape_cast %reshape3A_1082 : vector<128x128x1xi32> to vector<128x128xi32>
    %gather3A_1084 = tpu.dynamic_gather %slice3A_1074[%gather3A_1083] in [1] : vector<128x128xf32>, vector<128x128xi32> -> vector<128x128xf32>
    %reshape3A_1085 = vector.shape_cast %broadcast_in_dim3A_1078 : vector<128x128xi32> to vector<128x128x1xi32>
    %gather3A_1086 = vector.shape_cast %reshape3A_1085 : vector<128x128x1xi32> to vector<128x128xi32>
    %gather3A_1087 = tpu.dynamic_gather %slice3A_1075[%gather3A_1086] in [1] : vector<128x128xf32>, vector<128x128xi32> -> vector<128x128xf32>
    %reshape3A_1088 = vector.shape_cast %broadcast_in_dim3A_1078 : vector<128x128xi32> to vector<128x128x1xi32>
    %gather3A_1089 = vector.shape_cast %reshape3A_1088 : vector<128x128x1xi32> to vector<128x128xi32>
    %gather3A_1090 = tpu.dynamic_gather %slice3A_1072[%gather3A_1089] in [1] : vector<128x128xf32>, vector<128x128xi32> -> vector<128x128xf32>
    %reshape3A_1091 = vector.shape_cast %broadcast_in_dim3A_1078 : vector<128x128xi32> to vector<128x128x1xi32>
    %gather3A_1092 = vector.shape_cast %reshape3A_1091 : vector<128x128x1xi32> to vector<128x128xi32>
    %gather3A_1093 = tpu.dynamic_gather %slice3A_1073[%gather3A_1092] in [1] : vector<128x128xf32>, vector<128x128xi32> -> vector<128x128xf32>
    %select_n3A_1094 = arith.select %broadcast_in_dim3A_1081, %gather3A_1084, %gather3A_1087 : vector<128x128xi1>, vector<128x128xf32>
    %select_n3A_1095 = arith.select %broadcast_in_dim3A_1081, %gather3A_1090, %gather3A_1093 : vector<128x128xi1>, vector<128x128xf32>
    %slice3A_1096 = vector.extract_strided_slice %select_n3A_682 {offsets = [0, 1280], sizes = [1, 128], strides = [1, 1]} : vector<1x2048xf32> to vector<1x128xf32>
    %mul3A_1097 = vector.broadcast %slice3A_1096 : vector<1x128xf32> to vector<128x128xf32>
    %mul3A_1098 = arith.mulf %select_n3A_1094, %mul3A_1097 : vector<128x128xf32>
    %slice3A_1099 = vector.extract_strided_slice %select_n3A_685 {offsets = [0, 1280], sizes = [1, 128], strides = [1, 1]} : vector<1x2048xf32> to vector<1x128xf32>
    %mul3A_1100 = vector.broadcast %slice3A_1099 : vector<1x128xf32> to vector<128x128xf32>
    %mul3A_1101 = arith.mulf %select_n3A_1095, %mul3A_1100 : vector<128x128xf32>
    %add3A_1102 = arith.addf %mul3A_1098, %mul3A_1101 : vector<128x128xf32>
    %reshape3A_1103 = vector.shape_cast %add3A_1102 : vector<128x128xf32> to vector<1x128x128xf32>
    %swap3A_1104 = arith.constant 1 : index
    %swap3A_1105 = arith.constant 0 : index
    %swap3A_1106 = arith.constant 1280 : index
    %swap3A_1107 = vector.load %arg3[%swap3A_1104, %swap3A_1105, %swap3A_1106] : memref<4x128x2048xf32, #tpu.memory_space<vmem>>, vector<1x128x128xf32>
    tpu.vector_store %arg3[%swap3A_1104, %swap3A_1105, %swap3A_1106], %reshape3A_1103 {strides = array<i32>} : memref<4x128x2048xf32, #tpu.memory_space<vmem>>, vector<1x128x128xf32>,
    %slice3A_1108 = vector.extract_strided_slice %get3A_709 {offsets = [0, 2816], sizes = [128, 128], strides = [1, 1]} : vector<128x4096xf32> to vector<128x128xf32>
    %slice3A_1109 = vector.extract_strided_slice %get3A_709 {offsets = [0, 2944], sizes = [128, 128], strides = [1, 1]} : vector<128x4096xf32> to vector<128x128xf32>
    %slice3A_1110 = vector.extract_strided_slice %roll3A_711 {offsets = [0, 2816], sizes = [128, 128], strides = [1, 1]} : vector<128x4096xf32> to vector<128x128xf32>
    %slice3A_1111 = vector.extract_strided_slice %roll3A_711 {offsets = [0, 2944], sizes = [128, 128], strides = [1, 1]} : vector<128x4096xf32> to vector<128x128xf32>
    %slice3A_1112 = vector.extract_strided_slice %and3A_704 {offsets = [0, 1408], sizes = [1, 128], strides = [1, 1]} : vector<1x2048xi32> to vector<1x128xi32>
    %broadcast_in_dim3A_1113 = vector.shape_cast %slice3A_1112 : vector<1x128xi32> to vector<1x128xi32>
    %broadcast_in_dim3A_1114 = vector.broadcast %broadcast_in_dim3A_1113 : vector<1x128xi32> to vector<128x128xi32>
    %slice3A_1115 = vector.extract_strided_slice %lt3A_701 {offsets = [0, 1408], sizes = [1, 128], strides = [1, 1]} : vector<1x2048xi1> to vector<1x128xi1>
    %broadcast_in_dim3A_1116 = vector.shape_cast %slice3A_1115 : vector<1x128xi1> to vector<1x128xi1>
    %broadcast_in_dim3A_1117 = vector.broadcast %broadcast_in_dim3A_1116 : vector<1x128xi1> to vector<128x128xi1>
    %reshape3A_1118 = vector.shape_cast %broadcast_in_dim3A_1114 : vector<128x128xi32> to vector<128x128x1xi32>
    %gather3A_1119 = vector.shape_cast %reshape3A_1118 : vector<128x128x1xi32> to vector<128x128xi32>
    %gather3A_1120 = tpu.dynamic_gather %slice3A_1110[%gather3A_1119] in [1] : vector<128x128xf32>, vector<128x128xi32> -> vector<128x128xf32>
    %reshape3A_1121 = vector.shape_cast %broadcast_in_dim3A_1114 : vector<128x128xi32> to vector<128x128x1xi32>
    %gather3A_1122 = vector.shape_cast %reshape3A_1121 : vector<128x128x1xi32> to vector<128x128xi32>
    %gather3A_1123 = tpu.dynamic_gather %slice3A_1111[%gather3A_1122] in [1] : vector<128x128xf32>, vector<128x128xi32> -> vector<128x128xf32>
    %reshape3A_1124 = vector.shape_cast %broadcast_in_dim3A_1114 : vector<128x128xi32> to vector<128x128x1xi32>
    %gather3A_1125 = vector.shape_cast %reshape3A_1124 : vector<128x128x1xi32> to vector<128x128xi32>
    %gather3A_1126 = tpu.dynamic_gather %slice3A_1108[%gather3A_1125] in [1] : vector<128x128xf32>, vector<128x128xi32> -> vector<128x128xf32>
    %reshape3A_1127 = vector.shape_cast %broadcast_in_dim3A_1114 : vector<128x128xi32> to vector<128x128x1xi32>
    %gather3A_1128 = vector.shape_cast %reshape3A_1127 : vector<128x128x1xi32> to vector<128x128xi32>
    %gather3A_1129 = tpu.dynamic_gather %slice3A_1109[%gather3A_1128] in [1] : vector<128x128xf32>, vector<128x128xi32> -> vector<128x128xf32>
    %select_n3A_1130 = arith.select %broadcast_in_dim3A_1117, %gather3A_1120, %gather3A_1123 : vector<128x128xi1>, vector<128x128xf32>
    %select_n3A_1131 = arith.select %broadcast_in_dim3A_1117, %gather3A_1126, %gather3A_1129 : vector<128x128xi1>, vector<128x128xf32>
    %slice3A_1132 = vector.extract_strided_slice %select_n3A_682 {offsets = [0, 1408], sizes = [1, 128], strides = [1, 1]} : vector<1x2048xf32> to vector<1x128xf32>
    %mul3A_1133 = vector.broadcast %slice3A_1132 : vector<1x128xf32> to vector<128x128xf32>
    %mul3A_1134 = arith.mulf %select_n3A_1130, %mul3A_1133 : vector<128x128xf32>
    %slice3A_1135 = vector.extract_strided_slice %select_n3A_685 {offsets = [0, 1408], sizes = [1, 128], strides = [1, 1]} : vector<1x2048xf32> to vector<1x128xf32>
    %mul3A_1136 = vector.broadcast %slice3A_1135 : vector<1x128xf32> to vector<128x128xf32>
    %mul3A_1137 = arith.mulf %select_n3A_1131, %mul3A_1136 : vector<128x128xf32>
    %add3A_1138 = arith.addf %mul3A_1134, %mul3A_1137 : vector<128x128xf32>
    %reshape3A_1139 = vector.shape_cast %add3A_1138 : vector<128x128xf32> to vector<1x128x128xf32>
    %swap3A_1140 = arith.constant 1 : index
    %swap3A_1141 = arith.constant 0 : index
    %swap3A_1142 = arith.constant 1408 : index
    %swap3A_1143 = vector.load %arg3[%swap3A_1140, %swap3A_1141, %swap3A_1142] : memref<4x128x2048xf32, #tpu.memory_space<vmem>>, vector<1x128x128xf32>
    tpu.vector_store %arg3[%swap3A_1140, %swap3A_1141, %swap3A_1142], %reshape3A_1139 {strides = array<i32>} : memref<4x128x2048xf32, #tpu.memory_space<vmem>>, vector<1x128x128xf32>,
    %slice3A_1144 = vector.extract_strided_slice %get3A_709 {offsets = [0, 3072], sizes = [128, 128], strides = [1, 1]} : vector<128x4096xf32> to vector<128x128xf32>
    %slice3A_1145 = vector.extract_strided_slice %get3A_709 {offsets = [0, 3200], sizes = [128, 128], strides = [1, 1]} : vector<128x4096xf32> to vector<128x128xf32>
    %slice3A_1146 = vector.extract_strided_slice %roll3A_711 {offsets = [0, 3072], sizes = [128, 128], strides = [1, 1]} : vector<128x4096xf32> to vector<128x128xf32>
    %slice3A_1147 = vector.extract_strided_slice %roll3A_711 {offsets = [0, 3200], sizes = [128, 128], strides = [1, 1]} : vector<128x4096xf32> to vector<128x128xf32>
    %slice3A_1148 = vector.extract_strided_slice %and3A_704 {offsets = [0, 1536], sizes = [1, 128], strides = [1, 1]} : vector<1x2048xi32> to vector<1x128xi32>
    %broadcast_in_dim3A_1149 = vector.shape_cast %slice3A_1148 : vector<1x128xi32> to vector<1x128xi32>
    %broadcast_in_dim3A_1150 = vector.broadcast %broadcast_in_dim3A_1149 : vector<1x128xi32> to vector<128x128xi32>
    %slice3A_1151 = vector.extract_strided_slice %lt3A_701 {offsets = [0, 1536], sizes = [1, 128], strides = [1, 1]} : vector<1x2048xi1> to vector<1x128xi1>
    %broadcast_in_dim3A_1152 = vector.shape_cast %slice3A_1151 : vector<1x128xi1> to vector<1x128xi1>
    %broadcast_in_dim3A_1153 = vector.broadcast %broadcast_in_dim3A_1152 : vector<1x128xi1> to vector<128x128xi1>
    %reshape3A_1154 = vector.shape_cast %broadcast_in_dim3A_1150 : vector<128x128xi32> to vector<128x128x1xi32>
    %gather3A_1155 = vector.shape_cast %reshape3A_1154 : vector<128x128x1xi32> to vector<128x128xi32>
    %gather3A_1156 = tpu.dynamic_gather %slice3A_1146[%gather3A_1155] in [1] : vector<128x128xf32>, vector<128x128xi32> -> vector<128x128xf32>
    %reshape3A_1157 = vector.shape_cast %broadcast_in_dim3A_1150 : vector<128x128xi32> to vector<128x128x1xi32>
    %gather3A_1158 = vector.shape_cast %reshape3A_1157 : vector<128x128x1xi32> to vector<128x128xi32>
    %gather3A_1159 = tpu.dynamic_gather %slice3A_1147[%gather3A_1158] in [1] : vector<128x128xf32>, vector<128x128xi32> -> vector<128x128xf32>
    %reshape3A_1160 = vector.shape_cast %broadcast_in_dim3A_1150 : vector<128x128xi32> to vector<128x128x1xi32>
    %gather3A_1161 = vector.shape_cast %reshape3A_1160 : vector<128x128x1xi32> to vector<128x128xi32>
    %gather3A_1162 = tpu.dynamic_gather %slice3A_1144[%gather3A_1161] in [1] : vector<128x128xf32>, vector<128x128xi32> -> vector<128x128xf32>
    %reshape3A_1163 = vector.shape_cast %broadcast_in_dim3A_1150 : vector<128x128xi32> to vector<128x128x1xi32>
    %gather3A_1164 = vector.shape_cast %reshape3A_1163 : vector<128x128x1xi32> to vector<128x128xi32>
    %gather3A_1165 = tpu.dynamic_gather %slice3A_1145[%gather3A_1164] in [1] : vector<128x128xf32>, vector<128x128xi32> -> vector<128x128xf32>
    %select_n3A_1166 = arith.select %broadcast_in_dim3A_1153, %gather3A_1156, %gather3A_1159 : vector<128x128xi1>, vector<128x128xf32>
    %select_n3A_1167 = arith.select %broadcast_in_dim3A_1153, %gather3A_1162, %gather3A_1165 : vector<128x128xi1>, vector<128x128xf32>
    %slice3A_1168 = vector.extract_strided_slice %select_n3A_682 {offsets = [0, 1536], sizes = [1, 128], strides = [1, 1]} : vector<1x2048xf32> to vector<1x128xf32>
    %mul3A_1169 = vector.broadcast %slice3A_1168 : vector<1x128xf32> to vector<128x128xf32>
    %mul3A_1170 = arith.mulf %select_n3A_1166, %mul3A_1169 : vector<128x128xf32>
    %slice3A_1171 = vector.extract_strided_slice %select_n3A_685 {offsets = [0, 1536], sizes = [1, 128], strides = [1, 1]} : vector<1x2048xf32> to vector<1x128xf32>
    %mul3A_1172 = vector.broadcast %slice3A_1171 : vector<1x128xf32> to vector<128x128xf32>
    %mul3A_1173 = arith.mulf %select_n3A_1167, %mul3A_1172 : vector<128x128xf32>
    %add3A_1174 = arith.addf %mul3A_1170, %mul3A_1173 : vector<128x128xf32>
    %reshape3A_1175 = vector.shape_cast %add3A_1174 : vector<128x128xf32> to vector<1x128x128xf32>
    %swap3A_1176 = arith.constant 1 : index
    %swap3A_1177 = arith.constant 0 : index
    %swap3A_1178 = arith.constant 1536 : index
    %swap3A_1179 = vector.load %arg3[%swap3A_1176, %swap3A_1177, %swap3A_1178] : memref<4x128x2048xf32, #tpu.memory_space<vmem>>, vector<1x128x128xf32>
    tpu.vector_store %arg3[%swap3A_1176, %swap3A_1177, %swap3A_1178], %reshape3A_1175 {strides = array<i32>} : memref<4x128x2048xf32, #tpu.memory_space<vmem>>, vector<1x128x128xf32>,
    %slice3A_1180 = vector.extract_strided_slice %get3A_709 {offsets = [0, 3328], sizes = [128, 128], strides = [1, 1]} : vector<128x4096xf32> to vector<128x128xf32>
    %slice3A_1181 = vector.extract_strided_slice %get3A_709 {offsets = [0, 3456], sizes = [128, 128], strides = [1, 1]} : vector<128x4096xf32> to vector<128x128xf32>
    %slice3A_1182 = vector.extract_strided_slice %roll3A_711 {offsets = [0, 3328], sizes = [128, 128], strides = [1, 1]} : vector<128x4096xf32> to vector<128x128xf32>
    %slice3A_1183 = vector.extract_strided_slice %roll3A_711 {offsets = [0, 3456], sizes = [128, 128], strides = [1, 1]} : vector<128x4096xf32> to vector<128x128xf32>
    %slice3A_1184 = vector.extract_strided_slice %and3A_704 {offsets = [0, 1664], sizes = [1, 128], strides = [1, 1]} : vector<1x2048xi32> to vector<1x128xi32>
    %broadcast_in_dim3A_1185 = vector.shape_cast %slice3A_1184 : vector<1x128xi32> to vector<1x128xi32>
    %broadcast_in_dim3A_1186 = vector.broadcast %broadcast_in_dim3A_1185 : vector<1x128xi32> to vector<128x128xi32>
    %slice3A_1187 = vector.extract_strided_slice %lt3A_701 {offsets = [0, 1664], sizes = [1, 128], strides = [1, 1]} : vector<1x2048xi1> to vector<1x128xi1>
    %broadcast_in_dim3A_1188 = vector.shape_cast %slice3A_1187 : vector<1x128xi1> to vector<1x128xi1>
    %broadcast_in_dim3A_1189 = vector.broadcast %broadcast_in_dim3A_1188 : vector<1x128xi1> to vector<128x128xi1>
    %reshape3A_1190 = vector.shape_cast %broadcast_in_dim3A_1186 : vector<128x128xi32> to vector<128x128x1xi32>
    %gather3A_1191 = vector.shape_cast %reshape3A_1190 : vector<128x128x1xi32> to vector<128x128xi32>
    %gather3A_1192 = tpu.dynamic_gather %slice3A_1182[%gather3A_1191] in [1] : vector<128x128xf32>, vector<128x128xi32> -> vector<128x128xf32>
    %reshape3A_1193 = vector.shape_cast %broadcast_in_dim3A_1186 : vector<128x128xi32> to vector<128x128x1xi32>
    %gather3A_1194 = vector.shape_cast %reshape3A_1193 : vector<128x128x1xi32> to vector<128x128xi32>
    %gather3A_1195 = tpu.dynamic_gather %slice3A_1183[%gather3A_1194] in [1] : vector<128x128xf32>, vector<128x128xi32> -> vector<128x128xf32>
    %reshape3A_1196 = vector.shape_cast %broadcast_in_dim3A_1186 : vector<128x128xi32> to vector<128x128x1xi32>
    %gather3A_1197 = vector.shape_cast %reshape3A_1196 : vector<128x128x1xi32> to vector<128x128xi32>
    %gather3A_1198 = tpu.dynamic_gather %slice3A_1180[%gather3A_1197] in [1] : vector<128x128xf32>, vector<128x128xi32> -> vector<128x128xf32>
    %reshape3A_1199 = vector.shape_cast %broadcast_in_dim3A_1186 : vector<128x128xi32> to vector<128x128x1xi32>
    %gather3A_1200 = vector.shape_cast %reshape3A_1199 : vector<128x128x1xi32> to vector<128x128xi32>
    %gather3A_1201 = tpu.dynamic_gather %slice3A_1181[%gather3A_1200] in [1] : vector<128x128xf32>, vector<128x128xi32> -> vector<128x128xf32>
    %select_n3A_1202 = arith.select %broadcast_in_dim3A_1189, %gather3A_1192, %gather3A_1195 : vector<128x128xi1>, vector<128x128xf32>
    %select_n3A_1203 = arith.select %broadcast_in_dim3A_1189, %gather3A_1198, %gather3A_1201 : vector<128x128xi1>, vector<128x128xf32>
    %slice3A_1204 = vector.extract_strided_slice %select_n3A_682 {offsets = [0, 1664], sizes = [1, 128], strides = [1, 1]} : vector<1x2048xf32> to vector<1x128xf32>
    %mul3A_1205 = vector.broadcast %slice3A_1204 : vector<1x128xf32> to vector<128x128xf32>
    %mul3A_1206 = arith.mulf %select_n3A_1202, %mul3A_1205 : vector<128x128xf32>
    %slice3A_1207 = vector.extract_strided_slice %select_n3A_685 {offsets = [0, 1664], sizes = [1, 128], strides = [1, 1]} : vector<1x2048xf32> to vector<1x128xf32>
    %mul3A_1208 = vector.broadcast %slice3A_1207 : vector<1x128xf32> to vector<128x128xf32>
    %mul3A_1209 = arith.mulf %select_n3A_1203, %mul3A_1208 : vector<128x128xf32>
    %add3A_1210 = arith.addf %mul3A_1206, %mul3A_1209 : vector<128x128xf32>
    %reshape3A_1211 = vector.shape_cast %add3A_1210 : vector<128x128xf32> to vector<1x128x128xf32>
    %swap3A_1212 = arith.constant 1 : index
    %swap3A_1213 = arith.constant 0 : index
    %swap3A_1214 = arith.constant 1664 : index
    %swap3A_1215 = vector.load %arg3[%swap3A_1212, %swap3A_1213, %swap3A_1214] : memref<4x128x2048xf32, #tpu.memory_space<vmem>>, vector<1x128x128xf32>
    tpu.vector_store %arg3[%swap3A_1212, %swap3A_1213, %swap3A_1214], %reshape3A_1211 {strides = array<i32>} : memref<4x128x2048xf32, #tpu.memory_space<vmem>>, vector<1x128x128xf32>,
    %slice3A_1216 = vector.extract_strided_slice %get3A_709 {offsets = [0, 3584], sizes = [128, 128], strides = [1, 1]} : vector<128x4096xf32> to vector<128x128xf32>
    %slice3A_1217 = vector.extract_strided_slice %get3A_709 {offsets = [0, 3712], sizes = [128, 128], strides = [1, 1]} : vector<128x4096xf32> to vector<128x128xf32>
    %slice3A_1218 = vector.extract_strided_slice %roll3A_711 {offsets = [0, 3584], sizes = [128, 128], strides = [1, 1]} : vector<128x4096xf32> to vector<128x128xf32>
    %slice3A_1219 = vector.extract_strided_slice %roll3A_711 {offsets = [0, 3712], sizes = [128, 128], strides = [1, 1]} : vector<128x4096xf32> to vector<128x128xf32>
    %slice3A_1220 = vector.extract_strided_slice %and3A_704 {offsets = [0, 1792], sizes = [1, 128], strides = [1, 1]} : vector<1x2048xi32> to vector<1x128xi32>
    %broadcast_in_dim3A_1221 = vector.shape_cast %slice3A_1220 : vector<1x128xi32> to vector<1x128xi32>
    %broadcast_in_dim3A_1222 = vector.broadcast %broadcast_in_dim3A_1221 : vector<1x128xi32> to vector<128x128xi32>
    %slice3A_1223 = vector.extract_strided_slice %lt3A_701 {offsets = [0, 1792], sizes = [1, 128], strides = [1, 1]} : vector<1x2048xi1> to vector<1x128xi1>
    %broadcast_in_dim3A_1224 = vector.shape_cast %slice3A_1223 : vector<1x128xi1> to vector<1x128xi1>
    %broadcast_in_dim3A_1225 = vector.broadcast %broadcast_in_dim3A_1224 : vector<1x128xi1> to vector<128x128xi1>
    %reshape3A_1226 = vector.shape_cast %broadcast_in_dim3A_1222 : vector<128x128xi32> to vector<128x128x1xi32>
    %gather3A_1227 = vector.shape_cast %reshape3A_1226 : vector<128x128x1xi32> to vector<128x128xi32>
    %gather3A_1228 = tpu.dynamic_gather %slice3A_1218[%gather3A_1227] in [1] : vector<128x128xf32>, vector<128x128xi32> -> vector<128x128xf32>
    %reshape3A_1229 = vector.shape_cast %broadcast_in_dim3A_1222 : vector<128x128xi32> to vector<128x128x1xi32>
    %gather3A_1230 = vector.shape_cast %reshape3A_1229 : vector<128x128x1xi32> to vector<128x128xi32>
    %gather3A_1231 = tpu.dynamic_gather %slice3A_1219[%gather3A_1230] in [1] : vector<128x128xf32>, vector<128x128xi32> -> vector<128x128xf32>
    %reshape3A_1232 = vector.shape_cast %broadcast_in_dim3A_1222 : vector<128x128xi32> to vector<128x128x1xi32>
    %gather3A_1233 = vector.shape_cast %reshape3A_1232 : vector<128x128x1xi32> to vector<128x128xi32>
    %gather3A_1234 = tpu.dynamic_gather %slice3A_1216[%gather3A_1233] in [1] : vector<128x128xf32>, vector<128x128xi32> -> vector<128x128xf32>
    %reshape3A_1235 = vector.shape_cast %broadcast_in_dim3A_1222 : vector<128x128xi32> to vector<128x128x1xi32>
    %gather3A_1236 = vector.shape_cast %reshape3A_1235 : vector<128x128x1xi32> to vector<128x128xi32>
    %gather3A_1237 = tpu.dynamic_gather %slice3A_1217[%gather3A_1236] in [1] : vector<128x128xf32>, vector<128x128xi32> -> vector<128x128xf32>
    %select_n3A_1238 = arith.select %broadcast_in_dim3A_1225, %gather3A_1228, %gather3A_1231 : vector<128x128xi1>, vector<128x128xf32>
    %select_n3A_1239 = arith.select %broadcast_in_dim3A_1225, %gather3A_1234, %gather3A_1237 : vector<128x128xi1>, vector<128x128xf32>
    %slice3A_1240 = vector.extract_strided_slice %select_n3A_682 {offsets = [0, 1792], sizes = [1, 128], strides = [1, 1]} : vector<1x2048xf32> to vector<1x128xf32>
    %mul3A_1241 = vector.broadcast %slice3A_1240 : vector<1x128xf32> to vector<128x128xf32>
    %mul3A_1242 = arith.mulf %select_n3A_1238, %mul3A_1241 : vector<128x128xf32>
    %slice3A_1243 = vector.extract_strided_slice %select_n3A_685 {offsets = [0, 1792], sizes = [1, 128], strides = [1, 1]} : vector<1x2048xf32> to vector<1x128xf32>
    %mul3A_1244 = vector.broadcast %slice3A_1243 : vector<1x128xf32> to vector<128x128xf32>
    %mul3A_1245 = arith.mulf %select_n3A_1239, %mul3A_1244 : vector<128x128xf32>
    %add3A_1246 = arith.addf %mul3A_1242, %mul3A_1245 : vector<128x128xf32>
    %reshape3A_1247 = vector.shape_cast %add3A_1246 : vector<128x128xf32> to vector<1x128x128xf32>
    %swap3A_1248 = arith.constant 1 : index
    %swap3A_1249 = arith.constant 0 : index
    %swap3A_1250 = arith.constant 1792 : index
    %swap3A_1251 = vector.load %arg3[%swap3A_1248, %swap3A_1249, %swap3A_1250] : memref<4x128x2048xf32, #tpu.memory_space<vmem>>, vector<1x128x128xf32>
    tpu.vector_store %arg3[%swap3A_1248, %swap3A_1249, %swap3A_1250], %reshape3A_1247 {strides = array<i32>} : memref<4x128x2048xf32, #tpu.memory_space<vmem>>, vector<1x128x128xf32>,
    %slice3A_1252 = vector.extract_strided_slice %get3A_709 {offsets = [0, 3840], sizes = [128, 128], strides = [1, 1]} : vector<128x4096xf32> to vector<128x128xf32>
    %slice3A_1253 = vector.extract_strided_slice %get3A_709 {offsets = [0, 3968], sizes = [128, 128], strides = [1, 1]} : vector<128x4096xf32> to vector<128x128xf32>
    %slice3A_1254 = vector.extract_strided_slice %roll3A_711 {offsets = [0, 3840], sizes = [128, 128], strides = [1, 1]} : vector<128x4096xf32> to vector<128x128xf32>
    %slice3A_1255 = vector.extract_strided_slice %roll3A_711 {offsets = [0, 3968], sizes = [128, 128], strides = [1, 1]} : vector<128x4096xf32> to vector<128x128xf32>
    %slice3A_1256 = vector.extract_strided_slice %and3A_704 {offsets = [0, 1920], sizes = [1, 128], strides = [1, 1]} : vector<1x2048xi32> to vector<1x128xi32>
    %broadcast_in_dim3A_1257 = vector.shape_cast %slice3A_1256 : vector<1x128xi32> to vector<1x128xi32>
    %broadcast_in_dim3A_1258 = vector.broadcast %broadcast_in_dim3A_1257 : vector<1x128xi32> to vector<128x128xi32>
    %slice3A_1259 = vector.extract_strided_slice %lt3A_701 {offsets = [0, 1920], sizes = [1, 128], strides = [1, 1]} : vector<1x2048xi1> to vector<1x128xi1>
    %broadcast_in_dim3A_1260 = vector.shape_cast %slice3A_1259 : vector<1x128xi1> to vector<1x128xi1>
    %broadcast_in_dim3A_1261 = vector.broadcast %broadcast_in_dim3A_1260 : vector<1x128xi1> to vector<128x128xi1>
    %reshape3A_1262 = vector.shape_cast %broadcast_in_dim3A_1258 : vector<128x128xi32> to vector<128x128x1xi32>
    %gather3A_1263 = vector.shape_cast %reshape3A_1262 : vector<128x128x1xi32> to vector<128x128xi32>
    %gather3A_1264 = tpu.dynamic_gather %slice3A_1254[%gather3A_1263] in [1] : vector<128x128xf32>, vector<128x128xi32> -> vector<128x128xf32>
    %reshape3A_1265 = vector.shape_cast %broadcast_in_dim3A_1258 : vector<128x128xi32> to vector<128x128x1xi32>
    %gather3A_1266 = vector.shape_cast %reshape3A_1265 : vector<128x128x1xi32> to vector<128x128xi32>
    %gather3A_1267 = tpu.dynamic_gather %slice3A_1255[%gather3A_1266] in [1] : vector<128x128xf32>, vector<128x128xi32> -> vector<128x128xf32>
    %reshape3A_1268 = vector.shape_cast %broadcast_in_dim3A_1258 : vector<128x128xi32> to vector<128x128x1xi32>
    %gather3A_1269 = vector.shape_cast %reshape3A_1268 : vector<128x128x1xi32> to vector<128x128xi32>
    %gather3A_1270 = tpu.dynamic_gather %slice3A_1252[%gather3A_1269] in [1] : vector<128x128xf32>, vector<128x128xi32> -> vector<128x128xf32>
    %reshape3A_1271 = vector.shape_cast %broadcast_in_dim3A_1258 : vector<128x128xi32> to vector<128x128x1xi32>
    %gather3A_1272 = vector.shape_cast %reshape3A_1271 : vector<128x128x1xi32> to vector<128x128xi32>
    %gather3A_1273 = tpu.dynamic_gather %slice3A_1253[%gather3A_1272] in [1] : vector<128x128xf32>, vector<128x128xi32> -> vector<128x128xf32>
    %select_n3A_1274 = arith.select %broadcast_in_dim3A_1261, %gather3A_1264, %gather3A_1267 : vector<128x128xi1>, vector<128x128xf32>
    %select_n3A_1275 = arith.select %broadcast_in_dim3A_1261, %gather3A_1270, %gather3A_1273 : vector<128x128xi1>, vector<128x128xf32>
    %slice3A_1276 = vector.extract_strided_slice %select_n3A_682 {offsets = [0, 1920], sizes = [1, 128], strides = [1, 1]} : vector<1x2048xf32> to vector<1x128xf32>
    %mul3A_1277 = vector.broadcast %slice3A_1276 : vector<1x128xf32> to vector<128x128xf32>
    %mul3A_1278 = arith.mulf %select_n3A_1274, %mul3A_1277 : vector<128x128xf32>
    %slice3A_1279 = vector.extract_strided_slice %select_n3A_685 {offsets = [0, 1920], sizes = [1, 128], strides = [1, 1]} : vector<1x2048xf32> to vector<1x128xf32>
    %mul3A_1280 = vector.broadcast %slice3A_1279 : vector<1x128xf32> to vector<128x128xf32>
    %mul3A_1281 = arith.mulf %select_n3A_1275, %mul3A_1280 : vector<128x128xf32>
    %add3A_1282 = arith.addf %mul3A_1278, %mul3A_1281 : vector<128x128xf32>
    %reshape3A_1283 = vector.shape_cast %add3A_1282 : vector<128x128xf32> to vector<1x128x128xf32>
    %swap3A_1284 = arith.constant 1 : index
    %swap3A_1285 = arith.constant 0 : index
    %swap3A_1286 = arith.constant 1920 : index
    %swap3A_1287 = vector.load %arg3[%swap3A_1284, %swap3A_1285, %swap3A_1286] : memref<4x128x2048xf32, #tpu.memory_space<vmem>>, vector<1x128x128xf32>
    tpu.vector_store %arg3[%swap3A_1284, %swap3A_1285, %swap3A_1286], %reshape3A_1283 {strides = array<i32>} : memref<4x128x2048xf32, #tpu.memory_space<vmem>>, vector<1x128x128xf32>,
    %mul3A_1288 = arith.constant 4 : i32
    %mul3A_1289 = arith.muli %mul3A_1288, %arg0 : i32
    %add3A_1290 = arith.constant 2 : i32
    %add3A_1291 = arith.addi %mul3A_1289, %add3A_1290 : i32
    %get3A_1292 = arith.index_cast %add3A_1291 : i32 to index
    %get3A_1293 = arith.constant 0 : index
    %get3A_1294 = vector.load %arg1[%get3A_1292, %get3A_1293] : memref<16x4096xf32, #tpu.memory_space<vmem>>, vector<1x4096xf32>
    %reduce_sum3A_1295 = vector.shape_cast %get3A_1294 : vector<1x4096xf32> to vector<1x1x4096xf32>
    %reduce_sum3A_1296 = arith.constant dense<0.000000e+00> : vector<1xf32>
    %reduce_sum3A_1297 = vector.multi_reduction <add>, %reduce_sum3A_1295, %reduce_sum3A_1296 [1, 2] : vector<1x1x4096xf32> to vector<1xf32>
    %reduce_sum3A_1298 = vector.shape_cast %reduce_sum3A_1297 : vector<1xf32> to vector<1x1x1xf32>
    %reduce_sum3A_1299 = vector.extract %reduce_sum3A_1298[0, 0, 0] : f32 from vector<1x1x1xf32>
    %sub3A_1300 = arith.constant 4.096000e+03 : f32
    %sub3A_1301 = arith.subf %sub3A_1300, %reduce_sum3A_1299 : f32
    %add3A_1302 = arith.constant 1.000000e+00 : f32
    %add3A_1303 = arith.addf %sub3A_1301, %add3A_1302 : f32
    %mul3A_1304 = arith.constant 5.000000e-01 : f32
    %mul3A_1305 = arith.mulf %add3A_1303, %mul3A_1304 : f32
    %floor3A_1306 = math.floor %mul3A_1305 : f32
    %max3A_1307 = arith.constant 1.000000e+00 : f32
    %max3A_1308 = arith.maximumf %floor3A_1306, %max3A_1307 : f32
    %div3A_1309 = arith.divf %sub3A_1301, %max3A_1308 : f32
    %iota3A_1310 = tpu.iota {dimensions = array<i32: 1>} : vector<1x2048xi32>
    %convert_element_type3A_1311 = arith.sitofp %iota3A_1310 : vector<1x2048xi32> to vector<1x2048xf32>
    %add3A_1312 = arith.constant 5.000000e-01 : f32
    %add3A_1313 = vector.broadcast %add3A_1312 : f32 to vector<1x2048xf32>
    %add3A_1314 = arith.addf %convert_element_type3A_1311, %add3A_1313 : vector<1x2048xf32>
    %mul3A_1315 = vector.broadcast %div3A_1309 : f32 to vector<1x2048xf32>
    %mul3A_1316 = arith.mulf %add3A_1314, %mul3A_1315 : vector<1x2048xf32>
    %sub3A_1317 = arith.constant 5.000000e-01 : f32
    %sub3A_1318 = vector.broadcast %sub3A_1317 : f32 to vector<1x2048xf32>
    %sub3A_1319 = arith.subf %mul3A_1316, %sub3A_1318 : vector<1x2048xf32>
    %sub3A_1320 = arith.constant 1.000000e+00 : f32
    %sub3A_1321 = arith.subf %sub3A_1301, %sub3A_1320 : f32
    %jit3A_1322 = arith.constant 0.000000e+00 : f32
    %max3A_1323 = vector.broadcast %jit3A_1322 : f32 to vector<1x2048xf32>
    %max3A_1324 = arith.maximumf %max3A_1323, %sub3A_1319 : vector<1x2048xf32>
    %min3A_1325 = vector.broadcast %sub3A_1321 : f32 to vector<1x2048xf32>
    %min3A_1326 = arith.minimumf %min3A_1325, %max3A_1324 : vector<1x2048xf32>
    %floor3A_1327 = math.floor %min3A_1326 : vector<1x2048xf32>
    %sub3A_1328 = arith.subf %min3A_1326, %floor3A_1327 : vector<1x2048xf32>
    %convert_element_type3A_1329 = arith.fptosi %floor3A_1327 : vector<1x2048xf32> to vector<1x2048xi32>
    %lt3A_1330 = vector.broadcast %floor3A_1306 : f32 to vector<1x2048xf32>
    %lt3A_1331 = arith.cmpf olt, %convert_element_type3A_1311, %lt3A_1330 : vector<1x2048xf32>
    %sub3A_1332 = arith.constant 1.000000e+00 : f32
    %sub3A_1333 = vector.broadcast %sub3A_1332 : f32 to vector<1x2048xf32>
    %sub3A_1334 = arith.subf %sub3A_1333, %sub3A_1328 : vector<1x2048xf32>
    %jit3A_1335 = arith.constant 0.000000e+00 : f32
    %broadcast_in_dim3A_1336 = vector.broadcast %jit3A_1335 : f32 to vector<1x2048xf32>
    %select_n3A_1337 = arith.select %lt3A_1331, %sub3A_1334, %broadcast_in_dim3A_1336 : vector<1x2048xi1>, vector<1x2048xf32>
    %jit3A_1338 = arith.constant 0.000000e+00 : f32
    %broadcast_in_dim3A_1339 = vector.broadcast %jit3A_1338 : f32 to vector<1x2048xf32>
    %select_n3A_1340 = arith.select %lt3A_1331, %sub3A_1328, %broadcast_in_dim3A_1339 : vector<1x2048xi1>, vector<1x2048xf32>
    %mul3A_1341 = arith.constant 2 : i32
    %mul3A_1342 = vector.broadcast %mul3A_1341 : i32 to vector<1x2048xi32>
    %mul3A_1343 = arith.muli %mul3A_1342, %iota3A_1310 : vector<1x2048xi32>
    %and3A_1344 = arith.constant 255 : i32
    %and3A_1345 = vector.broadcast %and3A_1344 : i32 to vector<1x2048xi32>
    %and3A_1346 = arith.andi %mul3A_1343, %and3A_1345 : vector<1x2048xi32>
    %eq3A_1347 = arith.cmpi eq, %convert_element_type3A_1329, %mul3A_1343 : vector<1x2048xi32>
    %jit3A_1348 = arith.constant 1 : i32
    %jit3A_1349 = arith.constant 0 : i32
    %broadcast_in_dim3A_1350 = vector.broadcast %jit3A_1348 : i32 to vector<1x2048xi32>
    %broadcast_in_dim3A_1351 = vector.broadcast %jit3A_1349 : i32 to vector<1x2048xi32>
    %select_n3A_1352 = arith.select %eq3A_1347, %broadcast_in_dim3A_1350, %broadcast_in_dim3A_1351 : vector<1x2048xi1>, vector<1x2048xi32>
    %add3A_1353 = arith.addi %and3A_1346, %select_n3A_1352 : vector<1x2048xi32>
    %lt3A_1354 = arith.constant 128 : i32
    %lt3A_1355 = vector.broadcast %lt3A_1354 : i32 to vector<1x2048xi32>
    %lt3A_1356 = arith.cmpi slt, %add3A_1353, %lt3A_1355 : vector<1x2048xi32>
    %and3A_1357 = arith.constant 127 : i32
    %and3A_1358 = vector.broadcast %and3A_1357 : i32 to vector<1x2048xi32>
    %and3A_1359 = arith.andi %add3A_1353, %and3A_1358 : vector<1x2048xi32>
    %get3A_1360 = arith.constant 2 : index
    %get3A_1361 = arith.constant 0 : index
    %get3A_1362 = arith.constant 0 : index
    %get3A_1363 = vector.load %arg2[%get3A_1360, %get3A_1361, %get3A_1362] : memref<4x128x4096xf32, #tpu.memory_space<vmem>>, vector<1x128x4096xf32>
    %get3A_1364 = vector.shape_cast %get3A_1363 : vector<1x128x4096xf32> to vector<128x4096xf32>
    %roll3A_1365 = arith.constant 1 : i32
    %roll3A_1366 = tpu.dynamic_rotate %get3A_1364 by %roll3A_1365 dim 1 : vector<128x4096xf32>, i32 -> vector<128x4096xf32>
    %slice3A_1367 = vector.extract_strided_slice %get3A_1364 {offsets = [0, 0], sizes = [128, 128], strides = [1, 1]} : vector<128x4096xf32> to vector<128x128xf32>
    %slice3A_1368 = vector.extract_strided_slice %get3A_1364 {offsets = [0, 128], sizes = [128, 128], strides = [1, 1]} : vector<128x4096xf32> to vector<128x128xf32>
    %slice3A_1369 = vector.extract_strided_slice %roll3A_1366 {offsets = [0, 0], sizes = [128, 128], strides = [1, 1]} : vector<128x4096xf32> to vector<128x128xf32>
    %slice3A_1370 = vector.extract_strided_slice %roll3A_1366 {offsets = [0, 128], sizes = [128, 128], strides = [1, 1]} : vector<128x4096xf32> to vector<128x128xf32>
    %slice3A_1371 = vector.extract_strided_slice %and3A_1359 {offsets = [0, 0], sizes = [1, 128], strides = [1, 1]} : vector<1x2048xi32> to vector<1x128xi32>
    %broadcast_in_dim3A_1372 = vector.shape_cast %slice3A_1371 : vector<1x128xi32> to vector<1x128xi32>
    %broadcast_in_dim3A_1373 = vector.broadcast %broadcast_in_dim3A_1372 : vector<1x128xi32> to vector<128x128xi32>
    %slice3A_1374 = vector.extract_strided_slice %lt3A_1356 {offsets = [0, 0], sizes = [1, 128], strides = [1, 1]} : vector<1x2048xi1> to vector<1x128xi1>
    %broadcast_in_dim3A_1375 = vector.shape_cast %slice3A_1374 : vector<1x128xi1> to vector<1x128xi1>
    %broadcast_in_dim3A_1376 = vector.broadcast %broadcast_in_dim3A_1375 : vector<1x128xi1> to vector<128x128xi1>
    %reshape3A_1377 = vector.shape_cast %broadcast_in_dim3A_1373 : vector<128x128xi32> to vector<128x128x1xi32>
    %gather3A_1378 = vector.shape_cast %reshape3A_1377 : vector<128x128x1xi32> to vector<128x128xi32>
    %gather3A_1379 = tpu.dynamic_gather %slice3A_1369[%gather3A_1378] in [1] : vector<128x128xf32>, vector<128x128xi32> -> vector<128x128xf32>
    %reshape3A_1380 = vector.shape_cast %broadcast_in_dim3A_1373 : vector<128x128xi32> to vector<128x128x1xi32>
    %gather3A_1381 = vector.shape_cast %reshape3A_1380 : vector<128x128x1xi32> to vector<128x128xi32>
    %gather3A_1382 = tpu.dynamic_gather %slice3A_1370[%gather3A_1381] in [1] : vector<128x128xf32>, vector<128x128xi32> -> vector<128x128xf32>
    %reshape3A_1383 = vector.shape_cast %broadcast_in_dim3A_1373 : vector<128x128xi32> to vector<128x128x1xi32>
    %gather3A_1384 = vector.shape_cast %reshape3A_1383 : vector<128x128x1xi32> to vector<128x128xi32>
    %gather3A_1385 = tpu.dynamic_gather %slice3A_1367[%gather3A_1384] in [1] : vector<128x128xf32>, vector<128x128xi32> -> vector<128x128xf32>
    %reshape3A_1386 = vector.shape_cast %broadcast_in_dim3A_1373 : vector<128x128xi32> to vector<128x128x1xi32>
    %gather3A_1387 = vector.shape_cast %reshape3A_1386 : vector<128x128x1xi32> to vector<128x128xi32>
    %gather3A_1388 = tpu.dynamic_gather %slice3A_1368[%gather3A_1387] in [1] : vector<128x128xf32>, vector<128x128xi32> -> vector<128x128xf32>
    %select_n3A_1389 = arith.select %broadcast_in_dim3A_1376, %gather3A_1379, %gather3A_1382 : vector<128x128xi1>, vector<128x128xf32>
    %select_n3A_1390 = arith.select %broadcast_in_dim3A_1376, %gather3A_1385, %gather3A_1388 : vector<128x128xi1>, vector<128x128xf32>
    %slice3A_1391 = vector.extract_strided_slice %select_n3A_1337 {offsets = [0, 0], sizes = [1, 128], strides = [1, 1]} : vector<1x2048xf32> to vector<1x128xf32>
    %mul3A_1392 = vector.broadcast %slice3A_1391 : vector<1x128xf32> to vector<128x128xf32>
    %mul3A_1393 = arith.mulf %select_n3A_1389, %mul3A_1392 : vector<128x128xf32>
    %slice3A_1394 = vector.extract_strided_slice %select_n3A_1340 {offsets = [0, 0], sizes = [1, 128], strides = [1, 1]} : vector<1x2048xf32> to vector<1x128xf32>
    %mul3A_1395 = vector.broadcast %slice3A_1394 : vector<1x128xf32> to vector<128x128xf32>
    %mul3A_1396 = arith.mulf %select_n3A_1390, %mul3A_1395 : vector<128x128xf32>
    %add3A_1397 = arith.addf %mul3A_1393, %mul3A_1396 : vector<128x128xf32>
    %reshape3A_1398 = vector.shape_cast %add3A_1397 : vector<128x128xf32> to vector<1x128x128xf32>
    %swap3A_1399 = arith.constant 2 : index
    %swap3A_1400 = arith.constant 0 : index
    %swap3A_1401 = arith.constant 0 : index
    %swap3A_1402 = vector.load %arg3[%swap3A_1399, %swap3A_1400, %swap3A_1401] : memref<4x128x2048xf32, #tpu.memory_space<vmem>>, vector<1x128x128xf32>
    tpu.vector_store %arg3[%swap3A_1399, %swap3A_1400, %swap3A_1401], %reshape3A_1398 {strides = array<i32>} : memref<4x128x2048xf32, #tpu.memory_space<vmem>>, vector<1x128x128xf32>,
    %slice3A_1403 = vector.extract_strided_slice %get3A_1364 {offsets = [0, 256], sizes = [128, 128], strides = [1, 1]} : vector<128x4096xf32> to vector<128x128xf32>
    %slice3A_1404 = vector.extract_strided_slice %get3A_1364 {offsets = [0, 384], sizes = [128, 128], strides = [1, 1]} : vector<128x4096xf32> to vector<128x128xf32>
    %slice3A_1405 = vector.extract_strided_slice %roll3A_1366 {offsets = [0, 256], sizes = [128, 128], strides = [1, 1]} : vector<128x4096xf32> to vector<128x128xf32>
    %slice3A_1406 = vector.extract_strided_slice %roll3A_1366 {offsets = [0, 384], sizes = [128, 128], strides = [1, 1]} : vector<128x4096xf32> to vector<128x128xf32>
    %slice3A_1407 = vector.extract_strided_slice %and3A_1359 {offsets = [0, 128], sizes = [1, 128], strides = [1, 1]} : vector<1x2048xi32> to vector<1x128xi32>
    %broadcast_in_dim3A_1408 = vector.shape_cast %slice3A_1407 : vector<1x128xi32> to vector<1x128xi32>
    %broadcast_in_dim3A_1409 = vector.broadcast %broadcast_in_dim3A_1408 : vector<1x128xi32> to vector<128x128xi32>
    %slice3A_1410 = vector.extract_strided_slice %lt3A_1356 {offsets = [0, 128], sizes = [1, 128], strides = [1, 1]} : vector<1x2048xi1> to vector<1x128xi1>
    %broadcast_in_dim3A_1411 = vector.shape_cast %slice3A_1410 : vector<1x128xi1> to vector<1x128xi1>
    %broadcast_in_dim3A_1412 = vector.broadcast %broadcast_in_dim3A_1411 : vector<1x128xi1> to vector<128x128xi1>
    %reshape3A_1413 = vector.shape_cast %broadcast_in_dim3A_1409 : vector<128x128xi32> to vector<128x128x1xi32>
    %gather3A_1414 = vector.shape_cast %reshape3A_1413 : vector<128x128x1xi32> to vector<128x128xi32>
    %gather3A_1415 = tpu.dynamic_gather %slice3A_1405[%gather3A_1414] in [1] : vector<128x128xf32>, vector<128x128xi32> -> vector<128x128xf32>
    %reshape3A_1416 = vector.shape_cast %broadcast_in_dim3A_1409 : vector<128x128xi32> to vector<128x128x1xi32>
    %gather3A_1417 = vector.shape_cast %reshape3A_1416 : vector<128x128x1xi32> to vector<128x128xi32>
    %gather3A_1418 = tpu.dynamic_gather %slice3A_1406[%gather3A_1417] in [1] : vector<128x128xf32>, vector<128x128xi32> -> vector<128x128xf32>
    %reshape3A_1419 = vector.shape_cast %broadcast_in_dim3A_1409 : vector<128x128xi32> to vector<128x128x1xi32>
    %gather3A_1420 = vector.shape_cast %reshape3A_1419 : vector<128x128x1xi32> to vector<128x128xi32>
    %gather3A_1421 = tpu.dynamic_gather %slice3A_1403[%gather3A_1420] in [1] : vector<128x128xf32>, vector<128x128xi32> -> vector<128x128xf32>
    %reshape3A_1422 = vector.shape_cast %broadcast_in_dim3A_1409 : vector<128x128xi32> to vector<128x128x1xi32>
    %gather3A_1423 = vector.shape_cast %reshape3A_1422 : vector<128x128x1xi32> to vector<128x128xi32>
    %gather3A_1424 = tpu.dynamic_gather %slice3A_1404[%gather3A_1423] in [1] : vector<128x128xf32>, vector<128x128xi32> -> vector<128x128xf32>
    %select_n3A_1425 = arith.select %broadcast_in_dim3A_1412, %gather3A_1415, %gather3A_1418 : vector<128x128xi1>, vector<128x128xf32>
    %select_n3A_1426 = arith.select %broadcast_in_dim3A_1412, %gather3A_1421, %gather3A_1424 : vector<128x128xi1>, vector<128x128xf32>
    %slice3A_1427 = vector.extract_strided_slice %select_n3A_1337 {offsets = [0, 128], sizes = [1, 128], strides = [1, 1]} : vector<1x2048xf32> to vector<1x128xf32>
    %mul3A_1428 = vector.broadcast %slice3A_1427 : vector<1x128xf32> to vector<128x128xf32>
    %mul3A_1429 = arith.mulf %select_n3A_1425, %mul3A_1428 : vector<128x128xf32>
    %slice3A_1430 = vector.extract_strided_slice %select_n3A_1340 {offsets = [0, 128], sizes = [1, 128], strides = [1, 1]} : vector<1x2048xf32> to vector<1x128xf32>
    %mul3A_1431 = vector.broadcast %slice3A_1430 : vector<1x128xf32> to vector<128x128xf32>
    %mul3A_1432 = arith.mulf %select_n3A_1426, %mul3A_1431 : vector<128x128xf32>
    %add3A_1433 = arith.addf %mul3A_1429, %mul3A_1432 : vector<128x128xf32>
    %reshape3A_1434 = vector.shape_cast %add3A_1433 : vector<128x128xf32> to vector<1x128x128xf32>
    %swap3A_1435 = arith.constant 2 : index
    %swap3A_1436 = arith.constant 0 : index
    %swap3A_1437 = arith.constant 128 : index
    %swap3A_1438 = vector.load %arg3[%swap3A_1435, %swap3A_1436, %swap3A_1437] : memref<4x128x2048xf32, #tpu.memory_space<vmem>>, vector<1x128x128xf32>
    tpu.vector_store %arg3[%swap3A_1435, %swap3A_1436, %swap3A_1437], %reshape3A_1434 {strides = array<i32>} : memref<4x128x2048xf32, #tpu.memory_space<vmem>>, vector<1x128x128xf32>,
    %slice3A_1439 = vector.extract_strided_slice %get3A_1364 {offsets = [0, 512], sizes = [128, 128], strides = [1, 1]} : vector<128x4096xf32> to vector<128x128xf32>
    %slice3A_1440 = vector.extract_strided_slice %get3A_1364 {offsets = [0, 640], sizes = [128, 128], strides = [1, 1]} : vector<128x4096xf32> to vector<128x128xf32>
    %slice3A_1441 = vector.extract_strided_slice %roll3A_1366 {offsets = [0, 512], sizes = [128, 128], strides = [1, 1]} : vector<128x4096xf32> to vector<128x128xf32>
    %slice3A_1442 = vector.extract_strided_slice %roll3A_1366 {offsets = [0, 640], sizes = [128, 128], strides = [1, 1]} : vector<128x4096xf32> to vector<128x128xf32>
    %slice3A_1443 = vector.extract_strided_slice %and3A_1359 {offsets = [0, 256], sizes = [1, 128], strides = [1, 1]} : vector<1x2048xi32> to vector<1x128xi32>
    %broadcast_in_dim3A_1444 = vector.shape_cast %slice3A_1443 : vector<1x128xi32> to vector<1x128xi32>
    %broadcast_in_dim3A_1445 = vector.broadcast %broadcast_in_dim3A_1444 : vector<1x128xi32> to vector<128x128xi32>
    %slice3A_1446 = vector.extract_strided_slice %lt3A_1356 {offsets = [0, 256], sizes = [1, 128], strides = [1, 1]} : vector<1x2048xi1> to vector<1x128xi1>
    %broadcast_in_dim3A_1447 = vector.shape_cast %slice3A_1446 : vector<1x128xi1> to vector<1x128xi1>
    %broadcast_in_dim3A_1448 = vector.broadcast %broadcast_in_dim3A_1447 : vector<1x128xi1> to vector<128x128xi1>
    %reshape3A_1449 = vector.shape_cast %broadcast_in_dim3A_1445 : vector<128x128xi32> to vector<128x128x1xi32>
    %gather3A_1450 = vector.shape_cast %reshape3A_1449 : vector<128x128x1xi32> to vector<128x128xi32>
    %gather3A_1451 = tpu.dynamic_gather %slice3A_1441[%gather3A_1450] in [1] : vector<128x128xf32>, vector<128x128xi32> -> vector<128x128xf32>
    %reshape3A_1452 = vector.shape_cast %broadcast_in_dim3A_1445 : vector<128x128xi32> to vector<128x128x1xi32>
    %gather3A_1453 = vector.shape_cast %reshape3A_1452 : vector<128x128x1xi32> to vector<128x128xi32>
    %gather3A_1454 = tpu.dynamic_gather %slice3A_1442[%gather3A_1453] in [1] : vector<128x128xf32>, vector<128x128xi32> -> vector<128x128xf32>
    %reshape3A_1455 = vector.shape_cast %broadcast_in_dim3A_1445 : vector<128x128xi32> to vector<128x128x1xi32>
    %gather3A_1456 = vector.shape_cast %reshape3A_1455 : vector<128x128x1xi32> to vector<128x128xi32>
    %gather3A_1457 = tpu.dynamic_gather %slice3A_1439[%gather3A_1456] in [1] : vector<128x128xf32>, vector<128x128xi32> -> vector<128x128xf32>
    %reshape3A_1458 = vector.shape_cast %broadcast_in_dim3A_1445 : vector<128x128xi32> to vector<128x128x1xi32>
    %gather3A_1459 = vector.shape_cast %reshape3A_1458 : vector<128x128x1xi32> to vector<128x128xi32>
    %gather3A_1460 = tpu.dynamic_gather %slice3A_1440[%gather3A_1459] in [1] : vector<128x128xf32>, vector<128x128xi32> -> vector<128x128xf32>
    %select_n3A_1461 = arith.select %broadcast_in_dim3A_1448, %gather3A_1451, %gather3A_1454 : vector<128x128xi1>, vector<128x128xf32>
    %select_n3A_1462 = arith.select %broadcast_in_dim3A_1448, %gather3A_1457, %gather3A_1460 : vector<128x128xi1>, vector<128x128xf32>
    %slice3A_1463 = vector.extract_strided_slice %select_n3A_1337 {offsets = [0, 256], sizes = [1, 128], strides = [1, 1]} : vector<1x2048xf32> to vector<1x128xf32>
    %mul3A_1464 = vector.broadcast %slice3A_1463 : vector<1x128xf32> to vector<128x128xf32>
    %mul3A_1465 = arith.mulf %select_n3A_1461, %mul3A_1464 : vector<128x128xf32>
    %slice3A_1466 = vector.extract_strided_slice %select_n3A_1340 {offsets = [0, 256], sizes = [1, 128], strides = [1, 1]} : vector<1x2048xf32> to vector<1x128xf32>
    %mul3A_1467 = vector.broadcast %slice3A_1466 : vector<1x128xf32> to vector<128x128xf32>
    %mul3A_1468 = arith.mulf %select_n3A_1462, %mul3A_1467 : vector<128x128xf32>
    %add3A_1469 = arith.addf %mul3A_1465, %mul3A_1468 : vector<128x128xf32>
    %reshape3A_1470 = vector.shape_cast %add3A_1469 : vector<128x128xf32> to vector<1x128x128xf32>
    %swap3A_1471 = arith.constant 2 : index
    %swap3A_1472 = arith.constant 0 : index
    %swap3A_1473 = arith.constant 256 : index
    %swap3A_1474 = vector.load %arg3[%swap3A_1471, %swap3A_1472, %swap3A_1473] : memref<4x128x2048xf32, #tpu.memory_space<vmem>>, vector<1x128x128xf32>
    tpu.vector_store %arg3[%swap3A_1471, %swap3A_1472, %swap3A_1473], %reshape3A_1470 {strides = array<i32>} : memref<4x128x2048xf32, #tpu.memory_space<vmem>>, vector<1x128x128xf32>,
    %slice3A_1475 = vector.extract_strided_slice %get3A_1364 {offsets = [0, 768], sizes = [128, 128], strides = [1, 1]} : vector<128x4096xf32> to vector<128x128xf32>
    %slice3A_1476 = vector.extract_strided_slice %get3A_1364 {offsets = [0, 896], sizes = [128, 128], strides = [1, 1]} : vector<128x4096xf32> to vector<128x128xf32>
    %slice3A_1477 = vector.extract_strided_slice %roll3A_1366 {offsets = [0, 768], sizes = [128, 128], strides = [1, 1]} : vector<128x4096xf32> to vector<128x128xf32>
    %slice3A_1478 = vector.extract_strided_slice %roll3A_1366 {offsets = [0, 896], sizes = [128, 128], strides = [1, 1]} : vector<128x4096xf32> to vector<128x128xf32>
    %slice3A_1479 = vector.extract_strided_slice %and3A_1359 {offsets = [0, 384], sizes = [1, 128], strides = [1, 1]} : vector<1x2048xi32> to vector<1x128xi32>
    %broadcast_in_dim3A_1480 = vector.shape_cast %slice3A_1479 : vector<1x128xi32> to vector<1x128xi32>
    %broadcast_in_dim3A_1481 = vector.broadcast %broadcast_in_dim3A_1480 : vector<1x128xi32> to vector<128x128xi32>
    %slice3A_1482 = vector.extract_strided_slice %lt3A_1356 {offsets = [0, 384], sizes = [1, 128], strides = [1, 1]} : vector<1x2048xi1> to vector<1x128xi1>
    %broadcast_in_dim3A_1483 = vector.shape_cast %slice3A_1482 : vector<1x128xi1> to vector<1x128xi1>
    %broadcast_in_dim3A_1484 = vector.broadcast %broadcast_in_dim3A_1483 : vector<1x128xi1> to vector<128x128xi1>
    %reshape3A_1485 = vector.shape_cast %broadcast_in_dim3A_1481 : vector<128x128xi32> to vector<128x128x1xi32>
    %gather3A_1486 = vector.shape_cast %reshape3A_1485 : vector<128x128x1xi32> to vector<128x128xi32>
    %gather3A_1487 = tpu.dynamic_gather %slice3A_1477[%gather3A_1486] in [1] : vector<128x128xf32>, vector<128x128xi32> -> vector<128x128xf32>
    %reshape3A_1488 = vector.shape_cast %broadcast_in_dim3A_1481 : vector<128x128xi32> to vector<128x128x1xi32>
    %gather3A_1489 = vector.shape_cast %reshape3A_1488 : vector<128x128x1xi32> to vector<128x128xi32>
    %gather3A_1490 = tpu.dynamic_gather %slice3A_1478[%gather3A_1489] in [1] : vector<128x128xf32>, vector<128x128xi32> -> vector<128x128xf32>
    %reshape3A_1491 = vector.shape_cast %broadcast_in_dim3A_1481 : vector<128x128xi32> to vector<128x128x1xi32>
    %gather3A_1492 = vector.shape_cast %reshape3A_1491 : vector<128x128x1xi32> to vector<128x128xi32>
    %gather3A_1493 = tpu.dynamic_gather %slice3A_1475[%gather3A_1492] in [1] : vector<128x128xf32>, vector<128x128xi32> -> vector<128x128xf32>
    %reshape3A_1494 = vector.shape_cast %broadcast_in_dim3A_1481 : vector<128x128xi32> to vector<128x128x1xi32>
    %gather3A_1495 = vector.shape_cast %reshape3A_1494 : vector<128x128x1xi32> to vector<128x128xi32>
    %gather3A_1496 = tpu.dynamic_gather %slice3A_1476[%gather3A_1495] in [1] : vector<128x128xf32>, vector<128x128xi32> -> vector<128x128xf32>
    %select_n3A_1497 = arith.select %broadcast_in_dim3A_1484, %gather3A_1487, %gather3A_1490 : vector<128x128xi1>, vector<128x128xf32>
    %select_n3A_1498 = arith.select %broadcast_in_dim3A_1484, %gather3A_1493, %gather3A_1496 : vector<128x128xi1>, vector<128x128xf32>
    %slice3A_1499 = vector.extract_strided_slice %select_n3A_1337 {offsets = [0, 384], sizes = [1, 128], strides = [1, 1]} : vector<1x2048xf32> to vector<1x128xf32>
    %mul3A_1500 = vector.broadcast %slice3A_1499 : vector<1x128xf32> to vector<128x128xf32>
    %mul3A_1501 = arith.mulf %select_n3A_1497, %mul3A_1500 : vector<128x128xf32>
    %slice3A_1502 = vector.extract_strided_slice %select_n3A_1340 {offsets = [0, 384], sizes = [1, 128], strides = [1, 1]} : vector<1x2048xf32> to vector<1x128xf32>
    %mul3A_1503 = vector.broadcast %slice3A_1502 : vector<1x128xf32> to vector<128x128xf32>
    %mul3A_1504 = arith.mulf %select_n3A_1498, %mul3A_1503 : vector<128x128xf32>
    %add3A_1505 = arith.addf %mul3A_1501, %mul3A_1504 : vector<128x128xf32>
    %reshape3A_1506 = vector.shape_cast %add3A_1505 : vector<128x128xf32> to vector<1x128x128xf32>
    %swap3A_1507 = arith.constant 2 : index
    %swap3A_1508 = arith.constant 0 : index
    %swap3A_1509 = arith.constant 384 : index
    %swap3A_1510 = vector.load %arg3[%swap3A_1507, %swap3A_1508, %swap3A_1509] : memref<4x128x2048xf32, #tpu.memory_space<vmem>>, vector<1x128x128xf32>
    tpu.vector_store %arg3[%swap3A_1507, %swap3A_1508, %swap3A_1509], %reshape3A_1506 {strides = array<i32>} : memref<4x128x2048xf32, #tpu.memory_space<vmem>>, vector<1x128x128xf32>,
    %slice3A_1511 = vector.extract_strided_slice %get3A_1364 {offsets = [0, 1024], sizes = [128, 128], strides = [1, 1]} : vector<128x4096xf32> to vector<128x128xf32>
    %slice3A_1512 = vector.extract_strided_slice %get3A_1364 {offsets = [0, 1152], sizes = [128, 128], strides = [1, 1]} : vector<128x4096xf32> to vector<128x128xf32>
    %slice3A_1513 = vector.extract_strided_slice %roll3A_1366 {offsets = [0, 1024], sizes = [128, 128], strides = [1, 1]} : vector<128x4096xf32> to vector<128x128xf32>
    %slice3A_1514 = vector.extract_strided_slice %roll3A_1366 {offsets = [0, 1152], sizes = [128, 128], strides = [1, 1]} : vector<128x4096xf32> to vector<128x128xf32>
    %slice3A_1515 = vector.extract_strided_slice %and3A_1359 {offsets = [0, 512], sizes = [1, 128], strides = [1, 1]} : vector<1x2048xi32> to vector<1x128xi32>
    %broadcast_in_dim3A_1516 = vector.shape_cast %slice3A_1515 : vector<1x128xi32> to vector<1x128xi32>
    %broadcast_in_dim3A_1517 = vector.broadcast %broadcast_in_dim3A_1516 : vector<1x128xi32> to vector<128x128xi32>
    %slice3A_1518 = vector.extract_strided_slice %lt3A_1356 {offsets = [0, 512], sizes = [1, 128], strides = [1, 1]} : vector<1x2048xi1> to vector<1x128xi1>
    %broadcast_in_dim3A_1519 = vector.shape_cast %slice3A_1518 : vector<1x128xi1> to vector<1x128xi1>
    %broadcast_in_dim3A_1520 = vector.broadcast %broadcast_in_dim3A_1519 : vector<1x128xi1> to vector<128x128xi1>
    %reshape3A_1521 = vector.shape_cast %broadcast_in_dim3A_1517 : vector<128x128xi32> to vector<128x128x1xi32>
    %gather3A_1522 = vector.shape_cast %reshape3A_1521 : vector<128x128x1xi32> to vector<128x128xi32>
    %gather3A_1523 = tpu.dynamic_gather %slice3A_1513[%gather3A_1522] in [1] : vector<128x128xf32>, vector<128x128xi32> -> vector<128x128xf32>
    %reshape3A_1524 = vector.shape_cast %broadcast_in_dim3A_1517 : vector<128x128xi32> to vector<128x128x1xi32>
    %gather3A_1525 = vector.shape_cast %reshape3A_1524 : vector<128x128x1xi32> to vector<128x128xi32>
    %gather3A_1526 = tpu.dynamic_gather %slice3A_1514[%gather3A_1525] in [1] : vector<128x128xf32>, vector<128x128xi32> -> vector<128x128xf32>
    %reshape3A_1527 = vector.shape_cast %broadcast_in_dim3A_1517 : vector<128x128xi32> to vector<128x128x1xi32>
    %gather3A_1528 = vector.shape_cast %reshape3A_1527 : vector<128x128x1xi32> to vector<128x128xi32>
    %gather3A_1529 = tpu.dynamic_gather %slice3A_1511[%gather3A_1528] in [1] : vector<128x128xf32>, vector<128x128xi32> -> vector<128x128xf32>
    %reshape3A_1530 = vector.shape_cast %broadcast_in_dim3A_1517 : vector<128x128xi32> to vector<128x128x1xi32>
    %gather3A_1531 = vector.shape_cast %reshape3A_1530 : vector<128x128x1xi32> to vector<128x128xi32>
    %gather3A_1532 = tpu.dynamic_gather %slice3A_1512[%gather3A_1531] in [1] : vector<128x128xf32>, vector<128x128xi32> -> vector<128x128xf32>
    %select_n3A_1533 = arith.select %broadcast_in_dim3A_1520, %gather3A_1523, %gather3A_1526 : vector<128x128xi1>, vector<128x128xf32>
    %select_n3A_1534 = arith.select %broadcast_in_dim3A_1520, %gather3A_1529, %gather3A_1532 : vector<128x128xi1>, vector<128x128xf32>
    %slice3A_1535 = vector.extract_strided_slice %select_n3A_1337 {offsets = [0, 512], sizes = [1, 128], strides = [1, 1]} : vector<1x2048xf32> to vector<1x128xf32>
    %mul3A_1536 = vector.broadcast %slice3A_1535 : vector<1x128xf32> to vector<128x128xf32>
    %mul3A_1537 = arith.mulf %select_n3A_1533, %mul3A_1536 : vector<128x128xf32>
    %slice3A_1538 = vector.extract_strided_slice %select_n3A_1340 {offsets = [0, 512], sizes = [1, 128], strides = [1, 1]} : vector<1x2048xf32> to vector<1x128xf32>
    %mul3A_1539 = vector.broadcast %slice3A_1538 : vector<1x128xf32> to vector<128x128xf32>
    %mul3A_1540 = arith.mulf %select_n3A_1534, %mul3A_1539 : vector<128x128xf32>
    %add3A_1541 = arith.addf %mul3A_1537, %mul3A_1540 : vector<128x128xf32>
    %reshape3A_1542 = vector.shape_cast %add3A_1541 : vector<128x128xf32> to vector<1x128x128xf32>
    %swap3A_1543 = arith.constant 2 : index
    %swap3A_1544 = arith.constant 0 : index
    %swap3A_1545 = arith.constant 512 : index
    %swap3A_1546 = vector.load %arg3[%swap3A_1543, %swap3A_1544, %swap3A_1545] : memref<4x128x2048xf32, #tpu.memory_space<vmem>>, vector<1x128x128xf32>
    tpu.vector_store %arg3[%swap3A_1543, %swap3A_1544, %swap3A_1545], %reshape3A_1542 {strides = array<i32>} : memref<4x128x2048xf32, #tpu.memory_space<vmem>>, vector<1x128x128xf32>,
    %slice3A_1547 = vector.extract_strided_slice %get3A_1364 {offsets = [0, 1280], sizes = [128, 128], strides = [1, 1]} : vector<128x4096xf32> to vector<128x128xf32>
    %slice3A_1548 = vector.extract_strided_slice %get3A_1364 {offsets = [0, 1408], sizes = [128, 128], strides = [1, 1]} : vector<128x4096xf32> to vector<128x128xf32>
    %slice3A_1549 = vector.extract_strided_slice %roll3A_1366 {offsets = [0, 1280], sizes = [128, 128], strides = [1, 1]} : vector<128x4096xf32> to vector<128x128xf32>
    %slice3A_1550 = vector.extract_strided_slice %roll3A_1366 {offsets = [0, 1408], sizes = [128, 128], strides = [1, 1]} : vector<128x4096xf32> to vector<128x128xf32>
    %slice3A_1551 = vector.extract_strided_slice %and3A_1359 {offsets = [0, 640], sizes = [1, 128], strides = [1, 1]} : vector<1x2048xi32> to vector<1x128xi32>
    %broadcast_in_dim3A_1552 = vector.shape_cast %slice3A_1551 : vector<1x128xi32> to vector<1x128xi32>
    %broadcast_in_dim3A_1553 = vector.broadcast %broadcast_in_dim3A_1552 : vector<1x128xi32> to vector<128x128xi32>
    %slice3A_1554 = vector.extract_strided_slice %lt3A_1356 {offsets = [0, 640], sizes = [1, 128], strides = [1, 1]} : vector<1x2048xi1> to vector<1x128xi1>
    %broadcast_in_dim3A_1555 = vector.shape_cast %slice3A_1554 : vector<1x128xi1> to vector<1x128xi1>
    %broadcast_in_dim3A_1556 = vector.broadcast %broadcast_in_dim3A_1555 : vector<1x128xi1> to vector<128x128xi1>
    %reshape3A_1557 = vector.shape_cast %broadcast_in_dim3A_1553 : vector<128x128xi32> to vector<128x128x1xi32>
    %gather3A_1558 = vector.shape_cast %reshape3A_1557 : vector<128x128x1xi32> to vector<128x128xi32>
    %gather3A_1559 = tpu.dynamic_gather %slice3A_1549[%gather3A_1558] in [1] : vector<128x128xf32>, vector<128x128xi32> -> vector<128x128xf32>
    %reshape3A_1560 = vector.shape_cast %broadcast_in_dim3A_1553 : vector<128x128xi32> to vector<128x128x1xi32>
    %gather3A_1561 = vector.shape_cast %reshape3A_1560 : vector<128x128x1xi32> to vector<128x128xi32>
    %gather3A_1562 = tpu.dynamic_gather %slice3A_1550[%gather3A_1561] in [1] : vector<128x128xf32>, vector<128x128xi32> -> vector<128x128xf32>
    %reshape3A_1563 = vector.shape_cast %broadcast_in_dim3A_1553 : vector<128x128xi32> to vector<128x128x1xi32>
    %gather3A_1564 = vector.shape_cast %reshape3A_1563 : vector<128x128x1xi32> to vector<128x128xi32>
    %gather3A_1565 = tpu.dynamic_gather %slice3A_1547[%gather3A_1564] in [1] : vector<128x128xf32>, vector<128x128xi32> -> vector<128x128xf32>
    %reshape3A_1566 = vector.shape_cast %broadcast_in_dim3A_1553 : vector<128x128xi32> to vector<128x128x1xi32>
    %gather3A_1567 = vector.shape_cast %reshape3A_1566 : vector<128x128x1xi32> to vector<128x128xi32>
    %gather3A_1568 = tpu.dynamic_gather %slice3A_1548[%gather3A_1567] in [1] : vector<128x128xf32>, vector<128x128xi32> -> vector<128x128xf32>
    %select_n3A_1569 = arith.select %broadcast_in_dim3A_1556, %gather3A_1559, %gather3A_1562 : vector<128x128xi1>, vector<128x128xf32>
    %select_n3A_1570 = arith.select %broadcast_in_dim3A_1556, %gather3A_1565, %gather3A_1568 : vector<128x128xi1>, vector<128x128xf32>
    %slice3A_1571 = vector.extract_strided_slice %select_n3A_1337 {offsets = [0, 640], sizes = [1, 128], strides = [1, 1]} : vector<1x2048xf32> to vector<1x128xf32>
    %mul3A_1572 = vector.broadcast %slice3A_1571 : vector<1x128xf32> to vector<128x128xf32>
    %mul3A_1573 = arith.mulf %select_n3A_1569, %mul3A_1572 : vector<128x128xf32>
    %slice3A_1574 = vector.extract_strided_slice %select_n3A_1340 {offsets = [0, 640], sizes = [1, 128], strides = [1, 1]} : vector<1x2048xf32> to vector<1x128xf32>
    %mul3A_1575 = vector.broadcast %slice3A_1574 : vector<1x128xf32> to vector<128x128xf32>
    %mul3A_1576 = arith.mulf %select_n3A_1570, %mul3A_1575 : vector<128x128xf32>
    %add3A_1577 = arith.addf %mul3A_1573, %mul3A_1576 : vector<128x128xf32>
    %reshape3A_1578 = vector.shape_cast %add3A_1577 : vector<128x128xf32> to vector<1x128x128xf32>
    %swap3A_1579 = arith.constant 2 : index
    %swap3A_1580 = arith.constant 0 : index
    %swap3A_1581 = arith.constant 640 : index
    %swap3A_1582 = vector.load %arg3[%swap3A_1579, %swap3A_1580, %swap3A_1581] : memref<4x128x2048xf32, #tpu.memory_space<vmem>>, vector<1x128x128xf32>
    tpu.vector_store %arg3[%swap3A_1579, %swap3A_1580, %swap3A_1581], %reshape3A_1578 {strides = array<i32>} : memref<4x128x2048xf32, #tpu.memory_space<vmem>>, vector<1x128x128xf32>,
    %slice3A_1583 = vector.extract_strided_slice %get3A_1364 {offsets = [0, 1536], sizes = [128, 128], strides = [1, 1]} : vector<128x4096xf32> to vector<128x128xf32>
    %slice3A_1584 = vector.extract_strided_slice %get3A_1364 {offsets = [0, 1664], sizes = [128, 128], strides = [1, 1]} : vector<128x4096xf32> to vector<128x128xf32>
    %slice3A_1585 = vector.extract_strided_slice %roll3A_1366 {offsets = [0, 1536], sizes = [128, 128], strides = [1, 1]} : vector<128x4096xf32> to vector<128x128xf32>
    %slice3A_1586 = vector.extract_strided_slice %roll3A_1366 {offsets = [0, 1664], sizes = [128, 128], strides = [1, 1]} : vector<128x4096xf32> to vector<128x128xf32>
    %slice3A_1587 = vector.extract_strided_slice %and3A_1359 {offsets = [0, 768], sizes = [1, 128], strides = [1, 1]} : vector<1x2048xi32> to vector<1x128xi32>
    %broadcast_in_dim3A_1588 = vector.shape_cast %slice3A_1587 : vector<1x128xi32> to vector<1x128xi32>
    %broadcast_in_dim3A_1589 = vector.broadcast %broadcast_in_dim3A_1588 : vector<1x128xi32> to vector<128x128xi32>
    %slice3A_1590 = vector.extract_strided_slice %lt3A_1356 {offsets = [0, 768], sizes = [1, 128], strides = [1, 1]} : vector<1x2048xi1> to vector<1x128xi1>
    %broadcast_in_dim3A_1591 = vector.shape_cast %slice3A_1590 : vector<1x128xi1> to vector<1x128xi1>
    %broadcast_in_dim3A_1592 = vector.broadcast %broadcast_in_dim3A_1591 : vector<1x128xi1> to vector<128x128xi1>
    %reshape3A_1593 = vector.shape_cast %broadcast_in_dim3A_1589 : vector<128x128xi32> to vector<128x128x1xi32>
    %gather3A_1594 = vector.shape_cast %reshape3A_1593 : vector<128x128x1xi32> to vector<128x128xi32>
    %gather3A_1595 = tpu.dynamic_gather %slice3A_1585[%gather3A_1594] in [1] : vector<128x128xf32>, vector<128x128xi32> -> vector<128x128xf32>
    %reshape3A_1596 = vector.shape_cast %broadcast_in_dim3A_1589 : vector<128x128xi32> to vector<128x128x1xi32>
    %gather3A_1597 = vector.shape_cast %reshape3A_1596 : vector<128x128x1xi32> to vector<128x128xi32>
    %gather3A_1598 = tpu.dynamic_gather %slice3A_1586[%gather3A_1597] in [1] : vector<128x128xf32>, vector<128x128xi32> -> vector<128x128xf32>
    %reshape3A_1599 = vector.shape_cast %broadcast_in_dim3A_1589 : vector<128x128xi32> to vector<128x128x1xi32>
    %gather3A_1600 = vector.shape_cast %reshape3A_1599 : vector<128x128x1xi32> to vector<128x128xi32>
    %gather3A_1601 = tpu.dynamic_gather %slice3A_1583[%gather3A_1600] in [1] : vector<128x128xf32>, vector<128x128xi32> -> vector<128x128xf32>
    %reshape3A_1602 = vector.shape_cast %broadcast_in_dim3A_1589 : vector<128x128xi32> to vector<128x128x1xi32>
    %gather3A_1603 = vector.shape_cast %reshape3A_1602 : vector<128x128x1xi32> to vector<128x128xi32>
    %gather3A_1604 = tpu.dynamic_gather %slice3A_1584[%gather3A_1603] in [1] : vector<128x128xf32>, vector<128x128xi32> -> vector<128x128xf32>
    %select_n3A_1605 = arith.select %broadcast_in_dim3A_1592, %gather3A_1595, %gather3A_1598 : vector<128x128xi1>, vector<128x128xf32>
    %select_n3A_1606 = arith.select %broadcast_in_dim3A_1592, %gather3A_1601, %gather3A_1604 : vector<128x128xi1>, vector<128x128xf32>
    %slice3A_1607 = vector.extract_strided_slice %select_n3A_1337 {offsets = [0, 768], sizes = [1, 128], strides = [1, 1]} : vector<1x2048xf32> to vector<1x128xf32>
    %mul3A_1608 = vector.broadcast %slice3A_1607 : vector<1x128xf32> to vector<128x128xf32>
    %mul3A_1609 = arith.mulf %select_n3A_1605, %mul3A_1608 : vector<128x128xf32>
    %slice3A_1610 = vector.extract_strided_slice %select_n3A_1340 {offsets = [0, 768], sizes = [1, 128], strides = [1, 1]} : vector<1x2048xf32> to vector<1x128xf32>
    %mul3A_1611 = vector.broadcast %slice3A_1610 : vector<1x128xf32> to vector<128x128xf32>
    %mul3A_1612 = arith.mulf %select_n3A_1606, %mul3A_1611 : vector<128x128xf32>
    %add3A_1613 = arith.addf %mul3A_1609, %mul3A_1612 : vector<128x128xf32>
    %reshape3A_1614 = vector.shape_cast %add3A_1613 : vector<128x128xf32> to vector<1x128x128xf32>
    %swap3A_1615 = arith.constant 2 : index
    %swap3A_1616 = arith.constant 0 : index
    %swap3A_1617 = arith.constant 768 : index
    %swap3A_1618 = vector.load %arg3[%swap3A_1615, %swap3A_1616, %swap3A_1617] : memref<4x128x2048xf32, #tpu.memory_space<vmem>>, vector<1x128x128xf32>
    tpu.vector_store %arg3[%swap3A_1615, %swap3A_1616, %swap3A_1617], %reshape3A_1614 {strides = array<i32>} : memref<4x128x2048xf32, #tpu.memory_space<vmem>>, vector<1x128x128xf32>,
    %slice3A_1619 = vector.extract_strided_slice %get3A_1364 {offsets = [0, 1792], sizes = [128, 128], strides = [1, 1]} : vector<128x4096xf32> to vector<128x128xf32>
    %slice3A_1620 = vector.extract_strided_slice %get3A_1364 {offsets = [0, 1920], sizes = [128, 128], strides = [1, 1]} : vector<128x4096xf32> to vector<128x128xf32>
    %slice3A_1621 = vector.extract_strided_slice %roll3A_1366 {offsets = [0, 1792], sizes = [128, 128], strides = [1, 1]} : vector<128x4096xf32> to vector<128x128xf32>
    %slice3A_1622 = vector.extract_strided_slice %roll3A_1366 {offsets = [0, 1920], sizes = [128, 128], strides = [1, 1]} : vector<128x4096xf32> to vector<128x128xf32>
    %slice3A_1623 = vector.extract_strided_slice %and3A_1359 {offsets = [0, 896], sizes = [1, 128], strides = [1, 1]} : vector<1x2048xi32> to vector<1x128xi32>
    %broadcast_in_dim3A_1624 = vector.shape_cast %slice3A_1623 : vector<1x128xi32> to vector<1x128xi32>
    %broadcast_in_dim3A_1625 = vector.broadcast %broadcast_in_dim3A_1624 : vector<1x128xi32> to vector<128x128xi32>
    %slice3A_1626 = vector.extract_strided_slice %lt3A_1356 {offsets = [0, 896], sizes = [1, 128], strides = [1, 1]} : vector<1x2048xi1> to vector<1x128xi1>
    %broadcast_in_dim3A_1627 = vector.shape_cast %slice3A_1626 : vector<1x128xi1> to vector<1x128xi1>
    %broadcast_in_dim3A_1628 = vector.broadcast %broadcast_in_dim3A_1627 : vector<1x128xi1> to vector<128x128xi1>
    %reshape3A_1629 = vector.shape_cast %broadcast_in_dim3A_1625 : vector<128x128xi32> to vector<128x128x1xi32>
    %gather3A_1630 = vector.shape_cast %reshape3A_1629 : vector<128x128x1xi32> to vector<128x128xi32>
    %gather3A_1631 = tpu.dynamic_gather %slice3A_1621[%gather3A_1630] in [1] : vector<128x128xf32>, vector<128x128xi32> -> vector<128x128xf32>
    %reshape3A_1632 = vector.shape_cast %broadcast_in_dim3A_1625 : vector<128x128xi32> to vector<128x128x1xi32>
    %gather3A_1633 = vector.shape_cast %reshape3A_1632 : vector<128x128x1xi32> to vector<128x128xi32>
    %gather3A_1634 = tpu.dynamic_gather %slice3A_1622[%gather3A_1633] in [1] : vector<128x128xf32>, vector<128x128xi32> -> vector<128x128xf32>
    %reshape3A_1635 = vector.shape_cast %broadcast_in_dim3A_1625 : vector<128x128xi32> to vector<128x128x1xi32>
    %gather3A_1636 = vector.shape_cast %reshape3A_1635 : vector<128x128x1xi32> to vector<128x128xi32>
    %gather3A_1637 = tpu.dynamic_gather %slice3A_1619[%gather3A_1636] in [1] : vector<128x128xf32>, vector<128x128xi32> -> vector<128x128xf32>
    %reshape3A_1638 = vector.shape_cast %broadcast_in_dim3A_1625 : vector<128x128xi32> to vector<128x128x1xi32>
    %gather3A_1639 = vector.shape_cast %reshape3A_1638 : vector<128x128x1xi32> to vector<128x128xi32>
    %gather3A_1640 = tpu.dynamic_gather %slice3A_1620[%gather3A_1639] in [1] : vector<128x128xf32>, vector<128x128xi32> -> vector<128x128xf32>
    %select_n3A_1641 = arith.select %broadcast_in_dim3A_1628, %gather3A_1631, %gather3A_1634 : vector<128x128xi1>, vector<128x128xf32>
    %select_n3A_1642 = arith.select %broadcast_in_dim3A_1628, %gather3A_1637, %gather3A_1640 : vector<128x128xi1>, vector<128x128xf32>
    %slice3A_1643 = vector.extract_strided_slice %select_n3A_1337 {offsets = [0, 896], sizes = [1, 128], strides = [1, 1]} : vector<1x2048xf32> to vector<1x128xf32>
    %mul3A_1644 = vector.broadcast %slice3A_1643 : vector<1x128xf32> to vector<128x128xf32>
    %mul3A_1645 = arith.mulf %select_n3A_1641, %mul3A_1644 : vector<128x128xf32>
    %slice3A_1646 = vector.extract_strided_slice %select_n3A_1340 {offsets = [0, 896], sizes = [1, 128], strides = [1, 1]} : vector<1x2048xf32> to vector<1x128xf32>
    %mul3A_1647 = vector.broadcast %slice3A_1646 : vector<1x128xf32> to vector<128x128xf32>
    %mul3A_1648 = arith.mulf %select_n3A_1642, %mul3A_1647 : vector<128x128xf32>
    %add3A_1649 = arith.addf %mul3A_1645, %mul3A_1648 : vector<128x128xf32>
    %reshape3A_1650 = vector.shape_cast %add3A_1649 : vector<128x128xf32> to vector<1x128x128xf32>
    %swap3A_1651 = arith.constant 2 : index
    %swap3A_1652 = arith.constant 0 : index
    %swap3A_1653 = arith.constant 896 : index
    %swap3A_1654 = vector.load %arg3[%swap3A_1651, %swap3A_1652, %swap3A_1653] : memref<4x128x2048xf32, #tpu.memory_space<vmem>>, vector<1x128x128xf32>
    tpu.vector_store %arg3[%swap3A_1651, %swap3A_1652, %swap3A_1653], %reshape3A_1650 {strides = array<i32>} : memref<4x128x2048xf32, #tpu.memory_space<vmem>>, vector<1x128x128xf32>,
    %slice3A_1655 = vector.extract_strided_slice %get3A_1364 {offsets = [0, 2048], sizes = [128, 128], strides = [1, 1]} : vector<128x4096xf32> to vector<128x128xf32>
    %slice3A_1656 = vector.extract_strided_slice %get3A_1364 {offsets = [0, 2176], sizes = [128, 128], strides = [1, 1]} : vector<128x4096xf32> to vector<128x128xf32>
    %slice3A_1657 = vector.extract_strided_slice %roll3A_1366 {offsets = [0, 2048], sizes = [128, 128], strides = [1, 1]} : vector<128x4096xf32> to vector<128x128xf32>
    %slice3A_1658 = vector.extract_strided_slice %roll3A_1366 {offsets = [0, 2176], sizes = [128, 128], strides = [1, 1]} : vector<128x4096xf32> to vector<128x128xf32>
    %slice3A_1659 = vector.extract_strided_slice %and3A_1359 {offsets = [0, 1024], sizes = [1, 128], strides = [1, 1]} : vector<1x2048xi32> to vector<1x128xi32>
    %broadcast_in_dim3A_1660 = vector.shape_cast %slice3A_1659 : vector<1x128xi32> to vector<1x128xi32>
    %broadcast_in_dim3A_1661 = vector.broadcast %broadcast_in_dim3A_1660 : vector<1x128xi32> to vector<128x128xi32>
    %slice3A_1662 = vector.extract_strided_slice %lt3A_1356 {offsets = [0, 1024], sizes = [1, 128], strides = [1, 1]} : vector<1x2048xi1> to vector<1x128xi1>
    %broadcast_in_dim3A_1663 = vector.shape_cast %slice3A_1662 : vector<1x128xi1> to vector<1x128xi1>
    %broadcast_in_dim3A_1664 = vector.broadcast %broadcast_in_dim3A_1663 : vector<1x128xi1> to vector<128x128xi1>
    %reshape3A_1665 = vector.shape_cast %broadcast_in_dim3A_1661 : vector<128x128xi32> to vector<128x128x1xi32>
    %gather3A_1666 = vector.shape_cast %reshape3A_1665 : vector<128x128x1xi32> to vector<128x128xi32>
    %gather3A_1667 = tpu.dynamic_gather %slice3A_1657[%gather3A_1666] in [1] : vector<128x128xf32>, vector<128x128xi32> -> vector<128x128xf32>
    %reshape3A_1668 = vector.shape_cast %broadcast_in_dim3A_1661 : vector<128x128xi32> to vector<128x128x1xi32>
    %gather3A_1669 = vector.shape_cast %reshape3A_1668 : vector<128x128x1xi32> to vector<128x128xi32>
    %gather3A_1670 = tpu.dynamic_gather %slice3A_1658[%gather3A_1669] in [1] : vector<128x128xf32>, vector<128x128xi32> -> vector<128x128xf32>
    %reshape3A_1671 = vector.shape_cast %broadcast_in_dim3A_1661 : vector<128x128xi32> to vector<128x128x1xi32>
    %gather3A_1672 = vector.shape_cast %reshape3A_1671 : vector<128x128x1xi32> to vector<128x128xi32>
    %gather3A_1673 = tpu.dynamic_gather %slice3A_1655[%gather3A_1672] in [1] : vector<128x128xf32>, vector<128x128xi32> -> vector<128x128xf32>
    %reshape3A_1674 = vector.shape_cast %broadcast_in_dim3A_1661 : vector<128x128xi32> to vector<128x128x1xi32>
    %gather3A_1675 = vector.shape_cast %reshape3A_1674 : vector<128x128x1xi32> to vector<128x128xi32>
    %gather3A_1676 = tpu.dynamic_gather %slice3A_1656[%gather3A_1675] in [1] : vector<128x128xf32>, vector<128x128xi32> -> vector<128x128xf32>
    %select_n3A_1677 = arith.select %broadcast_in_dim3A_1664, %gather3A_1667, %gather3A_1670 : vector<128x128xi1>, vector<128x128xf32>
    %select_n3A_1678 = arith.select %broadcast_in_dim3A_1664, %gather3A_1673, %gather3A_1676 : vector<128x128xi1>, vector<128x128xf32>
    %slice3A_1679 = vector.extract_strided_slice %select_n3A_1337 {offsets = [0, 1024], sizes = [1, 128], strides = [1, 1]} : vector<1x2048xf32> to vector<1x128xf32>
    %mul3A_1680 = vector.broadcast %slice3A_1679 : vector<1x128xf32> to vector<128x128xf32>
    %mul3A_1681 = arith.mulf %select_n3A_1677, %mul3A_1680 : vector<128x128xf32>
    %slice3A_1682 = vector.extract_strided_slice %select_n3A_1340 {offsets = [0, 1024], sizes = [1, 128], strides = [1, 1]} : vector<1x2048xf32> to vector<1x128xf32>
    %mul3A_1683 = vector.broadcast %slice3A_1682 : vector<1x128xf32> to vector<128x128xf32>
    %mul3A_1684 = arith.mulf %select_n3A_1678, %mul3A_1683 : vector<128x128xf32>
    %add3A_1685 = arith.addf %mul3A_1681, %mul3A_1684 : vector<128x128xf32>
    %reshape3A_1686 = vector.shape_cast %add3A_1685 : vector<128x128xf32> to vector<1x128x128xf32>
    %swap3A_1687 = arith.constant 2 : index
    %swap3A_1688 = arith.constant 0 : index
    %swap3A_1689 = arith.constant 1024 : index
    %swap3A_1690 = vector.load %arg3[%swap3A_1687, %swap3A_1688, %swap3A_1689] : memref<4x128x2048xf32, #tpu.memory_space<vmem>>, vector<1x128x128xf32>
    tpu.vector_store %arg3[%swap3A_1687, %swap3A_1688, %swap3A_1689], %reshape3A_1686 {strides = array<i32>} : memref<4x128x2048xf32, #tpu.memory_space<vmem>>, vector<1x128x128xf32>,
    %slice3A_1691 = vector.extract_strided_slice %get3A_1364 {offsets = [0, 2304], sizes = [128, 128], strides = [1, 1]} : vector<128x4096xf32> to vector<128x128xf32>
    %slice3A_1692 = vector.extract_strided_slice %get3A_1364 {offsets = [0, 2432], sizes = [128, 128], strides = [1, 1]} : vector<128x4096xf32> to vector<128x128xf32>
    %slice3A_1693 = vector.extract_strided_slice %roll3A_1366 {offsets = [0, 2304], sizes = [128, 128], strides = [1, 1]} : vector<128x4096xf32> to vector<128x128xf32>
    %slice3A_1694 = vector.extract_strided_slice %roll3A_1366 {offsets = [0, 2432], sizes = [128, 128], strides = [1, 1]} : vector<128x4096xf32> to vector<128x128xf32>
    %slice3A_1695 = vector.extract_strided_slice %and3A_1359 {offsets = [0, 1152], sizes = [1, 128], strides = [1, 1]} : vector<1x2048xi32> to vector<1x128xi32>
    %broadcast_in_dim3A_1696 = vector.shape_cast %slice3A_1695 : vector<1x128xi32> to vector<1x128xi32>
    %broadcast_in_dim3A_1697 = vector.broadcast %broadcast_in_dim3A_1696 : vector<1x128xi32> to vector<128x128xi32>
    %slice3A_1698 = vector.extract_strided_slice %lt3A_1356 {offsets = [0, 1152], sizes = [1, 128], strides = [1, 1]} : vector<1x2048xi1> to vector<1x128xi1>
    %broadcast_in_dim3A_1699 = vector.shape_cast %slice3A_1698 : vector<1x128xi1> to vector<1x128xi1>
    %broadcast_in_dim3A_1700 = vector.broadcast %broadcast_in_dim3A_1699 : vector<1x128xi1> to vector<128x128xi1>
    %reshape3A_1701 = vector.shape_cast %broadcast_in_dim3A_1697 : vector<128x128xi32> to vector<128x128x1xi32>
    %gather3A_1702 = vector.shape_cast %reshape3A_1701 : vector<128x128x1xi32> to vector<128x128xi32>
    %gather3A_1703 = tpu.dynamic_gather %slice3A_1693[%gather3A_1702] in [1] : vector<128x128xf32>, vector<128x128xi32> -> vector<128x128xf32>
    %reshape3A_1704 = vector.shape_cast %broadcast_in_dim3A_1697 : vector<128x128xi32> to vector<128x128x1xi32>
    %gather3A_1705 = vector.shape_cast %reshape3A_1704 : vector<128x128x1xi32> to vector<128x128xi32>
    %gather3A_1706 = tpu.dynamic_gather %slice3A_1694[%gather3A_1705] in [1] : vector<128x128xf32>, vector<128x128xi32> -> vector<128x128xf32>
    %reshape3A_1707 = vector.shape_cast %broadcast_in_dim3A_1697 : vector<128x128xi32> to vector<128x128x1xi32>
    %gather3A_1708 = vector.shape_cast %reshape3A_1707 : vector<128x128x1xi32> to vector<128x128xi32>
    %gather3A_1709 = tpu.dynamic_gather %slice3A_1691[%gather3A_1708] in [1] : vector<128x128xf32>, vector<128x128xi32> -> vector<128x128xf32>
    %reshape3A_1710 = vector.shape_cast %broadcast_in_dim3A_1697 : vector<128x128xi32> to vector<128x128x1xi32>
    %gather3A_1711 = vector.shape_cast %reshape3A_1710 : vector<128x128x1xi32> to vector<128x128xi32>
    %gather3A_1712 = tpu.dynamic_gather %slice3A_1692[%gather3A_1711] in [1] : vector<128x128xf32>, vector<128x128xi32> -> vector<128x128xf32>
    %select_n3A_1713 = arith.select %broadcast_in_dim3A_1700, %gather3A_1703, %gather3A_1706 : vector<128x128xi1>, vector<128x128xf32>
    %select_n3A_1714 = arith.select %broadcast_in_dim3A_1700, %gather3A_1709, %gather3A_1712 : vector<128x128xi1>, vector<128x128xf32>
    %slice3A_1715 = vector.extract_strided_slice %select_n3A_1337 {offsets = [0, 1152], sizes = [1, 128], strides = [1, 1]} : vector<1x2048xf32> to vector<1x128xf32>
    %mul3A_1716 = vector.broadcast %slice3A_1715 : vector<1x128xf32> to vector<128x128xf32>
    %mul3A_1717 = arith.mulf %select_n3A_1713, %mul3A_1716 : vector<128x128xf32>
    %slice3A_1718 = vector.extract_strided_slice %select_n3A_1340 {offsets = [0, 1152], sizes = [1, 128], strides = [1, 1]} : vector<1x2048xf32> to vector<1x128xf32>
    %mul3A_1719 = vector.broadcast %slice3A_1718 : vector<1x128xf32> to vector<128x128xf32>
    %mul3A_1720 = arith.mulf %select_n3A_1714, %mul3A_1719 : vector<128x128xf32>
    %add3A_1721 = arith.addf %mul3A_1717, %mul3A_1720 : vector<128x128xf32>
    %reshape3A_1722 = vector.shape_cast %add3A_1721 : vector<128x128xf32> to vector<1x128x128xf32>
    %swap3A_1723 = arith.constant 2 : index
    %swap3A_1724 = arith.constant 0 : index
    %swap3A_1725 = arith.constant 1152 : index
    %swap3A_1726 = vector.load %arg3[%swap3A_1723, %swap3A_1724, %swap3A_1725] : memref<4x128x2048xf32, #tpu.memory_space<vmem>>, vector<1x128x128xf32>
    tpu.vector_store %arg3[%swap3A_1723, %swap3A_1724, %swap3A_1725], %reshape3A_1722 {strides = array<i32>} : memref<4x128x2048xf32, #tpu.memory_space<vmem>>, vector<1x128x128xf32>,
    %slice3A_1727 = vector.extract_strided_slice %get3A_1364 {offsets = [0, 2560], sizes = [128, 128], strides = [1, 1]} : vector<128x4096xf32> to vector<128x128xf32>
    %slice3A_1728 = vector.extract_strided_slice %get3A_1364 {offsets = [0, 2688], sizes = [128, 128], strides = [1, 1]} : vector<128x4096xf32> to vector<128x128xf32>
    %slice3A_1729 = vector.extract_strided_slice %roll3A_1366 {offsets = [0, 2560], sizes = [128, 128], strides = [1, 1]} : vector<128x4096xf32> to vector<128x128xf32>
    %slice3A_1730 = vector.extract_strided_slice %roll3A_1366 {offsets = [0, 2688], sizes = [128, 128], strides = [1, 1]} : vector<128x4096xf32> to vector<128x128xf32>
    %slice3A_1731 = vector.extract_strided_slice %and3A_1359 {offsets = [0, 1280], sizes = [1, 128], strides = [1, 1]} : vector<1x2048xi32> to vector<1x128xi32>
    %broadcast_in_dim3A_1732 = vector.shape_cast %slice3A_1731 : vector<1x128xi32> to vector<1x128xi32>
    %broadcast_in_dim3A_1733 = vector.broadcast %broadcast_in_dim3A_1732 : vector<1x128xi32> to vector<128x128xi32>
    %slice3A_1734 = vector.extract_strided_slice %lt3A_1356 {offsets = [0, 1280], sizes = [1, 128], strides = [1, 1]} : vector<1x2048xi1> to vector<1x128xi1>
    %broadcast_in_dim3A_1735 = vector.shape_cast %slice3A_1734 : vector<1x128xi1> to vector<1x128xi1>
    %broadcast_in_dim3A_1736 = vector.broadcast %broadcast_in_dim3A_1735 : vector<1x128xi1> to vector<128x128xi1>
    %reshape3A_1737 = vector.shape_cast %broadcast_in_dim3A_1733 : vector<128x128xi32> to vector<128x128x1xi32>
    %gather3A_1738 = vector.shape_cast %reshape3A_1737 : vector<128x128x1xi32> to vector<128x128xi32>
    %gather3A_1739 = tpu.dynamic_gather %slice3A_1729[%gather3A_1738] in [1] : vector<128x128xf32>, vector<128x128xi32> -> vector<128x128xf32>
    %reshape3A_1740 = vector.shape_cast %broadcast_in_dim3A_1733 : vector<128x128xi32> to vector<128x128x1xi32>
    %gather3A_1741 = vector.shape_cast %reshape3A_1740 : vector<128x128x1xi32> to vector<128x128xi32>
    %gather3A_1742 = tpu.dynamic_gather %slice3A_1730[%gather3A_1741] in [1] : vector<128x128xf32>, vector<128x128xi32> -> vector<128x128xf32>
    %reshape3A_1743 = vector.shape_cast %broadcast_in_dim3A_1733 : vector<128x128xi32> to vector<128x128x1xi32>
    %gather3A_1744 = vector.shape_cast %reshape3A_1743 : vector<128x128x1xi32> to vector<128x128xi32>
    %gather3A_1745 = tpu.dynamic_gather %slice3A_1727[%gather3A_1744] in [1] : vector<128x128xf32>, vector<128x128xi32> -> vector<128x128xf32>
    %reshape3A_1746 = vector.shape_cast %broadcast_in_dim3A_1733 : vector<128x128xi32> to vector<128x128x1xi32>
    %gather3A_1747 = vector.shape_cast %reshape3A_1746 : vector<128x128x1xi32> to vector<128x128xi32>
    %gather3A_1748 = tpu.dynamic_gather %slice3A_1728[%gather3A_1747] in [1] : vector<128x128xf32>, vector<128x128xi32> -> vector<128x128xf32>
    %select_n3A_1749 = arith.select %broadcast_in_dim3A_1736, %gather3A_1739, %gather3A_1742 : vector<128x128xi1>, vector<128x128xf32>
    %select_n3A_1750 = arith.select %broadcast_in_dim3A_1736, %gather3A_1745, %gather3A_1748 : vector<128x128xi1>, vector<128x128xf32>
    %slice3A_1751 = vector.extract_strided_slice %select_n3A_1337 {offsets = [0, 1280], sizes = [1, 128], strides = [1, 1]} : vector<1x2048xf32> to vector<1x128xf32>
    %mul3A_1752 = vector.broadcast %slice3A_1751 : vector<1x128xf32> to vector<128x128xf32>
    %mul3A_1753 = arith.mulf %select_n3A_1749, %mul3A_1752 : vector<128x128xf32>
    %slice3A_1754 = vector.extract_strided_slice %select_n3A_1340 {offsets = [0, 1280], sizes = [1, 128], strides = [1, 1]} : vector<1x2048xf32> to vector<1x128xf32>
    %mul3A_1755 = vector.broadcast %slice3A_1754 : vector<1x128xf32> to vector<128x128xf32>
    %mul3A_1756 = arith.mulf %select_n3A_1750, %mul3A_1755 : vector<128x128xf32>
    %add3A_1757 = arith.addf %mul3A_1753, %mul3A_1756 : vector<128x128xf32>
    %reshape3A_1758 = vector.shape_cast %add3A_1757 : vector<128x128xf32> to vector<1x128x128xf32>
    %swap3A_1759 = arith.constant 2 : index
    %swap3A_1760 = arith.constant 0 : index
    %swap3A_1761 = arith.constant 1280 : index
    %swap3A_1762 = vector.load %arg3[%swap3A_1759, %swap3A_1760, %swap3A_1761] : memref<4x128x2048xf32, #tpu.memory_space<vmem>>, vector<1x128x128xf32>
    tpu.vector_store %arg3[%swap3A_1759, %swap3A_1760, %swap3A_1761], %reshape3A_1758 {strides = array<i32>} : memref<4x128x2048xf32, #tpu.memory_space<vmem>>, vector<1x128x128xf32>,
    %slice3A_1763 = vector.extract_strided_slice %get3A_1364 {offsets = [0, 2816], sizes = [128, 128], strides = [1, 1]} : vector<128x4096xf32> to vector<128x128xf32>
    %slice3A_1764 = vector.extract_strided_slice %get3A_1364 {offsets = [0, 2944], sizes = [128, 128], strides = [1, 1]} : vector<128x4096xf32> to vector<128x128xf32>
    %slice3A_1765 = vector.extract_strided_slice %roll3A_1366 {offsets = [0, 2816], sizes = [128, 128], strides = [1, 1]} : vector<128x4096xf32> to vector<128x128xf32>
    %slice3A_1766 = vector.extract_strided_slice %roll3A_1366 {offsets = [0, 2944], sizes = [128, 128], strides = [1, 1]} : vector<128x4096xf32> to vector<128x128xf32>
    %slice3A_1767 = vector.extract_strided_slice %and3A_1359 {offsets = [0, 1408], sizes = [1, 128], strides = [1, 1]} : vector<1x2048xi32> to vector<1x128xi32>
    %broadcast_in_dim3A_1768 = vector.shape_cast %slice3A_1767 : vector<1x128xi32> to vector<1x128xi32>
    %broadcast_in_dim3A_1769 = vector.broadcast %broadcast_in_dim3A_1768 : vector<1x128xi32> to vector<128x128xi32>
    %slice3A_1770 = vector.extract_strided_slice %lt3A_1356 {offsets = [0, 1408], sizes = [1, 128], strides = [1, 1]} : vector<1x2048xi1> to vector<1x128xi1>
    %broadcast_in_dim3A_1771 = vector.shape_cast %slice3A_1770 : vector<1x128xi1> to vector<1x128xi1>
    %broadcast_in_dim3A_1772 = vector.broadcast %broadcast_in_dim3A_1771 : vector<1x128xi1> to vector<128x128xi1>
    %reshape3A_1773 = vector.shape_cast %broadcast_in_dim3A_1769 : vector<128x128xi32> to vector<128x128x1xi32>
    %gather3A_1774 = vector.shape_cast %reshape3A_1773 : vector<128x128x1xi32> to vector<128x128xi32>
    %gather3A_1775 = tpu.dynamic_gather %slice3A_1765[%gather3A_1774] in [1] : vector<128x128xf32>, vector<128x128xi32> -> vector<128x128xf32>
    %reshape3A_1776 = vector.shape_cast %broadcast_in_dim3A_1769 : vector<128x128xi32> to vector<128x128x1xi32>
    %gather3A_1777 = vector.shape_cast %reshape3A_1776 : vector<128x128x1xi32> to vector<128x128xi32>
    %gather3A_1778 = tpu.dynamic_gather %slice3A_1766[%gather3A_1777] in [1] : vector<128x128xf32>, vector<128x128xi32> -> vector<128x128xf32>
    %reshape3A_1779 = vector.shape_cast %broadcast_in_dim3A_1769 : vector<128x128xi32> to vector<128x128x1xi32>
    %gather3A_1780 = vector.shape_cast %reshape3A_1779 : vector<128x128x1xi32> to vector<128x128xi32>
    %gather3A_1781 = tpu.dynamic_gather %slice3A_1763[%gather3A_1780] in [1] : vector<128x128xf32>, vector<128x128xi32> -> vector<128x128xf32>
    %reshape3A_1782 = vector.shape_cast %broadcast_in_dim3A_1769 : vector<128x128xi32> to vector<128x128x1xi32>
    %gather3A_1783 = vector.shape_cast %reshape3A_1782 : vector<128x128x1xi32> to vector<128x128xi32>
    %gather3A_1784 = tpu.dynamic_gather %slice3A_1764[%gather3A_1783] in [1] : vector<128x128xf32>, vector<128x128xi32> -> vector<128x128xf32>
    %select_n3A_1785 = arith.select %broadcast_in_dim3A_1772, %gather3A_1775, %gather3A_1778 : vector<128x128xi1>, vector<128x128xf32>
    %select_n3A_1786 = arith.select %broadcast_in_dim3A_1772, %gather3A_1781, %gather3A_1784 : vector<128x128xi1>, vector<128x128xf32>
    %slice3A_1787 = vector.extract_strided_slice %select_n3A_1337 {offsets = [0, 1408], sizes = [1, 128], strides = [1, 1]} : vector<1x2048xf32> to vector<1x128xf32>
    %mul3A_1788 = vector.broadcast %slice3A_1787 : vector<1x128xf32> to vector<128x128xf32>
    %mul3A_1789 = arith.mulf %select_n3A_1785, %mul3A_1788 : vector<128x128xf32>
    %slice3A_1790 = vector.extract_strided_slice %select_n3A_1340 {offsets = [0, 1408], sizes = [1, 128], strides = [1, 1]} : vector<1x2048xf32> to vector<1x128xf32>
    %mul3A_1791 = vector.broadcast %slice3A_1790 : vector<1x128xf32> to vector<128x128xf32>
    %mul3A_1792 = arith.mulf %select_n3A_1786, %mul3A_1791 : vector<128x128xf32>
    %add3A_1793 = arith.addf %mul3A_1789, %mul3A_1792 : vector<128x128xf32>
    %reshape3A_1794 = vector.shape_cast %add3A_1793 : vector<128x128xf32> to vector<1x128x128xf32>
    %swap3A_1795 = arith.constant 2 : index
    %swap3A_1796 = arith.constant 0 : index
    %swap3A_1797 = arith.constant 1408 : index
    %swap3A_1798 = vector.load %arg3[%swap3A_1795, %swap3A_1796, %swap3A_1797] : memref<4x128x2048xf32, #tpu.memory_space<vmem>>, vector<1x128x128xf32>
    tpu.vector_store %arg3[%swap3A_1795, %swap3A_1796, %swap3A_1797], %reshape3A_1794 {strides = array<i32>} : memref<4x128x2048xf32, #tpu.memory_space<vmem>>, vector<1x128x128xf32>,
    %slice3A_1799 = vector.extract_strided_slice %get3A_1364 {offsets = [0, 3072], sizes = [128, 128], strides = [1, 1]} : vector<128x4096xf32> to vector<128x128xf32>
    %slice3A_1800 = vector.extract_strided_slice %get3A_1364 {offsets = [0, 3200], sizes = [128, 128], strides = [1, 1]} : vector<128x4096xf32> to vector<128x128xf32>
    %slice3A_1801 = vector.extract_strided_slice %roll3A_1366 {offsets = [0, 3072], sizes = [128, 128], strides = [1, 1]} : vector<128x4096xf32> to vector<128x128xf32>
    %slice3A_1802 = vector.extract_strided_slice %roll3A_1366 {offsets = [0, 3200], sizes = [128, 128], strides = [1, 1]} : vector<128x4096xf32> to vector<128x128xf32>
    %slice3A_1803 = vector.extract_strided_slice %and3A_1359 {offsets = [0, 1536], sizes = [1, 128], strides = [1, 1]} : vector<1x2048xi32> to vector<1x128xi32>
    %broadcast_in_dim3A_1804 = vector.shape_cast %slice3A_1803 : vector<1x128xi32> to vector<1x128xi32>
    %broadcast_in_dim3A_1805 = vector.broadcast %broadcast_in_dim3A_1804 : vector<1x128xi32> to vector<128x128xi32>
    %slice3A_1806 = vector.extract_strided_slice %lt3A_1356 {offsets = [0, 1536], sizes = [1, 128], strides = [1, 1]} : vector<1x2048xi1> to vector<1x128xi1>
    %broadcast_in_dim3A_1807 = vector.shape_cast %slice3A_1806 : vector<1x128xi1> to vector<1x128xi1>
    %broadcast_in_dim3A_1808 = vector.broadcast %broadcast_in_dim3A_1807 : vector<1x128xi1> to vector<128x128xi1>
    %reshape3A_1809 = vector.shape_cast %broadcast_in_dim3A_1805 : vector<128x128xi32> to vector<128x128x1xi32>
    %gather3A_1810 = vector.shape_cast %reshape3A_1809 : vector<128x128x1xi32> to vector<128x128xi32>
    %gather3A_1811 = tpu.dynamic_gather %slice3A_1801[%gather3A_1810] in [1] : vector<128x128xf32>, vector<128x128xi32> -> vector<128x128xf32>
    %reshape3A_1812 = vector.shape_cast %broadcast_in_dim3A_1805 : vector<128x128xi32> to vector<128x128x1xi32>
    %gather3A_1813 = vector.shape_cast %reshape3A_1812 : vector<128x128x1xi32> to vector<128x128xi32>
    %gather3A_1814 = tpu.dynamic_gather %slice3A_1802[%gather3A_1813] in [1] : vector<128x128xf32>, vector<128x128xi32> -> vector<128x128xf32>
    %reshape3A_1815 = vector.shape_cast %broadcast_in_dim3A_1805 : vector<128x128xi32> to vector<128x128x1xi32>
    %gather3A_1816 = vector.shape_cast %reshape3A_1815 : vector<128x128x1xi32> to vector<128x128xi32>
    %gather3A_1817 = tpu.dynamic_gather %slice3A_1799[%gather3A_1816] in [1] : vector<128x128xf32>, vector<128x128xi32> -> vector<128x128xf32>
    %reshape3A_1818 = vector.shape_cast %broadcast_in_dim3A_1805 : vector<128x128xi32> to vector<128x128x1xi32>
    %gather3A_1819 = vector.shape_cast %reshape3A_1818 : vector<128x128x1xi32> to vector<128x128xi32>
    %gather3A_1820 = tpu.dynamic_gather %slice3A_1800[%gather3A_1819] in [1] : vector<128x128xf32>, vector<128x128xi32> -> vector<128x128xf32>
    %select_n3A_1821 = arith.select %broadcast_in_dim3A_1808, %gather3A_1811, %gather3A_1814 : vector<128x128xi1>, vector<128x128xf32>
    %select_n3A_1822 = arith.select %broadcast_in_dim3A_1808, %gather3A_1817, %gather3A_1820 : vector<128x128xi1>, vector<128x128xf32>
    %slice3A_1823 = vector.extract_strided_slice %select_n3A_1337 {offsets = [0, 1536], sizes = [1, 128], strides = [1, 1]} : vector<1x2048xf32> to vector<1x128xf32>
    %mul3A_1824 = vector.broadcast %slice3A_1823 : vector<1x128xf32> to vector<128x128xf32>
    %mul3A_1825 = arith.mulf %select_n3A_1821, %mul3A_1824 : vector<128x128xf32>
    %slice3A_1826 = vector.extract_strided_slice %select_n3A_1340 {offsets = [0, 1536], sizes = [1, 128], strides = [1, 1]} : vector<1x2048xf32> to vector<1x128xf32>
    %mul3A_1827 = vector.broadcast %slice3A_1826 : vector<1x128xf32> to vector<128x128xf32>
    %mul3A_1828 = arith.mulf %select_n3A_1822, %mul3A_1827 : vector<128x128xf32>
    %add3A_1829 = arith.addf %mul3A_1825, %mul3A_1828 : vector<128x128xf32>
    %reshape3A_1830 = vector.shape_cast %add3A_1829 : vector<128x128xf32> to vector<1x128x128xf32>
    %swap3A_1831 = arith.constant 2 : index
    %swap3A_1832 = arith.constant 0 : index
    %swap3A_1833 = arith.constant 1536 : index
    %swap3A_1834 = vector.load %arg3[%swap3A_1831, %swap3A_1832, %swap3A_1833] : memref<4x128x2048xf32, #tpu.memory_space<vmem>>, vector<1x128x128xf32>
    tpu.vector_store %arg3[%swap3A_1831, %swap3A_1832, %swap3A_1833], %reshape3A_1830 {strides = array<i32>} : memref<4x128x2048xf32, #tpu.memory_space<vmem>>, vector<1x128x128xf32>,
    %slice3A_1835 = vector.extract_strided_slice %get3A_1364 {offsets = [0, 3328], sizes = [128, 128], strides = [1, 1]} : vector<128x4096xf32> to vector<128x128xf32>
    %slice3A_1836 = vector.extract_strided_slice %get3A_1364 {offsets = [0, 3456], sizes = [128, 128], strides = [1, 1]} : vector<128x4096xf32> to vector<128x128xf32>
    %slice3A_1837 = vector.extract_strided_slice %roll3A_1366 {offsets = [0, 3328], sizes = [128, 128], strides = [1, 1]} : vector<128x4096xf32> to vector<128x128xf32>
    %slice3A_1838 = vector.extract_strided_slice %roll3A_1366 {offsets = [0, 3456], sizes = [128, 128], strides = [1, 1]} : vector<128x4096xf32> to vector<128x128xf32>
    %slice3A_1839 = vector.extract_strided_slice %and3A_1359 {offsets = [0, 1664], sizes = [1, 128], strides = [1, 1]} : vector<1x2048xi32> to vector<1x128xi32>
    %broadcast_in_dim3A_1840 = vector.shape_cast %slice3A_1839 : vector<1x128xi32> to vector<1x128xi32>
    %broadcast_in_dim3A_1841 = vector.broadcast %broadcast_in_dim3A_1840 : vector<1x128xi32> to vector<128x128xi32>
    %slice3A_1842 = vector.extract_strided_slice %lt3A_1356 {offsets = [0, 1664], sizes = [1, 128], strides = [1, 1]} : vector<1x2048xi1> to vector<1x128xi1>
    %broadcast_in_dim3A_1843 = vector.shape_cast %slice3A_1842 : vector<1x128xi1> to vector<1x128xi1>
    %broadcast_in_dim3A_1844 = vector.broadcast %broadcast_in_dim3A_1843 : vector<1x128xi1> to vector<128x128xi1>
    %reshape3A_1845 = vector.shape_cast %broadcast_in_dim3A_1841 : vector<128x128xi32> to vector<128x128x1xi32>
    %gather3A_1846 = vector.shape_cast %reshape3A_1845 : vector<128x128x1xi32> to vector<128x128xi32>
    %gather3A_1847 = tpu.dynamic_gather %slice3A_1837[%gather3A_1846] in [1] : vector<128x128xf32>, vector<128x128xi32> -> vector<128x128xf32>
    %reshape3A_1848 = vector.shape_cast %broadcast_in_dim3A_1841 : vector<128x128xi32> to vector<128x128x1xi32>
    %gather3A_1849 = vector.shape_cast %reshape3A_1848 : vector<128x128x1xi32> to vector<128x128xi32>
    %gather3A_1850 = tpu.dynamic_gather %slice3A_1838[%gather3A_1849] in [1] : vector<128x128xf32>, vector<128x128xi32> -> vector<128x128xf32>
    %reshape3A_1851 = vector.shape_cast %broadcast_in_dim3A_1841 : vector<128x128xi32> to vector<128x128x1xi32>
    %gather3A_1852 = vector.shape_cast %reshape3A_1851 : vector<128x128x1xi32> to vector<128x128xi32>
    %gather3A_1853 = tpu.dynamic_gather %slice3A_1835[%gather3A_1852] in [1] : vector<128x128xf32>, vector<128x128xi32> -> vector<128x128xf32>
    %reshape3A_1854 = vector.shape_cast %broadcast_in_dim3A_1841 : vector<128x128xi32> to vector<128x128x1xi32>
    %gather3A_1855 = vector.shape_cast %reshape3A_1854 : vector<128x128x1xi32> to vector<128x128xi32>
    %gather3A_1856 = tpu.dynamic_gather %slice3A_1836[%gather3A_1855] in [1] : vector<128x128xf32>, vector<128x128xi32> -> vector<128x128xf32>
    %select_n3A_1857 = arith.select %broadcast_in_dim3A_1844, %gather3A_1847, %gather3A_1850 : vector<128x128xi1>, vector<128x128xf32>
    %select_n3A_1858 = arith.select %broadcast_in_dim3A_1844, %gather3A_1853, %gather3A_1856 : vector<128x128xi1>, vector<128x128xf32>
    %slice3A_1859 = vector.extract_strided_slice %select_n3A_1337 {offsets = [0, 1664], sizes = [1, 128], strides = [1, 1]} : vector<1x2048xf32> to vector<1x128xf32>
    %mul3A_1860 = vector.broadcast %slice3A_1859 : vector<1x128xf32> to vector<128x128xf32>
    %mul3A_1861 = arith.mulf %select_n3A_1857, %mul3A_1860 : vector<128x128xf32>
    %slice3A_1862 = vector.extract_strided_slice %select_n3A_1340 {offsets = [0, 1664], sizes = [1, 128], strides = [1, 1]} : vector<1x2048xf32> to vector<1x128xf32>
    %mul3A_1863 = vector.broadcast %slice3A_1862 : vector<1x128xf32> to vector<128x128xf32>
    %mul3A_1864 = arith.mulf %select_n3A_1858, %mul3A_1863 : vector<128x128xf32>
    %add3A_1865 = arith.addf %mul3A_1861, %mul3A_1864 : vector<128x128xf32>
    %reshape3A_1866 = vector.shape_cast %add3A_1865 : vector<128x128xf32> to vector<1x128x128xf32>
    %swap3A_1867 = arith.constant 2 : index
    %swap3A_1868 = arith.constant 0 : index
    %swap3A_1869 = arith.constant 1664 : index
    %swap3A_1870 = vector.load %arg3[%swap3A_1867, %swap3A_1868, %swap3A_1869] : memref<4x128x2048xf32, #tpu.memory_space<vmem>>, vector<1x128x128xf32>
    tpu.vector_store %arg3[%swap3A_1867, %swap3A_1868, %swap3A_1869], %reshape3A_1866 {strides = array<i32>} : memref<4x128x2048xf32, #tpu.memory_space<vmem>>, vector<1x128x128xf32>,
    %slice3A_1871 = vector.extract_strided_slice %get3A_1364 {offsets = [0, 3584], sizes = [128, 128], strides = [1, 1]} : vector<128x4096xf32> to vector<128x128xf32>
    %slice3A_1872 = vector.extract_strided_slice %get3A_1364 {offsets = [0, 3712], sizes = [128, 128], strides = [1, 1]} : vector<128x4096xf32> to vector<128x128xf32>
    %slice3A_1873 = vector.extract_strided_slice %roll3A_1366 {offsets = [0, 3584], sizes = [128, 128], strides = [1, 1]} : vector<128x4096xf32> to vector<128x128xf32>
    %slice3A_1874 = vector.extract_strided_slice %roll3A_1366 {offsets = [0, 3712], sizes = [128, 128], strides = [1, 1]} : vector<128x4096xf32> to vector<128x128xf32>
    %slice3A_1875 = vector.extract_strided_slice %and3A_1359 {offsets = [0, 1792], sizes = [1, 128], strides = [1, 1]} : vector<1x2048xi32> to vector<1x128xi32>
    %broadcast_in_dim3A_1876 = vector.shape_cast %slice3A_1875 : vector<1x128xi32> to vector<1x128xi32>
    %broadcast_in_dim3A_1877 = vector.broadcast %broadcast_in_dim3A_1876 : vector<1x128xi32> to vector<128x128xi32>
    %slice3A_1878 = vector.extract_strided_slice %lt3A_1356 {offsets = [0, 1792], sizes = [1, 128], strides = [1, 1]} : vector<1x2048xi1> to vector<1x128xi1>
    %broadcast_in_dim3A_1879 = vector.shape_cast %slice3A_1878 : vector<1x128xi1> to vector<1x128xi1>
    %broadcast_in_dim3A_1880 = vector.broadcast %broadcast_in_dim3A_1879 : vector<1x128xi1> to vector<128x128xi1>
    %reshape3A_1881 = vector.shape_cast %broadcast_in_dim3A_1877 : vector<128x128xi32> to vector<128x128x1xi32>
    %gather3A_1882 = vector.shape_cast %reshape3A_1881 : vector<128x128x1xi32> to vector<128x128xi32>
    %gather3A_1883 = tpu.dynamic_gather %slice3A_1873[%gather3A_1882] in [1] : vector<128x128xf32>, vector<128x128xi32> -> vector<128x128xf32>
    %reshape3A_1884 = vector.shape_cast %broadcast_in_dim3A_1877 : vector<128x128xi32> to vector<128x128x1xi32>
    %gather3A_1885 = vector.shape_cast %reshape3A_1884 : vector<128x128x1xi32> to vector<128x128xi32>
    %gather3A_1886 = tpu.dynamic_gather %slice3A_1874[%gather3A_1885] in [1] : vector<128x128xf32>, vector<128x128xi32> -> vector<128x128xf32>
    %reshape3A_1887 = vector.shape_cast %broadcast_in_dim3A_1877 : vector<128x128xi32> to vector<128x128x1xi32>
    %gather3A_1888 = vector.shape_cast %reshape3A_1887 : vector<128x128x1xi32> to vector<128x128xi32>
    %gather3A_1889 = tpu.dynamic_gather %slice3A_1871[%gather3A_1888] in [1] : vector<128x128xf32>, vector<128x128xi32> -> vector<128x128xf32>
    %reshape3A_1890 = vector.shape_cast %broadcast_in_dim3A_1877 : vector<128x128xi32> to vector<128x128x1xi32>
    %gather3A_1891 = vector.shape_cast %reshape3A_1890 : vector<128x128x1xi32> to vector<128x128xi32>
    %gather3A_1892 = tpu.dynamic_gather %slice3A_1872[%gather3A_1891] in [1] : vector<128x128xf32>, vector<128x128xi32> -> vector<128x128xf32>
    %select_n3A_1893 = arith.select %broadcast_in_dim3A_1880, %gather3A_1883, %gather3A_1886 : vector<128x128xi1>, vector<128x128xf32>
    %select_n3A_1894 = arith.select %broadcast_in_dim3A_1880, %gather3A_1889, %gather3A_1892 : vector<128x128xi1>, vector<128x128xf32>
    %slice3A_1895 = vector.extract_strided_slice %select_n3A_1337 {offsets = [0, 1792], sizes = [1, 128], strides = [1, 1]} : vector<1x2048xf32> to vector<1x128xf32>
    %mul3A_1896 = vector.broadcast %slice3A_1895 : vector<1x128xf32> to vector<128x128xf32>
    %mul3A_1897 = arith.mulf %select_n3A_1893, %mul3A_1896 : vector<128x128xf32>
    %slice3A_1898 = vector.extract_strided_slice %select_n3A_1340 {offsets = [0, 1792], sizes = [1, 128], strides = [1, 1]} : vector<1x2048xf32> to vector<1x128xf32>
    %mul3A_1899 = vector.broadcast %slice3A_1898 : vector<1x128xf32> to vector<128x128xf32>
    %mul3A_1900 = arith.mulf %select_n3A_1894, %mul3A_1899 : vector<128x128xf32>
    %add3A_1901 = arith.addf %mul3A_1897, %mul3A_1900 : vector<128x128xf32>
    %reshape3A_1902 = vector.shape_cast %add3A_1901 : vector<128x128xf32> to vector<1x128x128xf32>
    %swap3A_1903 = arith.constant 2 : index
    %swap3A_1904 = arith.constant 0 : index
    %swap3A_1905 = arith.constant 1792 : index
    %swap3A_1906 = vector.load %arg3[%swap3A_1903, %swap3A_1904, %swap3A_1905] : memref<4x128x2048xf32, #tpu.memory_space<vmem>>, vector<1x128x128xf32>
    tpu.vector_store %arg3[%swap3A_1903, %swap3A_1904, %swap3A_1905], %reshape3A_1902 {strides = array<i32>} : memref<4x128x2048xf32, #tpu.memory_space<vmem>>, vector<1x128x128xf32>,
    %slice3A_1907 = vector.extract_strided_slice %get3A_1364 {offsets = [0, 3840], sizes = [128, 128], strides = [1, 1]} : vector<128x4096xf32> to vector<128x128xf32>
    %slice3A_1908 = vector.extract_strided_slice %get3A_1364 {offsets = [0, 3968], sizes = [128, 128], strides = [1, 1]} : vector<128x4096xf32> to vector<128x128xf32>
    %slice3A_1909 = vector.extract_strided_slice %roll3A_1366 {offsets = [0, 3840], sizes = [128, 128], strides = [1, 1]} : vector<128x4096xf32> to vector<128x128xf32>
    %slice3A_1910 = vector.extract_strided_slice %roll3A_1366 {offsets = [0, 3968], sizes = [128, 128], strides = [1, 1]} : vector<128x4096xf32> to vector<128x128xf32>
    %slice3A_1911 = vector.extract_strided_slice %and3A_1359 {offsets = [0, 1920], sizes = [1, 128], strides = [1, 1]} : vector<1x2048xi32> to vector<1x128xi32>
    %broadcast_in_dim3A_1912 = vector.shape_cast %slice3A_1911 : vector<1x128xi32> to vector<1x128xi32>
    %broadcast_in_dim3A_1913 = vector.broadcast %broadcast_in_dim3A_1912 : vector<1x128xi32> to vector<128x128xi32>
    %slice3A_1914 = vector.extract_strided_slice %lt3A_1356 {offsets = [0, 1920], sizes = [1, 128], strides = [1, 1]} : vector<1x2048xi1> to vector<1x128xi1>
    %broadcast_in_dim3A_1915 = vector.shape_cast %slice3A_1914 : vector<1x128xi1> to vector<1x128xi1>
    %broadcast_in_dim3A_1916 = vector.broadcast %broadcast_in_dim3A_1915 : vector<1x128xi1> to vector<128x128xi1>
    %reshape3A_1917 = vector.shape_cast %broadcast_in_dim3A_1913 : vector<128x128xi32> to vector<128x128x1xi32>
    %gather3A_1918 = vector.shape_cast %reshape3A_1917 : vector<128x128x1xi32> to vector<128x128xi32>
    %gather3A_1919 = tpu.dynamic_gather %slice3A_1909[%gather3A_1918] in [1] : vector<128x128xf32>, vector<128x128xi32> -> vector<128x128xf32>
    %reshape3A_1920 = vector.shape_cast %broadcast_in_dim3A_1913 : vector<128x128xi32> to vector<128x128x1xi32>
    %gather3A_1921 = vector.shape_cast %reshape3A_1920 : vector<128x128x1xi32> to vector<128x128xi32>
    %gather3A_1922 = tpu.dynamic_gather %slice3A_1910[%gather3A_1921] in [1] : vector<128x128xf32>, vector<128x128xi32> -> vector<128x128xf32>
    %reshape3A_1923 = vector.shape_cast %broadcast_in_dim3A_1913 : vector<128x128xi32> to vector<128x128x1xi32>
    %gather3A_1924 = vector.shape_cast %reshape3A_1923 : vector<128x128x1xi32> to vector<128x128xi32>
    %gather3A_1925 = tpu.dynamic_gather %slice3A_1907[%gather3A_1924] in [1] : vector<128x128xf32>, vector<128x128xi32> -> vector<128x128xf32>
    %reshape3A_1926 = vector.shape_cast %broadcast_in_dim3A_1913 : vector<128x128xi32> to vector<128x128x1xi32>
    %gather3A_1927 = vector.shape_cast %reshape3A_1926 : vector<128x128x1xi32> to vector<128x128xi32>
    %gather3A_1928 = tpu.dynamic_gather %slice3A_1908[%gather3A_1927] in [1] : vector<128x128xf32>, vector<128x128xi32> -> vector<128x128xf32>
    %select_n3A_1929 = arith.select %broadcast_in_dim3A_1916, %gather3A_1919, %gather3A_1922 : vector<128x128xi1>, vector<128x128xf32>
    %select_n3A_1930 = arith.select %broadcast_in_dim3A_1916, %gather3A_1925, %gather3A_1928 : vector<128x128xi1>, vector<128x128xf32>
    %slice3A_1931 = vector.extract_strided_slice %select_n3A_1337 {offsets = [0, 1920], sizes = [1, 128], strides = [1, 1]} : vector<1x2048xf32> to vector<1x128xf32>
    %mul3A_1932 = vector.broadcast %slice3A_1931 : vector<1x128xf32> to vector<128x128xf32>
    %mul3A_1933 = arith.mulf %select_n3A_1929, %mul3A_1932 : vector<128x128xf32>
    %slice3A_1934 = vector.extract_strided_slice %select_n3A_1340 {offsets = [0, 1920], sizes = [1, 128], strides = [1, 1]} : vector<1x2048xf32> to vector<1x128xf32>
    %mul3A_1935 = vector.broadcast %slice3A_1934 : vector<1x128xf32> to vector<128x128xf32>
    %mul3A_1936 = arith.mulf %select_n3A_1930, %mul3A_1935 : vector<128x128xf32>
    %add3A_1937 = arith.addf %mul3A_1933, %mul3A_1936 : vector<128x128xf32>
    %reshape3A_1938 = vector.shape_cast %add3A_1937 : vector<128x128xf32> to vector<1x128x128xf32>
    %swap3A_1939 = arith.constant 2 : index
    %swap3A_1940 = arith.constant 0 : index
    %swap3A_1941 = arith.constant 1920 : index
    %swap3A_1942 = vector.load %arg3[%swap3A_1939, %swap3A_1940, %swap3A_1941] : memref<4x128x2048xf32, #tpu.memory_space<vmem>>, vector<1x128x128xf32>
    tpu.vector_store %arg3[%swap3A_1939, %swap3A_1940, %swap3A_1941], %reshape3A_1938 {strides = array<i32>} : memref<4x128x2048xf32, #tpu.memory_space<vmem>>, vector<1x128x128xf32>,
    %mul3A_1943 = arith.constant 4 : i32
    %mul3A_1944 = arith.muli %mul3A_1943, %arg0 : i32
    %add3A_1945 = arith.constant 3 : i32
    %add3A_1946 = arith.addi %mul3A_1944, %add3A_1945 : i32
    %get3A_1947 = arith.index_cast %add3A_1946 : i32 to index
    %get3A_1948 = arith.constant 0 : index
    %get3A_1949 = vector.load %arg1[%get3A_1947, %get3A_1948] : memref<16x4096xf32, #tpu.memory_space<vmem>>, vector<1x4096xf32>
    %reduce_sum3A_1950 = vector.shape_cast %get3A_1949 : vector<1x4096xf32> to vector<1x1x4096xf32>
    %reduce_sum3A_1951 = arith.constant dense<0.000000e+00> : vector<1xf32>
    %reduce_sum3A_1952 = vector.multi_reduction <add>, %reduce_sum3A_1950, %reduce_sum3A_1951 [1, 2] : vector<1x1x4096xf32> to vector<1xf32>
    %reduce_sum3A_1953 = vector.shape_cast %reduce_sum3A_1952 : vector<1xf32> to vector<1x1x1xf32>
    %reduce_sum3A_1954 = vector.extract %reduce_sum3A_1953[0, 0, 0] : f32 from vector<1x1x1xf32>
    %sub3A_1955 = arith.constant 4.096000e+03 : f32
    %sub3A_1956 = arith.subf %sub3A_1955, %reduce_sum3A_1954 : f32
    %add3A_1957 = arith.constant 1.000000e+00 : f32
    %add3A_1958 = arith.addf %sub3A_1956, %add3A_1957 : f32
    %mul3A_1959 = arith.constant 5.000000e-01 : f32
    %mul3A_1960 = arith.mulf %add3A_1958, %mul3A_1959 : f32
    %floor3A_1961 = math.floor %mul3A_1960 : f32
    %max3A_1962 = arith.constant 1.000000e+00 : f32
    %max3A_1963 = arith.maximumf %floor3A_1961, %max3A_1962 : f32
    %div3A_1964 = arith.divf %sub3A_1956, %max3A_1963 : f32
    %iota3A_1965 = tpu.iota {dimensions = array<i32: 1>} : vector<1x2048xi32>
    %convert_element_type3A_1966 = arith.sitofp %iota3A_1965 : vector<1x2048xi32> to vector<1x2048xf32>
    %add3A_1967 = arith.constant 5.000000e-01 : f32
    %add3A_1968 = vector.broadcast %add3A_1967 : f32 to vector<1x2048xf32>
    %add3A_1969 = arith.addf %convert_element_type3A_1966, %add3A_1968 : vector<1x2048xf32>
    %mul3A_1970 = vector.broadcast %div3A_1964 : f32 to vector<1x2048xf32>
    %mul3A_1971 = arith.mulf %add3A_1969, %mul3A_1970 : vector<1x2048xf32>
    %sub3A_1972 = arith.constant 5.000000e-01 : f32
    %sub3A_1973 = vector.broadcast %sub3A_1972 : f32 to vector<1x2048xf32>
    %sub3A_1974 = arith.subf %mul3A_1971, %sub3A_1973 : vector<1x2048xf32>
    %sub3A_1975 = arith.constant 1.000000e+00 : f32
    %sub3A_1976 = arith.subf %sub3A_1956, %sub3A_1975 : f32
    %jit3A_1977 = arith.constant 0.000000e+00 : f32
    %max3A_1978 = vector.broadcast %jit3A_1977 : f32 to vector<1x2048xf32>
    %max3A_1979 = arith.maximumf %max3A_1978, %sub3A_1974 : vector<1x2048xf32>
    %min3A_1980 = vector.broadcast %sub3A_1976 : f32 to vector<1x2048xf32>
    %min3A_1981 = arith.minimumf %min3A_1980, %max3A_1979 : vector<1x2048xf32>
    %floor3A_1982 = math.floor %min3A_1981 : vector<1x2048xf32>
    %sub3A_1983 = arith.subf %min3A_1981, %floor3A_1982 : vector<1x2048xf32>
    %convert_element_type3A_1984 = arith.fptosi %floor3A_1982 : vector<1x2048xf32> to vector<1x2048xi32>
    %lt3A_1985 = vector.broadcast %floor3A_1961 : f32 to vector<1x2048xf32>
    %lt3A_1986 = arith.cmpf olt, %convert_element_type3A_1966, %lt3A_1985 : vector<1x2048xf32>
    %sub3A_1987 = arith.constant 1.000000e+00 : f32
    %sub3A_1988 = vector.broadcast %sub3A_1987 : f32 to vector<1x2048xf32>
    %sub3A_1989 = arith.subf %sub3A_1988, %sub3A_1983 : vector<1x2048xf32>
    %jit3A_1990 = arith.constant 0.000000e+00 : f32
    %broadcast_in_dim3A_1991 = vector.broadcast %jit3A_1990 : f32 to vector<1x2048xf32>
    %select_n3A_1992 = arith.select %lt3A_1986, %sub3A_1989, %broadcast_in_dim3A_1991 : vector<1x2048xi1>, vector<1x2048xf32>
    %jit3A_1993 = arith.constant 0.000000e+00 : f32
    %broadcast_in_dim3A_1994 = vector.broadcast %jit3A_1993 : f32 to vector<1x2048xf32>
    %select_n3A_1995 = arith.select %lt3A_1986, %sub3A_1983, %broadcast_in_dim3A_1994 : vector<1x2048xi1>, vector<1x2048xf32>
    %mul3A_1996 = arith.constant 2 : i32
    %mul3A_1997 = vector.broadcast %mul3A_1996 : i32 to vector<1x2048xi32>
    %mul3A_1998 = arith.muli %mul3A_1997, %iota3A_1965 : vector<1x2048xi32>
    %and3A_1999 = arith.constant 255 : i32
    %and3A_2000 = vector.broadcast %and3A_1999 : i32 to vector<1x2048xi32>
    %and3A_2001 = arith.andi %mul3A_1998, %and3A_2000 : vector<1x2048xi32>
    %eq3A_2002 = arith.cmpi eq, %convert_element_type3A_1984, %mul3A_1998 : vector<1x2048xi32>
    %jit3A_2003 = arith.constant 1 : i32
    %jit3A_2004 = arith.constant 0 : i32
    %broadcast_in_dim3A_2005 = vector.broadcast %jit3A_2003 : i32 to vector<1x2048xi32>
    %broadcast_in_dim3A_2006 = vector.broadcast %jit3A_2004 : i32 to vector<1x2048xi32>
    %select_n3A_2007 = arith.select %eq3A_2002, %broadcast_in_dim3A_2005, %broadcast_in_dim3A_2006 : vector<1x2048xi1>, vector<1x2048xi32>
    %add3A_2008 = arith.addi %and3A_2001, %select_n3A_2007 : vector<1x2048xi32>
    %lt3A_2009 = arith.constant 128 : i32
    %lt3A_2010 = vector.broadcast %lt3A_2009 : i32 to vector<1x2048xi32>
    %lt3A_2011 = arith.cmpi slt, %add3A_2008, %lt3A_2010 : vector<1x2048xi32>
    %and3A_2012 = arith.constant 127 : i32
    %and3A_2013 = vector.broadcast %and3A_2012 : i32 to vector<1x2048xi32>
    %and3A_2014 = arith.andi %add3A_2008, %and3A_2013 : vector<1x2048xi32>
    %get3A_2015 = arith.constant 3 : index
    %get3A_2016 = arith.constant 0 : index
    %get3A_2017 = arith.constant 0 : index
    %get3A_2018 = vector.load %arg2[%get3A_2015, %get3A_2016, %get3A_2017] : memref<4x128x4096xf32, #tpu.memory_space<vmem>>, vector<1x128x4096xf32>
    %get3A_2019 = vector.shape_cast %get3A_2018 : vector<1x128x4096xf32> to vector<128x4096xf32>
    %roll3A_2020 = arith.constant 1 : i32
    %roll3A_2021 = tpu.dynamic_rotate %get3A_2019 by %roll3A_2020 dim 1 : vector<128x4096xf32>, i32 -> vector<128x4096xf32>
    %slice3A_2022 = vector.extract_strided_slice %get3A_2019 {offsets = [0, 0], sizes = [128, 128], strides = [1, 1]} : vector<128x4096xf32> to vector<128x128xf32>
    %slice3A_2023 = vector.extract_strided_slice %get3A_2019 {offsets = [0, 128], sizes = [128, 128], strides = [1, 1]} : vector<128x4096xf32> to vector<128x128xf32>
    %slice3A_2024 = vector.extract_strided_slice %roll3A_2021 {offsets = [0, 0], sizes = [128, 128], strides = [1, 1]} : vector<128x4096xf32> to vector<128x128xf32>
    %slice3A_2025 = vector.extract_strided_slice %roll3A_2021 {offsets = [0, 128], sizes = [128, 128], strides = [1, 1]} : vector<128x4096xf32> to vector<128x128xf32>
    %slice3A_2026 = vector.extract_strided_slice %and3A_2014 {offsets = [0, 0], sizes = [1, 128], strides = [1, 1]} : vector<1x2048xi32> to vector<1x128xi32>
    %broadcast_in_dim3A_2027 = vector.shape_cast %slice3A_2026 : vector<1x128xi32> to vector<1x128xi32>
    %broadcast_in_dim3A_2028 = vector.broadcast %broadcast_in_dim3A_2027 : vector<1x128xi32> to vector<128x128xi32>
    %slice3A_2029 = vector.extract_strided_slice %lt3A_2011 {offsets = [0, 0], sizes = [1, 128], strides = [1, 1]} : vector<1x2048xi1> to vector<1x128xi1>
    %broadcast_in_dim3A_2030 = vector.shape_cast %slice3A_2029 : vector<1x128xi1> to vector<1x128xi1>
    %broadcast_in_dim3A_2031 = vector.broadcast %broadcast_in_dim3A_2030 : vector<1x128xi1> to vector<128x128xi1>
    %reshape3A_2032 = vector.shape_cast %broadcast_in_dim3A_2028 : vector<128x128xi32> to vector<128x128x1xi32>
    %gather3A_2033 = vector.shape_cast %reshape3A_2032 : vector<128x128x1xi32> to vector<128x128xi32>
    %gather3A_2034 = tpu.dynamic_gather %slice3A_2024[%gather3A_2033] in [1] : vector<128x128xf32>, vector<128x128xi32> -> vector<128x128xf32>
    %reshape3A_2035 = vector.shape_cast %broadcast_in_dim3A_2028 : vector<128x128xi32> to vector<128x128x1xi32>
    %gather3A_2036 = vector.shape_cast %reshape3A_2035 : vector<128x128x1xi32> to vector<128x128xi32>
    %gather3A_2037 = tpu.dynamic_gather %slice3A_2025[%gather3A_2036] in [1] : vector<128x128xf32>, vector<128x128xi32> -> vector<128x128xf32>
    %reshape3A_2038 = vector.shape_cast %broadcast_in_dim3A_2028 : vector<128x128xi32> to vector<128x128x1xi32>
    %gather3A_2039 = vector.shape_cast %reshape3A_2038 : vector<128x128x1xi32> to vector<128x128xi32>
    %gather3A_2040 = tpu.dynamic_gather %slice3A_2022[%gather3A_2039] in [1] : vector<128x128xf32>, vector<128x128xi32> -> vector<128x128xf32>
    %reshape3A_2041 = vector.shape_cast %broadcast_in_dim3A_2028 : vector<128x128xi32> to vector<128x128x1xi32>
    %gather3A_2042 = vector.shape_cast %reshape3A_2041 : vector<128x128x1xi32> to vector<128x128xi32>
    %gather3A_2043 = tpu.dynamic_gather %slice3A_2023[%gather3A_2042] in [1] : vector<128x128xf32>, vector<128x128xi32> -> vector<128x128xf32>
    %select_n3A_2044 = arith.select %broadcast_in_dim3A_2031, %gather3A_2034, %gather3A_2037 : vector<128x128xi1>, vector<128x128xf32>
    %select_n3A_2045 = arith.select %broadcast_in_dim3A_2031, %gather3A_2040, %gather3A_2043 : vector<128x128xi1>, vector<128x128xf32>
    %slice3A_2046 = vector.extract_strided_slice %select_n3A_1992 {offsets = [0, 0], sizes = [1, 128], strides = [1, 1]} : vector<1x2048xf32> to vector<1x128xf32>
    %mul3A_2047 = vector.broadcast %slice3A_2046 : vector<1x128xf32> to vector<128x128xf32>
    %mul3A_2048 = arith.mulf %select_n3A_2044, %mul3A_2047 : vector<128x128xf32>
    %slice3A_2049 = vector.extract_strided_slice %select_n3A_1995 {offsets = [0, 0], sizes = [1, 128], strides = [1, 1]} : vector<1x2048xf32> to vector<1x128xf32>
    %mul3A_2050 = vector.broadcast %slice3A_2049 : vector<1x128xf32> to vector<128x128xf32>
    %mul3A_2051 = arith.mulf %select_n3A_2045, %mul3A_2050 : vector<128x128xf32>
    %add3A_2052 = arith.addf %mul3A_2048, %mul3A_2051 : vector<128x128xf32>
    %reshape3A_2053 = vector.shape_cast %add3A_2052 : vector<128x128xf32> to vector<1x128x128xf32>
    %swap3A_2054 = arith.constant 3 : index
    %swap3A_2055 = arith.constant 0 : index
    %swap3A_2056 = arith.constant 0 : index
    %swap3A_2057 = vector.load %arg3[%swap3A_2054, %swap3A_2055, %swap3A_2056] : memref<4x128x2048xf32, #tpu.memory_space<vmem>>, vector<1x128x128xf32>
    tpu.vector_store %arg3[%swap3A_2054, %swap3A_2055, %swap3A_2056], %reshape3A_2053 {strides = array<i32>} : memref<4x128x2048xf32, #tpu.memory_space<vmem>>, vector<1x128x128xf32>,
    %slice3A_2058 = vector.extract_strided_slice %get3A_2019 {offsets = [0, 256], sizes = [128, 128], strides = [1, 1]} : vector<128x4096xf32> to vector<128x128xf32>
    %slice3A_2059 = vector.extract_strided_slice %get3A_2019 {offsets = [0, 384], sizes = [128, 128], strides = [1, 1]} : vector<128x4096xf32> to vector<128x128xf32>
    %slice3A_2060 = vector.extract_strided_slice %roll3A_2021 {offsets = [0, 256], sizes = [128, 128], strides = [1, 1]} : vector<128x4096xf32> to vector<128x128xf32>
    %slice3A_2061 = vector.extract_strided_slice %roll3A_2021 {offsets = [0, 384], sizes = [128, 128], strides = [1, 1]} : vector<128x4096xf32> to vector<128x128xf32>
    %slice3A_2062 = vector.extract_strided_slice %and3A_2014 {offsets = [0, 128], sizes = [1, 128], strides = [1, 1]} : vector<1x2048xi32> to vector<1x128xi32>
    %broadcast_in_dim3A_2063 = vector.shape_cast %slice3A_2062 : vector<1x128xi32> to vector<1x128xi32>
    %broadcast_in_dim3A_2064 = vector.broadcast %broadcast_in_dim3A_2063 : vector<1x128xi32> to vector<128x128xi32>
    %slice3A_2065 = vector.extract_strided_slice %lt3A_2011 {offsets = [0, 128], sizes = [1, 128], strides = [1, 1]} : vector<1x2048xi1> to vector<1x128xi1>
    %broadcast_in_dim3A_2066 = vector.shape_cast %slice3A_2065 : vector<1x128xi1> to vector<1x128xi1>
    %broadcast_in_dim3A_2067 = vector.broadcast %broadcast_in_dim3A_2066 : vector<1x128xi1> to vector<128x128xi1>
    %reshape3A_2068 = vector.shape_cast %broadcast_in_dim3A_2064 : vector<128x128xi32> to vector<128x128x1xi32>
    %gather3A_2069 = vector.shape_cast %reshape3A_2068 : vector<128x128x1xi32> to vector<128x128xi32>
    %gather3A_2070 = tpu.dynamic_gather %slice3A_2060[%gather3A_2069] in [1] : vector<128x128xf32>, vector<128x128xi32> -> vector<128x128xf32>
    %reshape3A_2071 = vector.shape_cast %broadcast_in_dim3A_2064 : vector<128x128xi32> to vector<128x128x1xi32>
    %gather3A_2072 = vector.shape_cast %reshape3A_2071 : vector<128x128x1xi32> to vector<128x128xi32>
    %gather3A_2073 = tpu.dynamic_gather %slice3A_2061[%gather3A_2072] in [1] : vector<128x128xf32>, vector<128x128xi32> -> vector<128x128xf32>
    %reshape3A_2074 = vector.shape_cast %broadcast_in_dim3A_2064 : vector<128x128xi32> to vector<128x128x1xi32>
    %gather3A_2075 = vector.shape_cast %reshape3A_2074 : vector<128x128x1xi32> to vector<128x128xi32>
    %gather3A_2076 = tpu.dynamic_gather %slice3A_2058[%gather3A_2075] in [1] : vector<128x128xf32>, vector<128x128xi32> -> vector<128x128xf32>
    %reshape3A_2077 = vector.shape_cast %broadcast_in_dim3A_2064 : vector<128x128xi32> to vector<128x128x1xi32>
    %gather3A_2078 = vector.shape_cast %reshape3A_2077 : vector<128x128x1xi32> to vector<128x128xi32>
    %gather3A_2079 = tpu.dynamic_gather %slice3A_2059[%gather3A_2078] in [1] : vector<128x128xf32>, vector<128x128xi32> -> vector<128x128xf32>
    %select_n3A_2080 = arith.select %broadcast_in_dim3A_2067, %gather3A_2070, %gather3A_2073 : vector<128x128xi1>, vector<128x128xf32>
    %select_n3A_2081 = arith.select %broadcast_in_dim3A_2067, %gather3A_2076, %gather3A_2079 : vector<128x128xi1>, vector<128x128xf32>
    %slice3A_2082 = vector.extract_strided_slice %select_n3A_1992 {offsets = [0, 128], sizes = [1, 128], strides = [1, 1]} : vector<1x2048xf32> to vector<1x128xf32>
    %mul3A_2083 = vector.broadcast %slice3A_2082 : vector<1x128xf32> to vector<128x128xf32>
    %mul3A_2084 = arith.mulf %select_n3A_2080, %mul3A_2083 : vector<128x128xf32>
    %slice3A_2085 = vector.extract_strided_slice %select_n3A_1995 {offsets = [0, 128], sizes = [1, 128], strides = [1, 1]} : vector<1x2048xf32> to vector<1x128xf32>
    %mul3A_2086 = vector.broadcast %slice3A_2085 : vector<1x128xf32> to vector<128x128xf32>
    %mul3A_2087 = arith.mulf %select_n3A_2081, %mul3A_2086 : vector<128x128xf32>
    %add3A_2088 = arith.addf %mul3A_2084, %mul3A_2087 : vector<128x128xf32>
    %reshape3A_2089 = vector.shape_cast %add3A_2088 : vector<128x128xf32> to vector<1x128x128xf32>
    %swap3A_2090 = arith.constant 3 : index
    %swap3A_2091 = arith.constant 0 : index
    %swap3A_2092 = arith.constant 128 : index
    %swap3A_2093 = vector.load %arg3[%swap3A_2090, %swap3A_2091, %swap3A_2092] : memref<4x128x2048xf32, #tpu.memory_space<vmem>>, vector<1x128x128xf32>
    tpu.vector_store %arg3[%swap3A_2090, %swap3A_2091, %swap3A_2092], %reshape3A_2089 {strides = array<i32>} : memref<4x128x2048xf32, #tpu.memory_space<vmem>>, vector<1x128x128xf32>,
    %slice3A_2094 = vector.extract_strided_slice %get3A_2019 {offsets = [0, 512], sizes = [128, 128], strides = [1, 1]} : vector<128x4096xf32> to vector<128x128xf32>
    %slice3A_2095 = vector.extract_strided_slice %get3A_2019 {offsets = [0, 640], sizes = [128, 128], strides = [1, 1]} : vector<128x4096xf32> to vector<128x128xf32>
    %slice3A_2096 = vector.extract_strided_slice %roll3A_2021 {offsets = [0, 512], sizes = [128, 128], strides = [1, 1]} : vector<128x4096xf32> to vector<128x128xf32>
    %slice3A_2097 = vector.extract_strided_slice %roll3A_2021 {offsets = [0, 640], sizes = [128, 128], strides = [1, 1]} : vector<128x4096xf32> to vector<128x128xf32>
    %slice3A_2098 = vector.extract_strided_slice %and3A_2014 {offsets = [0, 256], sizes = [1, 128], strides = [1, 1]} : vector<1x2048xi32> to vector<1x128xi32>
    %broadcast_in_dim3A_2099 = vector.shape_cast %slice3A_2098 : vector<1x128xi32> to vector<1x128xi32>
    %broadcast_in_dim3A_2100 = vector.broadcast %broadcast_in_dim3A_2099 : vector<1x128xi32> to vector<128x128xi32>
    %slice3A_2101 = vector.extract_strided_slice %lt3A_2011 {offsets = [0, 256], sizes = [1, 128], strides = [1, 1]} : vector<1x2048xi1> to vector<1x128xi1>
    %broadcast_in_dim3A_2102 = vector.shape_cast %slice3A_2101 : vector<1x128xi1> to vector<1x128xi1>
    %broadcast_in_dim3A_2103 = vector.broadcast %broadcast_in_dim3A_2102 : vector<1x128xi1> to vector<128x128xi1>
    %reshape3A_2104 = vector.shape_cast %broadcast_in_dim3A_2100 : vector<128x128xi32> to vector<128x128x1xi32>
    %gather3A_2105 = vector.shape_cast %reshape3A_2104 : vector<128x128x1xi32> to vector<128x128xi32>
    %gather3A_2106 = tpu.dynamic_gather %slice3A_2096[%gather3A_2105] in [1] : vector<128x128xf32>, vector<128x128xi32> -> vector<128x128xf32>
    %reshape3A_2107 = vector.shape_cast %broadcast_in_dim3A_2100 : vector<128x128xi32> to vector<128x128x1xi32>
    %gather3A_2108 = vector.shape_cast %reshape3A_2107 : vector<128x128x1xi32> to vector<128x128xi32>
    %gather3A_2109 = tpu.dynamic_gather %slice3A_2097[%gather3A_2108] in [1] : vector<128x128xf32>, vector<128x128xi32> -> vector<128x128xf32>
    %reshape3A_2110 = vector.shape_cast %broadcast_in_dim3A_2100 : vector<128x128xi32> to vector<128x128x1xi32>
    %gather3A_2111 = vector.shape_cast %reshape3A_2110 : vector<128x128x1xi32> to vector<128x128xi32>
    %gather3A_2112 = tpu.dynamic_gather %slice3A_2094[%gather3A_2111] in [1] : vector<128x128xf32>, vector<128x128xi32> -> vector<128x128xf32>
    %reshape3A_2113 = vector.shape_cast %broadcast_in_dim3A_2100 : vector<128x128xi32> to vector<128x128x1xi32>
    %gather3A_2114 = vector.shape_cast %reshape3A_2113 : vector<128x128x1xi32> to vector<128x128xi32>
    %gather3A_2115 = tpu.dynamic_gather %slice3A_2095[%gather3A_2114] in [1] : vector<128x128xf32>, vector<128x128xi32> -> vector<128x128xf32>
    %select_n3A_2116 = arith.select %broadcast_in_dim3A_2103, %gather3A_2106, %gather3A_2109 : vector<128x128xi1>, vector<128x128xf32>
    %select_n3A_2117 = arith.select %broadcast_in_dim3A_2103, %gather3A_2112, %gather3A_2115 : vector<128x128xi1>, vector<128x128xf32>
    %slice3A_2118 = vector.extract_strided_slice %select_n3A_1992 {offsets = [0, 256], sizes = [1, 128], strides = [1, 1]} : vector<1x2048xf32> to vector<1x128xf32>
    %mul3A_2119 = vector.broadcast %slice3A_2118 : vector<1x128xf32> to vector<128x128xf32>
    %mul3A_2120 = arith.mulf %select_n3A_2116, %mul3A_2119 : vector<128x128xf32>
    %slice3A_2121 = vector.extract_strided_slice %select_n3A_1995 {offsets = [0, 256], sizes = [1, 128], strides = [1, 1]} : vector<1x2048xf32> to vector<1x128xf32>
    %mul3A_2122 = vector.broadcast %slice3A_2121 : vector<1x128xf32> to vector<128x128xf32>
    %mul3A_2123 = arith.mulf %select_n3A_2117, %mul3A_2122 : vector<128x128xf32>
    %add3A_2124 = arith.addf %mul3A_2120, %mul3A_2123 : vector<128x128xf32>
    %reshape3A_2125 = vector.shape_cast %add3A_2124 : vector<128x128xf32> to vector<1x128x128xf32>
    %swap3A_2126 = arith.constant 3 : index
    %swap3A_2127 = arith.constant 0 : index
    %swap3A_2128 = arith.constant 256 : index
    %swap3A_2129 = vector.load %arg3[%swap3A_2126, %swap3A_2127, %swap3A_2128] : memref<4x128x2048xf32, #tpu.memory_space<vmem>>, vector<1x128x128xf32>
    tpu.vector_store %arg3[%swap3A_2126, %swap3A_2127, %swap3A_2128], %reshape3A_2125 {strides = array<i32>} : memref<4x128x2048xf32, #tpu.memory_space<vmem>>, vector<1x128x128xf32>,
    %slice3A_2130 = vector.extract_strided_slice %get3A_2019 {offsets = [0, 768], sizes = [128, 128], strides = [1, 1]} : vector<128x4096xf32> to vector<128x128xf32>
    %slice3A_2131 = vector.extract_strided_slice %get3A_2019 {offsets = [0, 896], sizes = [128, 128], strides = [1, 1]} : vector<128x4096xf32> to vector<128x128xf32>
    %slice3A_2132 = vector.extract_strided_slice %roll3A_2021 {offsets = [0, 768], sizes = [128, 128], strides = [1, 1]} : vector<128x4096xf32> to vector<128x128xf32>
    %slice3A_2133 = vector.extract_strided_slice %roll3A_2021 {offsets = [0, 896], sizes = [128, 128], strides = [1, 1]} : vector<128x4096xf32> to vector<128x128xf32>
    %slice3A_2134 = vector.extract_strided_slice %and3A_2014 {offsets = [0, 384], sizes = [1, 128], strides = [1, 1]} : vector<1x2048xi32> to vector<1x128xi32>
    %broadcast_in_dim3A_2135 = vector.shape_cast %slice3A_2134 : vector<1x128xi32> to vector<1x128xi32>
    %broadcast_in_dim3A_2136 = vector.broadcast %broadcast_in_dim3A_2135 : vector<1x128xi32> to vector<128x128xi32>
    %slice3A_2137 = vector.extract_strided_slice %lt3A_2011 {offsets = [0, 384], sizes = [1, 128], strides = [1, 1]} : vector<1x2048xi1> to vector<1x128xi1>
    %broadcast_in_dim3A_2138 = vector.shape_cast %slice3A_2137 : vector<1x128xi1> to vector<1x128xi1>
    %broadcast_in_dim3A_2139 = vector.broadcast %broadcast_in_dim3A_2138 : vector<1x128xi1> to vector<128x128xi1>
    %reshape3A_2140 = vector.shape_cast %broadcast_in_dim3A_2136 : vector<128x128xi32> to vector<128x128x1xi32>
    %gather3A_2141 = vector.shape_cast %reshape3A_2140 : vector<128x128x1xi32> to vector<128x128xi32>
    %gather3A_2142 = tpu.dynamic_gather %slice3A_2132[%gather3A_2141] in [1] : vector<128x128xf32>, vector<128x128xi32> -> vector<128x128xf32>
    %reshape3A_2143 = vector.shape_cast %broadcast_in_dim3A_2136 : vector<128x128xi32> to vector<128x128x1xi32>
    %gather3A_2144 = vector.shape_cast %reshape3A_2143 : vector<128x128x1xi32> to vector<128x128xi32>
    %gather3A_2145 = tpu.dynamic_gather %slice3A_2133[%gather3A_2144] in [1] : vector<128x128xf32>, vector<128x128xi32> -> vector<128x128xf32>
    %reshape3A_2146 = vector.shape_cast %broadcast_in_dim3A_2136 : vector<128x128xi32> to vector<128x128x1xi32>
    %gather3A_2147 = vector.shape_cast %reshape3A_2146 : vector<128x128x1xi32> to vector<128x128xi32>
    %gather3A_2148 = tpu.dynamic_gather %slice3A_2130[%gather3A_2147] in [1] : vector<128x128xf32>, vector<128x128xi32> -> vector<128x128xf32>
    %reshape3A_2149 = vector.shape_cast %broadcast_in_dim3A_2136 : vector<128x128xi32> to vector<128x128x1xi32>
    %gather3A_2150 = vector.shape_cast %reshape3A_2149 : vector<128x128x1xi32> to vector<128x128xi32>
    %gather3A_2151 = tpu.dynamic_gather %slice3A_2131[%gather3A_2150] in [1] : vector<128x128xf32>, vector<128x128xi32> -> vector<128x128xf32>
    %select_n3A_2152 = arith.select %broadcast_in_dim3A_2139, %gather3A_2142, %gather3A_2145 : vector<128x128xi1>, vector<128x128xf32>
    %select_n3A_2153 = arith.select %broadcast_in_dim3A_2139, %gather3A_2148, %gather3A_2151 : vector<128x128xi1>, vector<128x128xf32>
    %slice3A_2154 = vector.extract_strided_slice %select_n3A_1992 {offsets = [0, 384], sizes = [1, 128], strides = [1, 1]} : vector<1x2048xf32> to vector<1x128xf32>
    %mul3A_2155 = vector.broadcast %slice3A_2154 : vector<1x128xf32> to vector<128x128xf32>
    %mul3A_2156 = arith.mulf %select_n3A_2152, %mul3A_2155 : vector<128x128xf32>
    %slice3A_2157 = vector.extract_strided_slice %select_n3A_1995 {offsets = [0, 384], sizes = [1, 128], strides = [1, 1]} : vector<1x2048xf32> to vector<1x128xf32>
    %mul3A_2158 = vector.broadcast %slice3A_2157 : vector<1x128xf32> to vector<128x128xf32>
    %mul3A_2159 = arith.mulf %select_n3A_2153, %mul3A_2158 : vector<128x128xf32>
    %add3A_2160 = arith.addf %mul3A_2156, %mul3A_2159 : vector<128x128xf32>
    %reshape3A_2161 = vector.shape_cast %add3A_2160 : vector<128x128xf32> to vector<1x128x128xf32>
    %swap3A_2162 = arith.constant 3 : index
    %swap3A_2163 = arith.constant 0 : index
    %swap3A_2164 = arith.constant 384 : index
    %swap3A_2165 = vector.load %arg3[%swap3A_2162, %swap3A_2163, %swap3A_2164] : memref<4x128x2048xf32, #tpu.memory_space<vmem>>, vector<1x128x128xf32>
    tpu.vector_store %arg3[%swap3A_2162, %swap3A_2163, %swap3A_2164], %reshape3A_2161 {strides = array<i32>} : memref<4x128x2048xf32, #tpu.memory_space<vmem>>, vector<1x128x128xf32>,
    %slice3A_2166 = vector.extract_strided_slice %get3A_2019 {offsets = [0, 1024], sizes = [128, 128], strides = [1, 1]} : vector<128x4096xf32> to vector<128x128xf32>
    %slice3A_2167 = vector.extract_strided_slice %get3A_2019 {offsets = [0, 1152], sizes = [128, 128], strides = [1, 1]} : vector<128x4096xf32> to vector<128x128xf32>
    %slice3A_2168 = vector.extract_strided_slice %roll3A_2021 {offsets = [0, 1024], sizes = [128, 128], strides = [1, 1]} : vector<128x4096xf32> to vector<128x128xf32>
    %slice3A_2169 = vector.extract_strided_slice %roll3A_2021 {offsets = [0, 1152], sizes = [128, 128], strides = [1, 1]} : vector<128x4096xf32> to vector<128x128xf32>
    %slice3A_2170 = vector.extract_strided_slice %and3A_2014 {offsets = [0, 512], sizes = [1, 128], strides = [1, 1]} : vector<1x2048xi32> to vector<1x128xi32>
    %broadcast_in_dim3A_2171 = vector.shape_cast %slice3A_2170 : vector<1x128xi32> to vector<1x128xi32>
    %broadcast_in_dim3A_2172 = vector.broadcast %broadcast_in_dim3A_2171 : vector<1x128xi32> to vector<128x128xi32>
    %slice3A_2173 = vector.extract_strided_slice %lt3A_2011 {offsets = [0, 512], sizes = [1, 128], strides = [1, 1]} : vector<1x2048xi1> to vector<1x128xi1>
    %broadcast_in_dim3A_2174 = vector.shape_cast %slice3A_2173 : vector<1x128xi1> to vector<1x128xi1>
    %broadcast_in_dim3A_2175 = vector.broadcast %broadcast_in_dim3A_2174 : vector<1x128xi1> to vector<128x128xi1>
    %reshape3A_2176 = vector.shape_cast %broadcast_in_dim3A_2172 : vector<128x128xi32> to vector<128x128x1xi32>
    %gather3A_2177 = vector.shape_cast %reshape3A_2176 : vector<128x128x1xi32> to vector<128x128xi32>
    %gather3A_2178 = tpu.dynamic_gather %slice3A_2168[%gather3A_2177] in [1] : vector<128x128xf32>, vector<128x128xi32> -> vector<128x128xf32>
    %reshape3A_2179 = vector.shape_cast %broadcast_in_dim3A_2172 : vector<128x128xi32> to vector<128x128x1xi32>
    %gather3A_2180 = vector.shape_cast %reshape3A_2179 : vector<128x128x1xi32> to vector<128x128xi32>
    %gather3A_2181 = tpu.dynamic_gather %slice3A_2169[%gather3A_2180] in [1] : vector<128x128xf32>, vector<128x128xi32> -> vector<128x128xf32>
    %reshape3A_2182 = vector.shape_cast %broadcast_in_dim3A_2172 : vector<128x128xi32> to vector<128x128x1xi32>
    %gather3A_2183 = vector.shape_cast %reshape3A_2182 : vector<128x128x1xi32> to vector<128x128xi32>
    %gather3A_2184 = tpu.dynamic_gather %slice3A_2166[%gather3A_2183] in [1] : vector<128x128xf32>, vector<128x128xi32> -> vector<128x128xf32>
    %reshape3A_2185 = vector.shape_cast %broadcast_in_dim3A_2172 : vector<128x128xi32> to vector<128x128x1xi32>
    %gather3A_2186 = vector.shape_cast %reshape3A_2185 : vector<128x128x1xi32> to vector<128x128xi32>
    %gather3A_2187 = tpu.dynamic_gather %slice3A_2167[%gather3A_2186] in [1] : vector<128x128xf32>, vector<128x128xi32> -> vector<128x128xf32>
    %select_n3A_2188 = arith.select %broadcast_in_dim3A_2175, %gather3A_2178, %gather3A_2181 : vector<128x128xi1>, vector<128x128xf32>
    %select_n3A_2189 = arith.select %broadcast_in_dim3A_2175, %gather3A_2184, %gather3A_2187 : vector<128x128xi1>, vector<128x128xf32>
    %slice3A_2190 = vector.extract_strided_slice %select_n3A_1992 {offsets = [0, 512], sizes = [1, 128], strides = [1, 1]} : vector<1x2048xf32> to vector<1x128xf32>
    %mul3A_2191 = vector.broadcast %slice3A_2190 : vector<1x128xf32> to vector<128x128xf32>
    %mul3A_2192 = arith.mulf %select_n3A_2188, %mul3A_2191 : vector<128x128xf32>
    %slice3A_2193 = vector.extract_strided_slice %select_n3A_1995 {offsets = [0, 512], sizes = [1, 128], strides = [1, 1]} : vector<1x2048xf32> to vector<1x128xf32>
    %mul3A_2194 = vector.broadcast %slice3A_2193 : vector<1x128xf32> to vector<128x128xf32>
    %mul3A_2195 = arith.mulf %select_n3A_2189, %mul3A_2194 : vector<128x128xf32>
    %add3A_2196 = arith.addf %mul3A_2192, %mul3A_2195 : vector<128x128xf32>
    %reshape3A_2197 = vector.shape_cast %add3A_2196 : vector<128x128xf32> to vector<1x128x128xf32>
    %swap3A_2198 = arith.constant 3 : index
    %swap3A_2199 = arith.constant 0 : index
    %swap3A_2200 = arith.constant 512 : index
    %swap3A_2201 = vector.load %arg3[%swap3A_2198, %swap3A_2199, %swap3A_2200] : memref<4x128x2048xf32, #tpu.memory_space<vmem>>, vector<1x128x128xf32>
    tpu.vector_store %arg3[%swap3A_2198, %swap3A_2199, %swap3A_2200], %reshape3A_2197 {strides = array<i32>} : memref<4x128x2048xf32, #tpu.memory_space<vmem>>, vector<1x128x128xf32>,
    %slice3A_2202 = vector.extract_strided_slice %get3A_2019 {offsets = [0, 1280], sizes = [128, 128], strides = [1, 1]} : vector<128x4096xf32> to vector<128x128xf32>
    %slice3A_2203 = vector.extract_strided_slice %get3A_2019 {offsets = [0, 1408], sizes = [128, 128], strides = [1, 1]} : vector<128x4096xf32> to vector<128x128xf32>
    %slice3A_2204 = vector.extract_strided_slice %roll3A_2021 {offsets = [0, 1280], sizes = [128, 128], strides = [1, 1]} : vector<128x4096xf32> to vector<128x128xf32>
    %slice3A_2205 = vector.extract_strided_slice %roll3A_2021 {offsets = [0, 1408], sizes = [128, 128], strides = [1, 1]} : vector<128x4096xf32> to vector<128x128xf32>
    %slice3A_2206 = vector.extract_strided_slice %and3A_2014 {offsets = [0, 640], sizes = [1, 128], strides = [1, 1]} : vector<1x2048xi32> to vector<1x128xi32>
    %broadcast_in_dim3A_2207 = vector.shape_cast %slice3A_2206 : vector<1x128xi32> to vector<1x128xi32>
    %broadcast_in_dim3A_2208 = vector.broadcast %broadcast_in_dim3A_2207 : vector<1x128xi32> to vector<128x128xi32>
    %slice3A_2209 = vector.extract_strided_slice %lt3A_2011 {offsets = [0, 640], sizes = [1, 128], strides = [1, 1]} : vector<1x2048xi1> to vector<1x128xi1>
    %broadcast_in_dim3A_2210 = vector.shape_cast %slice3A_2209 : vector<1x128xi1> to vector<1x128xi1>
    %broadcast_in_dim3A_2211 = vector.broadcast %broadcast_in_dim3A_2210 : vector<1x128xi1> to vector<128x128xi1>
    %reshape3A_2212 = vector.shape_cast %broadcast_in_dim3A_2208 : vector<128x128xi32> to vector<128x128x1xi32>
    %gather3A_2213 = vector.shape_cast %reshape3A_2212 : vector<128x128x1xi32> to vector<128x128xi32>
    %gather3A_2214 = tpu.dynamic_gather %slice3A_2204[%gather3A_2213] in [1] : vector<128x128xf32>, vector<128x128xi32> -> vector<128x128xf32>
    %reshape3A_2215 = vector.shape_cast %broadcast_in_dim3A_2208 : vector<128x128xi32> to vector<128x128x1xi32>
    %gather3A_2216 = vector.shape_cast %reshape3A_2215 : vector<128x128x1xi32> to vector<128x128xi32>
    %gather3A_2217 = tpu.dynamic_gather %slice3A_2205[%gather3A_2216] in [1] : vector<128x128xf32>, vector<128x128xi32> -> vector<128x128xf32>
    %reshape3A_2218 = vector.shape_cast %broadcast_in_dim3A_2208 : vector<128x128xi32> to vector<128x128x1xi32>
    %gather3A_2219 = vector.shape_cast %reshape3A_2218 : vector<128x128x1xi32> to vector<128x128xi32>
    %gather3A_2220 = tpu.dynamic_gather %slice3A_2202[%gather3A_2219] in [1] : vector<128x128xf32>, vector<128x128xi32> -> vector<128x128xf32>
    %reshape3A_2221 = vector.shape_cast %broadcast_in_dim3A_2208 : vector<128x128xi32> to vector<128x128x1xi32>
    %gather3A_2222 = vector.shape_cast %reshape3A_2221 : vector<128x128x1xi32> to vector<128x128xi32>
    %gather3A_2223 = tpu.dynamic_gather %slice3A_2203[%gather3A_2222] in [1] : vector<128x128xf32>, vector<128x128xi32> -> vector<128x128xf32>
    %select_n3A_2224 = arith.select %broadcast_in_dim3A_2211, %gather3A_2214, %gather3A_2217 : vector<128x128xi1>, vector<128x128xf32>
    %select_n3A_2225 = arith.select %broadcast_in_dim3A_2211, %gather3A_2220, %gather3A_2223 : vector<128x128xi1>, vector<128x128xf32>
    %slice3A_2226 = vector.extract_strided_slice %select_n3A_1992 {offsets = [0, 640], sizes = [1, 128], strides = [1, 1]} : vector<1x2048xf32> to vector<1x128xf32>
    %mul3A_2227 = vector.broadcast %slice3A_2226 : vector<1x128xf32> to vector<128x128xf32>
    %mul3A_2228 = arith.mulf %select_n3A_2224, %mul3A_2227 : vector<128x128xf32>
    %slice3A_2229 = vector.extract_strided_slice %select_n3A_1995 {offsets = [0, 640], sizes = [1, 128], strides = [1, 1]} : vector<1x2048xf32> to vector<1x128xf32>
    %mul3A_2230 = vector.broadcast %slice3A_2229 : vector<1x128xf32> to vector<128x128xf32>
    %mul3A_2231 = arith.mulf %select_n3A_2225, %mul3A_2230 : vector<128x128xf32>
    %add3A_2232 = arith.addf %mul3A_2228, %mul3A_2231 : vector<128x128xf32>
    %reshape3A_2233 = vector.shape_cast %add3A_2232 : vector<128x128xf32> to vector<1x128x128xf32>
    %swap3A_2234 = arith.constant 3 : index
    %swap3A_2235 = arith.constant 0 : index
    %swap3A_2236 = arith.constant 640 : index
    %swap3A_2237 = vector.load %arg3[%swap3A_2234, %swap3A_2235, %swap3A_2236] : memref<4x128x2048xf32, #tpu.memory_space<vmem>>, vector<1x128x128xf32>
    tpu.vector_store %arg3[%swap3A_2234, %swap3A_2235, %swap3A_2236], %reshape3A_2233 {strides = array<i32>} : memref<4x128x2048xf32, #tpu.memory_space<vmem>>, vector<1x128x128xf32>,
    %slice3A_2238 = vector.extract_strided_slice %get3A_2019 {offsets = [0, 1536], sizes = [128, 128], strides = [1, 1]} : vector<128x4096xf32> to vector<128x128xf32>
    %slice3A_2239 = vector.extract_strided_slice %get3A_2019 {offsets = [0, 1664], sizes = [128, 128], strides = [1, 1]} : vector<128x4096xf32> to vector<128x128xf32>
    %slice3A_2240 = vector.extract_strided_slice %roll3A_2021 {offsets = [0, 1536], sizes = [128, 128], strides = [1, 1]} : vector<128x4096xf32> to vector<128x128xf32>
    %slice3A_2241 = vector.extract_strided_slice %roll3A_2021 {offsets = [0, 1664], sizes = [128, 128], strides = [1, 1]} : vector<128x4096xf32> to vector<128x128xf32>
    %slice3A_2242 = vector.extract_strided_slice %and3A_2014 {offsets = [0, 768], sizes = [1, 128], strides = [1, 1]} : vector<1x2048xi32> to vector<1x128xi32>
    %broadcast_in_dim3A_2243 = vector.shape_cast %slice3A_2242 : vector<1x128xi32> to vector<1x128xi32>
    %broadcast_in_dim3A_2244 = vector.broadcast %broadcast_in_dim3A_2243 : vector<1x128xi32> to vector<128x128xi32>
    %slice3A_2245 = vector.extract_strided_slice %lt3A_2011 {offsets = [0, 768], sizes = [1, 128], strides = [1, 1]} : vector<1x2048xi1> to vector<1x128xi1>
    %broadcast_in_dim3A_2246 = vector.shape_cast %slice3A_2245 : vector<1x128xi1> to vector<1x128xi1>
    %broadcast_in_dim3A_2247 = vector.broadcast %broadcast_in_dim3A_2246 : vector<1x128xi1> to vector<128x128xi1>
    %reshape3A_2248 = vector.shape_cast %broadcast_in_dim3A_2244 : vector<128x128xi32> to vector<128x128x1xi32>
    %gather3A_2249 = vector.shape_cast %reshape3A_2248 : vector<128x128x1xi32> to vector<128x128xi32>
    %gather3A_2250 = tpu.dynamic_gather %slice3A_2240[%gather3A_2249] in [1] : vector<128x128xf32>, vector<128x128xi32> -> vector<128x128xf32>
    %reshape3A_2251 = vector.shape_cast %broadcast_in_dim3A_2244 : vector<128x128xi32> to vector<128x128x1xi32>
    %gather3A_2252 = vector.shape_cast %reshape3A_2251 : vector<128x128x1xi32> to vector<128x128xi32>
    %gather3A_2253 = tpu.dynamic_gather %slice3A_2241[%gather3A_2252] in [1] : vector<128x128xf32>, vector<128x128xi32> -> vector<128x128xf32>
    %reshape3A_2254 = vector.shape_cast %broadcast_in_dim3A_2244 : vector<128x128xi32> to vector<128x128x1xi32>
    %gather3A_2255 = vector.shape_cast %reshape3A_2254 : vector<128x128x1xi32> to vector<128x128xi32>
    %gather3A_2256 = tpu.dynamic_gather %slice3A_2238[%gather3A_2255] in [1] : vector<128x128xf32>, vector<128x128xi32> -> vector<128x128xf32>
    %reshape3A_2257 = vector.shape_cast %broadcast_in_dim3A_2244 : vector<128x128xi32> to vector<128x128x1xi32>
    %gather3A_2258 = vector.shape_cast %reshape3A_2257 : vector<128x128x1xi32> to vector<128x128xi32>
    %gather3A_2259 = tpu.dynamic_gather %slice3A_2239[%gather3A_2258] in [1] : vector<128x128xf32>, vector<128x128xi32> -> vector<128x128xf32>
    %select_n3A_2260 = arith.select %broadcast_in_dim3A_2247, %gather3A_2250, %gather3A_2253 : vector<128x128xi1>, vector<128x128xf32>
    %select_n3A_2261 = arith.select %broadcast_in_dim3A_2247, %gather3A_2256, %gather3A_2259 : vector<128x128xi1>, vector<128x128xf32>
    %slice3A_2262 = vector.extract_strided_slice %select_n3A_1992 {offsets = [0, 768], sizes = [1, 128], strides = [1, 1]} : vector<1x2048xf32> to vector<1x128xf32>
    %mul3A_2263 = vector.broadcast %slice3A_2262 : vector<1x128xf32> to vector<128x128xf32>
    %mul3A_2264 = arith.mulf %select_n3A_2260, %mul3A_2263 : vector<128x128xf32>
    %slice3A_2265 = vector.extract_strided_slice %select_n3A_1995 {offsets = [0, 768], sizes = [1, 128], strides = [1, 1]} : vector<1x2048xf32> to vector<1x128xf32>
    %mul3A_2266 = vector.broadcast %slice3A_2265 : vector<1x128xf32> to vector<128x128xf32>
    %mul3A_2267 = arith.mulf %select_n3A_2261, %mul3A_2266 : vector<128x128xf32>
    %add3A_2268 = arith.addf %mul3A_2264, %mul3A_2267 : vector<128x128xf32>
    %reshape3A_2269 = vector.shape_cast %add3A_2268 : vector<128x128xf32> to vector<1x128x128xf32>
    %swap3A_2270 = arith.constant 3 : index
    %swap3A_2271 = arith.constant 0 : index
    %swap3A_2272 = arith.constant 768 : index
    %swap3A_2273 = vector.load %arg3[%swap3A_2270, %swap3A_2271, %swap3A_2272] : memref<4x128x2048xf32, #tpu.memory_space<vmem>>, vector<1x128x128xf32>
    tpu.vector_store %arg3[%swap3A_2270, %swap3A_2271, %swap3A_2272], %reshape3A_2269 {strides = array<i32>} : memref<4x128x2048xf32, #tpu.memory_space<vmem>>, vector<1x128x128xf32>,
    %slice3A_2274 = vector.extract_strided_slice %get3A_2019 {offsets = [0, 1792], sizes = [128, 128], strides = [1, 1]} : vector<128x4096xf32> to vector<128x128xf32>
    %slice3A_2275 = vector.extract_strided_slice %get3A_2019 {offsets = [0, 1920], sizes = [128, 128], strides = [1, 1]} : vector<128x4096xf32> to vector<128x128xf32>
    %slice3A_2276 = vector.extract_strided_slice %roll3A_2021 {offsets = [0, 1792], sizes = [128, 128], strides = [1, 1]} : vector<128x4096xf32> to vector<128x128xf32>
    %slice3A_2277 = vector.extract_strided_slice %roll3A_2021 {offsets = [0, 1920], sizes = [128, 128], strides = [1, 1]} : vector<128x4096xf32> to vector<128x128xf32>
    %slice3A_2278 = vector.extract_strided_slice %and3A_2014 {offsets = [0, 896], sizes = [1, 128], strides = [1, 1]} : vector<1x2048xi32> to vector<1x128xi32>
    %broadcast_in_dim3A_2279 = vector.shape_cast %slice3A_2278 : vector<1x128xi32> to vector<1x128xi32>
    %broadcast_in_dim3A_2280 = vector.broadcast %broadcast_in_dim3A_2279 : vector<1x128xi32> to vector<128x128xi32>
    %slice3A_2281 = vector.extract_strided_slice %lt3A_2011 {offsets = [0, 896], sizes = [1, 128], strides = [1, 1]} : vector<1x2048xi1> to vector<1x128xi1>
    %broadcast_in_dim3A_2282 = vector.shape_cast %slice3A_2281 : vector<1x128xi1> to vector<1x128xi1>
    %broadcast_in_dim3A_2283 = vector.broadcast %broadcast_in_dim3A_2282 : vector<1x128xi1> to vector<128x128xi1>
    %reshape3A_2284 = vector.shape_cast %broadcast_in_dim3A_2280 : vector<128x128xi32> to vector<128x128x1xi32>
    %gather3A_2285 = vector.shape_cast %reshape3A_2284 : vector<128x128x1xi32> to vector<128x128xi32>
    %gather3A_2286 = tpu.dynamic_gather %slice3A_2276[%gather3A_2285] in [1] : vector<128x128xf32>, vector<128x128xi32> -> vector<128x128xf32>
    %reshape3A_2287 = vector.shape_cast %broadcast_in_dim3A_2280 : vector<128x128xi32> to vector<128x128x1xi32>
    %gather3A_2288 = vector.shape_cast %reshape3A_2287 : vector<128x128x1xi32> to vector<128x128xi32>
    %gather3A_2289 = tpu.dynamic_gather %slice3A_2277[%gather3A_2288] in [1] : vector<128x128xf32>, vector<128x128xi32> -> vector<128x128xf32>
    %reshape3A_2290 = vector.shape_cast %broadcast_in_dim3A_2280 : vector<128x128xi32> to vector<128x128x1xi32>
    %gather3A_2291 = vector.shape_cast %reshape3A_2290 : vector<128x128x1xi32> to vector<128x128xi32>
    %gather3A_2292 = tpu.dynamic_gather %slice3A_2274[%gather3A_2291] in [1] : vector<128x128xf32>, vector<128x128xi32> -> vector<128x128xf32>
    %reshape3A_2293 = vector.shape_cast %broadcast_in_dim3A_2280 : vector<128x128xi32> to vector<128x128x1xi32>
    %gather3A_2294 = vector.shape_cast %reshape3A_2293 : vector<128x128x1xi32> to vector<128x128xi32>
    %gather3A_2295 = tpu.dynamic_gather %slice3A_2275[%gather3A_2294] in [1] : vector<128x128xf32>, vector<128x128xi32> -> vector<128x128xf32>
    %select_n3A_2296 = arith.select %broadcast_in_dim3A_2283, %gather3A_2286, %gather3A_2289 : vector<128x128xi1>, vector<128x128xf32>
    %select_n3A_2297 = arith.select %broadcast_in_dim3A_2283, %gather3A_2292, %gather3A_2295 : vector<128x128xi1>, vector<128x128xf32>
    %slice3A_2298 = vector.extract_strided_slice %select_n3A_1992 {offsets = [0, 896], sizes = [1, 128], strides = [1, 1]} : vector<1x2048xf32> to vector<1x128xf32>
    %mul3A_2299 = vector.broadcast %slice3A_2298 : vector<1x128xf32> to vector<128x128xf32>
    %mul3A_2300 = arith.mulf %select_n3A_2296, %mul3A_2299 : vector<128x128xf32>
    %slice3A_2301 = vector.extract_strided_slice %select_n3A_1995 {offsets = [0, 896], sizes = [1, 128], strides = [1, 1]} : vector<1x2048xf32> to vector<1x128xf32>
    %mul3A_2302 = vector.broadcast %slice3A_2301 : vector<1x128xf32> to vector<128x128xf32>
    %mul3A_2303 = arith.mulf %select_n3A_2297, %mul3A_2302 : vector<128x128xf32>
    %add3A_2304 = arith.addf %mul3A_2300, %mul3A_2303 : vector<128x128xf32>
    %reshape3A_2305 = vector.shape_cast %add3A_2304 : vector<128x128xf32> to vector<1x128x128xf32>
    %swap3A_2306 = arith.constant 3 : index
    %swap3A_2307 = arith.constant 0 : index
    %swap3A_2308 = arith.constant 896 : index
    %swap3A_2309 = vector.load %arg3[%swap3A_2306, %swap3A_2307, %swap3A_2308] : memref<4x128x2048xf32, #tpu.memory_space<vmem>>, vector<1x128x128xf32>
    tpu.vector_store %arg3[%swap3A_2306, %swap3A_2307, %swap3A_2308], %reshape3A_2305 {strides = array<i32>} : memref<4x128x2048xf32, #tpu.memory_space<vmem>>, vector<1x128x128xf32>,
    %slice3A_2310 = vector.extract_strided_slice %get3A_2019 {offsets = [0, 2048], sizes = [128, 128], strides = [1, 1]} : vector<128x4096xf32> to vector<128x128xf32>
    %slice3A_2311 = vector.extract_strided_slice %get3A_2019 {offsets = [0, 2176], sizes = [128, 128], strides = [1, 1]} : vector<128x4096xf32> to vector<128x128xf32>
    %slice3A_2312 = vector.extract_strided_slice %roll3A_2021 {offsets = [0, 2048], sizes = [128, 128], strides = [1, 1]} : vector<128x4096xf32> to vector<128x128xf32>
    %slice3A_2313 = vector.extract_strided_slice %roll3A_2021 {offsets = [0, 2176], sizes = [128, 128], strides = [1, 1]} : vector<128x4096xf32> to vector<128x128xf32>
    %slice3A_2314 = vector.extract_strided_slice %and3A_2014 {offsets = [0, 1024], sizes = [1, 128], strides = [1, 1]} : vector<1x2048xi32> to vector<1x128xi32>
    %broadcast_in_dim3A_2315 = vector.shape_cast %slice3A_2314 : vector<1x128xi32> to vector<1x128xi32>
    %broadcast_in_dim3A_2316 = vector.broadcast %broadcast_in_dim3A_2315 : vector<1x128xi32> to vector<128x128xi32>
    %slice3A_2317 = vector.extract_strided_slice %lt3A_2011 {offsets = [0, 1024], sizes = [1, 128], strides = [1, 1]} : vector<1x2048xi1> to vector<1x128xi1>
    %broadcast_in_dim3A_2318 = vector.shape_cast %slice3A_2317 : vector<1x128xi1> to vector<1x128xi1>
    %broadcast_in_dim3A_2319 = vector.broadcast %broadcast_in_dim3A_2318 : vector<1x128xi1> to vector<128x128xi1>
    %reshape3A_2320 = vector.shape_cast %broadcast_in_dim3A_2316 : vector<128x128xi32> to vector<128x128x1xi32>
    %gather3A_2321 = vector.shape_cast %reshape3A_2320 : vector<128x128x1xi32> to vector<128x128xi32>
    %gather3A_2322 = tpu.dynamic_gather %slice3A_2312[%gather3A_2321] in [1] : vector<128x128xf32>, vector<128x128xi32> -> vector<128x128xf32>
    %reshape3A_2323 = vector.shape_cast %broadcast_in_dim3A_2316 : vector<128x128xi32> to vector<128x128x1xi32>
    %gather3A_2324 = vector.shape_cast %reshape3A_2323 : vector<128x128x1xi32> to vector<128x128xi32>
    %gather3A_2325 = tpu.dynamic_gather %slice3A_2313[%gather3A_2324] in [1] : vector<128x128xf32>, vector<128x128xi32> -> vector<128x128xf32>
    %reshape3A_2326 = vector.shape_cast %broadcast_in_dim3A_2316 : vector<128x128xi32> to vector<128x128x1xi32>
    %gather3A_2327 = vector.shape_cast %reshape3A_2326 : vector<128x128x1xi32> to vector<128x128xi32>
    %gather3A_2328 = tpu.dynamic_gather %slice3A_2310[%gather3A_2327] in [1] : vector<128x128xf32>, vector<128x128xi32> -> vector<128x128xf32>
    %reshape3A_2329 = vector.shape_cast %broadcast_in_dim3A_2316 : vector<128x128xi32> to vector<128x128x1xi32>
    %gather3A_2330 = vector.shape_cast %reshape3A_2329 : vector<128x128x1xi32> to vector<128x128xi32>
    %gather3A_2331 = tpu.dynamic_gather %slice3A_2311[%gather3A_2330] in [1] : vector<128x128xf32>, vector<128x128xi32> -> vector<128x128xf32>
    %select_n3A_2332 = arith.select %broadcast_in_dim3A_2319, %gather3A_2322, %gather3A_2325 : vector<128x128xi1>, vector<128x128xf32>
    %select_n3A_2333 = arith.select %broadcast_in_dim3A_2319, %gather3A_2328, %gather3A_2331 : vector<128x128xi1>, vector<128x128xf32>
    %slice3A_2334 = vector.extract_strided_slice %select_n3A_1992 {offsets = [0, 1024], sizes = [1, 128], strides = [1, 1]} : vector<1x2048xf32> to vector<1x128xf32>
    %mul3A_2335 = vector.broadcast %slice3A_2334 : vector<1x128xf32> to vector<128x128xf32>
    %mul3A_2336 = arith.mulf %select_n3A_2332, %mul3A_2335 : vector<128x128xf32>
    %slice3A_2337 = vector.extract_strided_slice %select_n3A_1995 {offsets = [0, 1024], sizes = [1, 128], strides = [1, 1]} : vector<1x2048xf32> to vector<1x128xf32>
    %mul3A_2338 = vector.broadcast %slice3A_2337 : vector<1x128xf32> to vector<128x128xf32>
    %mul3A_2339 = arith.mulf %select_n3A_2333, %mul3A_2338 : vector<128x128xf32>
    %add3A_2340 = arith.addf %mul3A_2336, %mul3A_2339 : vector<128x128xf32>
    %reshape3A_2341 = vector.shape_cast %add3A_2340 : vector<128x128xf32> to vector<1x128x128xf32>
    %swap3A_2342 = arith.constant 3 : index
    %swap3A_2343 = arith.constant 0 : index
    %swap3A_2344 = arith.constant 1024 : index
    %swap3A_2345 = vector.load %arg3[%swap3A_2342, %swap3A_2343, %swap3A_2344] : memref<4x128x2048xf32, #tpu.memory_space<vmem>>, vector<1x128x128xf32>
    tpu.vector_store %arg3[%swap3A_2342, %swap3A_2343, %swap3A_2344], %reshape3A_2341 {strides = array<i32>} : memref<4x128x2048xf32, #tpu.memory_space<vmem>>, vector<1x128x128xf32>,
    %slice3A_2346 = vector.extract_strided_slice %get3A_2019 {offsets = [0, 2304], sizes = [128, 128], strides = [1, 1]} : vector<128x4096xf32> to vector<128x128xf32>
    %slice3A_2347 = vector.extract_strided_slice %get3A_2019 {offsets = [0, 2432], sizes = [128, 128], strides = [1, 1]} : vector<128x4096xf32> to vector<128x128xf32>
    %slice3A_2348 = vector.extract_strided_slice %roll3A_2021 {offsets = [0, 2304], sizes = [128, 128], strides = [1, 1]} : vector<128x4096xf32> to vector<128x128xf32>
    %slice3A_2349 = vector.extract_strided_slice %roll3A_2021 {offsets = [0, 2432], sizes = [128, 128], strides = [1, 1]} : vector<128x4096xf32> to vector<128x128xf32>
    %slice3A_2350 = vector.extract_strided_slice %and3A_2014 {offsets = [0, 1152], sizes = [1, 128], strides = [1, 1]} : vector<1x2048xi32> to vector<1x128xi32>
    %broadcast_in_dim3A_2351 = vector.shape_cast %slice3A_2350 : vector<1x128xi32> to vector<1x128xi32>
    %broadcast_in_dim3A_2352 = vector.broadcast %broadcast_in_dim3A_2351 : vector<1x128xi32> to vector<128x128xi32>
    %slice3A_2353 = vector.extract_strided_slice %lt3A_2011 {offsets = [0, 1152], sizes = [1, 128], strides = [1, 1]} : vector<1x2048xi1> to vector<1x128xi1>
    %broadcast_in_dim3A_2354 = vector.shape_cast %slice3A_2353 : vector<1x128xi1> to vector<1x128xi1>
    %broadcast_in_dim3A_2355 = vector.broadcast %broadcast_in_dim3A_2354 : vector<1x128xi1> to vector<128x128xi1>
    %reshape3A_2356 = vector.shape_cast %broadcast_in_dim3A_2352 : vector<128x128xi32> to vector<128x128x1xi32>
    %gather3A_2357 = vector.shape_cast %reshape3A_2356 : vector<128x128x1xi32> to vector<128x128xi32>
    %gather3A_2358 = tpu.dynamic_gather %slice3A_2348[%gather3A_2357] in [1] : vector<128x128xf32>, vector<128x128xi32> -> vector<128x128xf32>
    %reshape3A_2359 = vector.shape_cast %broadcast_in_dim3A_2352 : vector<128x128xi32> to vector<128x128x1xi32>
    %gather3A_2360 = vector.shape_cast %reshape3A_2359 : vector<128x128x1xi32> to vector<128x128xi32>
    %gather3A_2361 = tpu.dynamic_gather %slice3A_2349[%gather3A_2360] in [1] : vector<128x128xf32>, vector<128x128xi32> -> vector<128x128xf32>
    %reshape3A_2362 = vector.shape_cast %broadcast_in_dim3A_2352 : vector<128x128xi32> to vector<128x128x1xi32>
    %gather3A_2363 = vector.shape_cast %reshape3A_2362 : vector<128x128x1xi32> to vector<128x128xi32>
    %gather3A_2364 = tpu.dynamic_gather %slice3A_2346[%gather3A_2363] in [1] : vector<128x128xf32>, vector<128x128xi32> -> vector<128x128xf32>
    %reshape3A_2365 = vector.shape_cast %broadcast_in_dim3A_2352 : vector<128x128xi32> to vector<128x128x1xi32>
    %gather3A_2366 = vector.shape_cast %reshape3A_2365 : vector<128x128x1xi32> to vector<128x128xi32>
    %gather3A_2367 = tpu.dynamic_gather %slice3A_2347[%gather3A_2366] in [1] : vector<128x128xf32>, vector<128x128xi32> -> vector<128x128xf32>
    %select_n3A_2368 = arith.select %broadcast_in_dim3A_2355, %gather3A_2358, %gather3A_2361 : vector<128x128xi1>, vector<128x128xf32>
    %select_n3A_2369 = arith.select %broadcast_in_dim3A_2355, %gather3A_2364, %gather3A_2367 : vector<128x128xi1>, vector<128x128xf32>
    %slice3A_2370 = vector.extract_strided_slice %select_n3A_1992 {offsets = [0, 1152], sizes = [1, 128], strides = [1, 1]} : vector<1x2048xf32> to vector<1x128xf32>
    %mul3A_2371 = vector.broadcast %slice3A_2370 : vector<1x128xf32> to vector<128x128xf32>
    %mul3A_2372 = arith.mulf %select_n3A_2368, %mul3A_2371 : vector<128x128xf32>
    %slice3A_2373 = vector.extract_strided_slice %select_n3A_1995 {offsets = [0, 1152], sizes = [1, 128], strides = [1, 1]} : vector<1x2048xf32> to vector<1x128xf32>
    %mul3A_2374 = vector.broadcast %slice3A_2373 : vector<1x128xf32> to vector<128x128xf32>
    %mul3A_2375 = arith.mulf %select_n3A_2369, %mul3A_2374 : vector<128x128xf32>
    %add3A_2376 = arith.addf %mul3A_2372, %mul3A_2375 : vector<128x128xf32>
    %reshape3A_2377 = vector.shape_cast %add3A_2376 : vector<128x128xf32> to vector<1x128x128xf32>
    %swap3A_2378 = arith.constant 3 : index
    %swap3A_2379 = arith.constant 0 : index
    %swap3A_2380 = arith.constant 1152 : index
    %swap3A_2381 = vector.load %arg3[%swap3A_2378, %swap3A_2379, %swap3A_2380] : memref<4x128x2048xf32, #tpu.memory_space<vmem>>, vector<1x128x128xf32>
    tpu.vector_store %arg3[%swap3A_2378, %swap3A_2379, %swap3A_2380], %reshape3A_2377 {strides = array<i32>} : memref<4x128x2048xf32, #tpu.memory_space<vmem>>, vector<1x128x128xf32>,
    %slice3A_2382 = vector.extract_strided_slice %get3A_2019 {offsets = [0, 2560], sizes = [128, 128], strides = [1, 1]} : vector<128x4096xf32> to vector<128x128xf32>
    %slice3A_2383 = vector.extract_strided_slice %get3A_2019 {offsets = [0, 2688], sizes = [128, 128], strides = [1, 1]} : vector<128x4096xf32> to vector<128x128xf32>
    %slice3A_2384 = vector.extract_strided_slice %roll3A_2021 {offsets = [0, 2560], sizes = [128, 128], strides = [1, 1]} : vector<128x4096xf32> to vector<128x128xf32>
    %slice3A_2385 = vector.extract_strided_slice %roll3A_2021 {offsets = [0, 2688], sizes = [128, 128], strides = [1, 1]} : vector<128x4096xf32> to vector<128x128xf32>
    %slice3A_2386 = vector.extract_strided_slice %and3A_2014 {offsets = [0, 1280], sizes = [1, 128], strides = [1, 1]} : vector<1x2048xi32> to vector<1x128xi32>
    %broadcast_in_dim3A_2387 = vector.shape_cast %slice3A_2386 : vector<1x128xi32> to vector<1x128xi32>
    %broadcast_in_dim3A_2388 = vector.broadcast %broadcast_in_dim3A_2387 : vector<1x128xi32> to vector<128x128xi32>
    %slice3A_2389 = vector.extract_strided_slice %lt3A_2011 {offsets = [0, 1280], sizes = [1, 128], strides = [1, 1]} : vector<1x2048xi1> to vector<1x128xi1>
    %broadcast_in_dim3A_2390 = vector.shape_cast %slice3A_2389 : vector<1x128xi1> to vector<1x128xi1>
    %broadcast_in_dim3A_2391 = vector.broadcast %broadcast_in_dim3A_2390 : vector<1x128xi1> to vector<128x128xi1>
    %reshape3A_2392 = vector.shape_cast %broadcast_in_dim3A_2388 : vector<128x128xi32> to vector<128x128x1xi32>
    %gather3A_2393 = vector.shape_cast %reshape3A_2392 : vector<128x128x1xi32> to vector<128x128xi32>
    %gather3A_2394 = tpu.dynamic_gather %slice3A_2384[%gather3A_2393] in [1] : vector<128x128xf32>, vector<128x128xi32> -> vector<128x128xf32>
    %reshape3A_2395 = vector.shape_cast %broadcast_in_dim3A_2388 : vector<128x128xi32> to vector<128x128x1xi32>
    %gather3A_2396 = vector.shape_cast %reshape3A_2395 : vector<128x128x1xi32> to vector<128x128xi32>
    %gather3A_2397 = tpu.dynamic_gather %slice3A_2385[%gather3A_2396] in [1] : vector<128x128xf32>, vector<128x128xi32> -> vector<128x128xf32>
    %reshape3A_2398 = vector.shape_cast %broadcast_in_dim3A_2388 : vector<128x128xi32> to vector<128x128x1xi32>
    %gather3A_2399 = vector.shape_cast %reshape3A_2398 : vector<128x128x1xi32> to vector<128x128xi32>
    %gather3A_2400 = tpu.dynamic_gather %slice3A_2382[%gather3A_2399] in [1] : vector<128x128xf32>, vector<128x128xi32> -> vector<128x128xf32>
    %reshape3A_2401 = vector.shape_cast %broadcast_in_dim3A_2388 : vector<128x128xi32> to vector<128x128x1xi32>
    %gather3A_2402 = vector.shape_cast %reshape3A_2401 : vector<128x128x1xi32> to vector<128x128xi32>
    %gather3A_2403 = tpu.dynamic_gather %slice3A_2383[%gather3A_2402] in [1] : vector<128x128xf32>, vector<128x128xi32> -> vector<128x128xf32>
    %select_n3A_2404 = arith.select %broadcast_in_dim3A_2391, %gather3A_2394, %gather3A_2397 : vector<128x128xi1>, vector<128x128xf32>
    %select_n3A_2405 = arith.select %broadcast_in_dim3A_2391, %gather3A_2400, %gather3A_2403 : vector<128x128xi1>, vector<128x128xf32>
    %slice3A_2406 = vector.extract_strided_slice %select_n3A_1992 {offsets = [0, 1280], sizes = [1, 128], strides = [1, 1]} : vector<1x2048xf32> to vector<1x128xf32>
    %mul3A_2407 = vector.broadcast %slice3A_2406 : vector<1x128xf32> to vector<128x128xf32>
    %mul3A_2408 = arith.mulf %select_n3A_2404, %mul3A_2407 : vector<128x128xf32>
    %slice3A_2409 = vector.extract_strided_slice %select_n3A_1995 {offsets = [0, 1280], sizes = [1, 128], strides = [1, 1]} : vector<1x2048xf32> to vector<1x128xf32>
    %mul3A_2410 = vector.broadcast %slice3A_2409 : vector<1x128xf32> to vector<128x128xf32>
    %mul3A_2411 = arith.mulf %select_n3A_2405, %mul3A_2410 : vector<128x128xf32>
    %add3A_2412 = arith.addf %mul3A_2408, %mul3A_2411 : vector<128x128xf32>
    %reshape3A_2413 = vector.shape_cast %add3A_2412 : vector<128x128xf32> to vector<1x128x128xf32>
    %swap3A_2414 = arith.constant 3 : index
    %swap3A_2415 = arith.constant 0 : index
    %swap3A_2416 = arith.constant 1280 : index
    %swap3A_2417 = vector.load %arg3[%swap3A_2414, %swap3A_2415, %swap3A_2416] : memref<4x128x2048xf32, #tpu.memory_space<vmem>>, vector<1x128x128xf32>
    tpu.vector_store %arg3[%swap3A_2414, %swap3A_2415, %swap3A_2416], %reshape3A_2413 {strides = array<i32>} : memref<4x128x2048xf32, #tpu.memory_space<vmem>>, vector<1x128x128xf32>,
    %slice3A_2418 = vector.extract_strided_slice %get3A_2019 {offsets = [0, 2816], sizes = [128, 128], strides = [1, 1]} : vector<128x4096xf32> to vector<128x128xf32>
    %slice3A_2419 = vector.extract_strided_slice %get3A_2019 {offsets = [0, 2944], sizes = [128, 128], strides = [1, 1]} : vector<128x4096xf32> to vector<128x128xf32>
    %slice3A_2420 = vector.extract_strided_slice %roll3A_2021 {offsets = [0, 2816], sizes = [128, 128], strides = [1, 1]} : vector<128x4096xf32> to vector<128x128xf32>
    %slice3A_2421 = vector.extract_strided_slice %roll3A_2021 {offsets = [0, 2944], sizes = [128, 128], strides = [1, 1]} : vector<128x4096xf32> to vector<128x128xf32>
    %slice3A_2422 = vector.extract_strided_slice %and3A_2014 {offsets = [0, 1408], sizes = [1, 128], strides = [1, 1]} : vector<1x2048xi32> to vector<1x128xi32>
    %broadcast_in_dim3A_2423 = vector.shape_cast %slice3A_2422 : vector<1x128xi32> to vector<1x128xi32>
    %broadcast_in_dim3A_2424 = vector.broadcast %broadcast_in_dim3A_2423 : vector<1x128xi32> to vector<128x128xi32>
    %slice3A_2425 = vector.extract_strided_slice %lt3A_2011 {offsets = [0, 1408], sizes = [1, 128], strides = [1, 1]} : vector<1x2048xi1> to vector<1x128xi1>
    %broadcast_in_dim3A_2426 = vector.shape_cast %slice3A_2425 : vector<1x128xi1> to vector<1x128xi1>
    %broadcast_in_dim3A_2427 = vector.broadcast %broadcast_in_dim3A_2426 : vector<1x128xi1> to vector<128x128xi1>
    %reshape3A_2428 = vector.shape_cast %broadcast_in_dim3A_2424 : vector<128x128xi32> to vector<128x128x1xi32>
    %gather3A_2429 = vector.shape_cast %reshape3A_2428 : vector<128x128x1xi32> to vector<128x128xi32>
    %gather3A_2430 = tpu.dynamic_gather %slice3A_2420[%gather3A_2429] in [1] : vector<128x128xf32>, vector<128x128xi32> -> vector<128x128xf32>
    %reshape3A_2431 = vector.shape_cast %broadcast_in_dim3A_2424 : vector<128x128xi32> to vector<128x128x1xi32>
    %gather3A_2432 = vector.shape_cast %reshape3A_2431 : vector<128x128x1xi32> to vector<128x128xi32>
    %gather3A_2433 = tpu.dynamic_gather %slice3A_2421[%gather3A_2432] in [1] : vector<128x128xf32>, vector<128x128xi32> -> vector<128x128xf32>
    %reshape3A_2434 = vector.shape_cast %broadcast_in_dim3A_2424 : vector<128x128xi32> to vector<128x128x1xi32>
    %gather3A_2435 = vector.shape_cast %reshape3A_2434 : vector<128x128x1xi32> to vector<128x128xi32>
    %gather3A_2436 = tpu.dynamic_gather %slice3A_2418[%gather3A_2435] in [1] : vector<128x128xf32>, vector<128x128xi32> -> vector<128x128xf32>
    %reshape3A_2437 = vector.shape_cast %broadcast_in_dim3A_2424 : vector<128x128xi32> to vector<128x128x1xi32>
    %gather3A_2438 = vector.shape_cast %reshape3A_2437 : vector<128x128x1xi32> to vector<128x128xi32>
    %gather3A_2439 = tpu.dynamic_gather %slice3A_2419[%gather3A_2438] in [1] : vector<128x128xf32>, vector<128x128xi32> -> vector<128x128xf32>
    %select_n3A_2440 = arith.select %broadcast_in_dim3A_2427, %gather3A_2430, %gather3A_2433 : vector<128x128xi1>, vector<128x128xf32>
    %select_n3A_2441 = arith.select %broadcast_in_dim3A_2427, %gather3A_2436, %gather3A_2439 : vector<128x128xi1>, vector<128x128xf32>
    %slice3A_2442 = vector.extract_strided_slice %select_n3A_1992 {offsets = [0, 1408], sizes = [1, 128], strides = [1, 1]} : vector<1x2048xf32> to vector<1x128xf32>
    %mul3A_2443 = vector.broadcast %slice3A_2442 : vector<1x128xf32> to vector<128x128xf32>
    %mul3A_2444 = arith.mulf %select_n3A_2440, %mul3A_2443 : vector<128x128xf32>
    %slice3A_2445 = vector.extract_strided_slice %select_n3A_1995 {offsets = [0, 1408], sizes = [1, 128], strides = [1, 1]} : vector<1x2048xf32> to vector<1x128xf32>
    %mul3A_2446 = vector.broadcast %slice3A_2445 : vector<1x128xf32> to vector<128x128xf32>
    %mul3A_2447 = arith.mulf %select_n3A_2441, %mul3A_2446 : vector<128x128xf32>
    %add3A_2448 = arith.addf %mul3A_2444, %mul3A_2447 : vector<128x128xf32>
    %reshape3A_2449 = vector.shape_cast %add3A_2448 : vector<128x128xf32> to vector<1x128x128xf32>
    %swap3A_2450 = arith.constant 3 : index
    %swap3A_2451 = arith.constant 0 : index
    %swap3A_2452 = arith.constant 1408 : index
    %swap3A_2453 = vector.load %arg3[%swap3A_2450, %swap3A_2451, %swap3A_2452] : memref<4x128x2048xf32, #tpu.memory_space<vmem>>, vector<1x128x128xf32>
    tpu.vector_store %arg3[%swap3A_2450, %swap3A_2451, %swap3A_2452], %reshape3A_2449 {strides = array<i32>} : memref<4x128x2048xf32, #tpu.memory_space<vmem>>, vector<1x128x128xf32>,
    %slice3A_2454 = vector.extract_strided_slice %get3A_2019 {offsets = [0, 3072], sizes = [128, 128], strides = [1, 1]} : vector<128x4096xf32> to vector<128x128xf32>
    %slice3A_2455 = vector.extract_strided_slice %get3A_2019 {offsets = [0, 3200], sizes = [128, 128], strides = [1, 1]} : vector<128x4096xf32> to vector<128x128xf32>
    %slice3A_2456 = vector.extract_strided_slice %roll3A_2021 {offsets = [0, 3072], sizes = [128, 128], strides = [1, 1]} : vector<128x4096xf32> to vector<128x128xf32>
    %slice3A_2457 = vector.extract_strided_slice %roll3A_2021 {offsets = [0, 3200], sizes = [128, 128], strides = [1, 1]} : vector<128x4096xf32> to vector<128x128xf32>
    %slice3A_2458 = vector.extract_strided_slice %and3A_2014 {offsets = [0, 1536], sizes = [1, 128], strides = [1, 1]} : vector<1x2048xi32> to vector<1x128xi32>
    %broadcast_in_dim3A_2459 = vector.shape_cast %slice3A_2458 : vector<1x128xi32> to vector<1x128xi32>
    %broadcast_in_dim3A_2460 = vector.broadcast %broadcast_in_dim3A_2459 : vector<1x128xi32> to vector<128x128xi32>
    %slice3A_2461 = vector.extract_strided_slice %lt3A_2011 {offsets = [0, 1536], sizes = [1, 128], strides = [1, 1]} : vector<1x2048xi1> to vector<1x128xi1>
    %broadcast_in_dim3A_2462 = vector.shape_cast %slice3A_2461 : vector<1x128xi1> to vector<1x128xi1>
    %broadcast_in_dim3A_2463 = vector.broadcast %broadcast_in_dim3A_2462 : vector<1x128xi1> to vector<128x128xi1>
    %reshape3A_2464 = vector.shape_cast %broadcast_in_dim3A_2460 : vector<128x128xi32> to vector<128x128x1xi32>
    %gather3A_2465 = vector.shape_cast %reshape3A_2464 : vector<128x128x1xi32> to vector<128x128xi32>
    %gather3A_2466 = tpu.dynamic_gather %slice3A_2456[%gather3A_2465] in [1] : vector<128x128xf32>, vector<128x128xi32> -> vector<128x128xf32>
    %reshape3A_2467 = vector.shape_cast %broadcast_in_dim3A_2460 : vector<128x128xi32> to vector<128x128x1xi32>
    %gather3A_2468 = vector.shape_cast %reshape3A_2467 : vector<128x128x1xi32> to vector<128x128xi32>
    %gather3A_2469 = tpu.dynamic_gather %slice3A_2457[%gather3A_2468] in [1] : vector<128x128xf32>, vector<128x128xi32> -> vector<128x128xf32>
    %reshape3A_2470 = vector.shape_cast %broadcast_in_dim3A_2460 : vector<128x128xi32> to vector<128x128x1xi32>
    %gather3A_2471 = vector.shape_cast %reshape3A_2470 : vector<128x128x1xi32> to vector<128x128xi32>
    %gather3A_2472 = tpu.dynamic_gather %slice3A_2454[%gather3A_2471] in [1] : vector<128x128xf32>, vector<128x128xi32> -> vector<128x128xf32>
    %reshape3A_2473 = vector.shape_cast %broadcast_in_dim3A_2460 : vector<128x128xi32> to vector<128x128x1xi32>
    %gather3A_2474 = vector.shape_cast %reshape3A_2473 : vector<128x128x1xi32> to vector<128x128xi32>
    %gather3A_2475 = tpu.dynamic_gather %slice3A_2455[%gather3A_2474] in [1] : vector<128x128xf32>, vector<128x128xi32> -> vector<128x128xf32>
    %select_n3A_2476 = arith.select %broadcast_in_dim3A_2463, %gather3A_2466, %gather3A_2469 : vector<128x128xi1>, vector<128x128xf32>
    %select_n3A_2477 = arith.select %broadcast_in_dim3A_2463, %gather3A_2472, %gather3A_2475 : vector<128x128xi1>, vector<128x128xf32>
    %slice3A_2478 = vector.extract_strided_slice %select_n3A_1992 {offsets = [0, 1536], sizes = [1, 128], strides = [1, 1]} : vector<1x2048xf32> to vector<1x128xf32>
    %mul3A_2479 = vector.broadcast %slice3A_2478 : vector<1x128xf32> to vector<128x128xf32>
    %mul3A_2480 = arith.mulf %select_n3A_2476, %mul3A_2479 : vector<128x128xf32>
    %slice3A_2481 = vector.extract_strided_slice %select_n3A_1995 {offsets = [0, 1536], sizes = [1, 128], strides = [1, 1]} : vector<1x2048xf32> to vector<1x128xf32>
    %mul3A_2482 = vector.broadcast %slice3A_2481 : vector<1x128xf32> to vector<128x128xf32>
    %mul3A_2483 = arith.mulf %select_n3A_2477, %mul3A_2482 : vector<128x128xf32>
    %add3A_2484 = arith.addf %mul3A_2480, %mul3A_2483 : vector<128x128xf32>
    %reshape3A_2485 = vector.shape_cast %add3A_2484 : vector<128x128xf32> to vector<1x128x128xf32>
    %swap3A_2486 = arith.constant 3 : index
    %swap3A_2487 = arith.constant 0 : index
    %swap3A_2488 = arith.constant 1536 : index
    %swap3A_2489 = vector.load %arg3[%swap3A_2486, %swap3A_2487, %swap3A_2488] : memref<4x128x2048xf32, #tpu.memory_space<vmem>>, vector<1x128x128xf32>
    tpu.vector_store %arg3[%swap3A_2486, %swap3A_2487, %swap3A_2488], %reshape3A_2485 {strides = array<i32>} : memref<4x128x2048xf32, #tpu.memory_space<vmem>>, vector<1x128x128xf32>,
    %slice3A_2490 = vector.extract_strided_slice %get3A_2019 {offsets = [0, 3328], sizes = [128, 128], strides = [1, 1]} : vector<128x4096xf32> to vector<128x128xf32>
    %slice3A_2491 = vector.extract_strided_slice %get3A_2019 {offsets = [0, 3456], sizes = [128, 128], strides = [1, 1]} : vector<128x4096xf32> to vector<128x128xf32>
    %slice3A_2492 = vector.extract_strided_slice %roll3A_2021 {offsets = [0, 3328], sizes = [128, 128], strides = [1, 1]} : vector<128x4096xf32> to vector<128x128xf32>
    %slice3A_2493 = vector.extract_strided_slice %roll3A_2021 {offsets = [0, 3456], sizes = [128, 128], strides = [1, 1]} : vector<128x4096xf32> to vector<128x128xf32>
    %slice3A_2494 = vector.extract_strided_slice %and3A_2014 {offsets = [0, 1664], sizes = [1, 128], strides = [1, 1]} : vector<1x2048xi32> to vector<1x128xi32>
    %broadcast_in_dim3A_2495 = vector.shape_cast %slice3A_2494 : vector<1x128xi32> to vector<1x128xi32>
    %broadcast_in_dim3A_2496 = vector.broadcast %broadcast_in_dim3A_2495 : vector<1x128xi32> to vector<128x128xi32>
    %slice3A_2497 = vector.extract_strided_slice %lt3A_2011 {offsets = [0, 1664], sizes = [1, 128], strides = [1, 1]} : vector<1x2048xi1> to vector<1x128xi1>
    %broadcast_in_dim3A_2498 = vector.shape_cast %slice3A_2497 : vector<1x128xi1> to vector<1x128xi1>
    %broadcast_in_dim3A_2499 = vector.broadcast %broadcast_in_dim3A_2498 : vector<1x128xi1> to vector<128x128xi1>
    %reshape3A_2500 = vector.shape_cast %broadcast_in_dim3A_2496 : vector<128x128xi32> to vector<128x128x1xi32>
    %gather3A_2501 = vector.shape_cast %reshape3A_2500 : vector<128x128x1xi32> to vector<128x128xi32>
    %gather3A_2502 = tpu.dynamic_gather %slice3A_2492[%gather3A_2501] in [1] : vector<128x128xf32>, vector<128x128xi32> -> vector<128x128xf32>
    %reshape3A_2503 = vector.shape_cast %broadcast_in_dim3A_2496 : vector<128x128xi32> to vector<128x128x1xi32>
    %gather3A_2504 = vector.shape_cast %reshape3A_2503 : vector<128x128x1xi32> to vector<128x128xi32>
    %gather3A_2505 = tpu.dynamic_gather %slice3A_2493[%gather3A_2504] in [1] : vector<128x128xf32>, vector<128x128xi32> -> vector<128x128xf32>
    %reshape3A_2506 = vector.shape_cast %broadcast_in_dim3A_2496 : vector<128x128xi32> to vector<128x128x1xi32>
    %gather3A_2507 = vector.shape_cast %reshape3A_2506 : vector<128x128x1xi32> to vector<128x128xi32>
    %gather3A_2508 = tpu.dynamic_gather %slice3A_2490[%gather3A_2507] in [1] : vector<128x128xf32>, vector<128x128xi32> -> vector<128x128xf32>
    %reshape3A_2509 = vector.shape_cast %broadcast_in_dim3A_2496 : vector<128x128xi32> to vector<128x128x1xi32>
    %gather3A_2510 = vector.shape_cast %reshape3A_2509 : vector<128x128x1xi32> to vector<128x128xi32>
    %gather3A_2511 = tpu.dynamic_gather %slice3A_2491[%gather3A_2510] in [1] : vector<128x128xf32>, vector<128x128xi32> -> vector<128x128xf32>
    %select_n3A_2512 = arith.select %broadcast_in_dim3A_2499, %gather3A_2502, %gather3A_2505 : vector<128x128xi1>, vector<128x128xf32>
    %select_n3A_2513 = arith.select %broadcast_in_dim3A_2499, %gather3A_2508, %gather3A_2511 : vector<128x128xi1>, vector<128x128xf32>
    %slice3A_2514 = vector.extract_strided_slice %select_n3A_1992 {offsets = [0, 1664], sizes = [1, 128], strides = [1, 1]} : vector<1x2048xf32> to vector<1x128xf32>
    %mul3A_2515 = vector.broadcast %slice3A_2514 : vector<1x128xf32> to vector<128x128xf32>
    %mul3A_2516 = arith.mulf %select_n3A_2512, %mul3A_2515 : vector<128x128xf32>
    %slice3A_2517 = vector.extract_strided_slice %select_n3A_1995 {offsets = [0, 1664], sizes = [1, 128], strides = [1, 1]} : vector<1x2048xf32> to vector<1x128xf32>
    %mul3A_2518 = vector.broadcast %slice3A_2517 : vector<1x128xf32> to vector<128x128xf32>
    %mul3A_2519 = arith.mulf %select_n3A_2513, %mul3A_2518 : vector<128x128xf32>
    %add3A_2520 = arith.addf %mul3A_2516, %mul3A_2519 : vector<128x128xf32>
    %reshape3A_2521 = vector.shape_cast %add3A_2520 : vector<128x128xf32> to vector<1x128x128xf32>
    %swap3A_2522 = arith.constant 3 : index
    %swap3A_2523 = arith.constant 0 : index
    %swap3A_2524 = arith.constant 1664 : index
    %swap3A_2525 = vector.load %arg3[%swap3A_2522, %swap3A_2523, %swap3A_2524] : memref<4x128x2048xf32, #tpu.memory_space<vmem>>, vector<1x128x128xf32>
    tpu.vector_store %arg3[%swap3A_2522, %swap3A_2523, %swap3A_2524], %reshape3A_2521 {strides = array<i32>} : memref<4x128x2048xf32, #tpu.memory_space<vmem>>, vector<1x128x128xf32>,
    %slice3A_2526 = vector.extract_strided_slice %get3A_2019 {offsets = [0, 3584], sizes = [128, 128], strides = [1, 1]} : vector<128x4096xf32> to vector<128x128xf32>
    %slice3A_2527 = vector.extract_strided_slice %get3A_2019 {offsets = [0, 3712], sizes = [128, 128], strides = [1, 1]} : vector<128x4096xf32> to vector<128x128xf32>
    %slice3A_2528 = vector.extract_strided_slice %roll3A_2021 {offsets = [0, 3584], sizes = [128, 128], strides = [1, 1]} : vector<128x4096xf32> to vector<128x128xf32>
    %slice3A_2529 = vector.extract_strided_slice %roll3A_2021 {offsets = [0, 3712], sizes = [128, 128], strides = [1, 1]} : vector<128x4096xf32> to vector<128x128xf32>
    %slice3A_2530 = vector.extract_strided_slice %and3A_2014 {offsets = [0, 1792], sizes = [1, 128], strides = [1, 1]} : vector<1x2048xi32> to vector<1x128xi32>
    %broadcast_in_dim3A_2531 = vector.shape_cast %slice3A_2530 : vector<1x128xi32> to vector<1x128xi32>
    %broadcast_in_dim3A_2532 = vector.broadcast %broadcast_in_dim3A_2531 : vector<1x128xi32> to vector<128x128xi32>
    %slice3A_2533 = vector.extract_strided_slice %lt3A_2011 {offsets = [0, 1792], sizes = [1, 128], strides = [1, 1]} : vector<1x2048xi1> to vector<1x128xi1>
    %broadcast_in_dim3A_2534 = vector.shape_cast %slice3A_2533 : vector<1x128xi1> to vector<1x128xi1>
    %broadcast_in_dim3A_2535 = vector.broadcast %broadcast_in_dim3A_2534 : vector<1x128xi1> to vector<128x128xi1>
    %reshape3A_2536 = vector.shape_cast %broadcast_in_dim3A_2532 : vector<128x128xi32> to vector<128x128x1xi32>
    %gather3A_2537 = vector.shape_cast %reshape3A_2536 : vector<128x128x1xi32> to vector<128x128xi32>
    %gather3A_2538 = tpu.dynamic_gather %slice3A_2528[%gather3A_2537] in [1] : vector<128x128xf32>, vector<128x128xi32> -> vector<128x128xf32>
    %reshape3A_2539 = vector.shape_cast %broadcast_in_dim3A_2532 : vector<128x128xi32> to vector<128x128x1xi32>
    %gather3A_2540 = vector.shape_cast %reshape3A_2539 : vector<128x128x1xi32> to vector<128x128xi32>
    %gather3A_2541 = tpu.dynamic_gather %slice3A_2529[%gather3A_2540] in [1] : vector<128x128xf32>, vector<128x128xi32> -> vector<128x128xf32>
    %reshape3A_2542 = vector.shape_cast %broadcast_in_dim3A_2532 : vector<128x128xi32> to vector<128x128x1xi32>
    %gather3A_2543 = vector.shape_cast %reshape3A_2542 : vector<128x128x1xi32> to vector<128x128xi32>
    %gather3A_2544 = tpu.dynamic_gather %slice3A_2526[%gather3A_2543] in [1] : vector<128x128xf32>, vector<128x128xi32> -> vector<128x128xf32>
    %reshape3A_2545 = vector.shape_cast %broadcast_in_dim3A_2532 : vector<128x128xi32> to vector<128x128x1xi32>
    %gather3A_2546 = vector.shape_cast %reshape3A_2545 : vector<128x128x1xi32> to vector<128x128xi32>
    %gather3A_2547 = tpu.dynamic_gather %slice3A_2527[%gather3A_2546] in [1] : vector<128x128xf32>, vector<128x128xi32> -> vector<128x128xf32>
    %select_n3A_2548 = arith.select %broadcast_in_dim3A_2535, %gather3A_2538, %gather3A_2541 : vector<128x128xi1>, vector<128x128xf32>
    %select_n3A_2549 = arith.select %broadcast_in_dim3A_2535, %gather3A_2544, %gather3A_2547 : vector<128x128xi1>, vector<128x128xf32>
    %slice3A_2550 = vector.extract_strided_slice %select_n3A_1992 {offsets = [0, 1792], sizes = [1, 128], strides = [1, 1]} : vector<1x2048xf32> to vector<1x128xf32>
    %mul3A_2551 = vector.broadcast %slice3A_2550 : vector<1x128xf32> to vector<128x128xf32>
    %mul3A_2552 = arith.mulf %select_n3A_2548, %mul3A_2551 : vector<128x128xf32>
    %slice3A_2553 = vector.extract_strided_slice %select_n3A_1995 {offsets = [0, 1792], sizes = [1, 128], strides = [1, 1]} : vector<1x2048xf32> to vector<1x128xf32>
    %mul3A_2554 = vector.broadcast %slice3A_2553 : vector<1x128xf32> to vector<128x128xf32>
    %mul3A_2555 = arith.mulf %select_n3A_2549, %mul3A_2554 : vector<128x128xf32>
    %add3A_2556 = arith.addf %mul3A_2552, %mul3A_2555 : vector<128x128xf32>
    %reshape3A_2557 = vector.shape_cast %add3A_2556 : vector<128x128xf32> to vector<1x128x128xf32>
    %swap3A_2558 = arith.constant 3 : index
    %swap3A_2559 = arith.constant 0 : index
    %swap3A_2560 = arith.constant 1792 : index
    %swap3A_2561 = vector.load %arg3[%swap3A_2558, %swap3A_2559, %swap3A_2560] : memref<4x128x2048xf32, #tpu.memory_space<vmem>>, vector<1x128x128xf32>
    tpu.vector_store %arg3[%swap3A_2558, %swap3A_2559, %swap3A_2560], %reshape3A_2557 {strides = array<i32>} : memref<4x128x2048xf32, #tpu.memory_space<vmem>>, vector<1x128x128xf32>,
    %slice3A_2562 = vector.extract_strided_slice %get3A_2019 {offsets = [0, 3840], sizes = [128, 128], strides = [1, 1]} : vector<128x4096xf32> to vector<128x128xf32>
    %slice3A_2563 = vector.extract_strided_slice %get3A_2019 {offsets = [0, 3968], sizes = [128, 128], strides = [1, 1]} : vector<128x4096xf32> to vector<128x128xf32>
    %slice3A_2564 = vector.extract_strided_slice %roll3A_2021 {offsets = [0, 3840], sizes = [128, 128], strides = [1, 1]} : vector<128x4096xf32> to vector<128x128xf32>
    %slice3A_2565 = vector.extract_strided_slice %roll3A_2021 {offsets = [0, 3968], sizes = [128, 128], strides = [1, 1]} : vector<128x4096xf32> to vector<128x128xf32>
    %slice3A_2566 = vector.extract_strided_slice %and3A_2014 {offsets = [0, 1920], sizes = [1, 128], strides = [1, 1]} : vector<1x2048xi32> to vector<1x128xi32>
    %broadcast_in_dim3A_2567 = vector.shape_cast %slice3A_2566 : vector<1x128xi32> to vector<1x128xi32>
    %broadcast_in_dim3A_2568 = vector.broadcast %broadcast_in_dim3A_2567 : vector<1x128xi32> to vector<128x128xi32>
    %slice3A_2569 = vector.extract_strided_slice %lt3A_2011 {offsets = [0, 1920], sizes = [1, 128], strides = [1, 1]} : vector<1x2048xi1> to vector<1x128xi1>
    %broadcast_in_dim3A_2570 = vector.shape_cast %slice3A_2569 : vector<1x128xi1> to vector<1x128xi1>
    %broadcast_in_dim3A_2571 = vector.broadcast %broadcast_in_dim3A_2570 : vector<1x128xi1> to vector<128x128xi1>
    %reshape3A_2572 = vector.shape_cast %broadcast_in_dim3A_2568 : vector<128x128xi32> to vector<128x128x1xi32>
    %gather3A_2573 = vector.shape_cast %reshape3A_2572 : vector<128x128x1xi32> to vector<128x128xi32>
    %gather3A_2574 = tpu.dynamic_gather %slice3A_2564[%gather3A_2573] in [1] : vector<128x128xf32>, vector<128x128xi32> -> vector<128x128xf32>
    %reshape3A_2575 = vector.shape_cast %broadcast_in_dim3A_2568 : vector<128x128xi32> to vector<128x128x1xi32>
    %gather3A_2576 = vector.shape_cast %reshape3A_2575 : vector<128x128x1xi32> to vector<128x128xi32>
    %gather3A_2577 = tpu.dynamic_gather %slice3A_2565[%gather3A_2576] in [1] : vector<128x128xf32>, vector<128x128xi32> -> vector<128x128xf32>
    %reshape3A_2578 = vector.shape_cast %broadcast_in_dim3A_2568 : vector<128x128xi32> to vector<128x128x1xi32>
    %gather3A_2579 = vector.shape_cast %reshape3A_2578 : vector<128x128x1xi32> to vector<128x128xi32>
    %gather3A_2580 = tpu.dynamic_gather %slice3A_2562[%gather3A_2579] in [1] : vector<128x128xf32>, vector<128x128xi32> -> vector<128x128xf32>
    %reshape3A_2581 = vector.shape_cast %broadcast_in_dim3A_2568 : vector<128x128xi32> to vector<128x128x1xi32>
    %gather3A_2582 = vector.shape_cast %reshape3A_2581 : vector<128x128x1xi32> to vector<128x128xi32>
    %gather3A_2583 = tpu.dynamic_gather %slice3A_2563[%gather3A_2582] in [1] : vector<128x128xf32>, vector<128x128xi32> -> vector<128x128xf32>
    %select_n3A_2584 = arith.select %broadcast_in_dim3A_2571, %gather3A_2574, %gather3A_2577 : vector<128x128xi1>, vector<128x128xf32>
    %select_n3A_2585 = arith.select %broadcast_in_dim3A_2571, %gather3A_2580, %gather3A_2583 : vector<128x128xi1>, vector<128x128xf32>
    %slice3A_2586 = vector.extract_strided_slice %select_n3A_1992 {offsets = [0, 1920], sizes = [1, 128], strides = [1, 1]} : vector<1x2048xf32> to vector<1x128xf32>
    %mul3A_2587 = vector.broadcast %slice3A_2586 : vector<1x128xf32> to vector<128x128xf32>
    %mul3A_2588 = arith.mulf %select_n3A_2584, %mul3A_2587 : vector<128x128xf32>
    %slice3A_2589 = vector.extract_strided_slice %select_n3A_1995 {offsets = [0, 1920], sizes = [1, 128], strides = [1, 1]} : vector<1x2048xf32> to vector<1x128xf32>
    %mul3A_2590 = vector.broadcast %slice3A_2589 : vector<1x128xf32> to vector<128x128xf32>
    %mul3A_2591 = arith.mulf %select_n3A_2585, %mul3A_2590 : vector<128x128xf32>
    %add3A_2592 = arith.addf %mul3A_2588, %mul3A_2591 : vector<128x128xf32>
    %reshape3A_2593 = vector.shape_cast %add3A_2592 : vector<128x128xf32> to vector<1x128x128xf32>
    %swap3A_2594 = arith.constant 3 : index
    %swap3A_2595 = arith.constant 0 : index
    %swap3A_2596 = arith.constant 1920 : index
    %swap3A_2597 = vector.load %arg3[%swap3A_2594, %swap3A_2595, %swap3A_2596] : memref<4x128x2048xf32, #tpu.memory_space<vmem>>, vector<1x128x128xf32>
    tpu.vector_store %arg3[%swap3A_2594, %swap3A_2595, %swap3A_2596], %reshape3A_2593 {strides = array<i32>} : memref<4x128x2048xf32, #tpu.memory_space<vmem>>, vector<1x128x128xf32>,
    return
  }
  func.func @transform_0(%arg0: i32) -> (i32, i32) {
    %c0_i32 = arith.constant 0 : i32
    %c0_i32_0 = arith.constant 0 : i32
    %c0_i32_1 = arith.constant 0 : i32
    return %c0_i32, %c0_i32_0 : i32, i32
  }
  func.func @transform_1(%arg0: i32) -> (i32, i32, i32) {
    %c0_i32 = arith.constant 0 : i32
    %c0_i32_0 = arith.constant 0 : i32
    %c0_i32_1 = arith.constant 0 : i32
    return %arg0, %c0_i32, %c0_i32_0 : i32, i32, i32
  }
  func.func @transform_2(%arg0: i32) -> (i32, i32, i32) {
    %c0_i32 = arith.constant 0 : i32
    %c0_i32_0 = arith.constant 0 : i32
    %c0_i32_1 = arith.constant 0 : i32
    return %arg0, %c0_i32, %c0_i32_0 : i32, i32, i32
  }
}

</mosaic_0001>

<sc_bundles>
// kernel: kernel.4.cloned.1.call-start
scs
__scs_entry_jumppad:
0x0: {  	(pc) =	sbr.rel $0x88, $3  }
0x1: {  	(tag) =	ssettag $0x0;
	lr =	simm.s32 $0x1  }
0x2: {  	[smem:$0x3F9F] =	sst lr;
	_ =	strace $0xD0000000  }
0x3: {  	_ = 	snop  }
0x4: {  	_ = 	snop  }
0x5: {  	_ = 	snop  }
0x6: {  	_ = 	snop  }
0x7: {  	_ = 	snop  }
__scs_overlays_trampoline_lowered:
0x8: {  	[smem:$0x3FAE] =	sst s0  }
0x9: {  	[smem:$0x3FAF] =	sst s1  }
0xa: {  	[smem:$0x3FB0] =	sst s2  }
0xb: {  	[smem:$0x3FB1] =	sst s3  }
0xc: {  	[smem:$0x3FB2] =	sst s4  }
0xd: {  	[smem:$0x3FB3] =	sst s5  }
0xe: {  	[smem:$0x3FB4] =	sst s6  }
0xf: {  	[smem:$0x3FB5] =	sst s7  }
0x10: {  	[smem:$0x3FB6] =	sst s8  }
0x11: {  	[smem:$0x3FB7] =	sst s9;
	s0 =	simm.s32 @!p0 $0x0  }
0x12: {  	s1 =	sld [smem:$0x3F9D];
	s0 =	simm.s32 @p0 $0x1  }
0x13: {  	[smem:$0x3FB8] =	sst s0;
	s0 =	simm.s32 @!p1 $0x0  }
0x14: {  	s2 =	sld [smem:$0x3F9C];
	s0 =	simm.s32 @p1 $0x1  }
0x15: {  	[smem:$0x3FB9] =	sst s0;
	s0 =	simm.s32 @!p2 $0x0  }
0x16: {  	s3 =	sld [smem:$0x3FDB];
	s0 =	simm.s32 @p2 $0x1  }
0x17: {  	s4 =	simm.s32 $0x1BF5;
	[smem:$0x3FBB] =	sst s0  }
0x18: {  	s0 =	sld [smem:$0x3F9E];
	_ =	swait.ge [sflag:s4], $0x0  }
0x19: {  	s7 =	sld [smem:$0x3F9F]  }
0x1a: {  	s8 =	sadd.s32 $0xFFFFE003, lr  }
0x1b: {  	s9 =	sadd.s32 $0xFFFFFEF7, lr;
	s5 =	simm.s32 $0xFFFFFFFF;
	p2 =	slt.u32 s8, $0xFFFFF086  }
0x1c: {  	p1 =	slt.u32 s9, $0xF7A;
	s5 =	simm.s32 @!p2 $0x0  }
0x1d: {  	s5 =	simm.s32 @p1 $0x1;
	p0 =	seq.s32 s7, s2  }
0x1e: {  	s7 =	smul.u32 @!p0 $0xF7A, s2;
	p2 =	seq.s32 @!p0 s5, $0x0  }
0x1f: {  	s9 =	smul.u32 $0xF7A, s1;
	s8 =	simm.s32 @!p0 $0x1BF5;
	p2 =	por !p2, p0  }
0x20: {  	[sflag:s8] =	ssyncset.s32 @!p0 $0xFFFFF086;
	s6 =	sadd.s32 @!p0 s3, s7;
	s7 =	simm.s32 @!p0 $0x108  }
0x21: {  	s3 =	sadd.s32 s3, s9;
	s6 =	sadd.s32 @!p0 $0x88, s6;
	s7 =	simm.s32 @p2 $0x1082  }
0x22: {  	[simem:s7], [sflag:s8] =	dma.local @!p0 [hbm:s6], $0xF7A  }
0x23: {  	s9 =	sor.u32 $0xD0000000, s2;
	s6 =	simm.s32 $0x108;
	_ =	swait.ge @!p0 [sflag:s8], $0x0  }
0x24: {  	s3 =	sadd.s32 $0x88, s3;
	s6 =	simm.s32 @!p1 $0x1082;
	[sflag:s4] =	ssyncset.s32 $0xFFFFF086  }
0x25: {  	[simem:s6], [sflag:s4] =	dma.local [hbm:s3], $0xF7A  }
0x26: {  	[smem:$0x3F9F] =	sst s1;
	(tag) =	ssettag s2;
	_ =	strace s9  }
0x27: {  	s1 =	sld [smem:$0x3FAF]  }
0x28: {  	s2 =	sld [smem:$0x3FB0]  }
0x29: {  	s4 =	sld [smem:$0x3FB2]  }
0x2a: {  	p0 =	seq.s32 s5, $0x0;
	s5 =	sld [smem:$0x3FB3]  }
0x2b: {  	s6 =	sld [smem:$0x3FB4]  }
0x2c: {  	s7 =	sld [smem:$0x3FB5]  }
0x2d: {  	s3 =	simm.s32 $0x108;
	s8 =	sld [smem:$0x3FB6]  }
0x2e: {  	s3 =	simm.s32 @!p0 $0x1082;
	s9 =	sld [smem:$0x3FB7]  }
0x2f: {  	lr =	sadd.s32 s0, s3;
	s0 =	sld [smem:$0x3FAE]  }
0x30: {  	s3 =	sld [smem:$0x3FB1]  }
0x31: {  	[smem:$0x3FBA] =	sst s10  }
0x32: {  	s10 =	sld [smem:$0x3FB8];
	_ =	sdelay $0x3  }
0x33: {  	p0 =	seq.s32 s10, $0x1;
	s10 =	sld [smem:$0x3FBA];
	_ =	sdelay $0x3  }
0x34: {  	[smem:$0x3FBA] =	sst s10  }
0x35: {  	s10 =	sld [smem:$0x3FB9];
	_ =	sdelay $0x3  }
0x36: {  	p1 =	seq.s32 s10, $0x1;
	s10 =	sld [smem:$0x3FBA];
	_ =	sdelay $0x3  }
0x37: {  	[smem:$0x3FBA] =	sst s10  }
0x38: {  	s10 =	sld [smem:$0x3FBB]  }
0x39: {  	_ = 	snop;
	(pc) =	sbr.ind lr, $3  }
0x3a: {  	_ = 	snop  }
0x3b: {  	_ = 	snop  }
0x3c: {  	p2 =	seq.s32 s10, $0x1;
	s10 =	sld [smem:$0x3FBA]  }
0x3d: {  	_ =	shalt  }
0x3e: {  	_ =	shalt  }
0x3f: {  	_ =	shalt  }
0x40: {  	_ =	shalt  }
0x41: {  	_ =	shalt  }
0x42: {  	_ =	shalt  }
0x43: {  	_ =	shalt  }
0x44: {  	_ =	shalt  }
0x45: {  	_ =	shalt  }
0x46: {  	_ =	shalt  }
0x47: {  	_ =	shalt  }
0x48: {  	_ =	shalt  }
0x49: {  	_ =	shalt  }
0x4a: {  	_ =	shalt  }
0x4b: {  	_ =	shalt  }
0x4c: {  	_ =	shalt  }
0x4d: {  	_ =	shalt  }
0x4e: {  	_ =	shalt  }
0x4f: {  	_ =	shalt  }
0x50: {  	_ =	shalt  }
0x51: {  	_ =	shalt  }
0x52: {  	_ =	shalt  }
0x53: {  	_ =	shalt  }
0x54: {  	_ =	shalt  }
0x55: {  	_ =	shalt  }
0x56: {  	_ =	shalt  }
0x57: {  	_ =	shalt  }
0x58: {  	_ =	shalt  }
0x59: {  	_ =	shalt  }
0x5a: {  	_ =	shalt  }
0x5b: {  	_ =	shalt  }
0x5c: {  	_ =	shalt  }
0x5d: {  	_ =	shalt  }
0x5e: {  	_ =	shalt  }
0x5f: {  	_ =	shalt  }
0x60: {  	_ =	shalt  }
0x61: {  	_ =	shalt  }
0x62: {  	_ =	shalt  }
0x63: {  	_ =	shalt  }
0x64: {  	_ =	shalt  }
0x65: {  	_ =	shalt  }
0x66: {  	_ =	shalt  }
0x67: {  	_ =	shalt  }
0x68: {  	_ =	shalt  }
0x69: {  	_ =	shalt  }
0x6a: {  	_ =	shalt  }
0x6b: {  	_ =	shalt  }
0x6c: {  	_ =	shalt  }
0x6d: {  	_ =	shalt  }
0x6e: {  	_ =	shalt  }
0x6f: {  	_ =	shalt  }
0x70: {  	_ =	shalt  }
0x71: {  	_ =	shalt  }
0x72: {  	_ =	shalt  }
0x73: {  	_ =	shalt  }
0x74: {  	_ =	shalt  }
0x75: {  	_ =	shalt  }
0x76: {  	_ =	shalt  }
0x77: {  	_ =	shalt  }
0x78: {  	_ =	shalt  }
0x79: {  	_ =	shalt  }
0x7a: {  	_ =	shalt  }
0x7b: {  	_ =	shalt  }
0x7c: {  	_ =	shalt  }
0x7d: {  	_ =	shalt  }
0x7e: {  	_ =	shalt  }
0x7f: {  	_ =	shalt  }
0x80: {  	_ =	shalt  }
0x81: {  	_ =	shalt  }
0x82: {  	_ =	shalt  }
0x83: {  	_ =	shalt  }
0x84: {  	_ =	shalt  }
0x85: {  	_ =	shalt  }
0x86: {  	_ =	shalt  }
0x87: {  	_ =	shalt  }
.Lfunc_end0:
.L_simem_size_0:
called_computation_lowered:
.L_overlay_start_0:
0x88: {  	s2 =	sld [smem:$0x3FD9]  }
0x89: {  	s3 =	sld [smem:$0x3FFE];
	_ =	sdelay $0x1  }
0x8a: {  	s1 =	srdreg.scid  }
0x8b: {  	s0 =	sand.u32 $0x1, s1  }
0x8c: {  	s16 =	sshll.u32 s0, $0xA;
	s2 =	sadd.s32 s3, s2  }
0x8d: {  	s2 =	sadd.s32 s2, s16  }
0x8e: {  	[smem:$0x3FC6] =	sst s2  }
0x8f: {  	_ = 	snop  }
0x90: {  	(tm) =	ssettm $0x1  }
0x91: {  	s17 =	sld [smem:$0x3FFB];
	_ =	sdelay $0x3  }
0x92: {  	_ =	strace s17  }
0x93: {  	s2 =	sld [smem:$0x3FFC];
	_ =	sdelay $0x3  }
0x94: {  	_ =	strace s2  }
0x95: {  	s2 =	sld [smem:$0x3FFD];
	_ =	sdelay $0x3  }
0x96: {  	_ =	strace s2  }
0x97: {  	_ =	strace $0x8FFFFFFF  }
0x98: {  	s18 =	sld [smem:$0x3FDB];
	_ =	sdelay $0x1  }
0x99: {  	s19 =	simm.s32 $_scs_section_size  }
0x9a: {  	s4 =	simm.s32 $_size__tile_overlayer_lowered;
	s5 =	simm.s32 $_tile_overlayer_lowered  }
0x9b: {  	s22 =	simm.s32 $0x1BFF;
	s21 =	sshll.u32 s5, $0x1;
	s2 =	sadd.s32 s19, s18  }
0x9c: {  	s6 =	simm.s32 $0x0;
	s20 =	sshll.u32 s4, $0x1;
	s4 =	sadd.s32 s21, s2  }
0x9d: {  	[timem:s6], [sflag:s22] =	dma.local [hbm:s4], s20  }
0x9e: {  	_ =	swait.ge [sflag:s22], s20  }
0x9f: {  	s3 =	ssub.s32 $0x0, s20;
	[sflag:s22] =	ssyncset.done $0x0  }
0xa0: {  	[sflag:s22] =	ssyncadd.s32 s3;
	_ =	sdelay $0x1  }
0xa1: {  	s23 =	simm.s32 $0x1B8B  }
0xa2: {  	_ =	swait.ge [sflag:s23], $0x1  }
0xa3: {  	[sflag:s23] =	ssyncset.done $0x0  }
0xa4: {  	s25 =	simm.s32 $0x1B8E;
	s24 =	sld [smem:$0x3FFE];
	[sflag:s23] =	ssyncadd.s32 $0xFFFFFFFF  }
0xa5: {  	s26 =	simm.s32 $execute0_lowered;
	[smem:$0x3FD2] =	sst s25  }
0xa6: {  	s4 =	sshll.u32 s26, $0x1;
	_ =	strace $0x80000046;
	[dreg:$0x1] =	wrdreg $0xFFFFFFFF  }
0xa7: {  	s28 =	simm.s32 $_size_execute0_lowered;
	s2 =	sadd.s32 s2, s4;
	[dreg:$0x0] =	wrdreg $0x0  }
0xa8: {  	s4 =	sshll.u32 s28, $0x1;
	[dreg:$0x2] =	wrdreg s2  }
0xa9: {  	[dreg:$0x3] =	wrdreg s4  }
0xaa: {  	[dreg:$0x4] =	wrdreg $0xC0  }
0xab: {  	_ =	task [dreg:s6], $0x5FFFF  }
0xac: {  	[dreg:$0x1] =	wrdreg $0xFFFFFFFF  }
0xad: {  	[dreg:$0x0] =	wrdreg $0x60  }
0xae: {  	[dreg:$0x2] =	wrdreg s24  }
0xaf: {  	[dreg:$0x3] =	wrdreg $0x9  }
0xb0: {  	_ =	task.clear_ibuf [dreg:s6], $0x4FFFF;
	_ =	strace $0x90000046  }
0xb1: {  	s29 =	simm.s32 $0x9;
	_ =	strace $0x80000048  }
0xb2: {  	_ =	swait.ge [sflag:s29], $0x1  }
0xb3: {  	[sflag:s29] =	ssyncadd.s32 $0xFFFFFFFF  }
0xb4: {  	_ =	strace $0x90000048  }
0xb5: {  	_ =	sfence  }
0xb6: {  	s30 =	sld [smem:$0x0];
	_ =	sdelay $0x2  }
0xb7: {  	s31 =	sshll.u32 s1, $0xD;
	s1 =	sshrl.u32 s1, $0x2  }
0xb8: {  	s3 =	sand.u32 $0x4000, s31;
	s1 =	sadd.s32 s1, s30  }
0xb9: {  	s0 =	sor.u32 s3, s0;
	s1 =	sshll.u32 s1, $0x11  }
0xba: {  	s0 =	sor.u32 s1, s0  }
0xbb: {  	s0 =	sadd.s32 $0x8F2B, s0  }
0xbc: {  	[sflag:s0] =	ssyncadd.remote.s32 $0x1  }
0xbd: {  	_ =	sfence.sel $0xFFFF  }
0xbe: {  	[dreg:$0x0] =	wrdreg $0xFFFFFFFF;
	(pc) =	sbr.abs _section_cstart, $3  }
0xbf: {  	[dreg:$0x1] =	wrdreg $0xFFFFFFFF  }
0xc0: {  	_ =	task.clear_ibuf [dreg:s6], $0x2FFFF;
	_ =	strace $0x9FFFFFFF  }
0xc1: {  	(tm) =	ssettm $0x7FFFFFFF  }
tec
execute0_lowered:
.L_overlay_start_1:
0x0: {  	(tag) =	ssettag $0x1  }
0x1: {  	s1 =	srdreg.scid  }
0x2: {  	s4 =	sand.u32 $0x1, s1  }
0x3: {  	s5 =	ssub.s32 $0x2, s4  }
0x4: {  	s6 =	sshrl.u32 s5, $0x1  }
0x5: {  	s5 =	ssub.s32 s5, s6  }
0x6: {  	s3 =	rddreg [dreg:$0x0];
	s31 =	smax.u32 s5, $0x1  }
0x7: {  	s0 =	rddreg [dreg:$0x1];
	p1 =	sne.s32 s31, $0x1  }
.Ltmp0:
0x8: {  	s1 =	stileid.u32;
	(pc) =	sbr.rel @!p1 .LBB2_3-.Ltmp0, $4  }
0x9: {  	s2 =	simm.s32 $0x0;
	s7 =	sshll.u32 s1, $0x7;
	s4 =	sshll.u32 s4, $0x6  }
0xa: {  	p0 =	por $0x0, $0x0;
	[smem:$0x7FF] =	sst s2;
	s4 =	sor.u32 s4, s7  }
0xb: {  	_ =	strace $0x80000047;
	s6 =	sadd.s32 s3, s4;
	s3 =	simm.s32 $0x1  }
0xc: {  	s4 =	sadd.s32 $0x800, s6;
	s5 =	simm.s32 $0x200;
	s7 =	sadd.s32 $0xFFFFFFFF, s31  }
0xd: {  	[tilespmem:s2], [sflag:$0x1] =	stream.linear.gather [hbm4b:s6+s2], $0x200, $0x38;
	[tilespmem:$0x400] =	vst v63  }
0xe: {  	_ =	swait.ge [sflag:s3], $0x200  }
0xf: {  	[sflag:s3] =	ssyncset.done $0x0  }
0x10: {  	[sflag:s3] =	ssyncadd.s32 $0xFFFFFE00  }
0x11: {  	v5 =	vld [tilespmem:$0x140]  }
0x12: {  	v0 =	vld [tilespmem:$0x130]  }
0x13: {  	v7 =	vld [tilespmem:$0x120]  }
0x14: {  	v1 =	vld [tilespmem:$0x1E0]  }
0x15: {  	v10 =	vld [tilespmem:$0x160]  }
0x16: {  	v14 =	vld [tilespmem:$0x190]  }
0x17: {  	v8 =	vld [tilespmem:$0x110]  }
0x18: {  	v9 =	vld [tilespmem:$0x150]  }
0x19: {  	v4 =	vld [tilespmem:$0xD0]  }
0x1a: {  	v2 =	vld [tilespmem:$0x170];
	v6 =	vshrl.u32 v0, $0x8;
	v11 =	vshrl.u32 v1, $0x8  }
0x1b: {  	v3 =	vld [tilespmem:$0x180];
	v12 =	vshrl.u32 v7, $0x8;
	v15 =	vshrl.u32 v10, $0x8;
	v16 =	vshrl.u32 v14, $0x8  }
0x1c: {  	v13 =	vand.u32 v6, v0;
	v0 =	vand.u32 v11, v1;
	v11 =	vshrl.u32 v8, $0x8;
	v1 =	vld [tilespmem:$0x1A0]  }
0x1d: {  	p1 =	sne.s32 s7, $0x1;
	v6 =	vld [tilespmem:$0x60];
	v7 =	vand.u32 v12, v7;
	v15 =	vand.u32 v15, v10;
	v0 =	vand.u32 $0x10001, v0  }
.Ltmp1:
0x1e: {  	v12 =	vshrl.u32 v5, $0x8;
	v8 =	vand.u32 v11, v8;
	v7 =	vand.u32 $0x10001, v7;
	[tilespmem:$0x3E0] =	vst v0;
	v0 =	vld [tilespmem:$0x1B0];
	(pc) =	sbr.rel @!p1 .LBB2_3-.Ltmp1, $4  }
0x1f: {  	v11 =	vand.u32 $0x10001, v8;
	v8 =	vld [tilespmem:$0x10];
	[tilespmem:$0x320] =	vst v7;
	v7 =	vand.u32 $0x10001, v13;
	v13 =	vshrl.u32 v9, $0x8  }
0x20: {  	v10 =	vshrl.u32 v2, $0x8;
	[tilespmem:$0x330] =	vst v7;
	v7 =	vand.u32 v12, v5;
	v12 =	vand.u32 v13, v9;
	v9 =	vld [tilespmem:$0x1C0]  }
0x21: {  	v15 =	vand.u32 $0x10001, v15;
	v5 =	vld [tilespmem:$0xC0];
	[tilespmem:$0x310] =	vst v11;
	v13 =	vand.u32 $0x10001, v7;
	v17 =	vand.u32 $0x10001, v12  }
0x22: {  	s7 =	sadd.s32 $0xFFFFFFFF, s7;
	p0 =	por $0x1, $0x1;
	v12 =	vand.u32 v16, v14;
	v7 =	vld [tilespmem:$0x50];
	v14 =	vshrl.u32 v4, $0x8;
	v11 =	vshrl.u32 v6, $0x8;
	[tilespmem:$0x350] =	vst v17  }
.LBB2_2:
0x23: {  	p1 =	sne.s32 s7, $0x1;
	s7 =	sadd.s32 $0xFFFFFFFF, s7;
	v4 =	vand.u32 v14, v4;
	[tilespmem:$0x360] =	vst v15;
	v14 =	vshrl.u32 v3, $0x8;
	v15 =	vshrl.u32 v0, $0x8;
	v16 =	vld [tilespmem:$0x1D0]  }
0x24: {  	v17 =	vshrl.u32 v8, $0x8;
	v18 =	vld [tilespmem:$0x40];
	v4 =	vand.u32 $0x10001, v4;
	[tilespmem:$0x340] =	vst v13;
	v3 =	vand.u32 v14, v3  }
0x25: {  	v2 =	vand.u32 v10, v2;
	v13 =	vld [tilespmem:$0x30];
	[tilespmem:$0x2D0] =	vst v4;
	v3 =	vand.u32 $0x10001, v3;
	v4 =	vand.u32 $0x10001, v12  }
0x26: {  	v2 =	vand.u32 $0x10001, v2;
	v10 =	vld [tilespmem:$0x70];
	v12 =	vshrl.u32 v5, $0x8;
	[tilespmem:$0x390] =	vst v4;
	v4 =	vshrl.u32 v1, $0x8  }
0x27: {  	v6 =	vand.u32 v11, v6;
	v14 =	vshrl.u32 v7, $0x8;
	[tilespmem:$0x380] =	vst v3;
	v1 =	vand.u32 v4, v1;
	v3 =	vld [tilespmem:$0x1F0]  }
0x28: {  	v6 =	vand.u32 $0x10001, v6;
	v4 =	vand.u32 v17, v8;
	v8 =	vld [tilespmem:$0x80];
	[tilespmem:$0x370] =	vst v2;
	v1 =	vand.u32 $0x10001, v1  }
0x29: {  	v0 =	vand.u32 v15, v0;
	v4 =	vand.u32 $0x10001, v4;
	v2 =	vld [tilespmem:$0x0];
	[tilespmem:$0x260] =	vst v6;
	v6 =	vshrl.u32 v9, $0x8  }
0x2a: {  	v0 =	vand.u32 $0x10001, v0;
	[tilespmem:$0x210] =	vst v4;
	v4 =	vshrl.u32 v13, $0x8;
	v11 =	vld [tilespmem:$0x90];
	v6 =	vand.u32 v6, v9  }
0x2b: {  	v5 =	vand.u32 v12, v5;
	v9 =	vld [tilespmem:$0x20];
	v15 =	vshrl.u32 v10, $0x8;
	[tilespmem:$0x3A0] =	vst v1;
	v1 =	vand.u32 $0x10001, v6  }
0x2c: {  	v5 =	vand.u32 $0x10001, v5;
	v6 =	vand.u32 v14, v7;
	v7 =	vld [tilespmem:$0xF0];
	[tilespmem:$0x3C0] =	vst v1;
	v1 =	vshrl.u32 v16, $0x8  }
0x2d: {  	v12 =	vshrl.u32 v18, $0x8;
	v6 =	vand.u32 $0x10001, v6;
	[tilespmem:$0x2C0] =	vst v5;
	v5 =	vld [tilespmem:$0xE0];
	v1 =	vand.u32 v1, v16  }
0x2e: {  	v12 =	vand.u32 v12, v18;
	v14 =	vshrl.u32 v2, $0x8;
	[tilespmem:$0x250] =	vst v6;
	v6 =	vld [tilespmem:$0xB0];
	v1 =	vand.u32 $0x10001, v1  }
0x2f: {  	v4 =	vand.u32 v4, v13;
	v12 =	vand.u32 $0x10001, v12;
	v10 =	vand.u32 v15, v10;
	v13 =	vld [tilespmem:$0xA0];
	[tilespmem:$0x3D0] =	vst v1  }
0x30: {  	v1 =	vand.u32 $0x10001, v4;
	v4 =	vand.u32 $0x10001, v10;
	[tilespmem:$0x240] =	vst v12;
	v10 =	vld [tilespmem:$0x100];
	v12 =	vshrl.u32 v3, $0x8  }
0x31: {  	v2 =	vand.u32 v14, v2;
	[tilespmem:$0x270] =	vst v4;
	v4 =	vshrl.u32 v8, $0x8;
	v3 =	vand.u32 v12, v3  }
0x32: {  	v2 =	vand.u32 $0x10001, v2;
	[tilespmem:$0x230] =	vst v1;
	v1 =	vand.u32 v4, v8;
	v3 =	vand.u32 $0x10001, v3  }
0x33: {  	v4 =	vshrl.u32 v11, $0x8;
	[tilespmem:$0x200] =	vst v2;
	v2 =	vshrl.u32 v9, $0x8;
	v1 =	vand.u32 $0x10001, v1  }
0x34: {  	v8 =	vshrl.u32 v7, $0x8;
	v4 =	vand.u32 v4, v11;
	v2 =	vand.u32 v2, v9;
	[tilespmem:$0x3F0] =	vst v3  }
0x35: {  	v3 =	vand.u32 v8, v7;
	v2 =	vand.u32 $0x10001, v2;
	[tilespmem:$0x280] =	vst v1;
	v1 =	vand.u32 $0x10001, v4  }
0x36: {  	v4 =	vshrl.u32 v5, $0x8;
	v3 =	vand.u32 $0x10001, v3;
	[tilespmem:$0x220] =	vst v2;
	v2 =	vshrl.u32 v6, $0x8  }
0x37: {  	v7 =	vshrl.u32 v13, $0x8;
	v4 =	vand.u32 v4, v5;
	v2 =	vand.u32 v2, v6;
	[tilespmem:$0x2F0] =	vst v3  }
0x38: {  	v3 =	vand.u32 v7, v13;
	v4 =	vand.u32 $0x10001, v4;
	v2 =	vand.u32 $0x10001, v2;
	[tilespmem:$0x3B0] =	vst v0  }
0x39: {  	v0 =	vand.u32 $0x10001, v3;
	[tilespmem:$0x2B0] =	vst v2;
	v2 =	vshrl.u32 v10, $0x8  }
0x3a: {  	[tilespmem:$0x2A0] =	vst v0;
	v0 =	vand.u32 v2, v10  }
0x3b: {  	[tilespmem:$0x2E0] =	vst v4;
	v0 =	vand.u32 $0x10001, v0  }
0x3c: {  	[tilespmem:$0x300] =	vst v0  }
0x3d: {  	[tilespmem:$0x290] =	vst v1  }
0x3e: {  	[hbm4b:s4+s2] =	stream.linear.scatter [tilespmem:s5], [sflag:$0x1], $0x200, $0x38;
	[tilespmem:$0x400] =	vst v63  }
0x3f: {  	_ =	swait.ge [sflag:s3], $0x200  }
0x40: {  	[sflag:s3] =	ssyncset.done $0x0  }
0x41: {  	[sflag:s3] =	ssyncadd.s32 $0xFFFFFE00  }
0x42: {  	[tilespmem:s2], [sflag:$0x1] =	stream.linear.gather [hbm4b:s6+s2], $0x200, $0x38;
	[tilespmem:$0x400] =	vst v63  }
0x43: {  	_ =	swait.ge [sflag:s3], $0x200  }
0x44: {  	[sflag:s3] =	ssyncset.done $0x0  }
0x45: {  	[sflag:s3] =	ssyncadd.s32 $0xFFFFFE00  }
0x46: {  	v5 =	vld [tilespmem:$0x140]  }
0x47: {  	v0 =	vld [tilespmem:$0x130]  }
0x48: {  	v7 =	vld [tilespmem:$0x120]  }
0x49: {  	v8 =	vld [tilespmem:$0x110]  }
0x4a: {  	v1 =	vld [tilespmem:$0x1E0]  }
0x4b: {  	v9 =	vld [tilespmem:$0x150]  }
0x4c: {  	v10 =	vld [tilespmem:$0x160]  }
0x4d: {  	v4 =	vld [tilespmem:$0xD0]  }
0x4e: {  	v3 =	vshrl.u32 v0, $0x8;
	v2 =	vld [tilespmem:$0x170]  }
0x4f: {  	v11 =	vshrl.u32 v7, $0x8;
	v12 =	vand.u32 v3, v0;
	v3 =	vld [tilespmem:$0x180];
	v0 =	vshrl.u32 v1, $0x8  }
0x50: {  	v14 =	vld [tilespmem:$0x190];
	v0 =	vand.u32 v0, v1  }
0x51: {  	v13 =	vshrl.u32 v8, $0x8;
	v15 =	vshrl.u32 v10, $0x8;
	v1 =	vld [tilespmem:$0x1A0];
	v0 =	vand.u32 $0x10001, v0  }
0x52: {  	v7 =	vand.u32 v11, v7;
	v8 =	vand.u32 v13, v8;
	v6 =	vld [tilespmem:$0x60];
	v15 =	vand.u32 v15, v10;
	[tilespmem:$0x3E0] =	vst v0  }
.Ltmp2:
0x53: {  	v7 =	vand.u32 $0x10001, v7;
	v11 =	vand.u32 $0x10001, v8;
	v10 =	vshrl.u32 v2, $0x8;
	v0 =	vld [tilespmem:$0x1B0];
	(pc) =	sbr.rel @p1 .LBB2_2-.Ltmp2, $4  }
0x54: {  	v13 =	vshrl.u32 v9, $0x8;
	v8 =	vld [tilespmem:$0x10];
	[tilespmem:$0x320] =	vst v7;
	v7 =	vand.u32 $0x10001, v12;
	v12 =	vshrl.u32 v5, $0x8  }
0x55: {  	[tilespmem:$0x330] =	vst v7;
	v7 =	vand.u32 v12, v5;
	v12 =	vand.u32 v13, v9;
	v16 =	vshrl.u32 v14, $0x8;
	v9 =	vld [tilespmem:$0x1C0]  }
0x56: {  	v5 =	vld [tilespmem:$0xC0];
	[tilespmem:$0x310] =	vst v11;
	v13 =	vand.u32 $0x10001, v7;
	v17 =	vand.u32 $0x10001, v12;
	v12 =	vand.u32 v16, v14  }
0x57: {  	v15 =	vand.u32 $0x10001, v15;
	v14 =	vshrl.u32 v4, $0x8;
	v7 =	vld [tilespmem:$0x50];
	v11 =	vshrl.u32 v6, $0x8;
	[tilespmem:$0x350] =	vst v17  }
.LBB2_3:
0x58: {  	v4 =	vand.u32 @p0 v14, v4;
	[tilespmem:$0x360] =	vst @p0 v15  }
0x59: {  	[tilespmem:$0x340] =	vst @p0 v13;
	v2 =	vand.u32 @p0 v10, v2;
	v4 =	vand.u32 @p0 $0x10001, v4  }
0x5a: {  	v6 =	vand.u32 @p0 v11, v6;
	v2 =	vand.u32 @p0 $0x10001, v2;
	[tilespmem:$0x2D0] =	vst @p0 v4  }
0x5b: {  	v14 =	vshrl.u32 @p0 v3, $0x8;
	v6 =	vand.u32 @p0 $0x10001, v6;
	[tilespmem:$0x370] =	vst @p0 v2  }
0x5c: {  	v11 =	vshrl.u32 @p0 v1, $0x8;
	v3 =	vand.u32 @p0 v14, v3;
	v4 =	vand.u32 @p0 $0x10001, v12;
	v2 =	vld @p0 [tilespmem:$0x70];
	[tilespmem:$0x260] =	vst @p0 v6  }
0x5d: {  	v10 =	vshrl.u32 @p0 v8, $0x8;
	v1 =	vand.u32 @p0 v11, v1;
	v3 =	vand.u32 @p0 $0x10001, v3;
	[tilespmem:$0x390] =	vst @p0 v4;
	v4 =	vld @p0 [tilespmem:$0x1D0]  }
0x5e: {  	v8 =	vand.u32 @p0 v10, v8;
	v1 =	vand.u32 @p0 $0x10001, v1;
	[tilespmem:$0x380] =	vst @p0 v3;
	v3 =	vld @p0 [tilespmem:$0x40];
	v11 =	vshrl.u32 @p0 v5, $0x8  }
0x5f: {  	v6 =	vshrl.u32 @p0 v9, $0x8;
	v10 =	vld @p0 [tilespmem:$0x30];
	v8 =	vand.u32 @p0 $0x10001, v8;
	[tilespmem:$0x3A0] =	vst @p0 v1;
	v5 =	vand.u32 @p0 v11, v5  }
0x60: {  	v6 =	vand.u32 @p0 v6, v9;
	v9 =	vld @p0 [tilespmem:$0x0];
	[tilespmem:$0x210] =	vst @p0 v8;
	v8 =	vshrl.u32 @p0 v7, $0x8;
	v5 =	vand.u32 @p0 $0x10001, v5  }
0x61: {  	v1 =	vand.u32 @p0 $0x10001, v6;
	v6 =	vld @p0 [tilespmem:$0x1F0];
	v7 =	vand.u32 @p0 v8, v7;
	[tilespmem:$0x2C0] =	vst @p0 v5;
	v5 =	vshrl.u32 @p0 v2, $0x8  }
0x62: {  	[tilespmem:$0x3C0] =	vst @p0 v1;
	v8 =	vld @p0 [tilespmem:$0x80];
	v7 =	vand.u32 @p0 $0x10001, v7;
	v1 =	vshrl.u32 @p0 v4, $0x8;
	v2 =	vand.u32 @p0 v5, v2  }
0x63: {  	[tilespmem:$0x250] =	vst @p0 v7;
	v11 =	vshrl.u32 @p0 v3, $0x8;
	v1 =	vand.u32 @p0 v1, v4;
	v4 =	vld @p0 [tilespmem:$0x20];
	v2 =	vand.u32 @p0 $0x10001, v2  }
0x64: {  	v7 =	vshrl.u32 @p0 v10, $0x8;
	v3 =	vand.u32 @p0 v11, v3;
	v1 =	vand.u32 @p0 $0x10001, v1;
	[tilespmem:$0x270] =	vst @p0 v2  }
0x65: {  	v5 =	vand.u32 @p0 v7, v10;
	v11 =	vld @p0 [tilespmem:$0xF0];
	v3 =	vand.u32 @p0 $0x10001, v3;
	[tilespmem:$0x3D0] =	vst @p0 v1;
	v1 =	vshrl.u32 @p0 v9, $0x8  }
0x66: {  	v5 =	vand.u32 @p0 $0x10001, v5;
	v7 =	vshrl.u32 @p0 v6, $0x8;
	[tilespmem:$0x240] =	vst @p0 v3;
	v3 =	vld @p0 [tilespmem:$0xB0];
	v1 =	vand.u32 @p0 v1, v9  }
0x67: {  	v2 =	vld @p0 [tilespmem:$0xA0];
	v6 =	vand.u32 @p0 v7, v6;
	[tilespmem:$0x230] =	vst @p0 v5;
	v9 =	vshrl.u32 @p0 v8, $0x8;
	v1 =	vand.u32 @p0 $0x10001, v1  }
0x68: {  	v5 =	vld @p0 [tilespmem:$0xE0];
	v6 =	vand.u32 @p0 $0x10001, v6;
	v7 =	vand.u32 @p0 v9, v8;
	[tilespmem:$0x200] =	vst @p0 v1;
	v1 =	vshrl.u32 @p0 v4, $0x8  }
0x69: {  	[tilespmem:$0x3F0] =	vst @p0 v6;
	v6 =	vshrl.u32 @p0 v0, $0x8;
	v8 =	vld @p0 [tilespmem:$0x100];
	v7 =	vand.u32 @p0 $0x10001, v7;
	v1 =	vand.u32 @p0 v1, v4  }
0x6a: {  	v9 =	vld @p0 [tilespmem:$0x90];
	v0 =	vand.u32 @p0 v6, v0;
	v4 =	vshrl.u32 @p0 v11, $0x8;
	[tilespmem:$0x280] =	vst @p0 v7;
	v1 =	vand.u32 @p0 $0x10001, v1  }
0x6b: {  	v0 =	vand.u32 @p0 $0x10001, v0;
	v4 =	vand.u32 @p0 v4, v11;
	[tilespmem:$0x220] =	vst @p0 v1;
	v1 =	vshrl.u32 @p0 v3, $0x8  }
0x6c: {  	v6 =	vshrl.u32 @p0 v2, $0x8;
	[tilespmem:$0x3B0] =	vst @p0 v0;
	v4 =	vand.u32 @p0 $0x10001, v4;
	v1 =	vand.u32 @p0 v1, v3  }
0x6d: {  	v2 =	vand.u32 @p0 v6, v2;
	[tilespmem:$0x2F0] =	vst @p0 v4;
	v3 =	vshrl.u32 @p0 v5, $0x8;
	v1 =	vand.u32 @p0 $0x10001, v1  }
0x6e: {  	v2 =	vand.u32 @p0 $0x10001, v2;
	v0 =	vand.u32 @p0 v3, v5;
	[tilespmem:$0x2B0] =	vst @p0 v1;
	v1 =	vshrl.u32 @p0 v8, $0x8  }
0x6f: {  	[tilespmem:$0x2A0] =	vst @p0 v2;
	v3 =	vshrl.u32 @p0 v9, $0x8;
	v0 =	vand.u32 @p0 $0x10001, v0;
	v1 =	vand.u32 @p0 v1, v8  }
0x70: {  	v2 =	vand.u32 @p0 v3, v9;
	[tilespmem:$0x2E0] =	vst @p0 v0;
	v0 =	vand.u32 @p0 $0x10001, v1  }
0x71: {  	v1 =	vand.u32 @p0 $0x10001, v2;
	[tilespmem:$0x300] =	vst @p0 v0  }
0x72: {  	[tilespmem:$0x290] =	vst @p0 v1  }
0x73: {  	[hbm4b:s4+s2] =	stream.linear.scatter @p0 [tilespmem:s5], [sflag:$0x1], $0x200, $0x38;
	[tilespmem:$0x400] =	vst v63  }
0x74: {  	_ =	swait.ge @p0 [sflag:s3], $0x200  }
0x75: {  	[sflag:s3] =	ssyncset.done @p0 $0x0  }
0x76: {  	[sflag:s3] =	ssyncadd.s32 @p0 $0xFFFFFE00  }
0x77: {  	[tilespmem:s2], [sflag:$0x1] =	stream.linear.gather [hbm4b:s6+s2], $0x200, $0x38;
	[tilespmem:$0x400] =	vst v63  }
0x78: {  	_ =	swait.ge [sflag:s3], $0x200  }
0x79: {  	[sflag:s3] =	ssyncset.done $0x0  }
0x7a: {  	[sflag:s3] =	ssyncadd.s32 $0xFFFFFE00  }
0x7b: {  	v37 =	vld [tilespmem:$0x1E0]  }
0x7c: {  	v38 =	vld [tilespmem:$0x120]  }
0x7d: {  	v39 =	vld [tilespmem:$0x130]  }
0x7e: {  	v40 =	vld [tilespmem:$0x110]  }
0x7f: {  	v42 =	vld [tilespmem:$0x160]  }
0x80: {  	v44 =	vld [tilespmem:$0x140];
	v43 =	vshrl.u32 v37, $0x8  }
0x81: {  	v46 =	vld [tilespmem:$0xD0];
	v45 =	vshrl.u32 v38, $0x8;
	v0 =	vand.u32 v43, v37  }
0x82: {  	v48 =	vld [tilespmem:$0x190];
	v47 =	vshrl.u32 v39, $0x8;
	v1 =	vand.u32 v45, v38;
	v0 =	vand.u32 $0x10001, v0  }
0x83: {  	v63 =	vld [tilespmem:$0x1A0];
	v49 =	vshrl.u32 v40, $0x8;
	v2 =	vand.u32 v47, v39;
	v50 =	vand.u32 $0x10001, v1;
	[tilespmem:$0x3E0] =	vst v0  }
0x84: {  	v17 =	vld [tilespmem:$0xC0];
	v55 =	vshrl.u32 v42, $0x8;
	v3 =	vand.u32 v49, v40;
	v52 =	vand.u32 $0x10001, v2;
	[tilespmem:$0x320] =	vst v50  }
0x85: {  	v41 =	vld [tilespmem:$0x150];
	v59 =	vshrl.u32 v44, $0x8;
	v58 =	vand.u32 v55, v42;
	v3 =	vand.u32 $0x10001, v3;
	[tilespmem:$0x330] =	vst v52  }
0x86: {  	v51 =	vld [tilespmem:$0x180];
	v61 =	vshrl.u32 v46, $0x8;
	v5 =	vand.u32 v59, v44;
	v62 =	vand.u32 $0x10001, v58;
	[tilespmem:$0x310] =	vst v3  }
0x87: {  	v57 =	vld [tilespmem:$0x60];
	v12 =	vshrl.u32 v48, $0x8;
	v6 =	vand.u32 v61, v46;
	v5 =	vand.u32 $0x10001, v5;
	[tilespmem:$0x360] =	vst v62  }
0x88: {  	v34 =	vld [tilespmem:$0x80];
	v24 =	vshrl.u32 v63, $0x8;
	v14 =	vand.u32 v12, v48;
	v6 =	vand.u32 $0x10001, v6;
	[tilespmem:$0x340] =	vst v5  }
0x89: {  	v54 =	vld [tilespmem:$0x170];
	v28 =	vshrl.u32 v17, $0x8;
	v4 =	vand.u32 v24, v63;
	v18 =	vand.u32 $0x10001, v14;
	[tilespmem:$0x2D0] =	vst v6  }
0x8a: {  	v60 =	vld [tilespmem:$0x10];
	v53 =	vshrl.u32 v41, $0x8;
	v9 =	vand.u32 v28, v17;
	v4 =	vand.u32 $0x10001, v4;
	[tilespmem:$0x390] =	vst v18  }
0x8b: {  	v31 =	vld [tilespmem:$0x1F0];
	v15 =	vshrl.u32 v51, $0x8;
	v56 =	vand.u32 v53, v41;
	v32 =	vand.u32 $0x10001, v9;
	[tilespmem:$0x3A0] =	vst v4  }
0x8c: {  	v13 =	vld [tilespmem:$0x1C0];
	v20 =	vshrl.u32 v57, $0x8;
	v1 =	vand.u32 v15, v51;
	v0 =	vand.u32 $0x10001, v56;
	[tilespmem:$0x2C0] =	vst v32  }
0x8d: {  	v19 =	vld [tilespmem:$0x50];
	v46 =	vshrl.u32 v34, $0x8;
	v2 =	vand.u32 v20, v57;
	v1 =	vand.u32 $0x10001, v1;
	[tilespmem:$0x350] =	vst v0  }
0x8e: {  	v23 =	vld [tilespmem:$0x40];
	v16 =	vshrl.u32 v54, $0x8;
	v7 =	vand.u32 v46, v34;
	v2 =	vand.u32 $0x10001, v2;
	[tilespmem:$0x380] =	vst v1  }
0x8f: {  	v25 =	vld [tilespmem:$0x70];
	v22 =	vshrl.u32 v60, $0x8;
	v5 =	vand.u32 v16, v54;
	v7 =	vand.u32 $0x10001, v7;
	[tilespmem:$0x260] =	vst v2  }
0x90: {  	v30 =	vld [tilespmem:$0x0];
	v44 =	vshrl.u32 v31, $0x8;
	v3 =	vand.u32 v22, v60;
	v5 =	vand.u32 $0x10001, v5;
	[tilespmem:$0x280] =	vst v7  }
0x91: {  	v21 =	vld [tilespmem:$0x1D0];
	v26 =	vshrl.u32 v13, $0x8;
	v4 =	vand.u32 v44, v31;
	v3 =	vand.u32 $0x10001, v3;
	[tilespmem:$0x370] =	vst v5  }
0x92: {  	v27 =	vld [tilespmem:$0x30];
	v29 =	vshrl.u32 v19, $0x8;
	v0 =	vand.u32 v26, v13;
	v4 =	vand.u32 $0x10001, v4;
	[tilespmem:$0x210] =	vst v3  }
0x93: {  	v36 =	vld [tilespmem:$0x20];
	v35 =	vshrl.u32 v23, $0x8;
	v2 =	vand.u32 v29, v19;
	v0 =	vand.u32 $0x10001, v0;
	[tilespmem:$0x3F0] =	vst v4  }
0x94: {  	v37 =	vshrl.u32 v25, $0x8;
	v39 =	vld [tilespmem:$0xF0];
	v1 =	vand.u32 v35, v23;
	v2 =	vand.u32 $0x10001, v2;
	[tilespmem:$0x3C0] =	vst v0  }
0x95: {  	v41 =	vshrl.u32 v30, $0x8;
	v45 =	vld [tilespmem:$0xA0];
	v1 =	vand.u32 $0x10001, v1;
	v5 =	vand.u32 v37, v25;
	[tilespmem:$0x250] =	vst v2  }
0x96: {  	v33 =	vshrl.u32 v21, $0x8;
	v49 =	vld [tilespmem:$0x100];
	v3 =	vand.u32 v41, v30;
	[tilespmem:$0x240] =	vst v1;
	v42 =	vand.u32 $0x10001, v5  }
0x97: {  	v38 =	vshrl.u32 v27, $0x8;
	v40 =	vld [tilespmem:$0x1B0];
	v0 =	vand.u32 v33, v21;
	v3 =	vand.u32 $0x10001, v3;
	[tilespmem:$0x270] =	vst v42  }
0x98: {  	v43 =	vld [tilespmem:$0xB0];
	v48 =	vshrl.u32 v36, $0x8;
	v2 =	vand.u32 v38, v27;
	v0 =	vand.u32 $0x10001, v0;
	[tilespmem:$0x200] =	vst v3  }
0x99: {  	v47 =	vld [tilespmem:$0xE0];
	v50 =	vshrl.u32 v39, $0x8;
	v2 =	vand.u32 $0x10001, v2;
	v3 =	vand.u32 v48, v36;
	[tilespmem:$0x3D0] =	vst v0  }
0x9a: {  	v52 =	vld [tilespmem:$0x90];
	v55 =	vshrl.u32 v45, $0x8;
	v6 =	vand.u32 v50, v39;
	[tilespmem:$0x230] =	vst v2;
	v3 =	vand.u32 $0x10001, v3  }
0x9b: {  	v58 =	vshrl.u32 v49, $0x8;
	v1 =	vand.u32 v55, v45;
	v54 =	vand.u32 $0x10001, v6;
	[tilespmem:$0x220] =	vst v3  }
0x9c: {  	v51 =	vshrl.u32 v40, $0x8;
	v60 =	vand.u32 v58, v49;
	v1 =	vand.u32 $0x10001, v1;
	[tilespmem:$0x2F0] =	vst v54  }
0x9d: {  	v53 =	vshrl.u32 v43, $0x8;
	v0 =	vand.u32 v51, v40;
	v62 =	vand.u32 $0x10001, v60;
	[tilespmem:$0x2A0] =	vst v1  }
0x9e: {  	v56 =	vshrl.u32 v47, $0x8;
	v0 =	vand.u32 $0x10001, v0;
	v3 =	vand.u32 v53, v43;
	[tilespmem:$0x300] =	vst v62  }
0x9f: {  	v57 =	vand.u32 v56, v47;
	v59 =	vshrl.u32 v52, $0x8;
	v3 =	vand.u32 $0x10001, v3;
	[tilespmem:$0x3B0] =	vst v0  }
0xa0: {  	v61 =	vand.u32 v59, v52;
	v0 =	vand.u32 $0x10001, v57;
	[tilespmem:$0x2B0] =	vst v3  }
0xa1: {  	v63 =	vand.u32 $0x10001, v61;
	[tilespmem:$0x2E0] =	vst v0  }
0xa2: {  	[tilespmem:$0x290] =	vst v63  }
0xa3: {  	[hbm4b:s4+s2] =	stream.linear.scatter [tilespmem:s5], [sflag:$0x1], $0x200, $0x38;
	[tilespmem:$0x400] =	vst v63  }
0xa4: {  	_ =	swait.ge [sflag:s3], $0x200  }
0xa5: {  	[sflag:s3] =	ssyncset.done $0x0  }
0xa6: {  	[sflag:s3] =	ssyncadd.s32 $0xFFFFFE00  }
0xa7: {  	_ =	sfence.sel $0x180000  }
0xa8: {  	[bflag:$0x0] =	sbarrier.arrive $0xFFFF  }
0xa9: {  	p0 =	sne.s32 s1, $0x0;
	_ =	strace $0x90000047  }
0xaa: {  	s0 =	sadd.s32 @!p0 $0x100000, s0;
	[bflag:$0x2] =	sbarrier.arrive $0xFFFF  }
0xab: {  	[sflag:s0] =	ssyncadd.tile.s32 @!p0 $0x1;
	_ =	shalt  }
.Lfunc_end2:
_tile_overlayer_lowered:
.L_overlay_start_2:
0xac: {  	(tag) =	ssettag $0x2  }
0xad: {  	s0 =	rddreg [dreg:$0x0];
	s2 =	stileid.u32  }
0xae: {  	s1 =	rddreg [dreg:$0x1];
	p0 =	sne.s32 s2, $0x0  }
0xaf: {  	s3 =	rddreg [dreg:$0x2];
	[bflag:$0x3] =	sbarrier.arrive $0xFFFF;
	s2 =	simm.s32 @!p0 $0x1C01  }
0xb0: {  	[timem:s3], [sflag:s2] =	dma.local @!p0 [hbm:s0], s1  }
0xb1: {  	s0 =	simm.s32 @!p0 $0x1  }
0xb2: {  	_ =	swait.ge @!p0 [sflag:s0], s1  }
0xb3: {  	s1 =	ssub.s32 @!p0 $0x0, s1;
	[sflag:s0] =	ssyncset.done @!p0 $0x0  }
0xb4: {  	[sflag:s0] =	ssyncadd.s32 @!p0 s1  }
0xb5: {  	[bflag:$0x3] =	sbarrier.arrive $0xFFFF  }
0xb6: {  	_ =	shalt  }

</sc_bundles>
